<compile_context>
chip_gen: v7x
topology: tpu7x:2x2x1
jax: 0.10.2.dev20260603
libtpu: 0.0.44.dev20260713+nightly
codegen_flags: <defaults>
</compile_context>

<pallas_src>
import functools

import jax
import jax.numpy as jnp
from jax import lax
from jax.experimental import pallas as pl
from jax.experimental.pallas import tpu as pltpu
from jax.experimental.pallas import tpu_sc as plsc

N = 10000
E = 320000
G = 64

CHUNK = 128
NCHUNK = 2560
EPAD = NCHUNK * CHUNK
NTILE = 32
CH_PER_TILE = NCHUNK // NTILE
NP = 10240
ROWS_PER_TILE = NP // 16

BN = 1000
NB = N // BN


def _sc_agg(table, src2d, dst2d, zeros_blk):
    mesh = plsc.VectorSubcoreMesh(core_axis_name="c", subcore_axis_name="s",
                                  num_cores=2, num_subcores=16)

    @functools.partial(
        pl.kernel,
        mesh=mesh,
        out_type=jax.ShapeDtypeStruct((2, NP, 128), jnp.float32),
        scratch_types=[
            pltpu.VMEM((CH_PER_TILE // 2, CHUNK), jnp.int32),
            pltpu.VMEM((CH_PER_TILE // 2, CHUNK), jnp.int32),
            pltpu.VMEM((CHUNK, 128), jnp.float32),
            pltpu.VMEM((CHUNK, 128), jnp.float32),
            pltpu.VMEM_SHARED((NP, 128), jnp.float32),
        ] + [pltpu.SemaphoreType.DMA] * 2,
    )
    def k(table_hbm, src_hbm, dst_hbm, zero_hbm, out_hbm,
          src_v, dst_v, r0, r1, acc_sh,
          g0, g1):
        cid = lax.axis_index("c")
        sid = lax.axis_index("s")
        wid = sid * 2 + cid
        rbase = sid * ROWS_PER_TILE
        pltpu.sync_copy(zero_hbm, acc_sh.at[pl.ds(rbase, ROWS_PER_TILE)])
        cbase = wid * CH_PER_TILE
        plsc.subcore_barrier()

        def gat(j, buf, sem):
            pltpu.async_copy(table_hbm.at[src_v.at[j]], buf, sem)

        def gat_wait(j, buf, sem):
            pltpu.make_async_copy(table_hbm.at[src_v.at[j]], buf, sem).wait()

        HP = CH_PER_TILE // 2
        for p in range(2):
            pbase = cbase + p * HP
            pltpu.sync_copy(src_hbm.at[pl.ds(pbase, HP)], src_v)
            pltpu.sync_copy(dst_hbm.at[pl.ds(pbase, HP)], dst_v)

            for b, (rb, gb) in enumerate(((r0, g0), (r1, g1))):
                gat(b, rb, gb)

            def body(s, carry):
                for b, (rb, gb) in enumerate(((r0, g0), (r1, g1))):
                    j = 2 * s + b
                    gat_wait(j, rb, gb)
                    pltpu.sync_copy(rb, acc_sh.at[dst_v.at[j]], add=True)

                    @pl.when(j + 2 < HP)
                    def _():
                        gat(j + 2, rb, gb)

                return carry

            lax.fori_loop(0, HP // 2, body, 0)

        plsc.subcore_barrier()

        @pl.when(cid == 0)
        def _():
            pltpu.sync_copy(acc_sh.at[pl.ds(rbase, ROWS_PER_TILE)],
                            out_hbm.at[0, pl.ds(rbase, ROWS_PER_TILE)])

        @pl.when(cid == 1)
        def _():
            pltpu.sync_copy(acc_sh.at[pl.ds(rbase, ROWS_PER_TILE)],
                            out_hbm.at[1, pl.ds(rbase, ROWS_PER_TILE)])

    return k(table, src2d, dst2d, zeros_blk)


def _tc_m0(feats, W0):
    def body(x_ref, w_ref, o_ref):
        o_ref[...] = jnp.dot(x_ref[...], w_ref[...],
                             preferred_element_type=jnp.float32)

    return pl.pallas_call(
        body,
        grid=(NB,),
        in_specs=[pl.BlockSpec((BN, 128), lambda i: (i, 0)),
                  pl.BlockSpec((128, 128), lambda i: (0, 0))],
        out_specs=pl.BlockSpec((BN, 128), lambda i: (i, 0)),
        out_shape=jax.ShapeDtypeStruct((N, 128), jnp.float32),
    )(feats, W0)


def _tc_layer1(pA, b0, W1):
    def body(p_ref, b_ref, wa_ref, wb_ref, oa_ref, ob_ref):
        h = jnp.maximum(p_ref[0] + p_ref[1] + b_ref[...], 0.0)
        oa_ref[...] = jnp.dot(h, wa_ref[...],
                              preferred_element_type=jnp.float32)
        ob_ref[...] = jnp.dot(h, wb_ref[...],
                              preferred_element_type=jnp.float32)

    return pl.pallas_call(
        body,
        grid=(NB,),
        in_specs=[pl.BlockSpec((2, BN, 128), lambda i: (0, i, 0)),
                  pl.BlockSpec((1, 128), lambda i: (0, 0)),
                  pl.BlockSpec((128, 128), lambda i: (0, 0)),
                  pl.BlockSpec((128, 128), lambda i: (0, 0))],
        out_specs=[pl.BlockSpec((BN, 128), lambda i: (i, 0))] * 2,
        out_shape=[jax.ShapeDtypeStruct((N, 128), jnp.float32)] * 2,
    )(pA, b0, W1[:, :128], W1[:, 128:])


def _tc_layer2(pBlo, pBhi, b1, W2):
    def body(plo_ref, phi_ref, b_ref, w0_ref, w1_ref, w2_ref, w3_ref,
             *o_refs):
        h = jnp.concatenate([plo_ref[0] + plo_ref[1],
                             phi_ref[0] + phi_ref[1]], axis=1)
        h = jnp.maximum(h + b_ref[...], 0.0)
        for o_ref, w_ref in zip(o_refs, (w0_ref, w1_ref, w2_ref, w3_ref)):
            o_ref[...] = jnp.dot(h, w_ref[...],
                                 preferred_element_type=jnp.float32)

    return pl.pallas_call(
        body,
        grid=(NB,),
        in_specs=[pl.BlockSpec((2, BN, 128), lambda i: (0, i, 0)),
                  pl.BlockSpec((2, BN, 128), lambda i: (0, i, 0)),
                  pl.BlockSpec((1, 256), lambda i: (0, 0))] +
                 [pl.BlockSpec((256, 128), lambda i: (0, 0))] * 4,
        out_specs=[pl.BlockSpec((BN, 128), lambda i: (i, 0))] * 4,
        out_shape=[jax.ShapeDtypeStruct((N, 128), jnp.float32)] * 4,
    )(pBlo, pBhi, b1, *(W2[:, 128 * j: 128 * (j + 1)] for j in range(4)))


def _tc_fused(pCs, n2g3d, n2g3c, b2, Ww, bw2, Wp1s, Wp1m, bp1,
              bng, bnb, bnm, bnv, Wp2, bp2):

    def body(p0_ref, p1_ref, p2_ref, p3_ref, n2g_ref, n2gc_ref, b2_ref,
             ww_ref, bw_ref, wp1s_ref, wp1m_ref, bp1_ref, bng_ref, bnb_ref,
             bnm_ref, bnv_ref, wp2_ref, bp2_ref, o_ref, hsum_ref, hmax_ref):
        i = pl.program_id(0)

        @pl.when(i == 0)
        def _():
            hsum_ref[...] = jnp.zeros_like(hsum_ref)
            hmax_ref[...] = jnp.full_like(hmax_ref, -jnp.inf)

        h2 = jnp.concatenate(
            [r[0] + r[1] for r in (p0_ref, p1_ref, p2_ref, p3_ref)], axis=1)
        h2 = jnp.maximum(h2 + b2_ref[...], 0.0)

        wlog = jnp.dot(h2, ww_ref[...],
                       preferred_element_type=jnp.float32)
        wcol = jax.nn.sigmoid(wlog + bw_ref[0, 0])

        n2gr = n2g_ref[0]
        n2gc = n2gc_ref[0]
        gids = lax.broadcasted_iota(jnp.int32, (G, BN), 0)
        maskf = (gids == n2gr).astype(jnp.float32)
        hsum_ref[...] += jnp.dot(maskf, h2 * wcol,
                                 preferred_element_type=jnp.float32,
                                 precision=lax.Precision.HIGHEST)

        gmin = jnp.min(n2gr)
        gmax = jnp.max(n2gr)

        def gbody(g, carry):
            m = n2gc == g
            cur = jnp.max(jnp.where(m, h2, -jnp.inf), axis=0,
                          keepdims=True)
            hmax_ref[pl.ds(g, 1), :] = jnp.maximum(hmax_ref[pl.ds(g, 1), :],
                                                   cur)
            return carry

        lax.fori_loop(gmin, gmax + 1, gbody, 0)

        @pl.when(i == NB - 1)
        def _():
            x = jnp.dot(hsum_ref[...], wp1s_ref[...],
                        preferred_element_type=jnp.float32)
            x = x + jnp.dot(hmax_ref[...], wp1m_ref[...],
                            preferred_element_type=jnp.float32)
            x = jnp.maximum(x + bp1_ref[...], 0.0)
            x = (x - bnm_ref[...]) / jnp.sqrt(bnv_ref[...] + 1e-5)
            x = x * bng_ref[...] + bnb_ref[...]
            o_ref[...] = jnp.dot(x, wp2_ref[...],
                                 preferred_element_type=jnp.float32) \
                + bp2_ref[0, 0]

    return pl.pallas_call(
        body,
        grid=(NB,),
        in_specs=[pl.BlockSpec((2, BN, 128), lambda i: (0, i, 0))] * 4 + [
            pl.BlockSpec((1, 1, BN), lambda i: (i, 0, 0)),
            pl.BlockSpec((1, BN, 1), lambda i: (i, 0, 0)),
            pl.BlockSpec((1, 512), lambda i: (0, 0)),
            pl.BlockSpec((512, 1), lambda i: (0, 0)),
            pl.BlockSpec((1, 1), lambda i: (0, 0)),
            pl.BlockSpec((512, 128), lambda i: (0, 0)),
            pl.BlockSpec((512, 128), lambda i: (0, 0)),
            pl.BlockSpec((1, 128), lambda i: (0, 0)),
            pl.BlockSpec((1, 128), lambda i: (0, 0)),
            pl.BlockSpec((1, 128), lambda i: (0, 0)),
            pl.BlockSpec((1, 128), lambda i: (0, 0)),
            pl.BlockSpec((1, 128), lambda i: (0, 0)),
            pl.BlockSpec((128, 1), lambda i: (0, 0)),
            pl.BlockSpec((1, 1), lambda i: (0, 0)),
        ],
        out_specs=pl.BlockSpec((G, 1), lambda i: (0, 0)),
        out_shape=jax.ShapeDtypeStruct((G, 1), jnp.float32),
        scratch_shapes=[
            pltpu.VMEM((G, 512), jnp.float32),
            pltpu.VMEM((G, 512), jnp.float32),
        ],
    )(*pCs, n2g3d, n2g3c, b2, Ww, bw2, Wp1s, Wp1m, bp1,
      bng, bnb, bnm, bnv, Wp2, bp2)


def kernel(feats, edge_index, node2graph, W0, b0, W1, b1, W2, b2, Ww, bw,
           Wp1, bp1, bn_gamma, bn_beta, bn_mean, bn_var, Wp2, bp2):
    pad = EPAD - E
    src2d = jnp.concatenate(
        [edge_index[0], jnp.zeros((pad,), jnp.int32)]).reshape(NCHUNK, CHUNK)
    dst2d = jnp.concatenate(
        [edge_index[1], jnp.full((pad,), N, jnp.int32)]).reshape(NCHUNK, CHUNK)
    zeros_blk = jnp.zeros((ROWS_PER_TILE, 128), jnp.float32)
    n2g3d = node2graph.reshape(NB, 1, BN)
    n2g3c = node2graph.reshape(NB, BN, 1)

    m0 = _tc_m0(feats, W0)
    pA = _sc_agg(m0, src2d, dst2d, zeros_blk)
    m1lo, m1hi = _tc_layer1(pA, b0.reshape(1, -1), W1)
    pBlo = _sc_agg(m1lo, src2d, dst2d, zeros_blk)
    pBhi = _sc_agg(m1hi, src2d, dst2d, zeros_blk)
    m2 = _tc_layer2(pBlo, pBhi, b1.reshape(1, -1), W2)
    pCs = [_sc_agg(m, src2d, dst2d, zeros_blk) for m in m2]

    return _tc_fused(
        pCs, n2g3d, n2g3c, b2.reshape(1, -1),
        Ww, bw.reshape(1, 1),
        Wp1[:512], Wp1[512:], bp1.reshape(1, -1),
        bn_gamma.reshape(1, -1), bn_beta.reshape(1, -1),
        bn_mean.reshape(1, -1), bn_var.reshape(1, -1),
        Wp2, bp2.reshape(1, 1))

# --- scband reference (transcript-rebuilt; emitter-appended) ---
"""Pipeline reference for scband-gcnpredictor-88862873354482 (READ-ONLY COPY).

The authoritative reference and input builder live on the scoring server;
editing this copy changes nothing except your own understanding.
"""

import jax, jax.numpy as jnp
import numpy as np

N = 10000
E = 320000
G = 64
D_IN = 128


def setup_inputs(seed: int = 0):
    key = jax.random.key(seed)
    ks = jax.random.split(key, 16)
    inp = {}
    inp["feats"] = jax.random.normal(ks[0], (N, D_IN), dtype=jnp.float32)
    inp["edge_index"] = jax.random.randint(ks[1], (2, E), 0, N, dtype=jnp.int32)
    inp["node2graph"] = jnp.sort(jax.random.randint(ks[2], (N,), 0, G, dtype=jnp.int32))

    def glorot(k, shape):
        return jax.random.normal(k, shape, dtype=jnp.float32) / jnp.sqrt(float(shape[0]))

    # GCN stack 1: 128 -> 128; stack 2: 128 -> 256; stack 3: 256 -> 512 (per module: hidden, hidden*2, hidden*4)
    inp["W0"] = glorot(ks[3], (128, 128)); inp["b0"] = jnp.zeros((128,), jnp.float32)
    inp["W1"] = glorot(ks[4], (128, 256)); inp["b1"] = jnp.zeros((256,), jnp.float32)
    inp["W2"] = glorot(ks[5], (256, 512)); inp["b2"] = jnp.zeros((512,), jnp.float32)
    # WeightedSumAndMax atom weighting
    inp["Ww"] = glorot(ks[6], (512, 1)); inp["bw"] = jnp.zeros((1,), jnp.float32)
    # MLPPredictor: Linear(1024,128) -> ReLU -> BatchNorm1d(128) -> Linear(128,1)
    inp["Wp1"] = glorot(ks[7], (1024, 128)); inp["bp1"] = jnp.zeros((128,), jnp.float32)
    inp["bn_gamma"] = jnp.ones((128,), jnp.float32)
    inp["bn_beta"] = jnp.zeros((128,), jnp.float32)
    inp["bn_mean"] = jnp.zeros((128,), jnp.float32)
    inp["bn_var"] = jnp.ones((128,), jnp.float32)
    inp["Wp2"] = glorot(ks[8], (128, 1)); inp["bp2"] = jnp.zeros((1,), jnp.float32)
    return inp


def _gcn_layer(h, W, b, src, dst, n_nodes):
    # DGL GraphConv with norm='none', activation=relu, residual=False, dropout=0, batchnorm=False
    m = h @ W
    agg = jnp.zeros((n_nodes, W.shape[1]), m.dtype).at[dst].add(m[src])
    return jax.nn.relu(agg + b)


def reference(feats, edge_index, node2graph, W0, b0, W1, b1, W2, b2, Ww, bw, Wp1, bp1, bn_gamma, bn_beta, bn_mean, bn_var, Wp2, bp2):
    src = edge_index[0]
    dst = edge_index[1]
    n = feats.shape[0]
    h0 = _gcn_layer(feats, W0, b0, src, dst, n)
    h1 = _gcn_layer(h0, W1, b1, src, dst, n)
    h2 = _gcn_layer(h1, W2, b2, src, dst, n)
    # WeightedSumAndMax readout
    w = jax.nn.sigmoid(h2 @ Ww + bw)
    hsum = jax.ops.segment_sum(h2 * w, node2graph, num_segments=G)
    hmax = jax.ops.segment_max(h2, node2graph, num_segments=G)
    g = jnp.concatenate([hsum, hmax], axis=1)
    # MLPPredictor (eval mode: dropout is identity, batchnorm uses running stats)
    x = jax.nn.relu(g @ Wp1 + bp1)
    x = (x - bn_mean) / jnp.sqrt(bn_var + 1e-5) * bn_gamma + bn_beta
    return x @ Wp2 + bp2

if __name__ == "__main__":
    import jax
    _d = setup_inputs()
    print(jax.jit(kernel)(*tuple(_d.values())))

</pallas_src>

<mosaic_0001>
#map = affine_map<(d0, d1) -> (0, 0)>
#map1 = affine_map<(d0, d1) -> (0, 0, 0)>
module attributes {stable_mosaic.version = 14 : i64} {
  func.func @k(%arg0: i32, %arg1: i32, %arg2: memref<10000x128xf32, #tpu.memory_space<hbm>>, %arg3: memref<2560x128xi32, #tpu.memory_space<hbm>>, %arg4: memref<2560x128xi32, #tpu.memory_space<hbm>>, %arg5: memref<640x128xf32, #tpu.memory_space<hbm>>, %arg6: memref<2x10240x128xf32, #tpu.memory_space<hbm>>, %arg7: memref<40x128xi32, #tpu.memory_space<vmem>>, %arg8: memref<40x128xi32, #tpu.memory_space<vmem>>, %arg9: memref<128x128xf32, #tpu.memory_space<vmem>>, %arg10: memref<128x128xf32, #tpu.memory_space<vmem>>, %arg11: memref<10240x128xf32, #tpu.memory_space<vmem_shared>>, %arg12: memref<!tpu.dma_semaphore, #tpu.memory_space<semaphore_mem>>, %arg13: memref<!tpu.dma_semaphore, #tpu.memory_space<semaphore_mem>>) attributes {dimension_semantics = [#tpu.dimension_semantics<core_parallel>, #tpu.dimension_semantics<subcore_parallel>], iteration_bounds = array<i64: 2, 16>, scalar_prefetch = 0 : i64, scratch_operands = 7 : i64, tpu.core_type = #tpu.core_type<sc_vector_subcore>, window_params = [{transform_indices = #map}, {transform_indices = #map}, {transform_indices = #map}, {transform_indices = #map}, {transform_indices = #map1}]} {
    %mul3A = arith.constant 2 : i32
    %mul3A_0 = arith.muli %arg1, %mul3A : i32
    %add3A = arith.addi %mul3A_0, %arg0 : i32
    %mul3A_1 = arith.constant 640 : i32
    %mul3A_2 = arith.muli %arg1, %mul3A_1 : i32
    "tpu.region"() ({
      %run_scoped3A = tpu.sem_alloc : memref<!tpu.dma_semaphore, #tpu.memory_space<semaphore_mem>>
      %dma_start3A_55 = arith.constant 0 : i32
      %dma_start3A_56 = tpu.memref_slice %arg11[%mul3A_2, %dma_start3A_55] : memref<10240x128xf32, #tpu.memory_space<vmem_shared>> -> memref<640x128xf32, #tpu.memory_space<vmem_shared>>
      tpu.enqueue_dma source(%arg5 : memref<640x128xf32, #tpu.memory_space<hbm>>) target(%dma_start3A_56 : memref<640x128xf32, #tpu.memory_space<vmem_shared>>) target_semaphore(%run_scoped3A : memref<!tpu.dma_semaphore, #tpu.memory_space<semaphore_mem>>)
      %dma_wait3A = arith.constant 0 : i32
      %dma_wait3A_57 = tpu.memref_slice %arg11[%mul3A_2, %dma_wait3A] : memref<10240x128xf32, #tpu.memory_space<vmem_shared>> -> memref<640x128xf32, #tpu.memory_space<vmem_shared>>
      tpu.wait_dma2 semaphore(%run_scoped3A : memref<!tpu.dma_semaphore, #tpu.memory_space<semaphore_mem>>) src(%arg5 : memref<640x128xf32, #tpu.memory_space<hbm>>) dst(%dma_wait3A_57 : memref<640x128xf32, #tpu.memory_space<vmem_shared>>)
      tpu.yield
    }) : () -> ()
    %mul3A_3 = arith.constant 80 : i32
    %mul3A_4 = arith.muli %add3A, %mul3A_3 : i32
    %barrier3A = arith.constant 0 : index
    tpu.barrier barrier_id(%barrier3A)
    %add3A_5 = arith.constant 0 : i32
    %add3A_6 = arith.addi %mul3A_4, %add3A_5 : i32
    "tpu.region"() ({
      %run_scoped3A = tpu.sem_alloc : memref<!tpu.dma_semaphore, #tpu.memory_space<semaphore_mem>>
      %dma_start3A_55 = arith.constant 0 : i32
      %dma_start3A_56 = tpu.memref_slice %arg3[%add3A_6, %dma_start3A_55] : memref<2560x128xi32, #tpu.memory_space<hbm>> -> memref<40x128xi32, #tpu.memory_space<hbm>>
      %dma_start3A_57 = arith.constant 0 : i32
      %dma_start3A_58 = tpu.memref_slice %arg3[%add3A_6, %dma_start3A_57] : memref<2560x128xi32, #tpu.memory_space<hbm>> -> memref<40x128xi32, #tpu.memory_space<hbm>>
      tpu.enqueue_dma source(%dma_start3A_58 : memref<40x128xi32, #tpu.memory_space<hbm>>) target(%arg7 : memref<40x128xi32, #tpu.memory_space<vmem>>) target_semaphore(%run_scoped3A : memref<!tpu.dma_semaphore, #tpu.memory_space<semaphore_mem>>)
      %dma_wait3A = arith.constant 0 : i32
      %dma_wait3A_59 = tpu.memref_slice %arg3[%add3A_6, %dma_wait3A] : memref<2560x128xi32, #tpu.memory_space<hbm>> -> memref<40x128xi32, #tpu.memory_space<hbm>>
      %dma_wait3A_60 = arith.constant 0 : i32
      %dma_wait3A_61 = tpu.memref_slice %arg3[%add3A_6, %dma_wait3A_60] : memref<2560x128xi32, #tpu.memory_space<hbm>> -> memref<40x128xi32, #tpu.memory_space<hbm>>
      tpu.wait_dma2 semaphore(%run_scoped3A : memref<!tpu.dma_semaphore, #tpu.memory_space<semaphore_mem>>) src(%dma_wait3A_61 : memref<40x128xi32, #tpu.memory_space<hbm>>) dst(%arg7 : memref<40x128xi32, #tpu.memory_space<vmem>>)
      tpu.yield
    }) : () -> ()
    "tpu.region"() ({
      %run_scoped3A = tpu.sem_alloc : memref<!tpu.dma_semaphore, #tpu.memory_space<semaphore_mem>>
      %dma_start3A_55 = arith.constant 0 : i32
      %dma_start3A_56 = tpu.memref_slice %arg4[%add3A_6, %dma_start3A_55] : memref<2560x128xi32, #tpu.memory_space<hbm>> -> memref<40x128xi32, #tpu.memory_space<hbm>>
      %dma_start3A_57 = arith.constant 0 : i32
      %dma_start3A_58 = tpu.memref_slice %arg4[%add3A_6, %dma_start3A_57] : memref<2560x128xi32, #tpu.memory_space<hbm>> -> memref<40x128xi32, #tpu.memory_space<hbm>>
      tpu.enqueue_dma source(%dma_start3A_58 : memref<40x128xi32, #tpu.memory_space<hbm>>) target(%arg8 : memref<40x128xi32, #tpu.memory_space<vmem>>) target_semaphore(%run_scoped3A : memref<!tpu.dma_semaphore, #tpu.memory_space<semaphore_mem>>)
      %dma_wait3A = arith.constant 0 : i32
      %dma_wait3A_59 = tpu.memref_slice %arg4[%add3A_6, %dma_wait3A] : memref<2560x128xi32, #tpu.memory_space<hbm>> -> memref<40x128xi32, #tpu.memory_space<hbm>>
      %dma_wait3A_60 = arith.constant 0 : i32
      %dma_wait3A_61 = tpu.memref_slice %arg4[%add3A_6, %dma_wait3A_60] : memref<2560x128xi32, #tpu.memory_space<hbm>> -> memref<40x128xi32, #tpu.memory_space<hbm>>
      tpu.wait_dma2 semaphore(%run_scoped3A : memref<!tpu.dma_semaphore, #tpu.memory_space<semaphore_mem>>) src(%dma_wait3A_61 : memref<40x128xi32, #tpu.memory_space<hbm>>) dst(%arg8 : memref<40x128xi32, #tpu.memory_space<vmem>>)
      tpu.yield
    }) : () -> ()
    %dma_start3A = arith.constant 0 : i32
    %dma_start3A_7 = arith.constant 0 : i32
    %dma_start3A_8 = tpu.memref_slice %arg7[%dma_start3A, %dma_start3A_7] : memref<40x128xi32, #tpu.memory_space<vmem>> -> memref<1x128xi32, #tpu.memory_space<vmem>>
    %dma_start3A_9 = tpu.memref_squeeze %dma_start3A_8 : memref<1x128xi32, #tpu.memory_space<vmem>> -> memref<128xi32, #tpu.memory_space<vmem>>
    %dma_start3A_10 = arith.constant 0 : i32
    %dma_start3A_11 = arith.constant 0 : i32
    %dma_start3A_12 = tpu.memref_slice %arg2[%dma_start3A_10, %dma_start3A_11] : memref<10000x128xf32, #tpu.memory_space<hbm>> -> memref<10000x128xf32, #tpu.memory_space<hbm>>
    tpu.enqueue_indirect_dma source(%dma_start3A_12 : memref<10000x128xf32, #tpu.memory_space<hbm>>) target(%arg9 : memref<128x128xf32, #tpu.memory_space<vmem>>) offsets(%dma_start3A_9 : memref<128xi32, #tpu.memory_space<vmem>>) semaphore(%arg12 : memref<!tpu.dma_semaphore, #tpu.memory_space<semaphore_mem>>)
    %dma_start3A_13 = arith.constant 1 : i32
    %dma_start3A_14 = arith.constant 0 : i32
    %dma_start3A_15 = tpu.memref_slice %arg7[%dma_start3A_13, %dma_start3A_14] : memref<40x128xi32, #tpu.memory_space<vmem>> -> memref<1x128xi32, #tpu.memory_space<vmem>>
    %dma_start3A_16 = tpu.memref_squeeze %dma_start3A_15 : memref<1x128xi32, #tpu.memory_space<vmem>> -> memref<128xi32, #tpu.memory_space<vmem>>
    %dma_start3A_17 = arith.constant 0 : i32
    %dma_start3A_18 = arith.constant 0 : i32
    %dma_start3A_19 = tpu.memref_slice %arg2[%dma_start3A_17, %dma_start3A_18] : memref<10000x128xf32, #tpu.memory_space<hbm>> -> memref<10000x128xf32, #tpu.memory_space<hbm>>
    tpu.enqueue_indirect_dma source(%dma_start3A_19 : memref<10000x128xf32, #tpu.memory_space<hbm>>) target(%arg10 : memref<128x128xf32, #tpu.memory_space<vmem>>) offsets(%dma_start3A_16 : memref<128xi32, #tpu.memory_space<vmem>>) semaphore(%arg13 : memref<!tpu.dma_semaphore, #tpu.memory_space<semaphore_mem>>)
    %scan3A = arith.constant 0 : i32
    %scan3A_20 = arith.constant 0 : i32
    %scan3A_21 = arith.constant 20 : i32
    %scan3A_22 = arith.addi %scan3A_20, %scan3A_21 : i32
    %scan3A_23 = arith.constant 1 : i32
    scf.for %scan3A_55 = %scan3A_20 to %scan3A_22 step %scan3A_23  : i32 {
      %mul3A_56 = arith.constant 2 : i32
      %mul3A_57 = arith.muli %mul3A_56, %scan3A_55 : i32
      %add3A_58 = arith.constant 0 : i32
      %add3A_59 = arith.addi %mul3A_57, %add3A_58 : i32
      %dma_wait3A = arith.constant 0 : i32
      %dma_wait3A_60 = tpu.memref_slice %arg7[%add3A_59, %dma_wait3A] : memref<40x128xi32, #tpu.memory_space<vmem>> -> memref<1x128xi32, #tpu.memory_space<vmem>>
      %dma_wait3A_61 = tpu.memref_squeeze %dma_wait3A_60 : memref<1x128xi32, #tpu.memory_space<vmem>> -> memref<128xi32, #tpu.memory_space<vmem>>
      %dma_wait3A_62 = arith.constant 0 : i32
      %dma_wait3A_63 = arith.constant 0 : i32
      %dma_wait3A_64 = tpu.memref_slice %arg2[%dma_wait3A_62, %dma_wait3A_63] : memref<10000x128xf32, #tpu.memory_space<hbm>> -> memref<10000x128xf32, #tpu.memory_space<hbm>>
      tpu.wait_indirect_dma semaphore(%arg12 : memref<!tpu.dma_semaphore, #tpu.memory_space<semaphore_mem>>) src(%dma_wait3A_64 : memref<10000x128xf32, #tpu.memory_space<hbm>>) dst(%arg9 : memref<128x128xf32, #tpu.memory_space<vmem>>)
      "tpu.region"() ({
        %run_scoped3A = tpu.sem_alloc : memref<!tpu.dma_semaphore, #tpu.memory_space<semaphore_mem>>
        %dma_start3A_88 = arith.constant 0 : i32
        %dma_start3A_89 = tpu.memref_slice %arg8[%add3A_59, %dma_start3A_88] : memref<40x128xi32, #tpu.memory_space<vmem>> -> memref<1x128xi32, #tpu.memory_space<vmem>>
        %dma_start3A_90 = tpu.memref_squeeze %dma_start3A_89 : memref<1x128xi32, #tpu.memory_space<vmem>> -> memref<128xi32, #tpu.memory_space<vmem>>
        %dma_start3A_91 = arith.constant 0 : i32
        %dma_start3A_92 = arith.constant 0 : i32
        %dma_start3A_93 = tpu.memref_slice %arg11[%dma_start3A_91, %dma_start3A_92] : memref<10240x128xf32, #tpu.memory_space<vmem_shared>> -> memref<10240x128xf32, #tpu.memory_space<vmem_shared>>
        tpu.enqueue_indirect_dma source(%arg9 : memref<128x128xf32, #tpu.memory_space<vmem>>) target(%dma_start3A_93 : memref<10240x128xf32, #tpu.memory_space<vmem_shared>>) offsets(%dma_start3A_90 : memref<128xi32, #tpu.memory_space<vmem>>) semaphore(%run_scoped3A : memref<!tpu.dma_semaphore, #tpu.memory_space<semaphore_mem>>) {add = true}
        %dma_wait3A_94 = arith.constant 0 : i32
        %dma_wait3A_95 = tpu.memref_slice %arg8[%add3A_59, %dma_wait3A_94] : memref<40x128xi32, #tpu.memory_space<vmem>> -> memref<1x128xi32, #tpu.memory_space<vmem>>
        %dma_wait3A_96 = tpu.memref_squeeze %dma_wait3A_95 : memref<1x128xi32, #tpu.memory_space<vmem>> -> memref<128xi32, #tpu.memory_space<vmem>>
        %dma_wait3A_97 = arith.constant 0 : i32
        %dma_wait3A_98 = arith.constant 0 : i32
        %dma_wait3A_99 = tpu.memref_slice %arg11[%dma_wait3A_97, %dma_wait3A_98] : memref<10240x128xf32, #tpu.memory_space<vmem_shared>> -> memref<10240x128xf32, #tpu.memory_space<vmem_shared>>
        tpu.wait_indirect_dma semaphore(%run_scoped3A : memref<!tpu.dma_semaphore, #tpu.memory_space<semaphore_mem>>) src(%arg9 : memref<128x128xf32, #tpu.memory_space<vmem>>) dst(%dma_wait3A_99 : memref<10240x128xf32, #tpu.memory_space<vmem_shared>>)
        tpu.yield
      }) : () -> ()
      %add3A_65 = arith.constant 2 : i32
      %add3A_66 = arith.addi %add3A_59, %add3A_65 : i32
      %lt3A = arith.constant 40 : i32
      %lt3A_67 = arith.cmpi slt, %add3A_66, %lt3A : i32
      %convert_element_type3A_68 = arith.extui %lt3A_67 : i1 to i32
      %cond3A_69 = arith.constant 0 : i32
      %cond3A_70 = arith.cmpi ne, %convert_element_type3A_68, %cond3A_69 : i32
      scf.if %cond3A_70 {
        %add3A_88 = arith.constant 2 : i32
        %add3A_89 = arith.addi %add3A_59, %add3A_88 : i32
        %dma_start3A_90 = arith.constant 0 : i32
        %dma_start3A_91 = tpu.memref_slice %arg7[%add3A_89, %dma_start3A_90] : memref<40x128xi32, #tpu.memory_space<vmem>> -> memref<1x128xi32, #tpu.memory_space<vmem>>
        %dma_start3A_92 = tpu.memref_squeeze %dma_start3A_91 : memref<1x128xi32, #tpu.memory_space<vmem>> -> memref<128xi32, #tpu.memory_space<vmem>>
        %dma_start3A_93 = arith.constant 0 : i32
        %dma_start3A_94 = arith.constant 0 : i32
        %dma_start3A_95 = tpu.memref_slice %arg2[%dma_start3A_93, %dma_start3A_94] : memref<10000x128xf32, #tpu.memory_space<hbm>> -> memref<10000x128xf32, #tpu.memory_space<hbm>>
        tpu.enqueue_indirect_dma source(%dma_start3A_95 : memref<10000x128xf32, #tpu.memory_space<hbm>>) target(%arg9 : memref<128x128xf32, #tpu.memory_space<vmem>>) offsets(%dma_start3A_92 : memref<128xi32, #tpu.memory_space<vmem>>) semaphore(%arg12 : memref<!tpu.dma_semaphore, #tpu.memory_space<semaphore_mem>>)
      } else {
      }
      %mul3A_71 = arith.constant 2 : i32
      %mul3A_72 = arith.muli %mul3A_71, %scan3A_55 : i32
      %add3A_73 = arith.constant 1 : i32
      %add3A_74 = arith.addi %mul3A_72, %add3A_73 : i32
      %dma_wait3A_75 = arith.constant 0 : i32
      %dma_wait3A_76 = tpu.memref_slice %arg7[%add3A_74, %dma_wait3A_75] : memref<40x128xi32, #tpu.memory_space<vmem>> -> memref<1x128xi32, #tpu.memory_space<vmem>>
      %dma_wait3A_77 = tpu.memref_squeeze %dma_wait3A_76 : memref<1x128xi32, #tpu.memory_space<vmem>> -> memref<128xi32, #tpu.memory_space<vmem>>
      %dma_wait3A_78 = arith.constant 0 : i32
      %dma_wait3A_79 = arith.constant 0 : i32
      %dma_wait3A_80 = tpu.memref_slice %arg2[%dma_wait3A_78, %dma_wait3A_79] : memref<10000x128xf32, #tpu.memory_space<hbm>> -> memref<10000x128xf32, #tpu.memory_space<hbm>>
      tpu.wait_indirect_dma semaphore(%arg13 : memref<!tpu.dma_semaphore, #tpu.memory_space<semaphore_mem>>) src(%dma_wait3A_80 : memref<10000x128xf32, #tpu.memory_space<hbm>>) dst(%arg10 : memref<128x128xf32, #tpu.memory_space<vmem>>)
      "tpu.region"() ({
        %run_scoped3A = tpu.sem_alloc : memref<!tpu.dma_semaphore, #tpu.memory_space<semaphore_mem>>
        %dma_start3A_88 = arith.constant 0 : i32
        %dma_start3A_89 = tpu.memref_slice %arg8[%add3A_74, %dma_start3A_88] : memref<40x128xi32, #tpu.memory_space<vmem>> -> memref<1x128xi32, #tpu.memory_space<vmem>>
        %dma_start3A_90 = tpu.memref_squeeze %dma_start3A_89 : memref<1x128xi32, #tpu.memory_space<vmem>> -> memref<128xi32, #tpu.memory_space<vmem>>
        %dma_start3A_91 = arith.constant 0 : i32
        %dma_start3A_92 = arith.constant 0 : i32
        %dma_start3A_93 = tpu.memref_slice %arg11[%dma_start3A_91, %dma_start3A_92] : memref<10240x128xf32, #tpu.memory_space<vmem_shared>> -> memref<10240x128xf32, #tpu.memory_space<vmem_shared>>
        tpu.enqueue_indirect_dma source(%arg10 : memref<128x128xf32, #tpu.memory_space<vmem>>) target(%dma_start3A_93 : memref<10240x128xf32, #tpu.memory_space<vmem_shared>>) offsets(%dma_start3A_90 : memref<128xi32, #tpu.memory_space<vmem>>) semaphore(%run_scoped3A : memref<!tpu.dma_semaphore, #tpu.memory_space<semaphore_mem>>) {add = true}
        %dma_wait3A_94 = arith.constant 0 : i32
        %dma_wait3A_95 = tpu.memref_slice %arg8[%add3A_74, %dma_wait3A_94] : memref<40x128xi32, #tpu.memory_space<vmem>> -> memref<1x128xi32, #tpu.memory_space<vmem>>
        %dma_wait3A_96 = tpu.memref_squeeze %dma_wait3A_95 : memref<1x128xi32, #tpu.memory_space<vmem>> -> memref<128xi32, #tpu.memory_space<vmem>>
        %dma_wait3A_97 = arith.constant 0 : i32
        %dma_wait3A_98 = arith.constant 0 : i32
        %dma_wait3A_99 = tpu.memref_slice %arg11[%dma_wait3A_97, %dma_wait3A_98] : memref<10240x128xf32, #tpu.memory_space<vmem_shared>> -> memref<10240x128xf32, #tpu.memory_space<vmem_shared>>
        tpu.wait_indirect_dma semaphore(%run_scoped3A : memref<!tpu.dma_semaphore, #tpu.memory_space<semaphore_mem>>) src(%arg10 : memref<128x128xf32, #tpu.memory_space<vmem>>) dst(%dma_wait3A_99 : memref<10240x128xf32, #tpu.memory_space<vmem_shared>>)
        tpu.yield
      }) : () -> ()
      %add3A_81 = arith.constant 2 : i32
      %add3A_82 = arith.addi %add3A_74, %add3A_81 : i32
      %lt3A_83 = arith.constant 40 : i32
      %lt3A_84 = arith.cmpi slt, %add3A_82, %lt3A_83 : i32
      %convert_element_type3A_85 = arith.extui %lt3A_84 : i1 to i32
      %cond3A_86 = arith.constant 0 : i32
      %cond3A_87 = arith.cmpi ne, %convert_element_type3A_85, %cond3A_86 : i32
      scf.if %cond3A_87 {
        %add3A_88 = arith.constant 2 : i32
        %add3A_89 = arith.addi %add3A_74, %add3A_88 : i32
        %dma_start3A_90 = arith.constant 0 : i32
        %dma_start3A_91 = tpu.memref_slice %arg7[%add3A_89, %dma_start3A_90] : memref<40x128xi32, #tpu.memory_space<vmem>> -> memref<1x128xi32, #tpu.memory_space<vmem>>
        %dma_start3A_92 = tpu.memref_squeeze %dma_start3A_91 : memref<1x128xi32, #tpu.memory_space<vmem>> -> memref<128xi32, #tpu.memory_space<vmem>>
        %dma_start3A_93 = arith.constant 0 : i32
        %dma_start3A_94 = arith.constant 0 : i32
        %dma_start3A_95 = tpu.memref_slice %arg2[%dma_start3A_93, %dma_start3A_94] : memref<10000x128xf32, #tpu.memory_space<hbm>> -> memref<10000x128xf32, #tpu.memory_space<hbm>>
        tpu.enqueue_indirect_dma source(%dma_start3A_95 : memref<10000x128xf32, #tpu.memory_space<hbm>>) target(%arg10 : memref<128x128xf32, #tpu.memory_space<vmem>>) offsets(%dma_start3A_92 : memref<128xi32, #tpu.memory_space<vmem>>) semaphore(%arg13 : memref<!tpu.dma_semaphore, #tpu.memory_space<semaphore_mem>>)
      } else {
      }
    }
    %scan3A_24 = arith.constant 20 : i32
    %add3A_25 = arith.constant 40 : i32
    %add3A_26 = arith.addi %mul3A_4, %add3A_25 : i32
    "tpu.region"() ({
      %run_scoped3A = tpu.sem_alloc : memref<!tpu.dma_semaphore, #tpu.memory_space<semaphore_mem>>
      %dma_start3A_55 = arith.constant 0 : i32
      %dma_start3A_56 = tpu.memref_slice %arg3[%add3A_26, %dma_start3A_55] : memref<2560x128xi32, #tpu.memory_space<hbm>> -> memref<40x128xi32, #tpu.memory_space<hbm>>
      %dma_start3A_57 = arith.constant 0 : i32
      %dma_start3A_58 = tpu.memref_slice %arg3[%add3A_26, %dma_start3A_57] : memref<2560x128xi32, #tpu.memory_space<hbm>> -> memref<40x128xi32, #tpu.memory_space<hbm>>
      tpu.enqueue_dma source(%dma_start3A_58 : memref<40x128xi32, #tpu.memory_space<hbm>>) target(%arg7 : memref<40x128xi32, #tpu.memory_space<vmem>>) target_semaphore(%run_scoped3A : memref<!tpu.dma_semaphore, #tpu.memory_space<semaphore_mem>>)
      %dma_wait3A = arith.constant 0 : i32
      %dma_wait3A_59 = tpu.memref_slice %arg3[%add3A_26, %dma_wait3A] : memref<2560x128xi32, #tpu.memory_space<hbm>> -> memref<40x128xi32, #tpu.memory_space<hbm>>
      %dma_wait3A_60 = arith.constant 0 : i32
      %dma_wait3A_61 = tpu.memref_slice %arg3[%add3A_26, %dma_wait3A_60] : memref<2560x128xi32, #tpu.memory_space<hbm>> -> memref<40x128xi32, #tpu.memory_space<hbm>>
      tpu.wait_dma2 semaphore(%run_scoped3A : memref<!tpu.dma_semaphore, #tpu.memory_space<semaphore_mem>>) src(%dma_wait3A_61 : memref<40x128xi32, #tpu.memory_space<hbm>>) dst(%arg7 : memref<40x128xi32, #tpu.memory_space<vmem>>)
      tpu.yield
    }) : () -> ()
    "tpu.region"() ({
      %run_scoped3A = tpu.sem_alloc : memref<!tpu.dma_semaphore, #tpu.memory_space<semaphore_mem>>
      %dma_start3A_55 = arith.constant 0 : i32
      %dma_start3A_56 = tpu.memref_slice %arg4[%add3A_26, %dma_start3A_55] : memref<2560x128xi32, #tpu.memory_space<hbm>> -> memref<40x128xi32, #tpu.memory_space<hbm>>
      %dma_start3A_57 = arith.constant 0 : i32
      %dma_start3A_58 = tpu.memref_slice %arg4[%add3A_26, %dma_start3A_57] : memref<2560x128xi32, #tpu.memory_space<hbm>> -> memref<40x128xi32, #tpu.memory_space<hbm>>
      tpu.enqueue_dma source(%dma_start3A_58 : memref<40x128xi32, #tpu.memory_space<hbm>>) target(%arg8 : memref<40x128xi32, #tpu.memory_space<vmem>>) target_semaphore(%run_scoped3A : memref<!tpu.dma_semaphore, #tpu.memory_space<semaphore_mem>>)
      %dma_wait3A = arith.constant 0 : i32
      %dma_wait3A_59 = tpu.memref_slice %arg4[%add3A_26, %dma_wait3A] : memref<2560x128xi32, #tpu.memory_space<hbm>> -> memref<40x128xi32, #tpu.memory_space<hbm>>
      %dma_wait3A_60 = arith.constant 0 : i32
      %dma_wait3A_61 = tpu.memref_slice %arg4[%add3A_26, %dma_wait3A_60] : memref<2560x128xi32, #tpu.memory_space<hbm>> -> memref<40x128xi32, #tpu.memory_space<hbm>>
      tpu.wait_dma2 semaphore(%run_scoped3A : memref<!tpu.dma_semaphore, #tpu.memory_space<semaphore_mem>>) src(%dma_wait3A_61 : memref<40x128xi32, #tpu.memory_space<hbm>>) dst(%arg8 : memref<40x128xi32, #tpu.memory_space<vmem>>)
      tpu.yield
    }) : () -> ()
    %dma_start3A_27 = arith.constant 0 : i32
    %dma_start3A_28 = arith.constant 0 : i32
    %dma_start3A_29 = tpu.memref_slice %arg7[%dma_start3A_27, %dma_start3A_28] : memref<40x128xi32, #tpu.memory_space<vmem>> -> memref<1x128xi32, #tpu.memory_space<vmem>>
    %dma_start3A_30 = tpu.memref_squeeze %dma_start3A_29 : memref<1x128xi32, #tpu.memory_space<vmem>> -> memref<128xi32, #tpu.memory_space<vmem>>
    %dma_start3A_31 = arith.constant 0 : i32
    %dma_start3A_32 = arith.constant 0 : i32
    %dma_start3A_33 = tpu.memref_slice %arg2[%dma_start3A_31, %dma_start3A_32] : memref<10000x128xf32, #tpu.memory_space<hbm>> -> memref<10000x128xf32, #tpu.memory_space<hbm>>
    tpu.enqueue_indirect_dma source(%dma_start3A_33 : memref<10000x128xf32, #tpu.memory_space<hbm>>) target(%arg9 : memref<128x128xf32, #tpu.memory_space<vmem>>) offsets(%dma_start3A_30 : memref<128xi32, #tpu.memory_space<vmem>>) semaphore(%arg12 : memref<!tpu.dma_semaphore, #tpu.memory_space<semaphore_mem>>)
    %dma_start3A_34 = arith.constant 1 : i32
    %dma_start3A_35 = arith.constant 0 : i32
    %dma_start3A_36 = tpu.memref_slice %arg7[%dma_start3A_34, %dma_start3A_35] : memref<40x128xi32, #tpu.memory_space<vmem>> -> memref<1x128xi32, #tpu.memory_space<vmem>>
    %dma_start3A_37 = tpu.memref_squeeze %dma_start3A_36 : memref<1x128xi32, #tpu.memory_space<vmem>> -> memref<128xi32, #tpu.memory_space<vmem>>
    %dma_start3A_38 = arith.constant 0 : i32
    %dma_start3A_39 = arith.constant 0 : i32
    %dma_start3A_40 = tpu.memref_slice %arg2[%dma_start3A_38, %dma_start3A_39] : memref<10000x128xf32, #tpu.memory_space<hbm>> -> memref<10000x128xf32, #tpu.memory_space<hbm>>
    tpu.enqueue_indirect_dma source(%dma_start3A_40 : memref<10000x128xf32, #tpu.memory_space<hbm>>) target(%arg10 : memref<128x128xf32, #tpu.memory_space<vmem>>) offsets(%dma_start3A_37 : memref<128xi32, #tpu.memory_space<vmem>>) semaphore(%arg13 : memref<!tpu.dma_semaphore, #tpu.memory_space<semaphore_mem>>)
    %scan3A_41 = arith.constant 0 : i32
    %scan3A_42 = arith.constant 0 : i32
    %scan3A_43 = arith.constant 20 : i32
    %scan3A_44 = arith.addi %scan3A_42, %scan3A_43 : i32
    %scan3A_45 = arith.constant 1 : i32
    scf.for %scan3A_55 = %scan3A_42 to %scan3A_44 step %scan3A_45  : i32 {
      %mul3A_56 = arith.constant 2 : i32
      %mul3A_57 = arith.muli %mul3A_56, %scan3A_55 : i32
      %add3A_58 = arith.constant 0 : i32
      %add3A_59 = arith.addi %mul3A_57, %add3A_58 : i32
      %dma_wait3A = arith.constant 0 : i32
      %dma_wait3A_60 = tpu.memref_slice %arg7[%add3A_59, %dma_wait3A] : memref<40x128xi32, #tpu.memory_space<vmem>> -> memref<1x128xi32, #tpu.memory_space<vmem>>
      %dma_wait3A_61 = tpu.memref_squeeze %dma_wait3A_60 : memref<1x128xi32, #tpu.memory_space<vmem>> -> memref<128xi32, #tpu.memory_space<vmem>>
      %dma_wait3A_62 = arith.constant 0 : i32
      %dma_wait3A_63 = arith.constant 0 : i32
      %dma_wait3A_64 = tpu.memref_slice %arg2[%dma_wait3A_62, %dma_wait3A_63] : memref<10000x128xf32, #tpu.memory_space<hbm>> -> memref<10000x128xf32, #tpu.memory_space<hbm>>
      tpu.wait_indirect_dma semaphore(%arg12 : memref<!tpu.dma_semaphore, #tpu.memory_space<semaphore_mem>>) src(%dma_wait3A_64 : memref<10000x128xf32, #tpu.memory_space<hbm>>) dst(%arg9 : memref<128x128xf32, #tpu.memory_space<vmem>>)
      "tpu.region"() ({
        %run_scoped3A = tpu.sem_alloc : memref<!tpu.dma_semaphore, #tpu.memory_space<semaphore_mem>>
        %dma_start3A_88 = arith.constant 0 : i32
        %dma_start3A_89 = tpu.memref_slice %arg8[%add3A_59, %dma_start3A_88] : memref<40x128xi32, #tpu.memory_space<vmem>> -> memref<1x128xi32, #tpu.memory_space<vmem>>
        %dma_start3A_90 = tpu.memref_squeeze %dma_start3A_89 : memref<1x128xi32, #tpu.memory_space<vmem>> -> memref<128xi32, #tpu.memory_space<vmem>>
        %dma_start3A_91 = arith.constant 0 : i32
        %dma_start3A_92 = arith.constant 0 : i32
        %dma_start3A_93 = tpu.memref_slice %arg11[%dma_start3A_91, %dma_start3A_92] : memref<10240x128xf32, #tpu.memory_space<vmem_shared>> -> memref<10240x128xf32, #tpu.memory_space<vmem_shared>>
        tpu.enqueue_indirect_dma source(%arg9 : memref<128x128xf32, #tpu.memory_space<vmem>>) target(%dma_start3A_93 : memref<10240x128xf32, #tpu.memory_space<vmem_shared>>) offsets(%dma_start3A_90 : memref<128xi32, #tpu.memory_space<vmem>>) semaphore(%run_scoped3A : memref<!tpu.dma_semaphore, #tpu.memory_space<semaphore_mem>>) {add = true}
        %dma_wait3A_94 = arith.constant 0 : i32
        %dma_wait3A_95 = tpu.memref_slice %arg8[%add3A_59, %dma_wait3A_94] : memref<40x128xi32, #tpu.memory_space<vmem>> -> memref<1x128xi32, #tpu.memory_space<vmem>>
        %dma_wait3A_96 = tpu.memref_squeeze %dma_wait3A_95 : memref<1x128xi32, #tpu.memory_space<vmem>> -> memref<128xi32, #tpu.memory_space<vmem>>
        %dma_wait3A_97 = arith.constant 0 : i32
        %dma_wait3A_98 = arith.constant 0 : i32
        %dma_wait3A_99 = tpu.memref_slice %arg11[%dma_wait3A_97, %dma_wait3A_98] : memref<10240x128xf32, #tpu.memory_space<vmem_shared>> -> memref<10240x128xf32, #tpu.memory_space<vmem_shared>>
        tpu.wait_indirect_dma semaphore(%run_scoped3A : memref<!tpu.dma_semaphore, #tpu.memory_space<semaphore_mem>>) src(%arg9 : memref<128x128xf32, #tpu.memory_space<vmem>>) dst(%dma_wait3A_99 : memref<10240x128xf32, #tpu.memory_space<vmem_shared>>)
        tpu.yield
      }) : () -> ()
      %add3A_65 = arith.constant 2 : i32
      %add3A_66 = arith.addi %add3A_59, %add3A_65 : i32
      %lt3A = arith.constant 40 : i32
      %lt3A_67 = arith.cmpi slt, %add3A_66, %lt3A : i32
      %convert_element_type3A_68 = arith.extui %lt3A_67 : i1 to i32
      %cond3A_69 = arith.constant 0 : i32
      %cond3A_70 = arith.cmpi ne, %convert_element_type3A_68, %cond3A_69 : i32
      scf.if %cond3A_70 {
        %add3A_88 = arith.constant 2 : i32
        %add3A_89 = arith.addi %add3A_59, %add3A_88 : i32
        %dma_start3A_90 = arith.constant 0 : i32
        %dma_start3A_91 = tpu.memref_slice %arg7[%add3A_89, %dma_start3A_90] : memref<40x128xi32, #tpu.memory_space<vmem>> -> memref<1x128xi32, #tpu.memory_space<vmem>>
        %dma_start3A_92 = tpu.memref_squeeze %dma_start3A_91 : memref<1x128xi32, #tpu.memory_space<vmem>> -> memref<128xi32, #tpu.memory_space<vmem>>
        %dma_start3A_93 = arith.constant 0 : i32
        %dma_start3A_94 = arith.constant 0 : i32
        %dma_start3A_95 = tpu.memref_slice %arg2[%dma_start3A_93, %dma_start3A_94] : memref<10000x128xf32, #tpu.memory_space<hbm>> -> memref<10000x128xf32, #tpu.memory_space<hbm>>
        tpu.enqueue_indirect_dma source(%dma_start3A_95 : memref<10000x128xf32, #tpu.memory_space<hbm>>) target(%arg9 : memref<128x128xf32, #tpu.memory_space<vmem>>) offsets(%dma_start3A_92 : memref<128xi32, #tpu.memory_space<vmem>>) semaphore(%arg12 : memref<!tpu.dma_semaphore, #tpu.memory_space<semaphore_mem>>)
      } else {
      }
      %mul3A_71 = arith.constant 2 : i32
      %mul3A_72 = arith.muli %mul3A_71, %scan3A_55 : i32
      %add3A_73 = arith.constant 1 : i32
      %add3A_74 = arith.addi %mul3A_72, %add3A_73 : i32
      %dma_wait3A_75 = arith.constant 0 : i32
      %dma_wait3A_76 = tpu.memref_slice %arg7[%add3A_74, %dma_wait3A_75] : memref<40x128xi32, #tpu.memory_space<vmem>> -> memref<1x128xi32, #tpu.memory_space<vmem>>
      %dma_wait3A_77 = tpu.memref_squeeze %dma_wait3A_76 : memref<1x128xi32, #tpu.memory_space<vmem>> -> memref<128xi32, #tpu.memory_space<vmem>>
      %dma_wait3A_78 = arith.constant 0 : i32
      %dma_wait3A_79 = arith.constant 0 : i32
      %dma_wait3A_80 = tpu.memref_slice %arg2[%dma_wait3A_78, %dma_wait3A_79] : memref<10000x128xf32, #tpu.memory_space<hbm>> -> memref<10000x128xf32, #tpu.memory_space<hbm>>
      tpu.wait_indirect_dma semaphore(%arg13 : memref<!tpu.dma_semaphore, #tpu.memory_space<semaphore_mem>>) src(%dma_wait3A_80 : memref<10000x128xf32, #tpu.memory_space<hbm>>) dst(%arg10 : memref<128x128xf32, #tpu.memory_space<vmem>>)
      "tpu.region"() ({
        %run_scoped3A = tpu.sem_alloc : memref<!tpu.dma_semaphore, #tpu.memory_space<semaphore_mem>>
        %dma_start3A_88 = arith.constant 0 : i32
        %dma_start3A_89 = tpu.memref_slice %arg8[%add3A_74, %dma_start3A_88] : memref<40x128xi32, #tpu.memory_space<vmem>> -> memref<1x128xi32, #tpu.memory_space<vmem>>
        %dma_start3A_90 = tpu.memref_squeeze %dma_start3A_89 : memref<1x128xi32, #tpu.memory_space<vmem>> -> memref<128xi32, #tpu.memory_space<vmem>>
        %dma_start3A_91 = arith.constant 0 : i32
        %dma_start3A_92 = arith.constant 0 : i32
        %dma_start3A_93 = tpu.memref_slice %arg11[%dma_start3A_91, %dma_start3A_92] : memref<10240x128xf32, #tpu.memory_space<vmem_shared>> -> memref<10240x128xf32, #tpu.memory_space<vmem_shared>>
        tpu.enqueue_indirect_dma source(%arg10 : memref<128x128xf32, #tpu.memory_space<vmem>>) target(%dma_start3A_93 : memref<10240x128xf32, #tpu.memory_space<vmem_shared>>) offsets(%dma_start3A_90 : memref<128xi32, #tpu.memory_space<vmem>>) semaphore(%run_scoped3A : memref<!tpu.dma_semaphore, #tpu.memory_space<semaphore_mem>>) {add = true}
        %dma_wait3A_94 = arith.constant 0 : i32
        %dma_wait3A_95 = tpu.memref_slice %arg8[%add3A_74, %dma_wait3A_94] : memref<40x128xi32, #tpu.memory_space<vmem>> -> memref<1x128xi32, #tpu.memory_space<vmem>>
        %dma_wait3A_96 = tpu.memref_squeeze %dma_wait3A_95 : memref<1x128xi32, #tpu.memory_space<vmem>> -> memref<128xi32, #tpu.memory_space<vmem>>
        %dma_wait3A_97 = arith.constant 0 : i32
        %dma_wait3A_98 = arith.constant 0 : i32
        %dma_wait3A_99 = tpu.memref_slice %arg11[%dma_wait3A_97, %dma_wait3A_98] : memref<10240x128xf32, #tpu.memory_space<vmem_shared>> -> memref<10240x128xf32, #tpu.memory_space<vmem_shared>>
        tpu.wait_indirect_dma semaphore(%run_scoped3A : memref<!tpu.dma_semaphore, #tpu.memory_space<semaphore_mem>>) src(%arg10 : memref<128x128xf32, #tpu.memory_space<vmem>>) dst(%dma_wait3A_99 : memref<10240x128xf32, #tpu.memory_space<vmem_shared>>)
        tpu.yield
      }) : () -> ()
      %add3A_81 = arith.constant 2 : i32
      %add3A_82 = arith.addi %add3A_74, %add3A_81 : i32
      %lt3A_83 = arith.constant 40 : i32
      %lt3A_84 = arith.cmpi slt, %add3A_82, %lt3A_83 : i32
      %convert_element_type3A_85 = arith.extui %lt3A_84 : i1 to i32
      %cond3A_86 = arith.constant 0 : i32
      %cond3A_87 = arith.cmpi ne, %convert_element_type3A_85, %cond3A_86 : i32
      scf.if %cond3A_87 {
        %add3A_88 = arith.constant 2 : i32
        %add3A_89 = arith.addi %add3A_74, %add3A_88 : i32
        %dma_start3A_90 = arith.constant 0 : i32
        %dma_start3A_91 = tpu.memref_slice %arg7[%add3A_89, %dma_start3A_90] : memref<40x128xi32, #tpu.memory_space<vmem>> -> memref<1x128xi32, #tpu.memory_space<vmem>>
        %dma_start3A_92 = tpu.memref_squeeze %dma_start3A_91 : memref<1x128xi32, #tpu.memory_space<vmem>> -> memref<128xi32, #tpu.memory_space<vmem>>
        %dma_start3A_93 = arith.constant 0 : i32
        %dma_start3A_94 = arith.constant 0 : i32
        %dma_start3A_95 = tpu.memref_slice %arg2[%dma_start3A_93, %dma_start3A_94] : memref<10000x128xf32, #tpu.memory_space<hbm>> -> memref<10000x128xf32, #tpu.memory_space<hbm>>
        tpu.enqueue_indirect_dma source(%dma_start3A_95 : memref<10000x128xf32, #tpu.memory_space<hbm>>) target(%arg10 : memref<128x128xf32, #tpu.memory_space<vmem>>) offsets(%dma_start3A_92 : memref<128xi32, #tpu.memory_space<vmem>>) semaphore(%arg13 : memref<!tpu.dma_semaphore, #tpu.memory_space<semaphore_mem>>)
      } else {
      }
    }
    %scan3A_46 = arith.constant 20 : i32
    %barrier3A_47 = arith.constant 0 : index
    tpu.barrier barrier_id(%barrier3A_47)
    %eq3A = arith.constant 0 : i32
    %eq3A_48 = arith.cmpi eq, %arg0, %eq3A : i32
    %convert_element_type3A = arith.extui %eq3A_48 : i1 to i32
    %cond3A = arith.constant 0 : i32
    %cond3A_49 = arith.cmpi ne, %convert_element_type3A, %cond3A : i32
    scf.if %cond3A_49 {
      %run_scoped3A = arith.constant 0 : i32
      "tpu.region"() ({
        %run_scoped3A_55 = tpu.sem_alloc : memref<!tpu.dma_semaphore, #tpu.memory_space<semaphore_mem>>
        %dma_start3A_56 = arith.constant 0 : i32
        %dma_start3A_57 = tpu.memref_slice %arg6[%run_scoped3A, %mul3A_2, %dma_start3A_56] : memref<2x10240x128xf32, #tpu.memory_space<hbm>> -> memref<1x640x128xf32, #tpu.memory_space<hbm>>
        %dma_start3A_58 = tpu.memref_squeeze %dma_start3A_57 : memref<1x640x128xf32, #tpu.memory_space<hbm>> -> memref<640x128xf32, #tpu.memory_space<hbm>>
        %dma_start3A_59 = arith.constant 0 : i32
        %dma_start3A_60 = tpu.memref_slice %arg11[%mul3A_2, %dma_start3A_59] : memref<10240x128xf32, #tpu.memory_space<vmem_shared>> -> memref<640x128xf32, #tpu.memory_space<vmem_shared>>
        tpu.enqueue_dma source(%dma_start3A_60 : memref<640x128xf32, #tpu.memory_space<vmem_shared>>) target(%dma_start3A_58 : memref<640x128xf32, #tpu.memory_space<hbm>>) target_semaphore(%run_scoped3A_55 : memref<!tpu.dma_semaphore, #tpu.memory_space<semaphore_mem>>)
        %dma_wait3A = arith.constant 0 : i32
        %dma_wait3A_61 = tpu.memref_slice %arg6[%run_scoped3A, %mul3A_2, %dma_wait3A] : memref<2x10240x128xf32, #tpu.memory_space<hbm>> -> memref<1x640x128xf32, #tpu.memory_space<hbm>>
        %dma_wait3A_62 = tpu.memref_squeeze %dma_wait3A_61 : memref<1x640x128xf32, #tpu.memory_space<hbm>> -> memref<640x128xf32, #tpu.memory_space<hbm>>
        %dma_wait3A_63 = arith.constant 0 : i32
        %dma_wait3A_64 = tpu.memref_slice %arg11[%mul3A_2, %dma_wait3A_63] : memref<10240x128xf32, #tpu.memory_space<vmem_shared>> -> memref<640x128xf32, #tpu.memory_space<vmem_shared>>
        tpu.wait_dma2 semaphore(%run_scoped3A_55 : memref<!tpu.dma_semaphore, #tpu.memory_space<semaphore_mem>>) src(%dma_wait3A_64 : memref<640x128xf32, #tpu.memory_space<vmem_shared>>) dst(%dma_wait3A_62 : memref<640x128xf32, #tpu.memory_space<hbm>>)
        tpu.yield
      }) : () -> ()
    } else {
    }
    %eq3A_50 = arith.constant 1 : i32
    %eq3A_51 = arith.cmpi eq, %arg0, %eq3A_50 : i32
    %convert_element_type3A_52 = arith.extui %eq3A_51 : i1 to i32
    %cond3A_53 = arith.constant 0 : i32
    %cond3A_54 = arith.cmpi ne, %convert_element_type3A_52, %cond3A_53 : i32
    scf.if %cond3A_54 {
      %run_scoped3A = arith.constant 1 : i32
      "tpu.region"() ({
        %run_scoped3A_55 = tpu.sem_alloc : memref<!tpu.dma_semaphore, #tpu.memory_space<semaphore_mem>>
        %dma_start3A_56 = arith.constant 0 : i32
        %dma_start3A_57 = tpu.memref_slice %arg6[%run_scoped3A, %mul3A_2, %dma_start3A_56] : memref<2x10240x128xf32, #tpu.memory_space<hbm>> -> memref<1x640x128xf32, #tpu.memory_space<hbm>>
        %dma_start3A_58 = tpu.memref_squeeze %dma_start3A_57 : memref<1x640x128xf32, #tpu.memory_space<hbm>> -> memref<640x128xf32, #tpu.memory_space<hbm>>
        %dma_start3A_59 = arith.constant 0 : i32
        %dma_start3A_60 = tpu.memref_slice %arg11[%mul3A_2, %dma_start3A_59] : memref<10240x128xf32, #tpu.memory_space<vmem_shared>> -> memref<640x128xf32, #tpu.memory_space<vmem_shared>>
        tpu.enqueue_dma source(%dma_start3A_60 : memref<640x128xf32, #tpu.memory_space<vmem_shared>>) target(%dma_start3A_58 : memref<640x128xf32, #tpu.memory_space<hbm>>) target_semaphore(%run_scoped3A_55 : memref<!tpu.dma_semaphore, #tpu.memory_space<semaphore_mem>>)
        %dma_wait3A = arith.constant 0 : i32
        %dma_wait3A_61 = tpu.memref_slice %arg6[%run_scoped3A, %mul3A_2, %dma_wait3A] : memref<2x10240x128xf32, #tpu.memory_space<hbm>> -> memref<1x640x128xf32, #tpu.memory_space<hbm>>
        %dma_wait3A_62 = tpu.memref_squeeze %dma_wait3A_61 : memref<1x640x128xf32, #tpu.memory_space<hbm>> -> memref<640x128xf32, #tpu.memory_space<hbm>>
        %dma_wait3A_63 = arith.constant 0 : i32
        %dma_wait3A_64 = tpu.memref_slice %arg11[%mul3A_2, %dma_wait3A_63] : memref<10240x128xf32, #tpu.memory_space<vmem_shared>> -> memref<640x128xf32, #tpu.memory_space<vmem_shared>>
        tpu.wait_dma2 semaphore(%run_scoped3A_55 : memref<!tpu.dma_semaphore, #tpu.memory_space<semaphore_mem>>) src(%dma_wait3A_64 : memref<640x128xf32, #tpu.memory_space<vmem_shared>>) dst(%dma_wait3A_62 : memref<640x128xf32, #tpu.memory_space<hbm>>)
        tpu.yield
      }) : () -> ()
    } else {
    }
    return
  }
}

#map = affine_map<(d0, d1) -> (0, 0)>
#map1 = affine_map<(d0, d1) -> (0, 0, 0)>
module attributes {stable_mosaic.version = 14 : i64} {
  func.func @k(%arg0: i32, %arg1: i32, %arg2: memref<10000x128xf32, #tpu.memory_space<hbm>>, %arg3: memref<2560x128xi32, #tpu.memory_space<hbm>>, %arg4: memref<2560x128xi32, #tpu.memory_space<hbm>>, %arg5: memref<640x128xf32, #tpu.memory_space<hbm>>, %arg6: memref<2x10240x128xf32, #tpu.memory_space<hbm>>, %arg7: memref<40x128xi32, #tpu.memory_space<vmem>>, %arg8: memref<40x128xi32, #tpu.memory_space<vmem>>, %arg9: memref<128x128xf32, #tpu.memory_space<vmem>>, %arg10: memref<128x128xf32, #tpu.memory_space<vmem>>, %arg11: memref<10240x128xf32, #tpu.memory_space<vmem_shared>>, %arg12: memref<!tpu.dma_semaphore, #tpu.memory_space<semaphore_mem>>, %arg13: memref<!tpu.dma_semaphore, #tpu.memory_space<semaphore_mem>>) attributes {dimension_semantics = [#tpu.dimension_semantics<core_parallel>, #tpu.dimension_semantics<subcore_parallel>], iteration_bounds = array<i64: 2, 16>, scalar_prefetch = 0 : i64, scratch_operands = 7 : i64, tpu.core_type = #tpu.core_type<sc_vector_subcore>, window_params = [{transform_indices = #map}, {transform_indices = #map}, {transform_indices = #map}, {transform_indices = #map}, {transform_indices = #map1}]} {
    %mul3A = arith.constant 2 : i32
    %mul3A_0 = arith.muli %arg1, %mul3A : i32
    %add3A = arith.addi %mul3A_0, %arg0 : i32
    %mul3A_1 = arith.constant 640 : i32
    %mul3A_2 = arith.muli %arg1, %mul3A_1 : i32
    "tpu.region"() ({
      %run_scoped3A = tpu.sem_alloc : memref<!tpu.dma_semaphore, #tpu.memory_space<semaphore_mem>>
      %dma_start3A_55 = arith.constant 0 : i32
      %dma_start3A_56 = tpu.memref_slice %arg11[%mul3A_2, %dma_start3A_55] : memref<10240x128xf32, #tpu.memory_space<vmem_shared>> -> memref<640x128xf32, #tpu.memory_space<vmem_shared>>
      tpu.enqueue_dma source(%arg5 : memref<640x128xf32, #tpu.memory_space<hbm>>) target(%dma_start3A_56 : memref<640x128xf32, #tpu.memory_space<vmem_shared>>) target_semaphore(%run_scoped3A : memref<!tpu.dma_semaphore, #tpu.memory_space<semaphore_mem>>)
      %dma_wait3A = arith.constant 0 : i32
      %dma_wait3A_57 = tpu.memref_slice %arg11[%mul3A_2, %dma_wait3A] : memref<10240x128xf32, #tpu.memory_space<vmem_shared>> -> memref<640x128xf32, #tpu.memory_space<vmem_shared>>
      tpu.wait_dma2 semaphore(%run_scoped3A : memref<!tpu.dma_semaphore, #tpu.memory_space<semaphore_mem>>) src(%arg5 : memref<640x128xf32, #tpu.memory_space<hbm>>) dst(%dma_wait3A_57 : memref<640x128xf32, #tpu.memory_space<vmem_shared>>)
      tpu.yield
    }) : () -> ()
    %mul3A_3 = arith.constant 80 : i32
    %mul3A_4 = arith.muli %add3A, %mul3A_3 : i32
    %barrier3A = arith.constant 0 : index
    tpu.barrier barrier_id(%barrier3A)
    %add3A_5 = arith.constant 0 : i32
    %add3A_6 = arith.addi %mul3A_4, %add3A_5 : i32
    "tpu.region"() ({
      %run_scoped3A = tpu.sem_alloc : memref<!tpu.dma_semaphore, #tpu.memory_space<semaphore_mem>>
      %dma_start3A_55 = arith.constant 0 : i32
      %dma_start3A_56 = tpu.memref_slice %arg3[%add3A_6, %dma_start3A_55] : memref<2560x128xi32, #tpu.memory_space<hbm>> -> memref<40x128xi32, #tpu.memory_space<hbm>>
      %dma_start3A_57 = arith.constant 0 : i32
      %dma_start3A_58 = tpu.memref_slice %arg3[%add3A_6, %dma_start3A_57] : memref<2560x128xi32, #tpu.memory_space<hbm>> -> memref<40x128xi32, #tpu.memory_space<hbm>>
      tpu.enqueue_dma source(%dma_start3A_58 : memref<40x128xi32, #tpu.memory_space<hbm>>) target(%arg7 : memref<40x128xi32, #tpu.memory_space<vmem>>) target_semaphore(%run_scoped3A : memref<!tpu.dma_semaphore, #tpu.memory_space<semaphore_mem>>)
      %dma_wait3A = arith.constant 0 : i32
      %dma_wait3A_59 = tpu.memref_slice %arg3[%add3A_6, %dma_wait3A] : memref<2560x128xi32, #tpu.memory_space<hbm>> -> memref<40x128xi32, #tpu.memory_space<hbm>>
      %dma_wait3A_60 = arith.constant 0 : i32
      %dma_wait3A_61 = tpu.memref_slice %arg3[%add3A_6, %dma_wait3A_60] : memref<2560x128xi32, #tpu.memory_space<hbm>> -> memref<40x128xi32, #tpu.memory_space<hbm>>
      tpu.wait_dma2 semaphore(%run_scoped3A : memref<!tpu.dma_semaphore, #tpu.memory_space<semaphore_mem>>) src(%dma_wait3A_61 : memref<40x128xi32, #tpu.memory_space<hbm>>) dst(%arg7 : memref<40x128xi32, #tpu.memory_space<vmem>>)
      tpu.yield
    }) : () -> ()
    "tpu.region"() ({
      %run_scoped3A = tpu.sem_alloc : memref<!tpu.dma_semaphore, #tpu.memory_space<semaphore_mem>>
      %dma_start3A_55 = arith.constant 0 : i32
      %dma_start3A_56 = tpu.memref_slice %arg4[%add3A_6, %dma_start3A_55] : memref<2560x128xi32, #tpu.memory_space<hbm>> -> memref<40x128xi32, #tpu.memory_space<hbm>>
      %dma_start3A_57 = arith.constant 0 : i32
      %dma_start3A_58 = tpu.memref_slice %arg4[%add3A_6, %dma_start3A_57] : memref<2560x128xi32, #tpu.memory_space<hbm>> -> memref<40x128xi32, #tpu.memory_space<hbm>>
      tpu.enqueue_dma source(%dma_start3A_58 : memref<40x128xi32, #tpu.memory_space<hbm>>) target(%arg8 : memref<40x128xi32, #tpu.memory_space<vmem>>) target_semaphore(%run_scoped3A : memref<!tpu.dma_semaphore, #tpu.memory_space<semaphore_mem>>)
      %dma_wait3A = arith.constant 0 : i32
      %dma_wait3A_59 = tpu.memref_slice %arg4[%add3A_6, %dma_wait3A] : memref<2560x128xi32, #tpu.memory_space<hbm>> -> memref<40x128xi32, #tpu.memory_space<hbm>>
      %dma_wait3A_60 = arith.constant 0 : i32
      %dma_wait3A_61 = tpu.memref_slice %arg4[%add3A_6, %dma_wait3A_60] : memref<2560x128xi32, #tpu.memory_space<hbm>> -> memref<40x128xi32, #tpu.memory_space<hbm>>
      tpu.wait_dma2 semaphore(%run_scoped3A : memref<!tpu.dma_semaphore, #tpu.memory_space<semaphore_mem>>) src(%dma_wait3A_61 : memref<40x128xi32, #tpu.memory_space<hbm>>) dst(%arg8 : memref<40x128xi32, #tpu.memory_space<vmem>>)
      tpu.yield
    }) : () -> ()
    %dma_start3A = arith.constant 0 : i32
    %dma_start3A_7 = arith.constant 0 : i32
    %dma_start3A_8 = tpu.memref_slice %arg7[%dma_start3A, %dma_start3A_7] : memref<40x128xi32, #tpu.memory_space<vmem>> -> memref<1x128xi32, #tpu.memory_space<vmem>>
    %dma_start3A_9 = tpu.memref_squeeze %dma_start3A_8 : memref<1x128xi32, #tpu.memory_space<vmem>> -> memref<128xi32, #tpu.memory_space<vmem>>
    %dma_start3A_10 = arith.constant 0 : i32
    %dma_start3A_11 = arith.constant 0 : i32
    %dma_start3A_12 = tpu.memref_slice %arg2[%dma_start3A_10, %dma_start3A_11] : memref<10000x128xf32, #tpu.memory_space<hbm>> -> memref<10000x128xf32, #tpu.memory_space<hbm>>
    tpu.enqueue_indirect_dma source(%dma_start3A_12 : memref<10000x128xf32, #tpu.memory_space<hbm>>) target(%arg9 : memref<128x128xf32, #tpu.memory_space<vmem>>) offsets(%dma_start3A_9 : memref<128xi32, #tpu.memory_space<vmem>>) semaphore(%arg12 : memref<!tpu.dma_semaphore, #tpu.memory_space<semaphore_mem>>)
    %dma_start3A_13 = arith.constant 1 : i32
    %dma_start3A_14 = arith.constant 0 : i32
    %dma_start3A_15 = tpu.memref_slice %arg7[%dma_start3A_13, %dma_start3A_14] : memref<40x128xi32, #tpu.memory_space<vmem>> -> memref<1x128xi32, #tpu.memory_space<vmem>>
    %dma_start3A_16 = tpu.memref_squeeze %dma_start3A_15 : memref<1x128xi32, #tpu.memory_space<vmem>> -> memref<128xi32, #tpu.memory_space<vmem>>
    %dma_start3A_17 = arith.constant 0 : i32
    %dma_start3A_18 = arith.constant 0 : i32
    %dma_start3A_19 = tpu.memref_slice %arg2[%dma_start3A_17, %dma_start3A_18] : memref<10000x128xf32, #tpu.memory_space<hbm>> -> memref<10000x128xf32, #tpu.memory_space<hbm>>
    tpu.enqueue_indirect_dma source(%dma_start3A_19 : memref<10000x128xf32, #tpu.memory_space<hbm>>) target(%arg10 : memref<128x128xf32, #tpu.memory_space<vmem>>) offsets(%dma_start3A_16 : memref<128xi32, #tpu.memory_space<vmem>>) semaphore(%arg13 : memref<!tpu.dma_semaphore, #tpu.memory_space<semaphore_mem>>)
    %scan3A = arith.constant 0 : i32
    %scan3A_20 = arith.constant 0 : i32
    %scan3A_21 = arith.constant 20 : i32
    %scan3A_22 = arith.addi %scan3A_20, %scan3A_21 : i32
    %scan3A_23 = arith.constant 1 : i32
    scf.for %scan3A_55 = %scan3A_20 to %scan3A_22 step %scan3A_23  : i32 {
      %mul3A_56 = arith.constant 2 : i32
      %mul3A_57 = arith.muli %mul3A_56, %scan3A_55 : i32
      %add3A_58 = arith.constant 0 : i32
      %add3A_59 = arith.addi %mul3A_57, %add3A_58 : i32
      %dma_wait3A = arith.constant 0 : i32
      %dma_wait3A_60 = tpu.memref_slice %arg7[%add3A_59, %dma_wait3A] : memref<40x128xi32, #tpu.memory_space<vmem>> -> memref<1x128xi32, #tpu.memory_space<vmem>>
      %dma_wait3A_61 = tpu.memref_squeeze %dma_wait3A_60 : memref<1x128xi32, #tpu.memory_space<vmem>> -> memref<128xi32, #tpu.memory_space<vmem>>
      %dma_wait3A_62 = arith.constant 0 : i32
      %dma_wait3A_63 = arith.constant 0 : i32
      %dma_wait3A_64 = tpu.memref_slice %arg2[%dma_wait3A_62, %dma_wait3A_63] : memref<10000x128xf32, #tpu.memory_space<hbm>> -> memref<10000x128xf32, #tpu.memory_space<hbm>>
      tpu.wait_indirect_dma semaphore(%arg12 : memref<!tpu.dma_semaphore, #tpu.memory_space<semaphore_mem>>) src(%dma_wait3A_64 : memref<10000x128xf32, #tpu.memory_space<hbm>>) dst(%arg9 : memref<128x128xf32, #tpu.memory_space<vmem>>)
      "tpu.region"() ({
        %run_scoped3A = tpu.sem_alloc : memref<!tpu.dma_semaphore, #tpu.memory_space<semaphore_mem>>
        %dma_start3A_88 = arith.constant 0 : i32
        %dma_start3A_89 = tpu.memref_slice %arg8[%add3A_59, %dma_start3A_88] : memref<40x128xi32, #tpu.memory_space<vmem>> -> memref<1x128xi32, #tpu.memory_space<vmem>>
        %dma_start3A_90 = tpu.memref_squeeze %dma_start3A_89 : memref<1x128xi32, #tpu.memory_space<vmem>> -> memref<128xi32, #tpu.memory_space<vmem>>
        %dma_start3A_91 = arith.constant 0 : i32
        %dma_start3A_92 = arith.constant 0 : i32
        %dma_start3A_93 = tpu.memref_slice %arg11[%dma_start3A_91, %dma_start3A_92] : memref<10240x128xf32, #tpu.memory_space<vmem_shared>> -> memref<10240x128xf32, #tpu.memory_space<vmem_shared>>
        tpu.enqueue_indirect_dma source(%arg9 : memref<128x128xf32, #tpu.memory_space<vmem>>) target(%dma_start3A_93 : memref<10240x128xf32, #tpu.memory_space<vmem_shared>>) offsets(%dma_start3A_90 : memref<128xi32, #tpu.memory_space<vmem>>) semaphore(%run_scoped3A : memref<!tpu.dma_semaphore, #tpu.memory_space<semaphore_mem>>) {add = true}
        %dma_wait3A_94 = arith.constant 0 : i32
        %dma_wait3A_95 = tpu.memref_slice %arg8[%add3A_59, %dma_wait3A_94] : memref<40x128xi32, #tpu.memory_space<vmem>> -> memref<1x128xi32, #tpu.memory_space<vmem>>
        %dma_wait3A_96 = tpu.memref_squeeze %dma_wait3A_95 : memref<1x128xi32, #tpu.memory_space<vmem>> -> memref<128xi32, #tpu.memory_space<vmem>>
        %dma_wait3A_97 = arith.constant 0 : i32
        %dma_wait3A_98 = arith.constant 0 : i32
        %dma_wait3A_99 = tpu.memref_slice %arg11[%dma_wait3A_97, %dma_wait3A_98] : memref<10240x128xf32, #tpu.memory_space<vmem_shared>> -> memref<10240x128xf32, #tpu.memory_space<vmem_shared>>
        tpu.wait_indirect_dma semaphore(%run_scoped3A : memref<!tpu.dma_semaphore, #tpu.memory_space<semaphore_mem>>) src(%arg9 : memref<128x128xf32, #tpu.memory_space<vmem>>) dst(%dma_wait3A_99 : memref<10240x128xf32, #tpu.memory_space<vmem_shared>>)
        tpu.yield
      }) : () -> ()
      %add3A_65 = arith.constant 2 : i32
      %add3A_66 = arith.addi %add3A_59, %add3A_65 : i32
      %lt3A = arith.constant 40 : i32
      %lt3A_67 = arith.cmpi slt, %add3A_66, %lt3A : i32
      %convert_element_type3A_68 = arith.extui %lt3A_67 : i1 to i32
      %cond3A_69 = arith.constant 0 : i32
      %cond3A_70 = arith.cmpi ne, %convert_element_type3A_68, %cond3A_69 : i32
      scf.if %cond3A_70 {
        %add3A_88 = arith.constant 2 : i32
        %add3A_89 = arith.addi %add3A_59, %add3A_88 : i32
        %dma_start3A_90 = arith.constant 0 : i32
        %dma_start3A_91 = tpu.memref_slice %arg7[%add3A_89, %dma_start3A_90] : memref<40x128xi32, #tpu.memory_space<vmem>> -> memref<1x128xi32, #tpu.memory_space<vmem>>
        %dma_start3A_92 = tpu.memref_squeeze %dma_start3A_91 : memref<1x128xi32, #tpu.memory_space<vmem>> -> memref<128xi32, #tpu.memory_space<vmem>>
        %dma_start3A_93 = arith.constant 0 : i32
        %dma_start3A_94 = arith.constant 0 : i32
        %dma_start3A_95 = tpu.memref_slice %arg2[%dma_start3A_93, %dma_start3A_94] : memref<10000x128xf32, #tpu.memory_space<hbm>> -> memref<10000x128xf32, #tpu.memory_space<hbm>>
        tpu.enqueue_indirect_dma source(%dma_start3A_95 : memref<10000x128xf32, #tpu.memory_space<hbm>>) target(%arg9 : memref<128x128xf32, #tpu.memory_space<vmem>>) offsets(%dma_start3A_92 : memref<128xi32, #tpu.memory_space<vmem>>) semaphore(%arg12 : memref<!tpu.dma_semaphore, #tpu.memory_space<semaphore_mem>>)
      } else {
      }
      %mul3A_71 = arith.constant 2 : i32
      %mul3A_72 = arith.muli %mul3A_71, %scan3A_55 : i32
      %add3A_73 = arith.constant 1 : i32
      %add3A_74 = arith.addi %mul3A_72, %add3A_73 : i32
      %dma_wait3A_75 = arith.constant 0 : i32
      %dma_wait3A_76 = tpu.memref_slice %arg7[%add3A_74, %dma_wait3A_75] : memref<40x128xi32, #tpu.memory_space<vmem>> -> memref<1x128xi32, #tpu.memory_space<vmem>>
      %dma_wait3A_77 = tpu.memref_squeeze %dma_wait3A_76 : memref<1x128xi32, #tpu.memory_space<vmem>> -> memref<128xi32, #tpu.memory_space<vmem>>
      %dma_wait3A_78 = arith.constant 0 : i32
      %dma_wait3A_79 = arith.constant 0 : i32
      %dma_wait3A_80 = tpu.memref_slice %arg2[%dma_wait3A_78, %dma_wait3A_79] : memref<10000x128xf32, #tpu.memory_space<hbm>> -> memref<10000x128xf32, #tpu.memory_space<hbm>>
      tpu.wait_indirect_dma semaphore(%arg13 : memref<!tpu.dma_semaphore, #tpu.memory_space<semaphore_mem>>) src(%dma_wait3A_80 : memref<10000x128xf32, #tpu.memory_space<hbm>>) dst(%arg10 : memref<128x128xf32, #tpu.memory_space<vmem>>)
      "tpu.region"() ({
        %run_scoped3A = tpu.sem_alloc : memref<!tpu.dma_semaphore, #tpu.memory_space<semaphore_mem>>
        %dma_start3A_88 = arith.constant 0 : i32
        %dma_start3A_89 = tpu.memref_slice %arg8[%add3A_74, %dma_start3A_88] : memref<40x128xi32, #tpu.memory_space<vmem>> -> memref<1x128xi32, #tpu.memory_space<vmem>>
        %dma_start3A_90 = tpu.memref_squeeze %dma_start3A_89 : memref<1x128xi32, #tpu.memory_space<vmem>> -> memref<128xi32, #tpu.memory_space<vmem>>
        %dma_start3A_91 = arith.constant 0 : i32
        %dma_start3A_92 = arith.constant 0 : i32
        %dma_start3A_93 = tpu.memref_slice %arg11[%dma_start3A_91, %dma_start3A_92] : memref<10240x128xf32, #tpu.memory_space<vmem_shared>> -> memref<10240x128xf32, #tpu.memory_space<vmem_shared>>
        tpu.enqueue_indirect_dma source(%arg10 : memref<128x128xf32, #tpu.memory_space<vmem>>) target(%dma_start3A_93 : memref<10240x128xf32, #tpu.memory_space<vmem_shared>>) offsets(%dma_start3A_90 : memref<128xi32, #tpu.memory_space<vmem>>) semaphore(%run_scoped3A : memref<!tpu.dma_semaphore, #tpu.memory_space<semaphore_mem>>) {add = true}
        %dma_wait3A_94 = arith.constant 0 : i32
        %dma_wait3A_95 = tpu.memref_slice %arg8[%add3A_74, %dma_wait3A_94] : memref<40x128xi32, #tpu.memory_space<vmem>> -> memref<1x128xi32, #tpu.memory_space<vmem>>
        %dma_wait3A_96 = tpu.memref_squeeze %dma_wait3A_95 : memref<1x128xi32, #tpu.memory_space<vmem>> -> memref<128xi32, #tpu.memory_space<vmem>>
        %dma_wait3A_97 = arith.constant 0 : i32
        %dma_wait3A_98 = arith.constant 0 : i32
        %dma_wait3A_99 = tpu.memref_slice %arg11[%dma_wait3A_97, %dma_wait3A_98] : memref<10240x128xf32, #tpu.memory_space<vmem_shared>> -> memref<10240x128xf32, #tpu.memory_space<vmem_shared>>
        tpu.wait_indirect_dma semaphore(%run_scoped3A : memref<!tpu.dma_semaphore, #tpu.memory_space<semaphore_mem>>) src(%arg10 : memref<128x128xf32, #tpu.memory_space<vmem>>) dst(%dma_wait3A_99 : memref<10240x128xf32, #tpu.memory_space<vmem_shared>>)
        tpu.yield
      }) : () -> ()
      %add3A_81 = arith.constant 2 : i32
      %add3A_82 = arith.addi %add3A_74, %add3A_81 : i32
      %lt3A_83 = arith.constant 40 : i32
      %lt3A_84 = arith.cmpi slt, %add3A_82, %lt3A_83 : i32
      %convert_element_type3A_85 = arith.extui %lt3A_84 : i1 to i32
      %cond3A_86 = arith.constant 0 : i32
      %cond3A_87 = arith.cmpi ne, %convert_element_type3A_85, %cond3A_86 : i32
      scf.if %cond3A_87 {
        %add3A_88 = arith.constant 2 : i32
        %add3A_89 = arith.addi %add3A_74, %add3A_88 : i32
        %dma_start3A_90 = arith.constant 0 : i32
        %dma_start3A_91 = tpu.memref_slice %arg7[%add3A_89, %dma_start3A_90] : memref<40x128xi32, #tpu.memory_space<vmem>> -> memref<1x128xi32, #tpu.memory_space<vmem>>
        %dma_start3A_92 = tpu.memref_squeeze %dma_start3A_91 : memref<1x128xi32, #tpu.memory_space<vmem>> -> memref<128xi32, #tpu.memory_space<vmem>>
        %dma_start3A_93 = arith.constant 0 : i32
        %dma_start3A_94 = arith.constant 0 : i32
        %dma_start3A_95 = tpu.memref_slice %arg2[%dma_start3A_93, %dma_start3A_94] : memref<10000x128xf32, #tpu.memory_space<hbm>> -> memref<10000x128xf32, #tpu.memory_space<hbm>>
        tpu.enqueue_indirect_dma source(%dma_start3A_95 : memref<10000x128xf32, #tpu.memory_space<hbm>>) target(%arg10 : memref<128x128xf32, #tpu.memory_space<vmem>>) offsets(%dma_start3A_92 : memref<128xi32, #tpu.memory_space<vmem>>) semaphore(%arg13 : memref<!tpu.dma_semaphore, #tpu.memory_space<semaphore_mem>>)
      } else {
      }
    }
    %scan3A_24 = arith.constant 20 : i32
    %add3A_25 = arith.constant 40 : i32
    %add3A_26 = arith.addi %mul3A_4, %add3A_25 : i32
    "tpu.region"() ({
      %run_scoped3A = tpu.sem_alloc : memref<!tpu.dma_semaphore, #tpu.memory_space<semaphore_mem>>
      %dma_start3A_55 = arith.constant 0 : i32
      %dma_start3A_56 = tpu.memref_slice %arg3[%add3A_26, %dma_start3A_55] : memref<2560x128xi32, #tpu.memory_space<hbm>> -> memref<40x128xi32, #tpu.memory_space<hbm>>
      %dma_start3A_57 = arith.constant 0 : i32
      %dma_start3A_58 = tpu.memref_slice %arg3[%add3A_26, %dma_start3A_57] : memref<2560x128xi32, #tpu.memory_space<hbm>> -> memref<40x128xi32, #tpu.memory_space<hbm>>
      tpu.enqueue_dma source(%dma_start3A_58 : memref<40x128xi32, #tpu.memory_space<hbm>>) target(%arg7 : memref<40x128xi32, #tpu.memory_space<vmem>>) target_semaphore(%run_scoped3A : memref<!tpu.dma_semaphore, #tpu.memory_space<semaphore_mem>>)
      %dma_wait3A = arith.constant 0 : i32
      %dma_wait3A_59 = tpu.memref_slice %arg3[%add3A_26, %dma_wait3A] : memref<2560x128xi32, #tpu.memory_space<hbm>> -> memref<40x128xi32, #tpu.memory_space<hbm>>
      %dma_wait3A_60 = arith.constant 0 : i32
      %dma_wait3A_61 = tpu.memref_slice %arg3[%add3A_26, %dma_wait3A_60] : memref<2560x128xi32, #tpu.memory_space<hbm>> -> memref<40x128xi32, #tpu.memory_space<hbm>>
      tpu.wait_dma2 semaphore(%run_scoped3A : memref<!tpu.dma_semaphore, #tpu.memory_space<semaphore_mem>>) src(%dma_wait3A_61 : memref<40x128xi32, #tpu.memory_space<hbm>>) dst(%arg7 : memref<40x128xi32, #tpu.memory_space<vmem>>)
      tpu.yield
    }) : () -> ()
    "tpu.region"() ({
      %run_scoped3A = tpu.sem_alloc : memref<!tpu.dma_semaphore, #tpu.memory_space<semaphore_mem>>
      %dma_start3A_55 = arith.constant 0 : i32
      %dma_start3A_56 = tpu.memref_slice %arg4[%add3A_26, %dma_start3A_55] : memref<2560x128xi32, #tpu.memory_space<hbm>> -> memref<40x128xi32, #tpu.memory_space<hbm>>
      %dma_start3A_57 = arith.constant 0 : i32
      %dma_start3A_58 = tpu.memref_slice %arg4[%add3A_26, %dma_start3A_57] : memref<2560x128xi32, #tpu.memory_space<hbm>> -> memref<40x128xi32, #tpu.memory_space<hbm>>
      tpu.enqueue_dma source(%dma_start3A_58 : memref<40x128xi32, #tpu.memory_space<hbm>>) target(%arg8 : memref<40x128xi32, #tpu.memory_space<vmem>>) target_semaphore(%run_scoped3A : memref<!tpu.dma_semaphore, #tpu.memory_space<semaphore_mem>>)
      %dma_wait3A = arith.constant 0 : i32
      %dma_wait3A_59 = tpu.memref_slice %arg4[%add3A_26, %dma_wait3A] : memref<2560x128xi32, #tpu.memory_space<hbm>> -> memref<40x128xi32, #tpu.memory_space<hbm>>
      %dma_wait3A_60 = arith.constant 0 : i32
      %dma_wait3A_61 = tpu.memref_slice %arg4[%add3A_26, %dma_wait3A_60] : memref<2560x128xi32, #tpu.memory_space<hbm>> -> memref<40x128xi32, #tpu.memory_space<hbm>>
      tpu.wait_dma2 semaphore(%run_scoped3A : memref<!tpu.dma_semaphore, #tpu.memory_space<semaphore_mem>>) src(%dma_wait3A_61 : memref<40x128xi32, #tpu.memory_space<hbm>>) dst(%arg8 : memref<40x128xi32, #tpu.memory_space<vmem>>)
      tpu.yield
    }) : () -> ()
    %dma_start3A_27 = arith.constant 0 : i32
    %dma_start3A_28 = arith.constant 0 : i32
    %dma_start3A_29 = tpu.memref_slice %arg7[%dma_start3A_27, %dma_start3A_28] : memref<40x128xi32, #tpu.memory_space<vmem>> -> memref<1x128xi32, #tpu.memory_space<vmem>>
    %dma_start3A_30 = tpu.memref_squeeze %dma_start3A_29 : memref<1x128xi32, #tpu.memory_space<vmem>> -> memref<128xi32, #tpu.memory_space<vmem>>
    %dma_start3A_31 = arith.constant 0 : i32
    %dma_start3A_32 = arith.constant 0 : i32
    %dma_start3A_33 = tpu.memref_slice %arg2[%dma_start3A_31, %dma_start3A_32] : memref<10000x128xf32, #tpu.memory_space<hbm>> -> memref<10000x128xf32, #tpu.memory_space<hbm>>
    tpu.enqueue_indirect_dma source(%dma_start3A_33 : memref<10000x128xf32, #tpu.memory_space<hbm>>) target(%arg9 : memref<128x128xf32, #tpu.memory_space<vmem>>) offsets(%dma_start3A_30 : memref<128xi32, #tpu.memory_space<vmem>>) semaphore(%arg12 : memref<!tpu.dma_semaphore, #tpu.memory_space<semaphore_mem>>)
    %dma_start3A_34 = arith.constant 1 : i32
    %dma_start3A_35 = arith.constant 0 : i32
    %dma_start3A_36 = tpu.memref_slice %arg7[%dma_start3A_34, %dma_start3A_35] : memref<40x128xi32, #tpu.memory_space<vmem>> -> memref<1x128xi32, #tpu.memory_space<vmem>>
    %dma_start3A_37 = tpu.memref_squeeze %dma_start3A_36 : memref<1x128xi32, #tpu.memory_space<vmem>> -> memref<128xi32, #tpu.memory_space<vmem>>
    %dma_start3A_38 = arith.constant 0 : i32
    %dma_start3A_39 = arith.constant 0 : i32
    %dma_start3A_40 = tpu.memref_slice %arg2[%dma_start3A_38, %dma_start3A_39] : memref<10000x128xf32, #tpu.memory_space<hbm>> -> memref<10000x128xf32, #tpu.memory_space<hbm>>
    tpu.enqueue_indirect_dma source(%dma_start3A_40 : memref<10000x128xf32, #tpu.memory_space<hbm>>) target(%arg10 : memref<128x128xf32, #tpu.memory_space<vmem>>) offsets(%dma_start3A_37 : memref<128xi32, #tpu.memory_space<vmem>>) semaphore(%arg13 : memref<!tpu.dma_semaphore, #tpu.memory_space<semaphore_mem>>)
    %scan3A_41 = arith.constant 0 : i32
    %scan3A_42 = arith.constant 0 : i32
    %scan3A_43 = arith.constant 20 : i32
    %scan3A_44 = arith.addi %scan3A_42, %scan3A_43 : i32
    %scan3A_45 = arith.constant 1 : i32
    scf.for %scan3A_55 = %scan3A_42 to %scan3A_44 step %scan3A_45  : i32 {
      %mul3A_56 = arith.constant 2 : i32
      %mul3A_57 = arith.muli %mul3A_56, %scan3A_55 : i32
      %add3A_58 = arith.constant 0 : i32
      %add3A_59 = arith.addi %mul3A_57, %add3A_58 : i32
      %dma_wait3A = arith.constant 0 : i32
      %dma_wait3A_60 = tpu.memref_slice %arg7[%add3A_59, %dma_wait3A] : memref<40x128xi32, #tpu.memory_space<vmem>> -> memref<1x128xi32, #tpu.memory_space<vmem>>
      %dma_wait3A_61 = tpu.memref_squeeze %dma_wait3A_60 : memref<1x128xi32, #tpu.memory_space<vmem>> -> memref<128xi32, #tpu.memory_space<vmem>>
      %dma_wait3A_62 = arith.constant 0 : i32
      %dma_wait3A_63 = arith.constant 0 : i32
      %dma_wait3A_64 = tpu.memref_slice %arg2[%dma_wait3A_62, %dma_wait3A_63] : memref<10000x128xf32, #tpu.memory_space<hbm>> -> memref<10000x128xf32, #tpu.memory_space<hbm>>
      tpu.wait_indirect_dma semaphore(%arg12 : memref<!tpu.dma_semaphore, #tpu.memory_space<semaphore_mem>>) src(%dma_wait3A_64 : memref<10000x128xf32, #tpu.memory_space<hbm>>) dst(%arg9 : memref<128x128xf32, #tpu.memory_space<vmem>>)
      "tpu.region"() ({
        %run_scoped3A = tpu.sem_alloc : memref<!tpu.dma_semaphore, #tpu.memory_space<semaphore_mem>>
        %dma_start3A_88 = arith.constant 0 : i32
        %dma_start3A_89 = tpu.memref_slice %arg8[%add3A_59, %dma_start3A_88] : memref<40x128xi32, #tpu.memory_space<vmem>> -> memref<1x128xi32, #tpu.memory_space<vmem>>
        %dma_start3A_90 = tpu.memref_squeeze %dma_start3A_89 : memref<1x128xi32, #tpu.memory_space<vmem>> -> memref<128xi32, #tpu.memory_space<vmem>>
        %dma_start3A_91 = arith.constant 0 : i32
        %dma_start3A_92 = arith.constant 0 : i32
        %dma_start3A_93 = tpu.memref_slice %arg11[%dma_start3A_91, %dma_start3A_92] : memref<10240x128xf32, #tpu.memory_space<vmem_shared>> -> memref<10240x128xf32, #tpu.memory_space<vmem_shared>>
        tpu.enqueue_indirect_dma source(%arg9 : memref<128x128xf32, #tpu.memory_space<vmem>>) target(%dma_start3A_93 : memref<10240x128xf32, #tpu.memory_space<vmem_shared>>) offsets(%dma_start3A_90 : memref<128xi32, #tpu.memory_space<vmem>>) semaphore(%run_scoped3A : memref<!tpu.dma_semaphore, #tpu.memory_space<semaphore_mem>>) {add = true}
        %dma_wait3A_94 = arith.constant 0 : i32
        %dma_wait3A_95 = tpu.memref_slice %arg8[%add3A_59, %dma_wait3A_94] : memref<40x128xi32, #tpu.memory_space<vmem>> -> memref<1x128xi32, #tpu.memory_space<vmem>>
        %dma_wait3A_96 = tpu.memref_squeeze %dma_wait3A_95 : memref<1x128xi32, #tpu.memory_space<vmem>> -> memref<128xi32, #tpu.memory_space<vmem>>
        %dma_wait3A_97 = arith.constant 0 : i32
        %dma_wait3A_98 = arith.constant 0 : i32
        %dma_wait3A_99 = tpu.memref_slice %arg11[%dma_wait3A_97, %dma_wait3A_98] : memref<10240x128xf32, #tpu.memory_space<vmem_shared>> -> memref<10240x128xf32, #tpu.memory_space<vmem_shared>>
        tpu.wait_indirect_dma semaphore(%run_scoped3A : memref<!tpu.dma_semaphore, #tpu.memory_space<semaphore_mem>>) src(%arg9 : memref<128x128xf32, #tpu.memory_space<vmem>>) dst(%dma_wait3A_99 : memref<10240x128xf32, #tpu.memory_space<vmem_shared>>)
        tpu.yield
      }) : () -> ()
      %add3A_65 = arith.constant 2 : i32
      %add3A_66 = arith.addi %add3A_59, %add3A_65 : i32
      %lt3A = arith.constant 40 : i32
      %lt3A_67 = arith.cmpi slt, %add3A_66, %lt3A : i32
      %convert_element_type3A_68 = arith.extui %lt3A_67 : i1 to i32
      %cond3A_69 = arith.constant 0 : i32
      %cond3A_70 = arith.cmpi ne, %convert_element_type3A_68, %cond3A_69 : i32
      scf.if %cond3A_70 {
        %add3A_88 = arith.constant 2 : i32
        %add3A_89 = arith.addi %add3A_59, %add3A_88 : i32
        %dma_start3A_90 = arith.constant 0 : i32
        %dma_start3A_91 = tpu.memref_slice %arg7[%add3A_89, %dma_start3A_90] : memref<40x128xi32, #tpu.memory_space<vmem>> -> memref<1x128xi32, #tpu.memory_space<vmem>>
        %dma_start3A_92 = tpu.memref_squeeze %dma_start3A_91 : memref<1x128xi32, #tpu.memory_space<vmem>> -> memref<128xi32, #tpu.memory_space<vmem>>
        %dma_start3A_93 = arith.constant 0 : i32
        %dma_start3A_94 = arith.constant 0 : i32
        %dma_start3A_95 = tpu.memref_slice %arg2[%dma_start3A_93, %dma_start3A_94] : memref<10000x128xf32, #tpu.memory_space<hbm>> -> memref<10000x128xf32, #tpu.memory_space<hbm>>
        tpu.enqueue_indirect_dma source(%dma_start3A_95 : memref<10000x128xf32, #tpu.memory_space<hbm>>) target(%arg9 : memref<128x128xf32, #tpu.memory_space<vmem>>) offsets(%dma_start3A_92 : memref<128xi32, #tpu.memory_space<vmem>>) semaphore(%arg12 : memref<!tpu.dma_semaphore, #tpu.memory_space<semaphore_mem>>)
      } else {
      }
      %mul3A_71 = arith.constant 2 : i32
      %mul3A_72 = arith.muli %mul3A_71, %scan3A_55 : i32
      %add3A_73 = arith.constant 1 : i32
      %add3A_74 = arith.addi %mul3A_72, %add3A_73 : i32
      %dma_wait3A_75 = arith.constant 0 : i32
      %dma_wait3A_76 = tpu.memref_slice %arg7[%add3A_74, %dma_wait3A_75] : memref<40x128xi32, #tpu.memory_space<vmem>> -> memref<1x128xi32, #tpu.memory_space<vmem>>
      %dma_wait3A_77 = tpu.memref_squeeze %dma_wait3A_76 : memref<1x128xi32, #tpu.memory_space<vmem>> -> memref<128xi32, #tpu.memory_space<vmem>>
      %dma_wait3A_78 = arith.constant 0 : i32
      %dma_wait3A_79 = arith.constant 0 : i32
      %dma_wait3A_80 = tpu.memref_slice %arg2[%dma_wait3A_78, %dma_wait3A_79] : memref<10000x128xf32, #tpu.memory_space<hbm>> -> memref<10000x128xf32, #tpu.memory_space<hbm>>
      tpu.wait_indirect_dma semaphore(%arg13 : memref<!tpu.dma_semaphore, #tpu.memory_space<semaphore_mem>>) src(%dma_wait3A_80 : memref<10000x128xf32, #tpu.memory_space<hbm>>) dst(%arg10 : memref<128x128xf32, #tpu.memory_space<vmem>>)
      "tpu.region"() ({
        %run_scoped3A = tpu.sem_alloc : memref<!tpu.dma_semaphore, #tpu.memory_space<semaphore_mem>>
        %dma_start3A_88 = arith.constant 0 : i32
        %dma_start3A_89 = tpu.memref_slice %arg8[%add3A_74, %dma_start3A_88] : memref<40x128xi32, #tpu.memory_space<vmem>> -> memref<1x128xi32, #tpu.memory_space<vmem>>
        %dma_start3A_90 = tpu.memref_squeeze %dma_start3A_89 : memref<1x128xi32, #tpu.memory_space<vmem>> -> memref<128xi32, #tpu.memory_space<vmem>>
        %dma_start3A_91 = arith.constant 0 : i32
        %dma_start3A_92 = arith.constant 0 : i32
        %dma_start3A_93 = tpu.memref_slice %arg11[%dma_start3A_91, %dma_start3A_92] : memref<10240x128xf32, #tpu.memory_space<vmem_shared>> -> memref<10240x128xf32, #tpu.memory_space<vmem_shared>>
        tpu.enqueue_indirect_dma source(%arg10 : memref<128x128xf32, #tpu.memory_space<vmem>>) target(%dma_start3A_93 : memref<10240x128xf32, #tpu.memory_space<vmem_shared>>) offsets(%dma_start3A_90 : memref<128xi32, #tpu.memory_space<vmem>>) semaphore(%run_scoped3A : memref<!tpu.dma_semaphore, #tpu.memory_space<semaphore_mem>>) {add = true}
        %dma_wait3A_94 = arith.constant 0 : i32
        %dma_wait3A_95 = tpu.memref_slice %arg8[%add3A_74, %dma_wait3A_94] : memref<40x128xi32, #tpu.memory_space<vmem>> -> memref<1x128xi32, #tpu.memory_space<vmem>>
        %dma_wait3A_96 = tpu.memref_squeeze %dma_wait3A_95 : memref<1x128xi32, #tpu.memory_space<vmem>> -> memref<128xi32, #tpu.memory_space<vmem>>
        %dma_wait3A_97 = arith.constant 0 : i32
        %dma_wait3A_98 = arith.constant 0 : i32
        %dma_wait3A_99 = tpu.memref_slice %arg11[%dma_wait3A_97, %dma_wait3A_98] : memref<10240x128xf32, #tpu.memory_space<vmem_shared>> -> memref<10240x128xf32, #tpu.memory_space<vmem_shared>>
        tpu.wait_indirect_dma semaphore(%run_scoped3A : memref<!tpu.dma_semaphore, #tpu.memory_space<semaphore_mem>>) src(%arg10 : memref<128x128xf32, #tpu.memory_space<vmem>>) dst(%dma_wait3A_99 : memref<10240x128xf32, #tpu.memory_space<vmem_shared>>)
        tpu.yield
      }) : () -> ()
      %add3A_81 = arith.constant 2 : i32
      %add3A_82 = arith.addi %add3A_74, %add3A_81 : i32
      %lt3A_83 = arith.constant 40 : i32
      %lt3A_84 = arith.cmpi slt, %add3A_82, %lt3A_83 : i32
      %convert_element_type3A_85 = arith.extui %lt3A_84 : i1 to i32
      %cond3A_86 = arith.constant 0 : i32
      %cond3A_87 = arith.cmpi ne, %convert_element_type3A_85, %cond3A_86 : i32
      scf.if %cond3A_87 {
        %add3A_88 = arith.constant 2 : i32
        %add3A_89 = arith.addi %add3A_74, %add3A_88 : i32
        %dma_start3A_90 = arith.constant 0 : i32
        %dma_start3A_91 = tpu.memref_slice %arg7[%add3A_89, %dma_start3A_90] : memref<40x128xi32, #tpu.memory_space<vmem>> -> memref<1x128xi32, #tpu.memory_space<vmem>>
        %dma_start3A_92 = tpu.memref_squeeze %dma_start3A_91 : memref<1x128xi32, #tpu.memory_space<vmem>> -> memref<128xi32, #tpu.memory_space<vmem>>
        %dma_start3A_93 = arith.constant 0 : i32
        %dma_start3A_94 = arith.constant 0 : i32
        %dma_start3A_95 = tpu.memref_slice %arg2[%dma_start3A_93, %dma_start3A_94] : memref<10000x128xf32, #tpu.memory_space<hbm>> -> memref<10000x128xf32, #tpu.memory_space<hbm>>
        tpu.enqueue_indirect_dma source(%dma_start3A_95 : memref<10000x128xf32, #tpu.memory_space<hbm>>) target(%arg10 : memref<128x128xf32, #tpu.memory_space<vmem>>) offsets(%dma_start3A_92 : memref<128xi32, #tpu.memory_space<vmem>>) semaphore(%arg13 : memref<!tpu.dma_semaphore, #tpu.memory_space<semaphore_mem>>)
      } else {
      }
    }
    %scan3A_46 = arith.constant 20 : i32
    %barrier3A_47 = arith.constant 0 : index
    tpu.barrier barrier_id(%barrier3A_47)
    %eq3A = arith.constant 0 : i32
    %eq3A_48 = arith.cmpi eq, %arg0, %eq3A : i32
    %convert_element_type3A = arith.extui %eq3A_48 : i1 to i32
    %cond3A = arith.constant 0 : i32
    %cond3A_49 = arith.cmpi ne, %convert_element_type3A, %cond3A : i32
    scf.if %cond3A_49 {
      %run_scoped3A = arith.constant 0 : i32
      "tpu.region"() ({
        %run_scoped3A_55 = tpu.sem_alloc : memref<!tpu.dma_semaphore, #tpu.memory_space<semaphore_mem>>
        %dma_start3A_56 = arith.constant 0 : i32
        %dma_start3A_57 = tpu.memref_slice %arg6[%run_scoped3A, %mul3A_2, %dma_start3A_56] : memref<2x10240x128xf32, #tpu.memory_space<hbm>> -> memref<1x640x128xf32, #tpu.memory_space<hbm>>
        %dma_start3A_58 = tpu.memref_squeeze %dma_start3A_57 : memref<1x640x128xf32, #tpu.memory_space<hbm>> -> memref<640x128xf32, #tpu.memory_space<hbm>>
        %dma_start3A_59 = arith.constant 0 : i32
        %dma_start3A_60 = tpu.memref_slice %arg11[%mul3A_2, %dma_start3A_59] : memref<10240x128xf32, #tpu.memory_space<vmem_shared>> -> memref<640x128xf32, #tpu.memory_space<vmem_shared>>
        tpu.enqueue_dma source(%dma_start3A_60 : memref<640x128xf32, #tpu.memory_space<vmem_shared>>) target(%dma_start3A_58 : memref<640x128xf32, #tpu.memory_space<hbm>>) target_semaphore(%run_scoped3A_55 : memref<!tpu.dma_semaphore, #tpu.memory_space<semaphore_mem>>)
        %dma_wait3A = arith.constant 0 : i32
        %dma_wait3A_61 = tpu.memref_slice %arg6[%run_scoped3A, %mul3A_2, %dma_wait3A] : memref<2x10240x128xf32, #tpu.memory_space<hbm>> -> memref<1x640x128xf32, #tpu.memory_space<hbm>>
        %dma_wait3A_62 = tpu.memref_squeeze %dma_wait3A_61 : memref<1x640x128xf32, #tpu.memory_space<hbm>> -> memref<640x128xf32, #tpu.memory_space<hbm>>
        %dma_wait3A_63 = arith.constant 0 : i32
        %dma_wait3A_64 = tpu.memref_slice %arg11[%mul3A_2, %dma_wait3A_63] : memref<10240x128xf32, #tpu.memory_space<vmem_shared>> -> memref<640x128xf32, #tpu.memory_space<vmem_shared>>
        tpu.wait_dma2 semaphore(%run_scoped3A_55 : memref<!tpu.dma_semaphore, #tpu.memory_space<semaphore_mem>>) src(%dma_wait3A_64 : memref<640x128xf32, #tpu.memory_space<vmem_shared>>) dst(%dma_wait3A_62 : memref<640x128xf32, #tpu.memory_space<hbm>>)
        tpu.yield
      }) : () -> ()
    } else {
    }
    %eq3A_50 = arith.constant 1 : i32
    %eq3A_51 = arith.cmpi eq, %arg0, %eq3A_50 : i32
    %convert_element_type3A_52 = arith.extui %eq3A_51 : i1 to i32
    %cond3A_53 = arith.constant 0 : i32
    %cond3A_54 = arith.cmpi ne, %convert_element_type3A_52, %cond3A_53 : i32
    scf.if %cond3A_54 {
      %run_scoped3A = arith.constant 1 : i32
      "tpu.region"() ({
        %run_scoped3A_55 = tpu.sem_alloc : memref<!tpu.dma_semaphore, #tpu.memory_space<semaphore_mem>>
        %dma_start3A_56 = arith.constant 0 : i32
        %dma_start3A_57 = tpu.memref_slice %arg6[%run_scoped3A, %mul3A_2, %dma_start3A_56] : memref<2x10240x128xf32, #tpu.memory_space<hbm>> -> memref<1x640x128xf32, #tpu.memory_space<hbm>>
        %dma_start3A_58 = tpu.memref_squeeze %dma_start3A_57 : memref<1x640x128xf32, #tpu.memory_space<hbm>> -> memref<640x128xf32, #tpu.memory_space<hbm>>
        %dma_start3A_59 = arith.constant 0 : i32
        %dma_start3A_60 = tpu.memref_slice %arg11[%mul3A_2, %dma_start3A_59] : memref<10240x128xf32, #tpu.memory_space<vmem_shared>> -> memref<640x128xf32, #tpu.memory_space<vmem_shared>>
        tpu.enqueue_dma source(%dma_start3A_60 : memref<640x128xf32, #tpu.memory_space<vmem_shared>>) target(%dma_start3A_58 : memref<640x128xf32, #tpu.memory_space<hbm>>) target_semaphore(%run_scoped3A_55 : memref<!tpu.dma_semaphore, #tpu.memory_space<semaphore_mem>>)
        %dma_wait3A = arith.constant 0 : i32
        %dma_wait3A_61 = tpu.memref_slice %arg6[%run_scoped3A, %mul3A_2, %dma_wait3A] : memref<2x10240x128xf32, #tpu.memory_space<hbm>> -> memref<1x640x128xf32, #tpu.memory_space<hbm>>
        %dma_wait3A_62 = tpu.memref_squeeze %dma_wait3A_61 : memref<1x640x128xf32, #tpu.memory_space<hbm>> -> memref<640x128xf32, #tpu.memory_space<hbm>>
        %dma_wait3A_63 = arith.constant 0 : i32
        %dma_wait3A_64 = tpu.memref_slice %arg11[%mul3A_2, %dma_wait3A_63] : memref<10240x128xf32, #tpu.memory_space<vmem_shared>> -> memref<640x128xf32, #tpu.memory_space<vmem_shared>>
        tpu.wait_dma2 semaphore(%run_scoped3A_55 : memref<!tpu.dma_semaphore, #tpu.memory_space<semaphore_mem>>) src(%dma_wait3A_64 : memref<640x128xf32, #tpu.memory_space<vmem_shared>>) dst(%dma_wait3A_62 : memref<640x128xf32, #tpu.memory_space<hbm>>)
        tpu.yield
      }) : () -> ()
    } else {
    }
    return
  }
}

#map = affine_map<(d0, d1) -> (0, 0)>
#map1 = affine_map<(d0, d1) -> (0, 0, 0)>
module attributes {stable_mosaic.version = 14 : i64} {
  func.func @k(%arg0: i32, %arg1: i32, %arg2: memref<10000x128xf32, #tpu.memory_space<hbm>>, %arg3: memref<2560x128xi32, #tpu.memory_space<hbm>>, %arg4: memref<2560x128xi32, #tpu.memory_space<hbm>>, %arg5: memref<640x128xf32, #tpu.memory_space<hbm>>, %arg6: memref<2x10240x128xf32, #tpu.memory_space<hbm>>, %arg7: memref<40x128xi32, #tpu.memory_space<vmem>>, %arg8: memref<40x128xi32, #tpu.memory_space<vmem>>, %arg9: memref<128x128xf32, #tpu.memory_space<vmem>>, %arg10: memref<128x128xf32, #tpu.memory_space<vmem>>, %arg11: memref<10240x128xf32, #tpu.memory_space<vmem_shared>>, %arg12: memref<!tpu.dma_semaphore, #tpu.memory_space<semaphore_mem>>, %arg13: memref<!tpu.dma_semaphore, #tpu.memory_space<semaphore_mem>>) attributes {dimension_semantics = [#tpu.dimension_semantics<core_parallel>, #tpu.dimension_semantics<subcore_parallel>], iteration_bounds = array<i64: 2, 16>, scalar_prefetch = 0 : i64, scratch_operands = 7 : i64, tpu.core_type = #tpu.core_type<sc_vector_subcore>, window_params = [{transform_indices = #map}, {transform_indices = #map}, {transform_indices = #map}, {transform_indices = #map}, {transform_indices = #map1}]} {
    %mul3A = arith.constant 2 : i32
    %mul3A_0 = arith.muli %arg1, %mul3A : i32
    %add3A = arith.addi %mul3A_0, %arg0 : i32
    %mul3A_1 = arith.constant 640 : i32
    %mul3A_2 = arith.muli %arg1, %mul3A_1 : i32
    "tpu.region"() ({
      %run_scoped3A = tpu.sem_alloc : memref<!tpu.dma_semaphore, #tpu.memory_space<semaphore_mem>>
      %dma_start3A_55 = arith.constant 0 : i32
      %dma_start3A_56 = tpu.memref_slice %arg11[%mul3A_2, %dma_start3A_55] : memref<10240x128xf32, #tpu.memory_space<vmem_shared>> -> memref<640x128xf32, #tpu.memory_space<vmem_shared>>
      tpu.enqueue_dma source(%arg5 : memref<640x128xf32, #tpu.memory_space<hbm>>) target(%dma_start3A_56 : memref<640x128xf32, #tpu.memory_space<vmem_shared>>) target_semaphore(%run_scoped3A : memref<!tpu.dma_semaphore, #tpu.memory_space<semaphore_mem>>)
      %dma_wait3A = arith.constant 0 : i32
      %dma_wait3A_57 = tpu.memref_slice %arg11[%mul3A_2, %dma_wait3A] : memref<10240x128xf32, #tpu.memory_space<vmem_shared>> -> memref<640x128xf32, #tpu.memory_space<vmem_shared>>
      tpu.wait_dma2 semaphore(%run_scoped3A : memref<!tpu.dma_semaphore, #tpu.memory_space<semaphore_mem>>) src(%arg5 : memref<640x128xf32, #tpu.memory_space<hbm>>) dst(%dma_wait3A_57 : memref<640x128xf32, #tpu.memory_space<vmem_shared>>)
      tpu.yield
    }) : () -> ()
    %mul3A_3 = arith.constant 80 : i32
    %mul3A_4 = arith.muli %add3A, %mul3A_3 : i32
    %barrier3A = arith.constant 0 : index
    tpu.barrier barrier_id(%barrier3A)
    %add3A_5 = arith.constant 0 : i32
    %add3A_6 = arith.addi %mul3A_4, %add3A_5 : i32
    "tpu.region"() ({
      %run_scoped3A = tpu.sem_alloc : memref<!tpu.dma_semaphore, #tpu.memory_space<semaphore_mem>>
      %dma_start3A_55 = arith.constant 0 : i32
      %dma_start3A_56 = tpu.memref_slice %arg3[%add3A_6, %dma_start3A_55] : memref<2560x128xi32, #tpu.memory_space<hbm>> -> memref<40x128xi32, #tpu.memory_space<hbm>>
      %dma_start3A_57 = arith.constant 0 : i32
      %dma_start3A_58 = tpu.memref_slice %arg3[%add3A_6, %dma_start3A_57] : memref<2560x128xi32, #tpu.memory_space<hbm>> -> memref<40x128xi32, #tpu.memory_space<hbm>>
      tpu.enqueue_dma source(%dma_start3A_58 : memref<40x128xi32, #tpu.memory_space<hbm>>) target(%arg7 : memref<40x128xi32, #tpu.memory_space<vmem>>) target_semaphore(%run_scoped3A : memref<!tpu.dma_semaphore, #tpu.memory_space<semaphore_mem>>)
      %dma_wait3A = arith.constant 0 : i32
      %dma_wait3A_59 = tpu.memref_slice %arg3[%add3A_6, %dma_wait3A] : memref<2560x128xi32, #tpu.memory_space<hbm>> -> memref<40x128xi32, #tpu.memory_space<hbm>>
      %dma_wait3A_60 = arith.constant 0 : i32
      %dma_wait3A_61 = tpu.memref_slice %arg3[%add3A_6, %dma_wait3A_60] : memref<2560x128xi32, #tpu.memory_space<hbm>> -> memref<40x128xi32, #tpu.memory_space<hbm>>
      tpu.wait_dma2 semaphore(%run_scoped3A : memref<!tpu.dma_semaphore, #tpu.memory_space<semaphore_mem>>) src(%dma_wait3A_61 : memref<40x128xi32, #tpu.memory_space<hbm>>) dst(%arg7 : memref<40x128xi32, #tpu.memory_space<vmem>>)
      tpu.yield
    }) : () -> ()
    "tpu.region"() ({
      %run_scoped3A = tpu.sem_alloc : memref<!tpu.dma_semaphore, #tpu.memory_space<semaphore_mem>>
      %dma_start3A_55 = arith.constant 0 : i32
      %dma_start3A_56 = tpu.memref_slice %arg4[%add3A_6, %dma_start3A_55] : memref<2560x128xi32, #tpu.memory_space<hbm>> -> memref<40x128xi32, #tpu.memory_space<hbm>>
      %dma_start3A_57 = arith.constant 0 : i32
      %dma_start3A_58 = tpu.memref_slice %arg4[%add3A_6, %dma_start3A_57] : memref<2560x128xi32, #tpu.memory_space<hbm>> -> memref<40x128xi32, #tpu.memory_space<hbm>>
      tpu.enqueue_dma source(%dma_start3A_58 : memref<40x128xi32, #tpu.memory_space<hbm>>) target(%arg8 : memref<40x128xi32, #tpu.memory_space<vmem>>) target_semaphore(%run_scoped3A : memref<!tpu.dma_semaphore, #tpu.memory_space<semaphore_mem>>)
      %dma_wait3A = arith.constant 0 : i32
      %dma_wait3A_59 = tpu.memref_slice %arg4[%add3A_6, %dma_wait3A] : memref<2560x128xi32, #tpu.memory_space<hbm>> -> memref<40x128xi32, #tpu.memory_space<hbm>>
      %dma_wait3A_60 = arith.constant 0 : i32
      %dma_wait3A_61 = tpu.memref_slice %arg4[%add3A_6, %dma_wait3A_60] : memref<2560x128xi32, #tpu.memory_space<hbm>> -> memref<40x128xi32, #tpu.memory_space<hbm>>
      tpu.wait_dma2 semaphore(%run_scoped3A : memref<!tpu.dma_semaphore, #tpu.memory_space<semaphore_mem>>) src(%dma_wait3A_61 : memref<40x128xi32, #tpu.memory_space<hbm>>) dst(%arg8 : memref<40x128xi32, #tpu.memory_space<vmem>>)
      tpu.yield
    }) : () -> ()
    %dma_start3A = arith.constant 0 : i32
    %dma_start3A_7 = arith.constant 0 : i32
    %dma_start3A_8 = tpu.memref_slice %arg7[%dma_start3A, %dma_start3A_7] : memref<40x128xi32, #tpu.memory_space<vmem>> -> memref<1x128xi32, #tpu.memory_space<vmem>>
    %dma_start3A_9 = tpu.memref_squeeze %dma_start3A_8 : memref<1x128xi32, #tpu.memory_space<vmem>> -> memref<128xi32, #tpu.memory_space<vmem>>
    %dma_start3A_10 = arith.constant 0 : i32
    %dma_start3A_11 = arith.constant 0 : i32
    %dma_start3A_12 = tpu.memref_slice %arg2[%dma_start3A_10, %dma_start3A_11] : memref<10000x128xf32, #tpu.memory_space<hbm>> -> memref<10000x128xf32, #tpu.memory_space<hbm>>
    tpu.enqueue_indirect_dma source(%dma_start3A_12 : memref<10000x128xf32, #tpu.memory_space<hbm>>) target(%arg9 : memref<128x128xf32, #tpu.memory_space<vmem>>) offsets(%dma_start3A_9 : memref<128xi32, #tpu.memory_space<vmem>>) semaphore(%arg12 : memref<!tpu.dma_semaphore, #tpu.memory_space<semaphore_mem>>)
    %dma_start3A_13 = arith.constant 1 : i32
    %dma_start3A_14 = arith.constant 0 : i32
    %dma_start3A_15 = tpu.memref_slice %arg7[%dma_start3A_13, %dma_start3A_14] : memref<40x128xi32, #tpu.memory_space<vmem>> -> memref<1x128xi32, #tpu.memory_space<vmem>>
    %dma_start3A_16 = tpu.memref_squeeze %dma_start3A_15 : memref<1x128xi32, #tpu.memory_space<vmem>> -> memref<128xi32, #tpu.memory_space<vmem>>
    %dma_start3A_17 = arith.constant 0 : i32
    %dma_start3A_18 = arith.constant 0 : i32
    %dma_start3A_19 = tpu.memref_slice %arg2[%dma_start3A_17, %dma_start3A_18] : memref<10000x128xf32, #tpu.memory_space<hbm>> -> memref<10000x128xf32, #tpu.memory_space<hbm>>
    tpu.enqueue_indirect_dma source(%dma_start3A_19 : memref<10000x128xf32, #tpu.memory_space<hbm>>) target(%arg10 : memref<128x128xf32, #tpu.memory_space<vmem>>) offsets(%dma_start3A_16 : memref<128xi32, #tpu.memory_space<vmem>>) semaphore(%arg13 : memref<!tpu.dma_semaphore, #tpu.memory_space<semaphore_mem>>)
    %scan3A = arith.constant 0 : i32
    %scan3A_20 = arith.constant 0 : i32
    %scan3A_21 = arith.constant 20 : i32
    %scan3A_22 = arith.addi %scan3A_20, %scan3A_21 : i32
    %scan3A_23 = arith.constant 1 : i32
    scf.for %scan3A_55 = %scan3A_20 to %scan3A_22 step %scan3A_23  : i32 {
      %mul3A_56 = arith.constant 2 : i32
      %mul3A_57 = arith.muli %mul3A_56, %scan3A_55 : i32
      %add3A_58 = arith.constant 0 : i32
      %add3A_59 = arith.addi %mul3A_57, %add3A_58 : i32
      %dma_wait3A = arith.constant 0 : i32
      %dma_wait3A_60 = tpu.memref_slice %arg7[%add3A_59, %dma_wait3A] : memref<40x128xi32, #tpu.memory_space<vmem>> -> memref<1x128xi32, #tpu.memory_space<vmem>>
      %dma_wait3A_61 = tpu.memref_squeeze %dma_wait3A_60 : memref<1x128xi32, #tpu.memory_space<vmem>> -> memref<128xi32, #tpu.memory_space<vmem>>
      %dma_wait3A_62 = arith.constant 0 : i32
      %dma_wait3A_63 = arith.constant 0 : i32
      %dma_wait3A_64 = tpu.memref_slice %arg2[%dma_wait3A_62, %dma_wait3A_63] : memref<10000x128xf32, #tpu.memory_space<hbm>> -> memref<10000x128xf32, #tpu.memory_space<hbm>>
      tpu.wait_indirect_dma semaphore(%arg12 : memref<!tpu.dma_semaphore, #tpu.memory_space<semaphore_mem>>) src(%dma_wait3A_64 : memref<10000x128xf32, #tpu.memory_space<hbm>>) dst(%arg9 : memref<128x128xf32, #tpu.memory_space<vmem>>)
      "tpu.region"() ({
        %run_scoped3A = tpu.sem_alloc : memref<!tpu.dma_semaphore, #tpu.memory_space<semaphore_mem>>
        %dma_start3A_88 = arith.constant 0 : i32
        %dma_start3A_89 = tpu.memref_slice %arg8[%add3A_59, %dma_start3A_88] : memref<40x128xi32, #tpu.memory_space<vmem>> -> memref<1x128xi32, #tpu.memory_space<vmem>>
        %dma_start3A_90 = tpu.memref_squeeze %dma_start3A_89 : memref<1x128xi32, #tpu.memory_space<vmem>> -> memref<128xi32, #tpu.memory_space<vmem>>
        %dma_start3A_91 = arith.constant 0 : i32
        %dma_start3A_92 = arith.constant 0 : i32
        %dma_start3A_93 = tpu.memref_slice %arg11[%dma_start3A_91, %dma_start3A_92] : memref<10240x128xf32, #tpu.memory_space<vmem_shared>> -> memref<10240x128xf32, #tpu.memory_space<vmem_shared>>
        tpu.enqueue_indirect_dma source(%arg9 : memref<128x128xf32, #tpu.memory_space<vmem>>) target(%dma_start3A_93 : memref<10240x128xf32, #tpu.memory_space<vmem_shared>>) offsets(%dma_start3A_90 : memref<128xi32, #tpu.memory_space<vmem>>) semaphore(%run_scoped3A : memref<!tpu.dma_semaphore, #tpu.memory_space<semaphore_mem>>) {add = true}
        %dma_wait3A_94 = arith.constant 0 : i32
        %dma_wait3A_95 = tpu.memref_slice %arg8[%add3A_59, %dma_wait3A_94] : memref<40x128xi32, #tpu.memory_space<vmem>> -> memref<1x128xi32, #tpu.memory_space<vmem>>
        %dma_wait3A_96 = tpu.memref_squeeze %dma_wait3A_95 : memref<1x128xi32, #tpu.memory_space<vmem>> -> memref<128xi32, #tpu.memory_space<vmem>>
        %dma_wait3A_97 = arith.constant 0 : i32
        %dma_wait3A_98 = arith.constant 0 : i32
        %dma_wait3A_99 = tpu.memref_slice %arg11[%dma_wait3A_97, %dma_wait3A_98] : memref<10240x128xf32, #tpu.memory_space<vmem_shared>> -> memref<10240x128xf32, #tpu.memory_space<vmem_shared>>
        tpu.wait_indirect_dma semaphore(%run_scoped3A : memref<!tpu.dma_semaphore, #tpu.memory_space<semaphore_mem>>) src(%arg9 : memref<128x128xf32, #tpu.memory_space<vmem>>) dst(%dma_wait3A_99 : memref<10240x128xf32, #tpu.memory_space<vmem_shared>>)
        tpu.yield
      }) : () -> ()
      %add3A_65 = arith.constant 2 : i32
      %add3A_66 = arith.addi %add3A_59, %add3A_65 : i32
      %lt3A = arith.constant 40 : i32
      %lt3A_67 = arith.cmpi slt, %add3A_66, %lt3A : i32
      %convert_element_type3A_68 = arith.extui %lt3A_67 : i1 to i32
      %cond3A_69 = arith.constant 0 : i32
      %cond3A_70 = arith.cmpi ne, %convert_element_type3A_68, %cond3A_69 : i32
      scf.if %cond3A_70 {
        %add3A_88 = arith.constant 2 : i32
        %add3A_89 = arith.addi %add3A_59, %add3A_88 : i32
        %dma_start3A_90 = arith.constant 0 : i32
        %dma_start3A_91 = tpu.memref_slice %arg7[%add3A_89, %dma_start3A_90] : memref<40x128xi32, #tpu.memory_space<vmem>> -> memref<1x128xi32, #tpu.memory_space<vmem>>
        %dma_start3A_92 = tpu.memref_squeeze %dma_start3A_91 : memref<1x128xi32, #tpu.memory_space<vmem>> -> memref<128xi32, #tpu.memory_space<vmem>>
        %dma_start3A_93 = arith.constant 0 : i32
        %dma_start3A_94 = arith.constant 0 : i32
        %dma_start3A_95 = tpu.memref_slice %arg2[%dma_start3A_93, %dma_start3A_94] : memref<10000x128xf32, #tpu.memory_space<hbm>> -> memref<10000x128xf32, #tpu.memory_space<hbm>>
        tpu.enqueue_indirect_dma source(%dma_start3A_95 : memref<10000x128xf32, #tpu.memory_space<hbm>>) target(%arg9 : memref<128x128xf32, #tpu.memory_space<vmem>>) offsets(%dma_start3A_92 : memref<128xi32, #tpu.memory_space<vmem>>) semaphore(%arg12 : memref<!tpu.dma_semaphore, #tpu.memory_space<semaphore_mem>>)
      } else {
      }
      %mul3A_71 = arith.constant 2 : i32
      %mul3A_72 = arith.muli %mul3A_71, %scan3A_55 : i32
      %add3A_73 = arith.constant 1 : i32
      %add3A_74 = arith.addi %mul3A_72, %add3A_73 : i32
      %dma_wait3A_75 = arith.constant 0 : i32
      %dma_wait3A_76 = tpu.memref_slice %arg7[%add3A_74, %dma_wait3A_75] : memref<40x128xi32, #tpu.memory_space<vmem>> -> memref<1x128xi32, #tpu.memory_space<vmem>>
      %dma_wait3A_77 = tpu.memref_squeeze %dma_wait3A_76 : memref<1x128xi32, #tpu.memory_space<vmem>> -> memref<128xi32, #tpu.memory_space<vmem>>
      %dma_wait3A_78 = arith.constant 0 : i32
      %dma_wait3A_79 = arith.constant 0 : i32
      %dma_wait3A_80 = tpu.memref_slice %arg2[%dma_wait3A_78, %dma_wait3A_79] : memref<10000x128xf32, #tpu.memory_space<hbm>> -> memref<10000x128xf32, #tpu.memory_space<hbm>>
      tpu.wait_indirect_dma semaphore(%arg13 : memref<!tpu.dma_semaphore, #tpu.memory_space<semaphore_mem>>) src(%dma_wait3A_80 : memref<10000x128xf32, #tpu.memory_space<hbm>>) dst(%arg10 : memref<128x128xf32, #tpu.memory_space<vmem>>)
      "tpu.region"() ({
        %run_scoped3A = tpu.sem_alloc : memref<!tpu.dma_semaphore, #tpu.memory_space<semaphore_mem>>
        %dma_start3A_88 = arith.constant 0 : i32
        %dma_start3A_89 = tpu.memref_slice %arg8[%add3A_74, %dma_start3A_88] : memref<40x128xi32, #tpu.memory_space<vmem>> -> memref<1x128xi32, #tpu.memory_space<vmem>>
        %dma_start3A_90 = tpu.memref_squeeze %dma_start3A_89 : memref<1x128xi32, #tpu.memory_space<vmem>> -> memref<128xi32, #tpu.memory_space<vmem>>
        %dma_start3A_91 = arith.constant 0 : i32
        %dma_start3A_92 = arith.constant 0 : i32
        %dma_start3A_93 = tpu.memref_slice %arg11[%dma_start3A_91, %dma_start3A_92] : memref<10240x128xf32, #tpu.memory_space<vmem_shared>> -> memref<10240x128xf32, #tpu.memory_space<vmem_shared>>
        tpu.enqueue_indirect_dma source(%arg10 : memref<128x128xf32, #tpu.memory_space<vmem>>) target(%dma_start3A_93 : memref<10240x128xf32, #tpu.memory_space<vmem_shared>>) offsets(%dma_start3A_90 : memref<128xi32, #tpu.memory_space<vmem>>) semaphore(%run_scoped3A : memref<!tpu.dma_semaphore, #tpu.memory_space<semaphore_mem>>) {add = true}
        %dma_wait3A_94 = arith.constant 0 : i32
        %dma_wait3A_95 = tpu.memref_slice %arg8[%add3A_74, %dma_wait3A_94] : memref<40x128xi32, #tpu.memory_space<vmem>> -> memref<1x128xi32, #tpu.memory_space<vmem>>
        %dma_wait3A_96 = tpu.memref_squeeze %dma_wait3A_95 : memref<1x128xi32, #tpu.memory_space<vmem>> -> memref<128xi32, #tpu.memory_space<vmem>>
        %dma_wait3A_97 = arith.constant 0 : i32
        %dma_wait3A_98 = arith.constant 0 : i32
        %dma_wait3A_99 = tpu.memref_slice %arg11[%dma_wait3A_97, %dma_wait3A_98] : memref<10240x128xf32, #tpu.memory_space<vmem_shared>> -> memref<10240x128xf32, #tpu.memory_space<vmem_shared>>
        tpu.wait_indirect_dma semaphore(%run_scoped3A : memref<!tpu.dma_semaphore, #tpu.memory_space<semaphore_mem>>) src(%arg10 : memref<128x128xf32, #tpu.memory_space<vmem>>) dst(%dma_wait3A_99 : memref<10240x128xf32, #tpu.memory_space<vmem_shared>>)
        tpu.yield
      }) : () -> ()
      %add3A_81 = arith.constant 2 : i32
      %add3A_82 = arith.addi %add3A_74, %add3A_81 : i32
      %lt3A_83 = arith.constant 40 : i32
      %lt3A_84 = arith.cmpi slt, %add3A_82, %lt3A_83 : i32
      %convert_element_type3A_85 = arith.extui %lt3A_84 : i1 to i32
      %cond3A_86 = arith.constant 0 : i32
      %cond3A_87 = arith.cmpi ne, %convert_element_type3A_85, %cond3A_86 : i32
      scf.if %cond3A_87 {
        %add3A_88 = arith.constant 2 : i32
        %add3A_89 = arith.addi %add3A_74, %add3A_88 : i32
        %dma_start3A_90 = arith.constant 0 : i32
        %dma_start3A_91 = tpu.memref_slice %arg7[%add3A_89, %dma_start3A_90] : memref<40x128xi32, #tpu.memory_space<vmem>> -> memref<1x128xi32, #tpu.memory_space<vmem>>
        %dma_start3A_92 = tpu.memref_squeeze %dma_start3A_91 : memref<1x128xi32, #tpu.memory_space<vmem>> -> memref<128xi32, #tpu.memory_space<vmem>>
        %dma_start3A_93 = arith.constant 0 : i32
        %dma_start3A_94 = arith.constant 0 : i32
        %dma_start3A_95 = tpu.memref_slice %arg2[%dma_start3A_93, %dma_start3A_94] : memref<10000x128xf32, #tpu.memory_space<hbm>> -> memref<10000x128xf32, #tpu.memory_space<hbm>>
        tpu.enqueue_indirect_dma source(%dma_start3A_95 : memref<10000x128xf32, #tpu.memory_space<hbm>>) target(%arg10 : memref<128x128xf32, #tpu.memory_space<vmem>>) offsets(%dma_start3A_92 : memref<128xi32, #tpu.memory_space<vmem>>) semaphore(%arg13 : memref<!tpu.dma_semaphore, #tpu.memory_space<semaphore_mem>>)
      } else {
      }
    }
    %scan3A_24 = arith.constant 20 : i32
    %add3A_25 = arith.constant 40 : i32
    %add3A_26 = arith.addi %mul3A_4, %add3A_25 : i32
    "tpu.region"() ({
      %run_scoped3A = tpu.sem_alloc : memref<!tpu.dma_semaphore, #tpu.memory_space<semaphore_mem>>
      %dma_start3A_55 = arith.constant 0 : i32
      %dma_start3A_56 = tpu.memref_slice %arg3[%add3A_26, %dma_start3A_55] : memref<2560x128xi32, #tpu.memory_space<hbm>> -> memref<40x128xi32, #tpu.memory_space<hbm>>
      %dma_start3A_57 = arith.constant 0 : i32
      %dma_start3A_58 = tpu.memref_slice %arg3[%add3A_26, %dma_start3A_57] : memref<2560x128xi32, #tpu.memory_space<hbm>> -> memref<40x128xi32, #tpu.memory_space<hbm>>
      tpu.enqueue_dma source(%dma_start3A_58 : memref<40x128xi32, #tpu.memory_space<hbm>>) target(%arg7 : memref<40x128xi32, #tpu.memory_space<vmem>>) target_semaphore(%run_scoped3A : memref<!tpu.dma_semaphore, #tpu.memory_space<semaphore_mem>>)
      %dma_wait3A = arith.constant 0 : i32
      %dma_wait3A_59 = tpu.memref_slice %arg3[%add3A_26, %dma_wait3A] : memref<2560x128xi32, #tpu.memory_space<hbm>> -> memref<40x128xi32, #tpu.memory_space<hbm>>
      %dma_wait3A_60 = arith.constant 0 : i32
      %dma_wait3A_61 = tpu.memref_slice %arg3[%add3A_26, %dma_wait3A_60] : memref<2560x128xi32, #tpu.memory_space<hbm>> -> memref<40x128xi32, #tpu.memory_space<hbm>>
      tpu.wait_dma2 semaphore(%run_scoped3A : memref<!tpu.dma_semaphore, #tpu.memory_space<semaphore_mem>>) src(%dma_wait3A_61 : memref<40x128xi32, #tpu.memory_space<hbm>>) dst(%arg7 : memref<40x128xi32, #tpu.memory_space<vmem>>)
      tpu.yield
    }) : () -> ()
    "tpu.region"() ({
      %run_scoped3A = tpu.sem_alloc : memref<!tpu.dma_semaphore, #tpu.memory_space<semaphore_mem>>
      %dma_start3A_55 = arith.constant 0 : i32
      %dma_start3A_56 = tpu.memref_slice %arg4[%add3A_26, %dma_start3A_55] : memref<2560x128xi32, #tpu.memory_space<hbm>> -> memref<40x128xi32, #tpu.memory_space<hbm>>
      %dma_start3A_57 = arith.constant 0 : i32
      %dma_start3A_58 = tpu.memref_slice %arg4[%add3A_26, %dma_start3A_57] : memref<2560x128xi32, #tpu.memory_space<hbm>> -> memref<40x128xi32, #tpu.memory_space<hbm>>
      tpu.enqueue_dma source(%dma_start3A_58 : memref<40x128xi32, #tpu.memory_space<hbm>>) target(%arg8 : memref<40x128xi32, #tpu.memory_space<vmem>>) target_semaphore(%run_scoped3A : memref<!tpu.dma_semaphore, #tpu.memory_space<semaphore_mem>>)
      %dma_wait3A = arith.constant 0 : i32
      %dma_wait3A_59 = tpu.memref_slice %arg4[%add3A_26, %dma_wait3A] : memref<2560x128xi32, #tpu.memory_space<hbm>> -> memref<40x128xi32, #tpu.memory_space<hbm>>
      %dma_wait3A_60 = arith.constant 0 : i32
      %dma_wait3A_61 = tpu.memref_slice %arg4[%add3A_26, %dma_wait3A_60] : memref<2560x128xi32, #tpu.memory_space<hbm>> -> memref<40x128xi32, #tpu.memory_space<hbm>>
      tpu.wait_dma2 semaphore(%run_scoped3A : memref<!tpu.dma_semaphore, #tpu.memory_space<semaphore_mem>>) src(%dma_wait3A_61 : memref<40x128xi32, #tpu.memory_space<hbm>>) dst(%arg8 : memref<40x128xi32, #tpu.memory_space<vmem>>)
      tpu.yield
    }) : () -> ()
    %dma_start3A_27 = arith.constant 0 : i32
    %dma_start3A_28 = arith.constant 0 : i32
    %dma_start3A_29 = tpu.memref_slice %arg7[%dma_start3A_27, %dma_start3A_28] : memref<40x128xi32, #tpu.memory_space<vmem>> -> memref<1x128xi32, #tpu.memory_space<vmem>>
    %dma_start3A_30 = tpu.memref_squeeze %dma_start3A_29 : memref<1x128xi32, #tpu.memory_space<vmem>> -> memref<128xi32, #tpu.memory_space<vmem>>
    %dma_start3A_31 = arith.constant 0 : i32
    %dma_start3A_32 = arith.constant 0 : i32
    %dma_start3A_33 = tpu.memref_slice %arg2[%dma_start3A_31, %dma_start3A_32] : memref<10000x128xf32, #tpu.memory_space<hbm>> -> memref<10000x128xf32, #tpu.memory_space<hbm>>
    tpu.enqueue_indirect_dma source(%dma_start3A_33 : memref<10000x128xf32, #tpu.memory_space<hbm>>) target(%arg9 : memref<128x128xf32, #tpu.memory_space<vmem>>) offsets(%dma_start3A_30 : memref<128xi32, #tpu.memory_space<vmem>>) semaphore(%arg12 : memref<!tpu.dma_semaphore, #tpu.memory_space<semaphore_mem>>)
    %dma_start3A_34 = arith.constant 1 : i32
    %dma_start3A_35 = arith.constant 0 : i32
    %dma_start3A_36 = tpu.memref_slice %arg7[%dma_start3A_34, %dma_start3A_35] : memref<40x128xi32, #tpu.memory_space<vmem>> -> memref<1x128xi32, #tpu.memory_space<vmem>>
    %dma_start3A_37 = tpu.memref_squeeze %dma_start3A_36 : memref<1x128xi32, #tpu.memory_space<vmem>> -> memref<128xi32, #tpu.memory_space<vmem>>
    %dma_start3A_38 = arith.constant 0 : i32
    %dma_start3A_39 = arith.constant 0 : i32
    %dma_start3A_40 = tpu.memref_slice %arg2[%dma_start3A_38, %dma_start3A_39] : memref<10000x128xf32, #tpu.memory_space<hbm>> -> memref<10000x128xf32, #tpu.memory_space<hbm>>
    tpu.enqueue_indirect_dma source(%dma_start3A_40 : memref<10000x128xf32, #tpu.memory_space<hbm>>) target(%arg10 : memref<128x128xf32, #tpu.memory_space<vmem>>) offsets(%dma_start3A_37 : memref<128xi32, #tpu.memory_space<vmem>>) semaphore(%arg13 : memref<!tpu.dma_semaphore, #tpu.memory_space<semaphore_mem>>)
    %scan3A_41 = arith.constant 0 : i32
    %scan3A_42 = arith.constant 0 : i32
    %scan3A_43 = arith.constant 20 : i32
    %scan3A_44 = arith.addi %scan3A_42, %scan3A_43 : i32
    %scan3A_45 = arith.constant 1 : i32
    scf.for %scan3A_55 = %scan3A_42 to %scan3A_44 step %scan3A_45  : i32 {
      %mul3A_56 = arith.constant 2 : i32
      %mul3A_57 = arith.muli %mul3A_56, %scan3A_55 : i32
      %add3A_58 = arith.constant 0 : i32
      %add3A_59 = arith.addi %mul3A_57, %add3A_58 : i32
      %dma_wait3A = arith.constant 0 : i32
      %dma_wait3A_60 = tpu.memref_slice %arg7[%add3A_59, %dma_wait3A] : memref<40x128xi32, #tpu.memory_space<vmem>> -> memref<1x128xi32, #tpu.memory_space<vmem>>
      %dma_wait3A_61 = tpu.memref_squeeze %dma_wait3A_60 : memref<1x128xi32, #tpu.memory_space<vmem>> -> memref<128xi32, #tpu.memory_space<vmem>>
      %dma_wait3A_62 = arith.constant 0 : i32
      %dma_wait3A_63 = arith.constant 0 : i32
      %dma_wait3A_64 = tpu.memref_slice %arg2[%dma_wait3A_62, %dma_wait3A_63] : memref<10000x128xf32, #tpu.memory_space<hbm>> -> memref<10000x128xf32, #tpu.memory_space<hbm>>
      tpu.wait_indirect_dma semaphore(%arg12 : memref<!tpu.dma_semaphore, #tpu.memory_space<semaphore_mem>>) src(%dma_wait3A_64 : memref<10000x128xf32, #tpu.memory_space<hbm>>) dst(%arg9 : memref<128x128xf32, #tpu.memory_space<vmem>>)
      "tpu.region"() ({
        %run_scoped3A = tpu.sem_alloc : memref<!tpu.dma_semaphore, #tpu.memory_space<semaphore_mem>>
        %dma_start3A_88 = arith.constant 0 : i32
        %dma_start3A_89 = tpu.memref_slice %arg8[%add3A_59, %dma_start3A_88] : memref<40x128xi32, #tpu.memory_space<vmem>> -> memref<1x128xi32, #tpu.memory_space<vmem>>
        %dma_start3A_90 = tpu.memref_squeeze %dma_start3A_89 : memref<1x128xi32, #tpu.memory_space<vmem>> -> memref<128xi32, #tpu.memory_space<vmem>>
        %dma_start3A_91 = arith.constant 0 : i32
        %dma_start3A_92 = arith.constant 0 : i32
        %dma_start3A_93 = tpu.memref_slice %arg11[%dma_start3A_91, %dma_start3A_92] : memref<10240x128xf32, #tpu.memory_space<vmem_shared>> -> memref<10240x128xf32, #tpu.memory_space<vmem_shared>>
        tpu.enqueue_indirect_dma source(%arg9 : memref<128x128xf32, #tpu.memory_space<vmem>>) target(%dma_start3A_93 : memref<10240x128xf32, #tpu.memory_space<vmem_shared>>) offsets(%dma_start3A_90 : memref<128xi32, #tpu.memory_space<vmem>>) semaphore(%run_scoped3A : memref<!tpu.dma_semaphore, #tpu.memory_space<semaphore_mem>>) {add = true}
        %dma_wait3A_94 = arith.constant 0 : i32
        %dma_wait3A_95 = tpu.memref_slice %arg8[%add3A_59, %dma_wait3A_94] : memref<40x128xi32, #tpu.memory_space<vmem>> -> memref<1x128xi32, #tpu.memory_space<vmem>>
        %dma_wait3A_96 = tpu.memref_squeeze %dma_wait3A_95 : memref<1x128xi32, #tpu.memory_space<vmem>> -> memref<128xi32, #tpu.memory_space<vmem>>
        %dma_wait3A_97 = arith.constant 0 : i32
        %dma_wait3A_98 = arith.constant 0 : i32
        %dma_wait3A_99 = tpu.memref_slice %arg11[%dma_wait3A_97, %dma_wait3A_98] : memref<10240x128xf32, #tpu.memory_space<vmem_shared>> -> memref<10240x128xf32, #tpu.memory_space<vmem_shared>>
        tpu.wait_indirect_dma semaphore(%run_scoped3A : memref<!tpu.dma_semaphore, #tpu.memory_space<semaphore_mem>>) src(%arg9 : memref<128x128xf32, #tpu.memory_space<vmem>>) dst(%dma_wait3A_99 : memref<10240x128xf32, #tpu.memory_space<vmem_shared>>)
        tpu.yield
      }) : () -> ()
      %add3A_65 = arith.constant 2 : i32
      %add3A_66 = arith.addi %add3A_59, %add3A_65 : i32
      %lt3A = arith.constant 40 : i32
      %lt3A_67 = arith.cmpi slt, %add3A_66, %lt3A : i32
      %convert_element_type3A_68 = arith.extui %lt3A_67 : i1 to i32
      %cond3A_69 = arith.constant 0 : i32
      %cond3A_70 = arith.cmpi ne, %convert_element_type3A_68, %cond3A_69 : i32
      scf.if %cond3A_70 {
        %add3A_88 = arith.constant 2 : i32
        %add3A_89 = arith.addi %add3A_59, %add3A_88 : i32
        %dma_start3A_90 = arith.constant 0 : i32
        %dma_start3A_91 = tpu.memref_slice %arg7[%add3A_89, %dma_start3A_90] : memref<40x128xi32, #tpu.memory_space<vmem>> -> memref<1x128xi32, #tpu.memory_space<vmem>>
        %dma_start3A_92 = tpu.memref_squeeze %dma_start3A_91 : memref<1x128xi32, #tpu.memory_space<vmem>> -> memref<128xi32, #tpu.memory_space<vmem>>
        %dma_start3A_93 = arith.constant 0 : i32
        %dma_start3A_94 = arith.constant 0 : i32
        %dma_start3A_95 = tpu.memref_slice %arg2[%dma_start3A_93, %dma_start3A_94] : memref<10000x128xf32, #tpu.memory_space<hbm>> -> memref<10000x128xf32, #tpu.memory_space<hbm>>
        tpu.enqueue_indirect_dma source(%dma_start3A_95 : memref<10000x128xf32, #tpu.memory_space<hbm>>) target(%arg9 : memref<128x128xf32, #tpu.memory_space<vmem>>) offsets(%dma_start3A_92 : memref<128xi32, #tpu.memory_space<vmem>>) semaphore(%arg12 : memref<!tpu.dma_semaphore, #tpu.memory_space<semaphore_mem>>)
      } else {
      }
      %mul3A_71 = arith.constant 2 : i32
      %mul3A_72 = arith.muli %mul3A_71, %scan3A_55 : i32
      %add3A_73 = arith.constant 1 : i32
      %add3A_74 = arith.addi %mul3A_72, %add3A_73 : i32
      %dma_wait3A_75 = arith.constant 0 : i32
      %dma_wait3A_76 = tpu.memref_slice %arg7[%add3A_74, %dma_wait3A_75] : memref<40x128xi32, #tpu.memory_space<vmem>> -> memref<1x128xi32, #tpu.memory_space<vmem>>
      %dma_wait3A_77 = tpu.memref_squeeze %dma_wait3A_76 : memref<1x128xi32, #tpu.memory_space<vmem>> -> memref<128xi32, #tpu.memory_space<vmem>>
      %dma_wait3A_78 = arith.constant 0 : i32
      %dma_wait3A_79 = arith.constant 0 : i32
      %dma_wait3A_80 = tpu.memref_slice %arg2[%dma_wait3A_78, %dma_wait3A_79] : memref<10000x128xf32, #tpu.memory_space<hbm>> -> memref<10000x128xf32, #tpu.memory_space<hbm>>
      tpu.wait_indirect_dma semaphore(%arg13 : memref<!tpu.dma_semaphore, #tpu.memory_space<semaphore_mem>>) src(%dma_wait3A_80 : memref<10000x128xf32, #tpu.memory_space<hbm>>) dst(%arg10 : memref<128x128xf32, #tpu.memory_space<vmem>>)
      "tpu.region"() ({
        %run_scoped3A = tpu.sem_alloc : memref<!tpu.dma_semaphore, #tpu.memory_space<semaphore_mem>>
        %dma_start3A_88 = arith.constant 0 : i32
        %dma_start3A_89 = tpu.memref_slice %arg8[%add3A_74, %dma_start3A_88] : memref<40x128xi32, #tpu.memory_space<vmem>> -> memref<1x128xi32, #tpu.memory_space<vmem>>
        %dma_start3A_90 = tpu.memref_squeeze %dma_start3A_89 : memref<1x128xi32, #tpu.memory_space<vmem>> -> memref<128xi32, #tpu.memory_space<vmem>>
        %dma_start3A_91 = arith.constant 0 : i32
        %dma_start3A_92 = arith.constant 0 : i32
        %dma_start3A_93 = tpu.memref_slice %arg11[%dma_start3A_91, %dma_start3A_92] : memref<10240x128xf32, #tpu.memory_space<vmem_shared>> -> memref<10240x128xf32, #tpu.memory_space<vmem_shared>>
        tpu.enqueue_indirect_dma source(%arg10 : memref<128x128xf32, #tpu.memory_space<vmem>>) target(%dma_start3A_93 : memref<10240x128xf32, #tpu.memory_space<vmem_shared>>) offsets(%dma_start3A_90 : memref<128xi32, #tpu.memory_space<vmem>>) semaphore(%run_scoped3A : memref<!tpu.dma_semaphore, #tpu.memory_space<semaphore_mem>>) {add = true}
        %dma_wait3A_94 = arith.constant 0 : i32
        %dma_wait3A_95 = tpu.memref_slice %arg8[%add3A_74, %dma_wait3A_94] : memref<40x128xi32, #tpu.memory_space<vmem>> -> memref<1x128xi32, #tpu.memory_space<vmem>>
        %dma_wait3A_96 = tpu.memref_squeeze %dma_wait3A_95 : memref<1x128xi32, #tpu.memory_space<vmem>> -> memref<128xi32, #tpu.memory_space<vmem>>
        %dma_wait3A_97 = arith.constant 0 : i32
        %dma_wait3A_98 = arith.constant 0 : i32
        %dma_wait3A_99 = tpu.memref_slice %arg11[%dma_wait3A_97, %dma_wait3A_98] : memref<10240x128xf32, #tpu.memory_space<vmem_shared>> -> memref<10240x128xf32, #tpu.memory_space<vmem_shared>>
        tpu.wait_indirect_dma semaphore(%run_scoped3A : memref<!tpu.dma_semaphore, #tpu.memory_space<semaphore_mem>>) src(%arg10 : memref<128x128xf32, #tpu.memory_space<vmem>>) dst(%dma_wait3A_99 : memref<10240x128xf32, #tpu.memory_space<vmem_shared>>)
        tpu.yield
      }) : () -> ()
      %add3A_81 = arith.constant 2 : i32
      %add3A_82 = arith.addi %add3A_74, %add3A_81 : i32
      %lt3A_83 = arith.constant 40 : i32
      %lt3A_84 = arith.cmpi slt, %add3A_82, %lt3A_83 : i32
      %convert_element_type3A_85 = arith.extui %lt3A_84 : i1 to i32
      %cond3A_86 = arith.constant 0 : i32
      %cond3A_87 = arith.cmpi ne, %convert_element_type3A_85, %cond3A_86 : i32
      scf.if %cond3A_87 {
        %add3A_88 = arith.constant 2 : i32
        %add3A_89 = arith.addi %add3A_74, %add3A_88 : i32
        %dma_start3A_90 = arith.constant 0 : i32
        %dma_start3A_91 = tpu.memref_slice %arg7[%add3A_89, %dma_start3A_90] : memref<40x128xi32, #tpu.memory_space<vmem>> -> memref<1x128xi32, #tpu.memory_space<vmem>>
        %dma_start3A_92 = tpu.memref_squeeze %dma_start3A_91 : memref<1x128xi32, #tpu.memory_space<vmem>> -> memref<128xi32, #tpu.memory_space<vmem>>
        %dma_start3A_93 = arith.constant 0 : i32
        %dma_start3A_94 = arith.constant 0 : i32
        %dma_start3A_95 = tpu.memref_slice %arg2[%dma_start3A_93, %dma_start3A_94] : memref<10000x128xf32, #tpu.memory_space<hbm>> -> memref<10000x128xf32, #tpu.memory_space<hbm>>
        tpu.enqueue_indirect_dma source(%dma_start3A_95 : memref<10000x128xf32, #tpu.memory_space<hbm>>) target(%arg10 : memref<128x128xf32, #tpu.memory_space<vmem>>) offsets(%dma_start3A_92 : memref<128xi32, #tpu.memory_space<vmem>>) semaphore(%arg13 : memref<!tpu.dma_semaphore, #tpu.memory_space<semaphore_mem>>)
      } else {
      }
    }
    %scan3A_46 = arith.constant 20 : i32
    %barrier3A_47 = arith.constant 0 : index
    tpu.barrier barrier_id(%barrier3A_47)
    %eq3A = arith.constant 0 : i32
    %eq3A_48 = arith.cmpi eq, %arg0, %eq3A : i32
    %convert_element_type3A = arith.extui %eq3A_48 : i1 to i32
    %cond3A = arith.constant 0 : i32
    %cond3A_49 = arith.cmpi ne, %convert_element_type3A, %cond3A : i32
    scf.if %cond3A_49 {
      %run_scoped3A = arith.constant 0 : i32
      "tpu.region"() ({
        %run_scoped3A_55 = tpu.sem_alloc : memref<!tpu.dma_semaphore, #tpu.memory_space<semaphore_mem>>
        %dma_start3A_56 = arith.constant 0 : i32
        %dma_start3A_57 = tpu.memref_slice %arg6[%run_scoped3A, %mul3A_2, %dma_start3A_56] : memref<2x10240x128xf32, #tpu.memory_space<hbm>> -> memref<1x640x128xf32, #tpu.memory_space<hbm>>
        %dma_start3A_58 = tpu.memref_squeeze %dma_start3A_57 : memref<1x640x128xf32, #tpu.memory_space<hbm>> -> memref<640x128xf32, #tpu.memory_space<hbm>>
        %dma_start3A_59 = arith.constant 0 : i32
        %dma_start3A_60 = tpu.memref_slice %arg11[%mul3A_2, %dma_start3A_59] : memref<10240x128xf32, #tpu.memory_space<vmem_shared>> -> memref<640x128xf32, #tpu.memory_space<vmem_shared>>
        tpu.enqueue_dma source(%dma_start3A_60 : memref<640x128xf32, #tpu.memory_space<vmem_shared>>) target(%dma_start3A_58 : memref<640x128xf32, #tpu.memory_space<hbm>>) target_semaphore(%run_scoped3A_55 : memref<!tpu.dma_semaphore, #tpu.memory_space<semaphore_mem>>)
        %dma_wait3A = arith.constant 0 : i32
        %dma_wait3A_61 = tpu.memref_slice %arg6[%run_scoped3A, %mul3A_2, %dma_wait3A] : memref<2x10240x128xf32, #tpu.memory_space<hbm>> -> memref<1x640x128xf32, #tpu.memory_space<hbm>>
        %dma_wait3A_62 = tpu.memref_squeeze %dma_wait3A_61 : memref<1x640x128xf32, #tpu.memory_space<hbm>> -> memref<640x128xf32, #tpu.memory_space<hbm>>
        %dma_wait3A_63 = arith.constant 0 : i32
        %dma_wait3A_64 = tpu.memref_slice %arg11[%mul3A_2, %dma_wait3A_63] : memref<10240x128xf32, #tpu.memory_space<vmem_shared>> -> memref<640x128xf32, #tpu.memory_space<vmem_shared>>
        tpu.wait_dma2 semaphore(%run_scoped3A_55 : memref<!tpu.dma_semaphore, #tpu.memory_space<semaphore_mem>>) src(%dma_wait3A_64 : memref<640x128xf32, #tpu.memory_space<vmem_shared>>) dst(%dma_wait3A_62 : memref<640x128xf32, #tpu.memory_space<hbm>>)
        tpu.yield
      }) : () -> ()
    } else {
    }
    %eq3A_50 = arith.constant 1 : i32
    %eq3A_51 = arith.cmpi eq, %arg0, %eq3A_50 : i32
    %convert_element_type3A_52 = arith.extui %eq3A_51 : i1 to i32
    %cond3A_53 = arith.constant 0 : i32
    %cond3A_54 = arith.cmpi ne, %convert_element_type3A_52, %cond3A_53 : i32
    scf.if %cond3A_54 {
      %run_scoped3A = arith.constant 1 : i32
      "tpu.region"() ({
        %run_scoped3A_55 = tpu.sem_alloc : memref<!tpu.dma_semaphore, #tpu.memory_space<semaphore_mem>>
        %dma_start3A_56 = arith.constant 0 : i32
        %dma_start3A_57 = tpu.memref_slice %arg6[%run_scoped3A, %mul3A_2, %dma_start3A_56] : memref<2x10240x128xf32, #tpu.memory_space<hbm>> -> memref<1x640x128xf32, #tpu.memory_space<hbm>>
        %dma_start3A_58 = tpu.memref_squeeze %dma_start3A_57 : memref<1x640x128xf32, #tpu.memory_space<hbm>> -> memref<640x128xf32, #tpu.memory_space<hbm>>
        %dma_start3A_59 = arith.constant 0 : i32
        %dma_start3A_60 = tpu.memref_slice %arg11[%mul3A_2, %dma_start3A_59] : memref<10240x128xf32, #tpu.memory_space<vmem_shared>> -> memref<640x128xf32, #tpu.memory_space<vmem_shared>>
        tpu.enqueue_dma source(%dma_start3A_60 : memref<640x128xf32, #tpu.memory_space<vmem_shared>>) target(%dma_start3A_58 : memref<640x128xf32, #tpu.memory_space<hbm>>) target_semaphore(%run_scoped3A_55 : memref<!tpu.dma_semaphore, #tpu.memory_space<semaphore_mem>>)
        %dma_wait3A = arith.constant 0 : i32
        %dma_wait3A_61 = tpu.memref_slice %arg6[%run_scoped3A, %mul3A_2, %dma_wait3A] : memref<2x10240x128xf32, #tpu.memory_space<hbm>> -> memref<1x640x128xf32, #tpu.memory_space<hbm>>
        %dma_wait3A_62 = tpu.memref_squeeze %dma_wait3A_61 : memref<1x640x128xf32, #tpu.memory_space<hbm>> -> memref<640x128xf32, #tpu.memory_space<hbm>>
        %dma_wait3A_63 = arith.constant 0 : i32
        %dma_wait3A_64 = tpu.memref_slice %arg11[%mul3A_2, %dma_wait3A_63] : memref<10240x128xf32, #tpu.memory_space<vmem_shared>> -> memref<640x128xf32, #tpu.memory_space<vmem_shared>>
        tpu.wait_dma2 semaphore(%run_scoped3A_55 : memref<!tpu.dma_semaphore, #tpu.memory_space<semaphore_mem>>) src(%dma_wait3A_64 : memref<640x128xf32, #tpu.memory_space<vmem_shared>>) dst(%dma_wait3A_62 : memref<640x128xf32, #tpu.memory_space<hbm>>)
        tpu.yield
      }) : () -> ()
    } else {
    }
    return
  }
}

#map = affine_map<(d0, d1) -> (0, 0)>
#map1 = affine_map<(d0, d1) -> (0, 0, 0)>
module attributes {stable_mosaic.version = 14 : i64} {
  func.func @k(%arg0: i32, %arg1: i32, %arg2: memref<10000x128xf32, #tpu.memory_space<hbm>>, %arg3: memref<2560x128xi32, #tpu.memory_space<hbm>>, %arg4: memref<2560x128xi32, #tpu.memory_space<hbm>>, %arg5: memref<640x128xf32, #tpu.memory_space<hbm>>, %arg6: memref<2x10240x128xf32, #tpu.memory_space<hbm>>, %arg7: memref<40x128xi32, #tpu.memory_space<vmem>>, %arg8: memref<40x128xi32, #tpu.memory_space<vmem>>, %arg9: memref<128x128xf32, #tpu.memory_space<vmem>>, %arg10: memref<128x128xf32, #tpu.memory_space<vmem>>, %arg11: memref<10240x128xf32, #tpu.memory_space<vmem_shared>>, %arg12: memref<!tpu.dma_semaphore, #tpu.memory_space<semaphore_mem>>, %arg13: memref<!tpu.dma_semaphore, #tpu.memory_space<semaphore_mem>>) attributes {dimension_semantics = [#tpu.dimension_semantics<core_parallel>, #tpu.dimension_semantics<subcore_parallel>], iteration_bounds = array<i64: 2, 16>, scalar_prefetch = 0 : i64, scratch_operands = 7 : i64, tpu.core_type = #tpu.core_type<sc_vector_subcore>, window_params = [{transform_indices = #map}, {transform_indices = #map}, {transform_indices = #map}, {transform_indices = #map}, {transform_indices = #map1}]} {
    %mul3A = arith.constant 2 : i32
    %mul3A_0 = arith.muli %arg1, %mul3A : i32
    %add3A = arith.addi %mul3A_0, %arg0 : i32
    %mul3A_1 = arith.constant 640 : i32
    %mul3A_2 = arith.muli %arg1, %mul3A_1 : i32
    "tpu.region"() ({
      %run_scoped3A = tpu.sem_alloc : memref<!tpu.dma_semaphore, #tpu.memory_space<semaphore_mem>>
      %dma_start3A_55 = arith.constant 0 : i32
      %dma_start3A_56 = tpu.memref_slice %arg11[%mul3A_2, %dma_start3A_55] : memref<10240x128xf32, #tpu.memory_space<vmem_shared>> -> memref<640x128xf32, #tpu.memory_space<vmem_shared>>
      tpu.enqueue_dma source(%arg5 : memref<640x128xf32, #tpu.memory_space<hbm>>) target(%dma_start3A_56 : memref<640x128xf32, #tpu.memory_space<vmem_shared>>) target_semaphore(%run_scoped3A : memref<!tpu.dma_semaphore, #tpu.memory_space<semaphore_mem>>)
      %dma_wait3A = arith.constant 0 : i32
      %dma_wait3A_57 = tpu.memref_slice %arg11[%mul3A_2, %dma_wait3A] : memref<10240x128xf32, #tpu.memory_space<vmem_shared>> -> memref<640x128xf32, #tpu.memory_space<vmem_shared>>
      tpu.wait_dma2 semaphore(%run_scoped3A : memref<!tpu.dma_semaphore, #tpu.memory_space<semaphore_mem>>) src(%arg5 : memref<640x128xf32, #tpu.memory_space<hbm>>) dst(%dma_wait3A_57 : memref<640x128xf32, #tpu.memory_space<vmem_shared>>)
      tpu.yield
    }) : () -> ()
    %mul3A_3 = arith.constant 80 : i32
    %mul3A_4 = arith.muli %add3A, %mul3A_3 : i32
    %barrier3A = arith.constant 0 : index
    tpu.barrier barrier_id(%barrier3A)
    %add3A_5 = arith.constant 0 : i32
    %add3A_6 = arith.addi %mul3A_4, %add3A_5 : i32
    "tpu.region"() ({
      %run_scoped3A = tpu.sem_alloc : memref<!tpu.dma_semaphore, #tpu.memory_space<semaphore_mem>>
      %dma_start3A_55 = arith.constant 0 : i32
      %dma_start3A_56 = tpu.memref_slice %arg3[%add3A_6, %dma_start3A_55] : memref<2560x128xi32, #tpu.memory_space<hbm>> -> memref<40x128xi32, #tpu.memory_space<hbm>>
      %dma_start3A_57 = arith.constant 0 : i32
      %dma_start3A_58 = tpu.memref_slice %arg3[%add3A_6, %dma_start3A_57] : memref<2560x128xi32, #tpu.memory_space<hbm>> -> memref<40x128xi32, #tpu.memory_space<hbm>>
      tpu.enqueue_dma source(%dma_start3A_58 : memref<40x128xi32, #tpu.memory_space<hbm>>) target(%arg7 : memref<40x128xi32, #tpu.memory_space<vmem>>) target_semaphore(%run_scoped3A : memref<!tpu.dma_semaphore, #tpu.memory_space<semaphore_mem>>)
      %dma_wait3A = arith.constant 0 : i32
      %dma_wait3A_59 = tpu.memref_slice %arg3[%add3A_6, %dma_wait3A] : memref<2560x128xi32, #tpu.memory_space<hbm>> -> memref<40x128xi32, #tpu.memory_space<hbm>>
      %dma_wait3A_60 = arith.constant 0 : i32
      %dma_wait3A_61 = tpu.memref_slice %arg3[%add3A_6, %dma_wait3A_60] : memref<2560x128xi32, #tpu.memory_space<hbm>> -> memref<40x128xi32, #tpu.memory_space<hbm>>
      tpu.wait_dma2 semaphore(%run_scoped3A : memref<!tpu.dma_semaphore, #tpu.memory_space<semaphore_mem>>) src(%dma_wait3A_61 : memref<40x128xi32, #tpu.memory_space<hbm>>) dst(%arg7 : memref<40x128xi32, #tpu.memory_space<vmem>>)
      tpu.yield
    }) : () -> ()
    "tpu.region"() ({
      %run_scoped3A = tpu.sem_alloc : memref<!tpu.dma_semaphore, #tpu.memory_space<semaphore_mem>>
      %dma_start3A_55 = arith.constant 0 : i32
      %dma_start3A_56 = tpu.memref_slice %arg4[%add3A_6, %dma_start3A_55] : memref<2560x128xi32, #tpu.memory_space<hbm>> -> memref<40x128xi32, #tpu.memory_space<hbm>>
      %dma_start3A_57 = arith.constant 0 : i32
      %dma_start3A_58 = tpu.memref_slice %arg4[%add3A_6, %dma_start3A_57] : memref<2560x128xi32, #tpu.memory_space<hbm>> -> memref<40x128xi32, #tpu.memory_space<hbm>>
      tpu.enqueue_dma source(%dma_start3A_58 : memref<40x128xi32, #tpu.memory_space<hbm>>) target(%arg8 : memref<40x128xi32, #tpu.memory_space<vmem>>) target_semaphore(%run_scoped3A : memref<!tpu.dma_semaphore, #tpu.memory_space<semaphore_mem>>)
      %dma_wait3A = arith.constant 0 : i32
      %dma_wait3A_59 = tpu.memref_slice %arg4[%add3A_6, %dma_wait3A] : memref<2560x128xi32, #tpu.memory_space<hbm>> -> memref<40x128xi32, #tpu.memory_space<hbm>>
      %dma_wait3A_60 = arith.constant 0 : i32
      %dma_wait3A_61 = tpu.memref_slice %arg4[%add3A_6, %dma_wait3A_60] : memref<2560x128xi32, #tpu.memory_space<hbm>> -> memref<40x128xi32, #tpu.memory_space<hbm>>
      tpu.wait_dma2 semaphore(%run_scoped3A : memref<!tpu.dma_semaphore, #tpu.memory_space<semaphore_mem>>) src(%dma_wait3A_61 : memref<40x128xi32, #tpu.memory_space<hbm>>) dst(%arg8 : memref<40x128xi32, #tpu.memory_space<vmem>>)
      tpu.yield
    }) : () -> ()
    %dma_start3A = arith.constant 0 : i32
    %dma_start3A_7 = arith.constant 0 : i32
    %dma_start3A_8 = tpu.memref_slice %arg7[%dma_start3A, %dma_start3A_7] : memref<40x128xi32, #tpu.memory_space<vmem>> -> memref<1x128xi32, #tpu.memory_space<vmem>>
    %dma_start3A_9 = tpu.memref_squeeze %dma_start3A_8 : memref<1x128xi32, #tpu.memory_space<vmem>> -> memref<128xi32, #tpu.memory_space<vmem>>
    %dma_start3A_10 = arith.constant 0 : i32
    %dma_start3A_11 = arith.constant 0 : i32
    %dma_start3A_12 = tpu.memref_slice %arg2[%dma_start3A_10, %dma_start3A_11] : memref<10000x128xf32, #tpu.memory_space<hbm>> -> memref<10000x128xf32, #tpu.memory_space<hbm>>
    tpu.enqueue_indirect_dma source(%dma_start3A_12 : memref<10000x128xf32, #tpu.memory_space<hbm>>) target(%arg9 : memref<128x128xf32, #tpu.memory_space<vmem>>) offsets(%dma_start3A_9 : memref<128xi32, #tpu.memory_space<vmem>>) semaphore(%arg12 : memref<!tpu.dma_semaphore, #tpu.memory_space<semaphore_mem>>)
    %dma_start3A_13 = arith.constant 1 : i32
    %dma_start3A_14 = arith.constant 0 : i32
    %dma_start3A_15 = tpu.memref_slice %arg7[%dma_start3A_13, %dma_start3A_14] : memref<40x128xi32, #tpu.memory_space<vmem>> -> memref<1x128xi32, #tpu.memory_space<vmem>>
    %dma_start3A_16 = tpu.memref_squeeze %dma_start3A_15 : memref<1x128xi32, #tpu.memory_space<vmem>> -> memref<128xi32, #tpu.memory_space<vmem>>
    %dma_start3A_17 = arith.constant 0 : i32
    %dma_start3A_18 = arith.constant 0 : i32
    %dma_start3A_19 = tpu.memref_slice %arg2[%dma_start3A_17, %dma_start3A_18] : memref<10000x128xf32, #tpu.memory_space<hbm>> -> memref<10000x128xf32, #tpu.memory_space<hbm>>
    tpu.enqueue_indirect_dma source(%dma_start3A_19 : memref<10000x128xf32, #tpu.memory_space<hbm>>) target(%arg10 : memref<128x128xf32, #tpu.memory_space<vmem>>) offsets(%dma_start3A_16 : memref<128xi32, #tpu.memory_space<vmem>>) semaphore(%arg13 : memref<!tpu.dma_semaphore, #tpu.memory_space<semaphore_mem>>)
    %scan3A = arith.constant 0 : i32
    %scan3A_20 = arith.constant 0 : i32
    %scan3A_21 = arith.constant 20 : i32
    %scan3A_22 = arith.addi %scan3A_20, %scan3A_21 : i32
    %scan3A_23 = arith.constant 1 : i32
    scf.for %scan3A_55 = %scan3A_20 to %scan3A_22 step %scan3A_23  : i32 {
      %mul3A_56 = arith.constant 2 : i32
      %mul3A_57 = arith.muli %mul3A_56, %scan3A_55 : i32
      %add3A_58 = arith.constant 0 : i32
      %add3A_59 = arith.addi %mul3A_57, %add3A_58 : i32
      %dma_wait3A = arith.constant 0 : i32
      %dma_wait3A_60 = tpu.memref_slice %arg7[%add3A_59, %dma_wait3A] : memref<40x128xi32, #tpu.memory_space<vmem>> -> memref<1x128xi32, #tpu.memory_space<vmem>>
      %dma_wait3A_61 = tpu.memref_squeeze %dma_wait3A_60 : memref<1x128xi32, #tpu.memory_space<vmem>> -> memref<128xi32, #tpu.memory_space<vmem>>
      %dma_wait3A_62 = arith.constant 0 : i32
      %dma_wait3A_63 = arith.constant 0 : i32
      %dma_wait3A_64 = tpu.memref_slice %arg2[%dma_wait3A_62, %dma_wait3A_63] : memref<10000x128xf32, #tpu.memory_space<hbm>> -> memref<10000x128xf32, #tpu.memory_space<hbm>>
      tpu.wait_indirect_dma semaphore(%arg12 : memref<!tpu.dma_semaphore, #tpu.memory_space<semaphore_mem>>) src(%dma_wait3A_64 : memref<10000x128xf32, #tpu.memory_space<hbm>>) dst(%arg9 : memref<128x128xf32, #tpu.memory_space<vmem>>)
      "tpu.region"() ({
        %run_scoped3A = tpu.sem_alloc : memref<!tpu.dma_semaphore, #tpu.memory_space<semaphore_mem>>
        %dma_start3A_88 = arith.constant 0 : i32
        %dma_start3A_89 = tpu.memref_slice %arg8[%add3A_59, %dma_start3A_88] : memref<40x128xi32, #tpu.memory_space<vmem>> -> memref<1x128xi32, #tpu.memory_space<vmem>>
        %dma_start3A_90 = tpu.memref_squeeze %dma_start3A_89 : memref<1x128xi32, #tpu.memory_space<vmem>> -> memref<128xi32, #tpu.memory_space<vmem>>
        %dma_start3A_91 = arith.constant 0 : i32
        %dma_start3A_92 = arith.constant 0 : i32
        %dma_start3A_93 = tpu.memref_slice %arg11[%dma_start3A_91, %dma_start3A_92] : memref<10240x128xf32, #tpu.memory_space<vmem_shared>> -> memref<10240x128xf32, #tpu.memory_space<vmem_shared>>
        tpu.enqueue_indirect_dma source(%arg9 : memref<128x128xf32, #tpu.memory_space<vmem>>) target(%dma_start3A_93 : memref<10240x128xf32, #tpu.memory_space<vmem_shared>>) offsets(%dma_start3A_90 : memref<128xi32, #tpu.memory_space<vmem>>) semaphore(%run_scoped3A : memref<!tpu.dma_semaphore, #tpu.memory_space<semaphore_mem>>) {add = true}
        %dma_wait3A_94 = arith.constant 0 : i32
        %dma_wait3A_95 = tpu.memref_slice %arg8[%add3A_59, %dma_wait3A_94] : memref<40x128xi32, #tpu.memory_space<vmem>> -> memref<1x128xi32, #tpu.memory_space<vmem>>
        %dma_wait3A_96 = tpu.memref_squeeze %dma_wait3A_95 : memref<1x128xi32, #tpu.memory_space<vmem>> -> memref<128xi32, #tpu.memory_space<vmem>>
        %dma_wait3A_97 = arith.constant 0 : i32
        %dma_wait3A_98 = arith.constant 0 : i32
        %dma_wait3A_99 = tpu.memref_slice %arg11[%dma_wait3A_97, %dma_wait3A_98] : memref<10240x128xf32, #tpu.memory_space<vmem_shared>> -> memref<10240x128xf32, #tpu.memory_space<vmem_shared>>
        tpu.wait_indirect_dma semaphore(%run_scoped3A : memref<!tpu.dma_semaphore, #tpu.memory_space<semaphore_mem>>) src(%arg9 : memref<128x128xf32, #tpu.memory_space<vmem>>) dst(%dma_wait3A_99 : memref<10240x128xf32, #tpu.memory_space<vmem_shared>>)
        tpu.yield
      }) : () -> ()
      %add3A_65 = arith.constant 2 : i32
      %add3A_66 = arith.addi %add3A_59, %add3A_65 : i32
      %lt3A = arith.constant 40 : i32
      %lt3A_67 = arith.cmpi slt, %add3A_66, %lt3A : i32
      %convert_element_type3A_68 = arith.extui %lt3A_67 : i1 to i32
      %cond3A_69 = arith.constant 0 : i32
      %cond3A_70 = arith.cmpi ne, %convert_element_type3A_68, %cond3A_69 : i32
      scf.if %cond3A_70 {
        %add3A_88 = arith.constant 2 : i32
        %add3A_89 = arith.addi %add3A_59, %add3A_88 : i32
        %dma_start3A_90 = arith.constant 0 : i32
        %dma_start3A_91 = tpu.memref_slice %arg7[%add3A_89, %dma_start3A_90] : memref<40x128xi32, #tpu.memory_space<vmem>> -> memref<1x128xi32, #tpu.memory_space<vmem>>
        %dma_start3A_92 = tpu.memref_squeeze %dma_start3A_91 : memref<1x128xi32, #tpu.memory_space<vmem>> -> memref<128xi32, #tpu.memory_space<vmem>>
        %dma_start3A_93 = arith.constant 0 : i32
        %dma_start3A_94 = arith.constant 0 : i32
        %dma_start3A_95 = tpu.memref_slice %arg2[%dma_start3A_93, %dma_start3A_94] : memref<10000x128xf32, #tpu.memory_space<hbm>> -> memref<10000x128xf32, #tpu.memory_space<hbm>>
        tpu.enqueue_indirect_dma source(%dma_start3A_95 : memref<10000x128xf32, #tpu.memory_space<hbm>>) target(%arg9 : memref<128x128xf32, #tpu.memory_space<vmem>>) offsets(%dma_start3A_92 : memref<128xi32, #tpu.memory_space<vmem>>) semaphore(%arg12 : memref<!tpu.dma_semaphore, #tpu.memory_space<semaphore_mem>>)
      } else {
      }
      %mul3A_71 = arith.constant 2 : i32
      %mul3A_72 = arith.muli %mul3A_71, %scan3A_55 : i32
      %add3A_73 = arith.constant 1 : i32
      %add3A_74 = arith.addi %mul3A_72, %add3A_73 : i32
      %dma_wait3A_75 = arith.constant 0 : i32
      %dma_wait3A_76 = tpu.memref_slice %arg7[%add3A_74, %dma_wait3A_75] : memref<40x128xi32, #tpu.memory_space<vmem>> -> memref<1x128xi32, #tpu.memory_space<vmem>>
      %dma_wait3A_77 = tpu.memref_squeeze %dma_wait3A_76 : memref<1x128xi32, #tpu.memory_space<vmem>> -> memref<128xi32, #tpu.memory_space<vmem>>
      %dma_wait3A_78 = arith.constant 0 : i32
      %dma_wait3A_79 = arith.constant 0 : i32
      %dma_wait3A_80 = tpu.memref_slice %arg2[%dma_wait3A_78, %dma_wait3A_79] : memref<10000x128xf32, #tpu.memory_space<hbm>> -> memref<10000x128xf32, #tpu.memory_space<hbm>>
      tpu.wait_indirect_dma semaphore(%arg13 : memref<!tpu.dma_semaphore, #tpu.memory_space<semaphore_mem>>) src(%dma_wait3A_80 : memref<10000x128xf32, #tpu.memory_space<hbm>>) dst(%arg10 : memref<128x128xf32, #tpu.memory_space<vmem>>)
      "tpu.region"() ({
        %run_scoped3A = tpu.sem_alloc : memref<!tpu.dma_semaphore, #tpu.memory_space<semaphore_mem>>
        %dma_start3A_88 = arith.constant 0 : i32
        %dma_start3A_89 = tpu.memref_slice %arg8[%add3A_74, %dma_start3A_88] : memref<40x128xi32, #tpu.memory_space<vmem>> -> memref<1x128xi32, #tpu.memory_space<vmem>>
        %dma_start3A_90 = tpu.memref_squeeze %dma_start3A_89 : memref<1x128xi32, #tpu.memory_space<vmem>> -> memref<128xi32, #tpu.memory_space<vmem>>
        %dma_start3A_91 = arith.constant 0 : i32
        %dma_start3A_92 = arith.constant 0 : i32
        %dma_start3A_93 = tpu.memref_slice %arg11[%dma_start3A_91, %dma_start3A_92] : memref<10240x128xf32, #tpu.memory_space<vmem_shared>> -> memref<10240x128xf32, #tpu.memory_space<vmem_shared>>
        tpu.enqueue_indirect_dma source(%arg10 : memref<128x128xf32, #tpu.memory_space<vmem>>) target(%dma_start3A_93 : memref<10240x128xf32, #tpu.memory_space<vmem_shared>>) offsets(%dma_start3A_90 : memref<128xi32, #tpu.memory_space<vmem>>) semaphore(%run_scoped3A : memref<!tpu.dma_semaphore, #tpu.memory_space<semaphore_mem>>) {add = true}
        %dma_wait3A_94 = arith.constant 0 : i32
        %dma_wait3A_95 = tpu.memref_slice %arg8[%add3A_74, %dma_wait3A_94] : memref<40x128xi32, #tpu.memory_space<vmem>> -> memref<1x128xi32, #tpu.memory_space<vmem>>
        %dma_wait3A_96 = tpu.memref_squeeze %dma_wait3A_95 : memref<1x128xi32, #tpu.memory_space<vmem>> -> memref<128xi32, #tpu.memory_space<vmem>>
        %dma_wait3A_97 = arith.constant 0 : i32
        %dma_wait3A_98 = arith.constant 0 : i32
        %dma_wait3A_99 = tpu.memref_slice %arg11[%dma_wait3A_97, %dma_wait3A_98] : memref<10240x128xf32, #tpu.memory_space<vmem_shared>> -> memref<10240x128xf32, #tpu.memory_space<vmem_shared>>
        tpu.wait_indirect_dma semaphore(%run_scoped3A : memref<!tpu.dma_semaphore, #tpu.memory_space<semaphore_mem>>) src(%arg10 : memref<128x128xf32, #tpu.memory_space<vmem>>) dst(%dma_wait3A_99 : memref<10240x128xf32, #tpu.memory_space<vmem_shared>>)
        tpu.yield
      }) : () -> ()
      %add3A_81 = arith.constant 2 : i32
      %add3A_82 = arith.addi %add3A_74, %add3A_81 : i32
      %lt3A_83 = arith.constant 40 : i32
      %lt3A_84 = arith.cmpi slt, %add3A_82, %lt3A_83 : i32
      %convert_element_type3A_85 = arith.extui %lt3A_84 : i1 to i32
      %cond3A_86 = arith.constant 0 : i32
      %cond3A_87 = arith.cmpi ne, %convert_element_type3A_85, %cond3A_86 : i32
      scf.if %cond3A_87 {
        %add3A_88 = arith.constant 2 : i32
        %add3A_89 = arith.addi %add3A_74, %add3A_88 : i32
        %dma_start3A_90 = arith.constant 0 : i32
        %dma_start3A_91 = tpu.memref_slice %arg7[%add3A_89, %dma_start3A_90] : memref<40x128xi32, #tpu.memory_space<vmem>> -> memref<1x128xi32, #tpu.memory_space<vmem>>
        %dma_start3A_92 = tpu.memref_squeeze %dma_start3A_91 : memref<1x128xi32, #tpu.memory_space<vmem>> -> memref<128xi32, #tpu.memory_space<vmem>>
        %dma_start3A_93 = arith.constant 0 : i32
        %dma_start3A_94 = arith.constant 0 : i32
        %dma_start3A_95 = tpu.memref_slice %arg2[%dma_start3A_93, %dma_start3A_94] : memref<10000x128xf32, #tpu.memory_space<hbm>> -> memref<10000x128xf32, #tpu.memory_space<hbm>>
        tpu.enqueue_indirect_dma source(%dma_start3A_95 : memref<10000x128xf32, #tpu.memory_space<hbm>>) target(%arg10 : memref<128x128xf32, #tpu.memory_space<vmem>>) offsets(%dma_start3A_92 : memref<128xi32, #tpu.memory_space<vmem>>) semaphore(%arg13 : memref<!tpu.dma_semaphore, #tpu.memory_space<semaphore_mem>>)
      } else {
      }
    }
    %scan3A_24 = arith.constant 20 : i32
    %add3A_25 = arith.constant 40 : i32
    %add3A_26 = arith.addi %mul3A_4, %add3A_25 : i32
    "tpu.region"() ({
      %run_scoped3A = tpu.sem_alloc : memref<!tpu.dma_semaphore, #tpu.memory_space<semaphore_mem>>
      %dma_start3A_55 = arith.constant 0 : i32
      %dma_start3A_56 = tpu.memref_slice %arg3[%add3A_26, %dma_start3A_55] : memref<2560x128xi32, #tpu.memory_space<hbm>> -> memref<40x128xi32, #tpu.memory_space<hbm>>
      %dma_start3A_57 = arith.constant 0 : i32
      %dma_start3A_58 = tpu.memref_slice %arg3[%add3A_26, %dma_start3A_57] : memref<2560x128xi32, #tpu.memory_space<hbm>> -> memref<40x128xi32, #tpu.memory_space<hbm>>
      tpu.enqueue_dma source(%dma_start3A_58 : memref<40x128xi32, #tpu.memory_space<hbm>>) target(%arg7 : memref<40x128xi32, #tpu.memory_space<vmem>>) target_semaphore(%run_scoped3A : memref<!tpu.dma_semaphore, #tpu.memory_space<semaphore_mem>>)
      %dma_wait3A = arith.constant 0 : i32
      %dma_wait3A_59 = tpu.memref_slice %arg3[%add3A_26, %dma_wait3A] : memref<2560x128xi32, #tpu.memory_space<hbm>> -> memref<40x128xi32, #tpu.memory_space<hbm>>
      %dma_wait3A_60 = arith.constant 0 : i32
      %dma_wait3A_61 = tpu.memref_slice %arg3[%add3A_26, %dma_wait3A_60] : memref<2560x128xi32, #tpu.memory_space<hbm>> -> memref<40x128xi32, #tpu.memory_space<hbm>>
      tpu.wait_dma2 semaphore(%run_scoped3A : memref<!tpu.dma_semaphore, #tpu.memory_space<semaphore_mem>>) src(%dma_wait3A_61 : memref<40x128xi32, #tpu.memory_space<hbm>>) dst(%arg7 : memref<40x128xi32, #tpu.memory_space<vmem>>)
      tpu.yield
    }) : () -> ()
    "tpu.region"() ({
      %run_scoped3A = tpu.sem_alloc : memref<!tpu.dma_semaphore, #tpu.memory_space<semaphore_mem>>
      %dma_start3A_55 = arith.constant 0 : i32
      %dma_start3A_56 = tpu.memref_slice %arg4[%add3A_26, %dma_start3A_55] : memref<2560x128xi32, #tpu.memory_space<hbm>> -> memref<40x128xi32, #tpu.memory_space<hbm>>
      %dma_start3A_57 = arith.constant 0 : i32
      %dma_start3A_58 = tpu.memref_slice %arg4[%add3A_26, %dma_start3A_57] : memref<2560x128xi32, #tpu.memory_space<hbm>> -> memref<40x128xi32, #tpu.memory_space<hbm>>
      tpu.enqueue_dma source(%dma_start3A_58 : memref<40x128xi32, #tpu.memory_space<hbm>>) target(%arg8 : memref<40x128xi32, #tpu.memory_space<vmem>>) target_semaphore(%run_scoped3A : memref<!tpu.dma_semaphore, #tpu.memory_space<semaphore_mem>>)
      %dma_wait3A = arith.constant 0 : i32
      %dma_wait3A_59 = tpu.memref_slice %arg4[%add3A_26, %dma_wait3A] : memref<2560x128xi32, #tpu.memory_space<hbm>> -> memref<40x128xi32, #tpu.memory_space<hbm>>
      %dma_wait3A_60 = arith.constant 0 : i32
      %dma_wait3A_61 = tpu.memref_slice %arg4[%add3A_26, %dma_wait3A_60] : memref<2560x128xi32, #tpu.memory_space<hbm>> -> memref<40x128xi32, #tpu.memory_space<hbm>>
      tpu.wait_dma2 semaphore(%run_scoped3A : memref<!tpu.dma_semaphore, #tpu.memory_space<semaphore_mem>>) src(%dma_wait3A_61 : memref<40x128xi32, #tpu.memory_space<hbm>>) dst(%arg8 : memref<40x128xi32, #tpu.memory_space<vmem>>)
      tpu.yield
    }) : () -> ()
    %dma_start3A_27 = arith.constant 0 : i32
    %dma_start3A_28 = arith.constant 0 : i32
    %dma_start3A_29 = tpu.memref_slice %arg7[%dma_start3A_27, %dma_start3A_28] : memref<40x128xi32, #tpu.memory_space<vmem>> -> memref<1x128xi32, #tpu.memory_space<vmem>>
    %dma_start3A_30 = tpu.memref_squeeze %dma_start3A_29 : memref<1x128xi32, #tpu.memory_space<vmem>> -> memref<128xi32, #tpu.memory_space<vmem>>
    %dma_start3A_31 = arith.constant 0 : i32
    %dma_start3A_32 = arith.constant 0 : i32
    %dma_start3A_33 = tpu.memref_slice %arg2[%dma_start3A_31, %dma_start3A_32] : memref<10000x128xf32, #tpu.memory_space<hbm>> -> memref<10000x128xf32, #tpu.memory_space<hbm>>
    tpu.enqueue_indirect_dma source(%dma_start3A_33 : memref<10000x128xf32, #tpu.memory_space<hbm>>) target(%arg9 : memref<128x128xf32, #tpu.memory_space<vmem>>) offsets(%dma_start3A_30 : memref<128xi32, #tpu.memory_space<vmem>>) semaphore(%arg12 : memref<!tpu.dma_semaphore, #tpu.memory_space<semaphore_mem>>)
    %dma_start3A_34 = arith.constant 1 : i32
    %dma_start3A_35 = arith.constant 0 : i32
    %dma_start3A_36 = tpu.memref_slice %arg7[%dma_start3A_34, %dma_start3A_35] : memref<40x128xi32, #tpu.memory_space<vmem>> -> memref<1x128xi32, #tpu.memory_space<vmem>>
    %dma_start3A_37 = tpu.memref_squeeze %dma_start3A_36 : memref<1x128xi32, #tpu.memory_space<vmem>> -> memref<128xi32, #tpu.memory_space<vmem>>
    %dma_start3A_38 = arith.constant 0 : i32
    %dma_start3A_39 = arith.constant 0 : i32
    %dma_start3A_40 = tpu.memref_slice %arg2[%dma_start3A_38, %dma_start3A_39] : memref<10000x128xf32, #tpu.memory_space<hbm>> -> memref<10000x128xf32, #tpu.memory_space<hbm>>
    tpu.enqueue_indirect_dma source(%dma_start3A_40 : memref<10000x128xf32, #tpu.memory_space<hbm>>) target(%arg10 : memref<128x128xf32, #tpu.memory_space<vmem>>) offsets(%dma_start3A_37 : memref<128xi32, #tpu.memory_space<vmem>>) semaphore(%arg13 : memref<!tpu.dma_semaphore, #tpu.memory_space<semaphore_mem>>)
    %scan3A_41 = arith.constant 0 : i32
    %scan3A_42 = arith.constant 0 : i32
    %scan3A_43 = arith.constant 20 : i32
    %scan3A_44 = arith.addi %scan3A_42, %scan3A_43 : i32
    %scan3A_45 = arith.constant 1 : i32
    scf.for %scan3A_55 = %scan3A_42 to %scan3A_44 step %scan3A_45  : i32 {
      %mul3A_56 = arith.constant 2 : i32
      %mul3A_57 = arith.muli %mul3A_56, %scan3A_55 : i32
      %add3A_58 = arith.constant 0 : i32
      %add3A_59 = arith.addi %mul3A_57, %add3A_58 : i32
      %dma_wait3A = arith.constant 0 : i32
      %dma_wait3A_60 = tpu.memref_slice %arg7[%add3A_59, %dma_wait3A] : memref<40x128xi32, #tpu.memory_space<vmem>> -> memref<1x128xi32, #tpu.memory_space<vmem>>
      %dma_wait3A_61 = tpu.memref_squeeze %dma_wait3A_60 : memref<1x128xi32, #tpu.memory_space<vmem>> -> memref<128xi32, #tpu.memory_space<vmem>>
      %dma_wait3A_62 = arith.constant 0 : i32
      %dma_wait3A_63 = arith.constant 0 : i32
      %dma_wait3A_64 = tpu.memref_slice %arg2[%dma_wait3A_62, %dma_wait3A_63] : memref<10000x128xf32, #tpu.memory_space<hbm>> -> memref<10000x128xf32, #tpu.memory_space<hbm>>
      tpu.wait_indirect_dma semaphore(%arg12 : memref<!tpu.dma_semaphore, #tpu.memory_space<semaphore_mem>>) src(%dma_wait3A_64 : memref<10000x128xf32, #tpu.memory_space<hbm>>) dst(%arg9 : memref<128x128xf32, #tpu.memory_space<vmem>>)
      "tpu.region"() ({
        %run_scoped3A = tpu.sem_alloc : memref<!tpu.dma_semaphore, #tpu.memory_space<semaphore_mem>>
        %dma_start3A_88 = arith.constant 0 : i32
        %dma_start3A_89 = tpu.memref_slice %arg8[%add3A_59, %dma_start3A_88] : memref<40x128xi32, #tpu.memory_space<vmem>> -> memref<1x128xi32, #tpu.memory_space<vmem>>
        %dma_start3A_90 = tpu.memref_squeeze %dma_start3A_89 : memref<1x128xi32, #tpu.memory_space<vmem>> -> memref<128xi32, #tpu.memory_space<vmem>>
        %dma_start3A_91 = arith.constant 0 : i32
        %dma_start3A_92 = arith.constant 0 : i32
        %dma_start3A_93 = tpu.memref_slice %arg11[%dma_start3A_91, %dma_start3A_92] : memref<10240x128xf32, #tpu.memory_space<vmem_shared>> -> memref<10240x128xf32, #tpu.memory_space<vmem_shared>>
        tpu.enqueue_indirect_dma source(%arg9 : memref<128x128xf32, #tpu.memory_space<vmem>>) target(%dma_start3A_93 : memref<10240x128xf32, #tpu.memory_space<vmem_shared>>) offsets(%dma_start3A_90 : memref<128xi32, #tpu.memory_space<vmem>>) semaphore(%run_scoped3A : memref<!tpu.dma_semaphore, #tpu.memory_space<semaphore_mem>>) {add = true}
        %dma_wait3A_94 = arith.constant 0 : i32
        %dma_wait3A_95 = tpu.memref_slice %arg8[%add3A_59, %dma_wait3A_94] : memref<40x128xi32, #tpu.memory_space<vmem>> -> memref<1x128xi32, #tpu.memory_space<vmem>>
        %dma_wait3A_96 = tpu.memref_squeeze %dma_wait3A_95 : memref<1x128xi32, #tpu.memory_space<vmem>> -> memref<128xi32, #tpu.memory_space<vmem>>
        %dma_wait3A_97 = arith.constant 0 : i32
        %dma_wait3A_98 = arith.constant 0 : i32
        %dma_wait3A_99 = tpu.memref_slice %arg11[%dma_wait3A_97, %dma_wait3A_98] : memref<10240x128xf32, #tpu.memory_space<vmem_shared>> -> memref<10240x128xf32, #tpu.memory_space<vmem_shared>>
        tpu.wait_indirect_dma semaphore(%run_scoped3A : memref<!tpu.dma_semaphore, #tpu.memory_space<semaphore_mem>>) src(%arg9 : memref<128x128xf32, #tpu.memory_space<vmem>>) dst(%dma_wait3A_99 : memref<10240x128xf32, #tpu.memory_space<vmem_shared>>)
        tpu.yield
      }) : () -> ()
      %add3A_65 = arith.constant 2 : i32
      %add3A_66 = arith.addi %add3A_59, %add3A_65 : i32
      %lt3A = arith.constant 40 : i32
      %lt3A_67 = arith.cmpi slt, %add3A_66, %lt3A : i32
      %convert_element_type3A_68 = arith.extui %lt3A_67 : i1 to i32
      %cond3A_69 = arith.constant 0 : i32
      %cond3A_70 = arith.cmpi ne, %convert_element_type3A_68, %cond3A_69 : i32
      scf.if %cond3A_70 {
        %add3A_88 = arith.constant 2 : i32
        %add3A_89 = arith.addi %add3A_59, %add3A_88 : i32
        %dma_start3A_90 = arith.constant 0 : i32
        %dma_start3A_91 = tpu.memref_slice %arg7[%add3A_89, %dma_start3A_90] : memref<40x128xi32, #tpu.memory_space<vmem>> -> memref<1x128xi32, #tpu.memory_space<vmem>>
        %dma_start3A_92 = tpu.memref_squeeze %dma_start3A_91 : memref<1x128xi32, #tpu.memory_space<vmem>> -> memref<128xi32, #tpu.memory_space<vmem>>
        %dma_start3A_93 = arith.constant 0 : i32
        %dma_start3A_94 = arith.constant 0 : i32
        %dma_start3A_95 = tpu.memref_slice %arg2[%dma_start3A_93, %dma_start3A_94] : memref<10000x128xf32, #tpu.memory_space<hbm>> -> memref<10000x128xf32, #tpu.memory_space<hbm>>
        tpu.enqueue_indirect_dma source(%dma_start3A_95 : memref<10000x128xf32, #tpu.memory_space<hbm>>) target(%arg9 : memref<128x128xf32, #tpu.memory_space<vmem>>) offsets(%dma_start3A_92 : memref<128xi32, #tpu.memory_space<vmem>>) semaphore(%arg12 : memref<!tpu.dma_semaphore, #tpu.memory_space<semaphore_mem>>)
      } else {
      }
      %mul3A_71 = arith.constant 2 : i32
      %mul3A_72 = arith.muli %mul3A_71, %scan3A_55 : i32
      %add3A_73 = arith.constant 1 : i32
      %add3A_74 = arith.addi %mul3A_72, %add3A_73 : i32
      %dma_wait3A_75 = arith.constant 0 : i32
      %dma_wait3A_76 = tpu.memref_slice %arg7[%add3A_74, %dma_wait3A_75] : memref<40x128xi32, #tpu.memory_space<vmem>> -> memref<1x128xi32, #tpu.memory_space<vmem>>
      %dma_wait3A_77 = tpu.memref_squeeze %dma_wait3A_76 : memref<1x128xi32, #tpu.memory_space<vmem>> -> memref<128xi32, #tpu.memory_space<vmem>>
      %dma_wait3A_78 = arith.constant 0 : i32
      %dma_wait3A_79 = arith.constant 0 : i32
      %dma_wait3A_80 = tpu.memref_slice %arg2[%dma_wait3A_78, %dma_wait3A_79] : memref<10000x128xf32, #tpu.memory_space<hbm>> -> memref<10000x128xf32, #tpu.memory_space<hbm>>
      tpu.wait_indirect_dma semaphore(%arg13 : memref<!tpu.dma_semaphore, #tpu.memory_space<semaphore_mem>>) src(%dma_wait3A_80 : memref<10000x128xf32, #tpu.memory_space<hbm>>) dst(%arg10 : memref<128x128xf32, #tpu.memory_space<vmem>>)
      "tpu.region"() ({
        %run_scoped3A = tpu.sem_alloc : memref<!tpu.dma_semaphore, #tpu.memory_space<semaphore_mem>>
        %dma_start3A_88 = arith.constant 0 : i32
        %dma_start3A_89 = tpu.memref_slice %arg8[%add3A_74, %dma_start3A_88] : memref<40x128xi32, #tpu.memory_space<vmem>> -> memref<1x128xi32, #tpu.memory_space<vmem>>
        %dma_start3A_90 = tpu.memref_squeeze %dma_start3A_89 : memref<1x128xi32, #tpu.memory_space<vmem>> -> memref<128xi32, #tpu.memory_space<vmem>>
        %dma_start3A_91 = arith.constant 0 : i32
        %dma_start3A_92 = arith.constant 0 : i32
        %dma_start3A_93 = tpu.memref_slice %arg11[%dma_start3A_91, %dma_start3A_92] : memref<10240x128xf32, #tpu.memory_space<vmem_shared>> -> memref<10240x128xf32, #tpu.memory_space<vmem_shared>>
        tpu.enqueue_indirect_dma source(%arg10 : memref<128x128xf32, #tpu.memory_space<vmem>>) target(%dma_start3A_93 : memref<10240x128xf32, #tpu.memory_space<vmem_shared>>) offsets(%dma_start3A_90 : memref<128xi32, #tpu.memory_space<vmem>>) semaphore(%run_scoped3A : memref<!tpu.dma_semaphore, #tpu.memory_space<semaphore_mem>>) {add = true}
        %dma_wait3A_94 = arith.constant 0 : i32
        %dma_wait3A_95 = tpu.memref_slice %arg8[%add3A_74, %dma_wait3A_94] : memref<40x128xi32, #tpu.memory_space<vmem>> -> memref<1x128xi32, #tpu.memory_space<vmem>>
        %dma_wait3A_96 = tpu.memref_squeeze %dma_wait3A_95 : memref<1x128xi32, #tpu.memory_space<vmem>> -> memref<128xi32, #tpu.memory_space<vmem>>
        %dma_wait3A_97 = arith.constant 0 : i32
        %dma_wait3A_98 = arith.constant 0 : i32
        %dma_wait3A_99 = tpu.memref_slice %arg11[%dma_wait3A_97, %dma_wait3A_98] : memref<10240x128xf32, #tpu.memory_space<vmem_shared>> -> memref<10240x128xf32, #tpu.memory_space<vmem_shared>>
        tpu.wait_indirect_dma semaphore(%run_scoped3A : memref<!tpu.dma_semaphore, #tpu.memory_space<semaphore_mem>>) src(%arg10 : memref<128x128xf32, #tpu.memory_space<vmem>>) dst(%dma_wait3A_99 : memref<10240x128xf32, #tpu.memory_space<vmem_shared>>)
        tpu.yield
      }) : () -> ()
      %add3A_81 = arith.constant 2 : i32
      %add3A_82 = arith.addi %add3A_74, %add3A_81 : i32
      %lt3A_83 = arith.constant 40 : i32
      %lt3A_84 = arith.cmpi slt, %add3A_82, %lt3A_83 : i32
      %convert_element_type3A_85 = arith.extui %lt3A_84 : i1 to i32
      %cond3A_86 = arith.constant 0 : i32
      %cond3A_87 = arith.cmpi ne, %convert_element_type3A_85, %cond3A_86 : i32
      scf.if %cond3A_87 {
        %add3A_88 = arith.constant 2 : i32
        %add3A_89 = arith.addi %add3A_74, %add3A_88 : i32
        %dma_start3A_90 = arith.constant 0 : i32
        %dma_start3A_91 = tpu.memref_slice %arg7[%add3A_89, %dma_start3A_90] : memref<40x128xi32, #tpu.memory_space<vmem>> -> memref<1x128xi32, #tpu.memory_space<vmem>>
        %dma_start3A_92 = tpu.memref_squeeze %dma_start3A_91 : memref<1x128xi32, #tpu.memory_space<vmem>> -> memref<128xi32, #tpu.memory_space<vmem>>
        %dma_start3A_93 = arith.constant 0 : i32
        %dma_start3A_94 = arith.constant 0 : i32
        %dma_start3A_95 = tpu.memref_slice %arg2[%dma_start3A_93, %dma_start3A_94] : memref<10000x128xf32, #tpu.memory_space<hbm>> -> memref<10000x128xf32, #tpu.memory_space<hbm>>
        tpu.enqueue_indirect_dma source(%dma_start3A_95 : memref<10000x128xf32, #tpu.memory_space<hbm>>) target(%arg10 : memref<128x128xf32, #tpu.memory_space<vmem>>) offsets(%dma_start3A_92 : memref<128xi32, #tpu.memory_space<vmem>>) semaphore(%arg13 : memref<!tpu.dma_semaphore, #tpu.memory_space<semaphore_mem>>)
      } else {
      }
    }
    %scan3A_46 = arith.constant 20 : i32
    %barrier3A_47 = arith.constant 0 : index
    tpu.barrier barrier_id(%barrier3A_47)
    %eq3A = arith.constant 0 : i32
    %eq3A_48 = arith.cmpi eq, %arg0, %eq3A : i32
    %convert_element_type3A = arith.extui %eq3A_48 : i1 to i32
    %cond3A = arith.constant 0 : i32
    %cond3A_49 = arith.cmpi ne, %convert_element_type3A, %cond3A : i32
    scf.if %cond3A_49 {
      %run_scoped3A = arith.constant 0 : i32
      "tpu.region"() ({
        %run_scoped3A_55 = tpu.sem_alloc : memref<!tpu.dma_semaphore, #tpu.memory_space<semaphore_mem>>
        %dma_start3A_56 = arith.constant 0 : i32
        %dma_start3A_57 = tpu.memref_slice %arg6[%run_scoped3A, %mul3A_2, %dma_start3A_56] : memref<2x10240x128xf32, #tpu.memory_space<hbm>> -> memref<1x640x128xf32, #tpu.memory_space<hbm>>
        %dma_start3A_58 = tpu.memref_squeeze %dma_start3A_57 : memref<1x640x128xf32, #tpu.memory_space<hbm>> -> memref<640x128xf32, #tpu.memory_space<hbm>>
        %dma_start3A_59 = arith.constant 0 : i32
        %dma_start3A_60 = tpu.memref_slice %arg11[%mul3A_2, %dma_start3A_59] : memref<10240x128xf32, #tpu.memory_space<vmem_shared>> -> memref<640x128xf32, #tpu.memory_space<vmem_shared>>
        tpu.enqueue_dma source(%dma_start3A_60 : memref<640x128xf32, #tpu.memory_space<vmem_shared>>) target(%dma_start3A_58 : memref<640x128xf32, #tpu.memory_space<hbm>>) target_semaphore(%run_scoped3A_55 : memref<!tpu.dma_semaphore, #tpu.memory_space<semaphore_mem>>)
        %dma_wait3A = arith.constant 0 : i32
        %dma_wait3A_61 = tpu.memref_slice %arg6[%run_scoped3A, %mul3A_2, %dma_wait3A] : memref<2x10240x128xf32, #tpu.memory_space<hbm>> -> memref<1x640x128xf32, #tpu.memory_space<hbm>>
        %dma_wait3A_62 = tpu.memref_squeeze %dma_wait3A_61 : memref<1x640x128xf32, #tpu.memory_space<hbm>> -> memref<640x128xf32, #tpu.memory_space<hbm>>
        %dma_wait3A_63 = arith.constant 0 : i32
        %dma_wait3A_64 = tpu.memref_slice %arg11[%mul3A_2, %dma_wait3A_63] : memref<10240x128xf32, #tpu.memory_space<vmem_shared>> -> memref<640x128xf32, #tpu.memory_space<vmem_shared>>
        tpu.wait_dma2 semaphore(%run_scoped3A_55 : memref<!tpu.dma_semaphore, #tpu.memory_space<semaphore_mem>>) src(%dma_wait3A_64 : memref<640x128xf32, #tpu.memory_space<vmem_shared>>) dst(%dma_wait3A_62 : memref<640x128xf32, #tpu.memory_space<hbm>>)
        tpu.yield
      }) : () -> ()
    } else {
    }
    %eq3A_50 = arith.constant 1 : i32
    %eq3A_51 = arith.cmpi eq, %arg0, %eq3A_50 : i32
    %convert_element_type3A_52 = arith.extui %eq3A_51 : i1 to i32
    %cond3A_53 = arith.constant 0 : i32
    %cond3A_54 = arith.cmpi ne, %convert_element_type3A_52, %cond3A_53 : i32
    scf.if %cond3A_54 {
      %run_scoped3A = arith.constant 1 : i32
      "tpu.region"() ({
        %run_scoped3A_55 = tpu.sem_alloc : memref<!tpu.dma_semaphore, #tpu.memory_space<semaphore_mem>>
        %dma_start3A_56 = arith.constant 0 : i32
        %dma_start3A_57 = tpu.memref_slice %arg6[%run_scoped3A, %mul3A_2, %dma_start3A_56] : memref<2x10240x128xf32, #tpu.memory_space<hbm>> -> memref<1x640x128xf32, #tpu.memory_space<hbm>>
        %dma_start3A_58 = tpu.memref_squeeze %dma_start3A_57 : memref<1x640x128xf32, #tpu.memory_space<hbm>> -> memref<640x128xf32, #tpu.memory_space<hbm>>
        %dma_start3A_59 = arith.constant 0 : i32
        %dma_start3A_60 = tpu.memref_slice %arg11[%mul3A_2, %dma_start3A_59] : memref<10240x128xf32, #tpu.memory_space<vmem_shared>> -> memref<640x128xf32, #tpu.memory_space<vmem_shared>>
        tpu.enqueue_dma source(%dma_start3A_60 : memref<640x128xf32, #tpu.memory_space<vmem_shared>>) target(%dma_start3A_58 : memref<640x128xf32, #tpu.memory_space<hbm>>) target_semaphore(%run_scoped3A_55 : memref<!tpu.dma_semaphore, #tpu.memory_space<semaphore_mem>>)
        %dma_wait3A = arith.constant 0 : i32
        %dma_wait3A_61 = tpu.memref_slice %arg6[%run_scoped3A, %mul3A_2, %dma_wait3A] : memref<2x10240x128xf32, #tpu.memory_space<hbm>> -> memref<1x640x128xf32, #tpu.memory_space<hbm>>
        %dma_wait3A_62 = tpu.memref_squeeze %dma_wait3A_61 : memref<1x640x128xf32, #tpu.memory_space<hbm>> -> memref<640x128xf32, #tpu.memory_space<hbm>>
        %dma_wait3A_63 = arith.constant 0 : i32
        %dma_wait3A_64 = tpu.memref_slice %arg11[%mul3A_2, %dma_wait3A_63] : memref<10240x128xf32, #tpu.memory_space<vmem_shared>> -> memref<640x128xf32, #tpu.memory_space<vmem_shared>>
        tpu.wait_dma2 semaphore(%run_scoped3A_55 : memref<!tpu.dma_semaphore, #tpu.memory_space<semaphore_mem>>) src(%dma_wait3A_64 : memref<640x128xf32, #tpu.memory_space<vmem_shared>>) dst(%dma_wait3A_62 : memref<640x128xf32, #tpu.memory_space<hbm>>)
        tpu.yield
      }) : () -> ()
    } else {
    }
    return
  }
}

#map = affine_map<(d0, d1) -> (0, 0)>
#map1 = affine_map<(d0, d1) -> (0, 0, 0)>
module attributes {stable_mosaic.version = 14 : i64} {
  func.func @k(%arg0: i32, %arg1: i32, %arg2: memref<10000x128xf32, #tpu.memory_space<hbm>>, %arg3: memref<2560x128xi32, #tpu.memory_space<hbm>>, %arg4: memref<2560x128xi32, #tpu.memory_space<hbm>>, %arg5: memref<640x128xf32, #tpu.memory_space<hbm>>, %arg6: memref<2x10240x128xf32, #tpu.memory_space<hbm>>, %arg7: memref<40x128xi32, #tpu.memory_space<vmem>>, %arg8: memref<40x128xi32, #tpu.memory_space<vmem>>, %arg9: memref<128x128xf32, #tpu.memory_space<vmem>>, %arg10: memref<128x128xf32, #tpu.memory_space<vmem>>, %arg11: memref<10240x128xf32, #tpu.memory_space<vmem_shared>>, %arg12: memref<!tpu.dma_semaphore, #tpu.memory_space<semaphore_mem>>, %arg13: memref<!tpu.dma_semaphore, #tpu.memory_space<semaphore_mem>>) attributes {dimension_semantics = [#tpu.dimension_semantics<core_parallel>, #tpu.dimension_semantics<subcore_parallel>], iteration_bounds = array<i64: 2, 16>, scalar_prefetch = 0 : i64, scratch_operands = 7 : i64, tpu.core_type = #tpu.core_type<sc_vector_subcore>, window_params = [{transform_indices = #map}, {transform_indices = #map}, {transform_indices = #map}, {transform_indices = #map}, {transform_indices = #map1}]} {
    %mul3A = arith.constant 2 : i32
    %mul3A_0 = arith.muli %arg1, %mul3A : i32
    %add3A = arith.addi %mul3A_0, %arg0 : i32
    %mul3A_1 = arith.constant 640 : i32
    %mul3A_2 = arith.muli %arg1, %mul3A_1 : i32
    "tpu.region"() ({
      %run_scoped3A = tpu.sem_alloc : memref<!tpu.dma_semaphore, #tpu.memory_space<semaphore_mem>>
      %dma_start3A_55 = arith.constant 0 : i32
      %dma_start3A_56 = tpu.memref_slice %arg11[%mul3A_2, %dma_start3A_55] : memref<10240x128xf32, #tpu.memory_space<vmem_shared>> -> memref<640x128xf32, #tpu.memory_space<vmem_shared>>
      tpu.enqueue_dma source(%arg5 : memref<640x128xf32, #tpu.memory_space<hbm>>) target(%dma_start3A_56 : memref<640x128xf32, #tpu.memory_space<vmem_shared>>) target_semaphore(%run_scoped3A : memref<!tpu.dma_semaphore, #tpu.memory_space<semaphore_mem>>)
      %dma_wait3A = arith.constant 0 : i32
      %dma_wait3A_57 = tpu.memref_slice %arg11[%mul3A_2, %dma_wait3A] : memref<10240x128xf32, #tpu.memory_space<vmem_shared>> -> memref<640x128xf32, #tpu.memory_space<vmem_shared>>
      tpu.wait_dma2 semaphore(%run_scoped3A : memref<!tpu.dma_semaphore, #tpu.memory_space<semaphore_mem>>) src(%arg5 : memref<640x128xf32, #tpu.memory_space<hbm>>) dst(%dma_wait3A_57 : memref<640x128xf32, #tpu.memory_space<vmem_shared>>)
      tpu.yield
    }) : () -> ()
    %mul3A_3 = arith.constant 80 : i32
    %mul3A_4 = arith.muli %add3A, %mul3A_3 : i32
    %barrier3A = arith.constant 0 : index
    tpu.barrier barrier_id(%barrier3A)
    %add3A_5 = arith.constant 0 : i32
    %add3A_6 = arith.addi %mul3A_4, %add3A_5 : i32
    "tpu.region"() ({
      %run_scoped3A = tpu.sem_alloc : memref<!tpu.dma_semaphore, #tpu.memory_space<semaphore_mem>>
      %dma_start3A_55 = arith.constant 0 : i32
      %dma_start3A_56 = tpu.memref_slice %arg3[%add3A_6, %dma_start3A_55] : memref<2560x128xi32, #tpu.memory_space<hbm>> -> memref<40x128xi32, #tpu.memory_space<hbm>>
      %dma_start3A_57 = arith.constant 0 : i32
      %dma_start3A_58 = tpu.memref_slice %arg3[%add3A_6, %dma_start3A_57] : memref<2560x128xi32, #tpu.memory_space<hbm>> -> memref<40x128xi32, #tpu.memory_space<hbm>>
      tpu.enqueue_dma source(%dma_start3A_58 : memref<40x128xi32, #tpu.memory_space<hbm>>) target(%arg7 : memref<40x128xi32, #tpu.memory_space<vmem>>) target_semaphore(%run_scoped3A : memref<!tpu.dma_semaphore, #tpu.memory_space<semaphore_mem>>)
      %dma_wait3A = arith.constant 0 : i32
      %dma_wait3A_59 = tpu.memref_slice %arg3[%add3A_6, %dma_wait3A] : memref<2560x128xi32, #tpu.memory_space<hbm>> -> memref<40x128xi32, #tpu.memory_space<hbm>>
      %dma_wait3A_60 = arith.constant 0 : i32
      %dma_wait3A_61 = tpu.memref_slice %arg3[%add3A_6, %dma_wait3A_60] : memref<2560x128xi32, #tpu.memory_space<hbm>> -> memref<40x128xi32, #tpu.memory_space<hbm>>
      tpu.wait_dma2 semaphore(%run_scoped3A : memref<!tpu.dma_semaphore, #tpu.memory_space<semaphore_mem>>) src(%dma_wait3A_61 : memref<40x128xi32, #tpu.memory_space<hbm>>) dst(%arg7 : memref<40x128xi32, #tpu.memory_space<vmem>>)
      tpu.yield
    }) : () -> ()
    "tpu.region"() ({
      %run_scoped3A = tpu.sem_alloc : memref<!tpu.dma_semaphore, #tpu.memory_space<semaphore_mem>>
      %dma_start3A_55 = arith.constant 0 : i32
      %dma_start3A_56 = tpu.memref_slice %arg4[%add3A_6, %dma_start3A_55] : memref<2560x128xi32, #tpu.memory_space<hbm>> -> memref<40x128xi32, #tpu.memory_space<hbm>>
      %dma_start3A_57 = arith.constant 0 : i32
      %dma_start3A_58 = tpu.memref_slice %arg4[%add3A_6, %dma_start3A_57] : memref<2560x128xi32, #tpu.memory_space<hbm>> -> memref<40x128xi32, #tpu.memory_space<hbm>>
      tpu.enqueue_dma source(%dma_start3A_58 : memref<40x128xi32, #tpu.memory_space<hbm>>) target(%arg8 : memref<40x128xi32, #tpu.memory_space<vmem>>) target_semaphore(%run_scoped3A : memref<!tpu.dma_semaphore, #tpu.memory_space<semaphore_mem>>)
      %dma_wait3A = arith.constant 0 : i32
      %dma_wait3A_59 = tpu.memref_slice %arg4[%add3A_6, %dma_wait3A] : memref<2560x128xi32, #tpu.memory_space<hbm>> -> memref<40x128xi32, #tpu.memory_space<hbm>>
      %dma_wait3A_60 = arith.constant 0 : i32
      %dma_wait3A_61 = tpu.memref_slice %arg4[%add3A_6, %dma_wait3A_60] : memref<2560x128xi32, #tpu.memory_space<hbm>> -> memref<40x128xi32, #tpu.memory_space<hbm>>
      tpu.wait_dma2 semaphore(%run_scoped3A : memref<!tpu.dma_semaphore, #tpu.memory_space<semaphore_mem>>) src(%dma_wait3A_61 : memref<40x128xi32, #tpu.memory_space<hbm>>) dst(%arg8 : memref<40x128xi32, #tpu.memory_space<vmem>>)
      tpu.yield
    }) : () -> ()
    %dma_start3A = arith.constant 0 : i32
    %dma_start3A_7 = arith.constant 0 : i32
    %dma_start3A_8 = tpu.memref_slice %arg7[%dma_start3A, %dma_start3A_7] : memref<40x128xi32, #tpu.memory_space<vmem>> -> memref<1x128xi32, #tpu.memory_space<vmem>>
    %dma_start3A_9 = tpu.memref_squeeze %dma_start3A_8 : memref<1x128xi32, #tpu.memory_space<vmem>> -> memref<128xi32, #tpu.memory_space<vmem>>
    %dma_start3A_10 = arith.constant 0 : i32
    %dma_start3A_11 = arith.constant 0 : i32
    %dma_start3A_12 = tpu.memref_slice %arg2[%dma_start3A_10, %dma_start3A_11] : memref<10000x128xf32, #tpu.memory_space<hbm>> -> memref<10000x128xf32, #tpu.memory_space<hbm>>
    tpu.enqueue_indirect_dma source(%dma_start3A_12 : memref<10000x128xf32, #tpu.memory_space<hbm>>) target(%arg9 : memref<128x128xf32, #tpu.memory_space<vmem>>) offsets(%dma_start3A_9 : memref<128xi32, #tpu.memory_space<vmem>>) semaphore(%arg12 : memref<!tpu.dma_semaphore, #tpu.memory_space<semaphore_mem>>)
    %dma_start3A_13 = arith.constant 1 : i32
    %dma_start3A_14 = arith.constant 0 : i32
    %dma_start3A_15 = tpu.memref_slice %arg7[%dma_start3A_13, %dma_start3A_14] : memref<40x128xi32, #tpu.memory_space<vmem>> -> memref<1x128xi32, #tpu.memory_space<vmem>>
    %dma_start3A_16 = tpu.memref_squeeze %dma_start3A_15 : memref<1x128xi32, #tpu.memory_space<vmem>> -> memref<128xi32, #tpu.memory_space<vmem>>
    %dma_start3A_17 = arith.constant 0 : i32
    %dma_start3A_18 = arith.constant 0 : i32
    %dma_start3A_19 = tpu.memref_slice %arg2[%dma_start3A_17, %dma_start3A_18] : memref<10000x128xf32, #tpu.memory_space<hbm>> -> memref<10000x128xf32, #tpu.memory_space<hbm>>
    tpu.enqueue_indirect_dma source(%dma_start3A_19 : memref<10000x128xf32, #tpu.memory_space<hbm>>) target(%arg10 : memref<128x128xf32, #tpu.memory_space<vmem>>) offsets(%dma_start3A_16 : memref<128xi32, #tpu.memory_space<vmem>>) semaphore(%arg13 : memref<!tpu.dma_semaphore, #tpu.memory_space<semaphore_mem>>)
    %scan3A = arith.constant 0 : i32
    %scan3A_20 = arith.constant 0 : i32
    %scan3A_21 = arith.constant 20 : i32
    %scan3A_22 = arith.addi %scan3A_20, %scan3A_21 : i32
    %scan3A_23 = arith.constant 1 : i32
    scf.for %scan3A_55 = %scan3A_20 to %scan3A_22 step %scan3A_23  : i32 {
      %mul3A_56 = arith.constant 2 : i32
      %mul3A_57 = arith.muli %mul3A_56, %scan3A_55 : i32
      %add3A_58 = arith.constant 0 : i32
      %add3A_59 = arith.addi %mul3A_57, %add3A_58 : i32
      %dma_wait3A = arith.constant 0 : i32
      %dma_wait3A_60 = tpu.memref_slice %arg7[%add3A_59, %dma_wait3A] : memref<40x128xi32, #tpu.memory_space<vmem>> -> memref<1x128xi32, #tpu.memory_space<vmem>>
      %dma_wait3A_61 = tpu.memref_squeeze %dma_wait3A_60 : memref<1x128xi32, #tpu.memory_space<vmem>> -> memref<128xi32, #tpu.memory_space<vmem>>
      %dma_wait3A_62 = arith.constant 0 : i32
      %dma_wait3A_63 = arith.constant 0 : i32
      %dma_wait3A_64 = tpu.memref_slice %arg2[%dma_wait3A_62, %dma_wait3A_63] : memref<10000x128xf32, #tpu.memory_space<hbm>> -> memref<10000x128xf32, #tpu.memory_space<hbm>>
      tpu.wait_indirect_dma semaphore(%arg12 : memref<!tpu.dma_semaphore, #tpu.memory_space<semaphore_mem>>) src(%dma_wait3A_64 : memref<10000x128xf32, #tpu.memory_space<hbm>>) dst(%arg9 : memref<128x128xf32, #tpu.memory_space<vmem>>)
      "tpu.region"() ({
        %run_scoped3A = tpu.sem_alloc : memref<!tpu.dma_semaphore, #tpu.memory_space<semaphore_mem>>
        %dma_start3A_88 = arith.constant 0 : i32
        %dma_start3A_89 = tpu.memref_slice %arg8[%add3A_59, %dma_start3A_88] : memref<40x128xi32, #tpu.memory_space<vmem>> -> memref<1x128xi32, #tpu.memory_space<vmem>>
        %dma_start3A_90 = tpu.memref_squeeze %dma_start3A_89 : memref<1x128xi32, #tpu.memory_space<vmem>> -> memref<128xi32, #tpu.memory_space<vmem>>
        %dma_start3A_91 = arith.constant 0 : i32
        %dma_start3A_92 = arith.constant 0 : i32
        %dma_start3A_93 = tpu.memref_slice %arg11[%dma_start3A_91, %dma_start3A_92] : memref<10240x128xf32, #tpu.memory_space<vmem_shared>> -> memref<10240x128xf32, #tpu.memory_space<vmem_shared>>
        tpu.enqueue_indirect_dma source(%arg9 : memref<128x128xf32, #tpu.memory_space<vmem>>) target(%dma_start3A_93 : memref<10240x128xf32, #tpu.memory_space<vmem_shared>>) offsets(%dma_start3A_90 : memref<128xi32, #tpu.memory_space<vmem>>) semaphore(%run_scoped3A : memref<!tpu.dma_semaphore, #tpu.memory_space<semaphore_mem>>) {add = true}
        %dma_wait3A_94 = arith.constant 0 : i32
        %dma_wait3A_95 = tpu.memref_slice %arg8[%add3A_59, %dma_wait3A_94] : memref<40x128xi32, #tpu.memory_space<vmem>> -> memref<1x128xi32, #tpu.memory_space<vmem>>
        %dma_wait3A_96 = tpu.memref_squeeze %dma_wait3A_95 : memref<1x128xi32, #tpu.memory_space<vmem>> -> memref<128xi32, #tpu.memory_space<vmem>>
        %dma_wait3A_97 = arith.constant 0 : i32
        %dma_wait3A_98 = arith.constant 0 : i32
        %dma_wait3A_99 = tpu.memref_slice %arg11[%dma_wait3A_97, %dma_wait3A_98] : memref<10240x128xf32, #tpu.memory_space<vmem_shared>> -> memref<10240x128xf32, #tpu.memory_space<vmem_shared>>
        tpu.wait_indirect_dma semaphore(%run_scoped3A : memref<!tpu.dma_semaphore, #tpu.memory_space<semaphore_mem>>) src(%arg9 : memref<128x128xf32, #tpu.memory_space<vmem>>) dst(%dma_wait3A_99 : memref<10240x128xf32, #tpu.memory_space<vmem_shared>>)
        tpu.yield
      }) : () -> ()
      %add3A_65 = arith.constant 2 : i32
      %add3A_66 = arith.addi %add3A_59, %add3A_65 : i32
      %lt3A = arith.constant 40 : i32
      %lt3A_67 = arith.cmpi slt, %add3A_66, %lt3A : i32
      %convert_element_type3A_68 = arith.extui %lt3A_67 : i1 to i32
      %cond3A_69 = arith.constant 0 : i32
      %cond3A_70 = arith.cmpi ne, %convert_element_type3A_68, %cond3A_69 : i32
      scf.if %cond3A_70 {
        %add3A_88 = arith.constant 2 : i32
        %add3A_89 = arith.addi %add3A_59, %add3A_88 : i32
        %dma_start3A_90 = arith.constant 0 : i32
        %dma_start3A_91 = tpu.memref_slice %arg7[%add3A_89, %dma_start3A_90] : memref<40x128xi32, #tpu.memory_space<vmem>> -> memref<1x128xi32, #tpu.memory_space<vmem>>
        %dma_start3A_92 = tpu.memref_squeeze %dma_start3A_91 : memref<1x128xi32, #tpu.memory_space<vmem>> -> memref<128xi32, #tpu.memory_space<vmem>>
        %dma_start3A_93 = arith.constant 0 : i32
        %dma_start3A_94 = arith.constant 0 : i32
        %dma_start3A_95 = tpu.memref_slice %arg2[%dma_start3A_93, %dma_start3A_94] : memref<10000x128xf32, #tpu.memory_space<hbm>> -> memref<10000x128xf32, #tpu.memory_space<hbm>>
        tpu.enqueue_indirect_dma source(%dma_start3A_95 : memref<10000x128xf32, #tpu.memory_space<hbm>>) target(%arg9 : memref<128x128xf32, #tpu.memory_space<vmem>>) offsets(%dma_start3A_92 : memref<128xi32, #tpu.memory_space<vmem>>) semaphore(%arg12 : memref<!tpu.dma_semaphore, #tpu.memory_space<semaphore_mem>>)
      } else {
      }
      %mul3A_71 = arith.constant 2 : i32
      %mul3A_72 = arith.muli %mul3A_71, %scan3A_55 : i32
      %add3A_73 = arith.constant 1 : i32
      %add3A_74 = arith.addi %mul3A_72, %add3A_73 : i32
      %dma_wait3A_75 = arith.constant 0 : i32
      %dma_wait3A_76 = tpu.memref_slice %arg7[%add3A_74, %dma_wait3A_75] : memref<40x128xi32, #tpu.memory_space<vmem>> -> memref<1x128xi32, #tpu.memory_space<vmem>>
      %dma_wait3A_77 = tpu.memref_squeeze %dma_wait3A_76 : memref<1x128xi32, #tpu.memory_space<vmem>> -> memref<128xi32, #tpu.memory_space<vmem>>
      %dma_wait3A_78 = arith.constant 0 : i32
      %dma_wait3A_79 = arith.constant 0 : i32
      %dma_wait3A_80 = tpu.memref_slice %arg2[%dma_wait3A_78, %dma_wait3A_79] : memref<10000x128xf32, #tpu.memory_space<hbm>> -> memref<10000x128xf32, #tpu.memory_space<hbm>>
      tpu.wait_indirect_dma semaphore(%arg13 : memref<!tpu.dma_semaphore, #tpu.memory_space<semaphore_mem>>) src(%dma_wait3A_80 : memref<10000x128xf32, #tpu.memory_space<hbm>>) dst(%arg10 : memref<128x128xf32, #tpu.memory_space<vmem>>)
      "tpu.region"() ({
        %run_scoped3A = tpu.sem_alloc : memref<!tpu.dma_semaphore, #tpu.memory_space<semaphore_mem>>
        %dma_start3A_88 = arith.constant 0 : i32
        %dma_start3A_89 = tpu.memref_slice %arg8[%add3A_74, %dma_start3A_88] : memref<40x128xi32, #tpu.memory_space<vmem>> -> memref<1x128xi32, #tpu.memory_space<vmem>>
        %dma_start3A_90 = tpu.memref_squeeze %dma_start3A_89 : memref<1x128xi32, #tpu.memory_space<vmem>> -> memref<128xi32, #tpu.memory_space<vmem>>
        %dma_start3A_91 = arith.constant 0 : i32
        %dma_start3A_92 = arith.constant 0 : i32
        %dma_start3A_93 = tpu.memref_slice %arg11[%dma_start3A_91, %dma_start3A_92] : memref<10240x128xf32, #tpu.memory_space<vmem_shared>> -> memref<10240x128xf32, #tpu.memory_space<vmem_shared>>
        tpu.enqueue_indirect_dma source(%arg10 : memref<128x128xf32, #tpu.memory_space<vmem>>) target(%dma_start3A_93 : memref<10240x128xf32, #tpu.memory_space<vmem_shared>>) offsets(%dma_start3A_90 : memref<128xi32, #tpu.memory_space<vmem>>) semaphore(%run_scoped3A : memref<!tpu.dma_semaphore, #tpu.memory_space<semaphore_mem>>) {add = true}
        %dma_wait3A_94 = arith.constant 0 : i32
        %dma_wait3A_95 = tpu.memref_slice %arg8[%add3A_74, %dma_wait3A_94] : memref<40x128xi32, #tpu.memory_space<vmem>> -> memref<1x128xi32, #tpu.memory_space<vmem>>
        %dma_wait3A_96 = tpu.memref_squeeze %dma_wait3A_95 : memref<1x128xi32, #tpu.memory_space<vmem>> -> memref<128xi32, #tpu.memory_space<vmem>>
        %dma_wait3A_97 = arith.constant 0 : i32
        %dma_wait3A_98 = arith.constant 0 : i32
        %dma_wait3A_99 = tpu.memref_slice %arg11[%dma_wait3A_97, %dma_wait3A_98] : memref<10240x128xf32, #tpu.memory_space<vmem_shared>> -> memref<10240x128xf32, #tpu.memory_space<vmem_shared>>
        tpu.wait_indirect_dma semaphore(%run_scoped3A : memref<!tpu.dma_semaphore, #tpu.memory_space<semaphore_mem>>) src(%arg10 : memref<128x128xf32, #tpu.memory_space<vmem>>) dst(%dma_wait3A_99 : memref<10240x128xf32, #tpu.memory_space<vmem_shared>>)
        tpu.yield
      }) : () -> ()
      %add3A_81 = arith.constant 2 : i32
      %add3A_82 = arith.addi %add3A_74, %add3A_81 : i32
      %lt3A_83 = arith.constant 40 : i32
      %lt3A_84 = arith.cmpi slt, %add3A_82, %lt3A_83 : i32
      %convert_element_type3A_85 = arith.extui %lt3A_84 : i1 to i32
      %cond3A_86 = arith.constant 0 : i32
      %cond3A_87 = arith.cmpi ne, %convert_element_type3A_85, %cond3A_86 : i32
      scf.if %cond3A_87 {
        %add3A_88 = arith.constant 2 : i32
        %add3A_89 = arith.addi %add3A_74, %add3A_88 : i32
        %dma_start3A_90 = arith.constant 0 : i32
        %dma_start3A_91 = tpu.memref_slice %arg7[%add3A_89, %dma_start3A_90] : memref<40x128xi32, #tpu.memory_space<vmem>> -> memref<1x128xi32, #tpu.memory_space<vmem>>
        %dma_start3A_92 = tpu.memref_squeeze %dma_start3A_91 : memref<1x128xi32, #tpu.memory_space<vmem>> -> memref<128xi32, #tpu.memory_space<vmem>>
        %dma_start3A_93 = arith.constant 0 : i32
        %dma_start3A_94 = arith.constant 0 : i32
        %dma_start3A_95 = tpu.memref_slice %arg2[%dma_start3A_93, %dma_start3A_94] : memref<10000x128xf32, #tpu.memory_space<hbm>> -> memref<10000x128xf32, #tpu.memory_space<hbm>>
        tpu.enqueue_indirect_dma source(%dma_start3A_95 : memref<10000x128xf32, #tpu.memory_space<hbm>>) target(%arg10 : memref<128x128xf32, #tpu.memory_space<vmem>>) offsets(%dma_start3A_92 : memref<128xi32, #tpu.memory_space<vmem>>) semaphore(%arg13 : memref<!tpu.dma_semaphore, #tpu.memory_space<semaphore_mem>>)
      } else {
      }
    }
    %scan3A_24 = arith.constant 20 : i32
    %add3A_25 = arith.constant 40 : i32
    %add3A_26 = arith.addi %mul3A_4, %add3A_25 : i32
    "tpu.region"() ({
      %run_scoped3A = tpu.sem_alloc : memref<!tpu.dma_semaphore, #tpu.memory_space<semaphore_mem>>
      %dma_start3A_55 = arith.constant 0 : i32
      %dma_start3A_56 = tpu.memref_slice %arg3[%add3A_26, %dma_start3A_55] : memref<2560x128xi32, #tpu.memory_space<hbm>> -> memref<40x128xi32, #tpu.memory_space<hbm>>
      %dma_start3A_57 = arith.constant 0 : i32
      %dma_start3A_58 = tpu.memref_slice %arg3[%add3A_26, %dma_start3A_57] : memref<2560x128xi32, #tpu.memory_space<hbm>> -> memref<40x128xi32, #tpu.memory_space<hbm>>
      tpu.enqueue_dma source(%dma_start3A_58 : memref<40x128xi32, #tpu.memory_space<hbm>>) target(%arg7 : memref<40x128xi32, #tpu.memory_space<vmem>>) target_semaphore(%run_scoped3A : memref<!tpu.dma_semaphore, #tpu.memory_space<semaphore_mem>>)
      %dma_wait3A = arith.constant 0 : i32
      %dma_wait3A_59 = tpu.memref_slice %arg3[%add3A_26, %dma_wait3A] : memref<2560x128xi32, #tpu.memory_space<hbm>> -> memref<40x128xi32, #tpu.memory_space<hbm>>
      %dma_wait3A_60 = arith.constant 0 : i32
      %dma_wait3A_61 = tpu.memref_slice %arg3[%add3A_26, %dma_wait3A_60] : memref<2560x128xi32, #tpu.memory_space<hbm>> -> memref<40x128xi32, #tpu.memory_space<hbm>>
      tpu.wait_dma2 semaphore(%run_scoped3A : memref<!tpu.dma_semaphore, #tpu.memory_space<semaphore_mem>>) src(%dma_wait3A_61 : memref<40x128xi32, #tpu.memory_space<hbm>>) dst(%arg7 : memref<40x128xi32, #tpu.memory_space<vmem>>)
      tpu.yield
    }) : () -> ()
    "tpu.region"() ({
      %run_scoped3A = tpu.sem_alloc : memref<!tpu.dma_semaphore, #tpu.memory_space<semaphore_mem>>
      %dma_start3A_55 = arith.constant 0 : i32
      %dma_start3A_56 = tpu.memref_slice %arg4[%add3A_26, %dma_start3A_55] : memref<2560x128xi32, #tpu.memory_space<hbm>> -> memref<40x128xi32, #tpu.memory_space<hbm>>
      %dma_start3A_57 = arith.constant 0 : i32
      %dma_start3A_58 = tpu.memref_slice %arg4[%add3A_26, %dma_start3A_57] : memref<2560x128xi32, #tpu.memory_space<hbm>> -> memref<40x128xi32, #tpu.memory_space<hbm>>
      tpu.enqueue_dma source(%dma_start3A_58 : memref<40x128xi32, #tpu.memory_space<hbm>>) target(%arg8 : memref<40x128xi32, #tpu.memory_space<vmem>>) target_semaphore(%run_scoped3A : memref<!tpu.dma_semaphore, #tpu.memory_space<semaphore_mem>>)
      %dma_wait3A = arith.constant 0 : i32
      %dma_wait3A_59 = tpu.memref_slice %arg4[%add3A_26, %dma_wait3A] : memref<2560x128xi32, #tpu.memory_space<hbm>> -> memref<40x128xi32, #tpu.memory_space<hbm>>
      %dma_wait3A_60 = arith.constant 0 : i32
      %dma_wait3A_61 = tpu.memref_slice %arg4[%add3A_26, %dma_wait3A_60] : memref<2560x128xi32, #tpu.memory_space<hbm>> -> memref<40x128xi32, #tpu.memory_space<hbm>>
      tpu.wait_dma2 semaphore(%run_scoped3A : memref<!tpu.dma_semaphore, #tpu.memory_space<semaphore_mem>>) src(%dma_wait3A_61 : memref<40x128xi32, #tpu.memory_space<hbm>>) dst(%arg8 : memref<40x128xi32, #tpu.memory_space<vmem>>)
      tpu.yield
    }) : () -> ()
    %dma_start3A_27 = arith.constant 0 : i32
    %dma_start3A_28 = arith.constant 0 : i32
    %dma_start3A_29 = tpu.memref_slice %arg7[%dma_start3A_27, %dma_start3A_28] : memref<40x128xi32, #tpu.memory_space<vmem>> -> memref<1x128xi32, #tpu.memory_space<vmem>>
    %dma_start3A_30 = tpu.memref_squeeze %dma_start3A_29 : memref<1x128xi32, #tpu.memory_space<vmem>> -> memref<128xi32, #tpu.memory_space<vmem>>
    %dma_start3A_31 = arith.constant 0 : i32
    %dma_start3A_32 = arith.constant 0 : i32
    %dma_start3A_33 = tpu.memref_slice %arg2[%dma_start3A_31, %dma_start3A_32] : memref<10000x128xf32, #tpu.memory_space<hbm>> -> memref<10000x128xf32, #tpu.memory_space<hbm>>
    tpu.enqueue_indirect_dma source(%dma_start3A_33 : memref<10000x128xf32, #tpu.memory_space<hbm>>) target(%arg9 : memref<128x128xf32, #tpu.memory_space<vmem>>) offsets(%dma_start3A_30 : memref<128xi32, #tpu.memory_space<vmem>>) semaphore(%arg12 : memref<!tpu.dma_semaphore, #tpu.memory_space<semaphore_mem>>)
    %dma_start3A_34 = arith.constant 1 : i32
    %dma_start3A_35 = arith.constant 0 : i32
    %dma_start3A_36 = tpu.memref_slice %arg7[%dma_start3A_34, %dma_start3A_35] : memref<40x128xi32, #tpu.memory_space<vmem>> -> memref<1x128xi32, #tpu.memory_space<vmem>>
    %dma_start3A_37 = tpu.memref_squeeze %dma_start3A_36 : memref<1x128xi32, #tpu.memory_space<vmem>> -> memref<128xi32, #tpu.memory_space<vmem>>
    %dma_start3A_38 = arith.constant 0 : i32
    %dma_start3A_39 = arith.constant 0 : i32
    %dma_start3A_40 = tpu.memref_slice %arg2[%dma_start3A_38, %dma_start3A_39] : memref<10000x128xf32, #tpu.memory_space<hbm>> -> memref<10000x128xf32, #tpu.memory_space<hbm>>
    tpu.enqueue_indirect_dma source(%dma_start3A_40 : memref<10000x128xf32, #tpu.memory_space<hbm>>) target(%arg10 : memref<128x128xf32, #tpu.memory_space<vmem>>) offsets(%dma_start3A_37 : memref<128xi32, #tpu.memory_space<vmem>>) semaphore(%arg13 : memref<!tpu.dma_semaphore, #tpu.memory_space<semaphore_mem>>)
    %scan3A_41 = arith.constant 0 : i32
    %scan3A_42 = arith.constant 0 : i32
    %scan3A_43 = arith.constant 20 : i32
    %scan3A_44 = arith.addi %scan3A_42, %scan3A_43 : i32
    %scan3A_45 = arith.constant 1 : i32
    scf.for %scan3A_55 = %scan3A_42 to %scan3A_44 step %scan3A_45  : i32 {
      %mul3A_56 = arith.constant 2 : i32
      %mul3A_57 = arith.muli %mul3A_56, %scan3A_55 : i32
      %add3A_58 = arith.constant 0 : i32
      %add3A_59 = arith.addi %mul3A_57, %add3A_58 : i32
      %dma_wait3A = arith.constant 0 : i32
      %dma_wait3A_60 = tpu.memref_slice %arg7[%add3A_59, %dma_wait3A] : memref<40x128xi32, #tpu.memory_space<vmem>> -> memref<1x128xi32, #tpu.memory_space<vmem>>
      %dma_wait3A_61 = tpu.memref_squeeze %dma_wait3A_60 : memref<1x128xi32, #tpu.memory_space<vmem>> -> memref<128xi32, #tpu.memory_space<vmem>>
      %dma_wait3A_62 = arith.constant 0 : i32
      %dma_wait3A_63 = arith.constant 0 : i32
      %dma_wait3A_64 = tpu.memref_slice %arg2[%dma_wait3A_62, %dma_wait3A_63] : memref<10000x128xf32, #tpu.memory_space<hbm>> -> memref<10000x128xf32, #tpu.memory_space<hbm>>
      tpu.wait_indirect_dma semaphore(%arg12 : memref<!tpu.dma_semaphore, #tpu.memory_space<semaphore_mem>>) src(%dma_wait3A_64 : memref<10000x128xf32, #tpu.memory_space<hbm>>) dst(%arg9 : memref<128x128xf32, #tpu.memory_space<vmem>>)
      "tpu.region"() ({
        %run_scoped3A = tpu.sem_alloc : memref<!tpu.dma_semaphore, #tpu.memory_space<semaphore_mem>>
        %dma_start3A_88 = arith.constant 0 : i32
        %dma_start3A_89 = tpu.memref_slice %arg8[%add3A_59, %dma_start3A_88] : memref<40x128xi32, #tpu.memory_space<vmem>> -> memref<1x128xi32, #tpu.memory_space<vmem>>
        %dma_start3A_90 = tpu.memref_squeeze %dma_start3A_89 : memref<1x128xi32, #tpu.memory_space<vmem>> -> memref<128xi32, #tpu.memory_space<vmem>>
        %dma_start3A_91 = arith.constant 0 : i32
        %dma_start3A_92 = arith.constant 0 : i32
        %dma_start3A_93 = tpu.memref_slice %arg11[%dma_start3A_91, %dma_start3A_92] : memref<10240x128xf32, #tpu.memory_space<vmem_shared>> -> memref<10240x128xf32, #tpu.memory_space<vmem_shared>>
        tpu.enqueue_indirect_dma source(%arg9 : memref<128x128xf32, #tpu.memory_space<vmem>>) target(%dma_start3A_93 : memref<10240x128xf32, #tpu.memory_space<vmem_shared>>) offsets(%dma_start3A_90 : memref<128xi32, #tpu.memory_space<vmem>>) semaphore(%run_scoped3A : memref<!tpu.dma_semaphore, #tpu.memory_space<semaphore_mem>>) {add = true}
        %dma_wait3A_94 = arith.constant 0 : i32
        %dma_wait3A_95 = tpu.memref_slice %arg8[%add3A_59, %dma_wait3A_94] : memref<40x128xi32, #tpu.memory_space<vmem>> -> memref<1x128xi32, #tpu.memory_space<vmem>>
        %dma_wait3A_96 = tpu.memref_squeeze %dma_wait3A_95 : memref<1x128xi32, #tpu.memory_space<vmem>> -> memref<128xi32, #tpu.memory_space<vmem>>
        %dma_wait3A_97 = arith.constant 0 : i32
        %dma_wait3A_98 = arith.constant 0 : i32
        %dma_wait3A_99 = tpu.memref_slice %arg11[%dma_wait3A_97, %dma_wait3A_98] : memref<10240x128xf32, #tpu.memory_space<vmem_shared>> -> memref<10240x128xf32, #tpu.memory_space<vmem_shared>>
        tpu.wait_indirect_dma semaphore(%run_scoped3A : memref<!tpu.dma_semaphore, #tpu.memory_space<semaphore_mem>>) src(%arg9 : memref<128x128xf32, #tpu.memory_space<vmem>>) dst(%dma_wait3A_99 : memref<10240x128xf32, #tpu.memory_space<vmem_shared>>)
        tpu.yield
      }) : () -> ()
      %add3A_65 = arith.constant 2 : i32
      %add3A_66 = arith.addi %add3A_59, %add3A_65 : i32
      %lt3A = arith.constant 40 : i32
      %lt3A_67 = arith.cmpi slt, %add3A_66, %lt3A : i32
      %convert_element_type3A_68 = arith.extui %lt3A_67 : i1 to i32
      %cond3A_69 = arith.constant 0 : i32
      %cond3A_70 = arith.cmpi ne, %convert_element_type3A_68, %cond3A_69 : i32
      scf.if %cond3A_70 {
        %add3A_88 = arith.constant 2 : i32
        %add3A_89 = arith.addi %add3A_59, %add3A_88 : i32
        %dma_start3A_90 = arith.constant 0 : i32
        %dma_start3A_91 = tpu.memref_slice %arg7[%add3A_89, %dma_start3A_90] : memref<40x128xi32, #tpu.memory_space<vmem>> -> memref<1x128xi32, #tpu.memory_space<vmem>>
        %dma_start3A_92 = tpu.memref_squeeze %dma_start3A_91 : memref<1x128xi32, #tpu.memory_space<vmem>> -> memref<128xi32, #tpu.memory_space<vmem>>
        %dma_start3A_93 = arith.constant 0 : i32
        %dma_start3A_94 = arith.constant 0 : i32
        %dma_start3A_95 = tpu.memref_slice %arg2[%dma_start3A_93, %dma_start3A_94] : memref<10000x128xf32, #tpu.memory_space<hbm>> -> memref<10000x128xf32, #tpu.memory_space<hbm>>
        tpu.enqueue_indirect_dma source(%dma_start3A_95 : memref<10000x128xf32, #tpu.memory_space<hbm>>) target(%arg9 : memref<128x128xf32, #tpu.memory_space<vmem>>) offsets(%dma_start3A_92 : memref<128xi32, #tpu.memory_space<vmem>>) semaphore(%arg12 : memref<!tpu.dma_semaphore, #tpu.memory_space<semaphore_mem>>)
      } else {
      }
      %mul3A_71 = arith.constant 2 : i32
      %mul3A_72 = arith.muli %mul3A_71, %scan3A_55 : i32
      %add3A_73 = arith.constant 1 : i32
      %add3A_74 = arith.addi %mul3A_72, %add3A_73 : i32
      %dma_wait3A_75 = arith.constant 0 : i32
      %dma_wait3A_76 = tpu.memref_slice %arg7[%add3A_74, %dma_wait3A_75] : memref<40x128xi32, #tpu.memory_space<vmem>> -> memref<1x128xi32, #tpu.memory_space<vmem>>
      %dma_wait3A_77 = tpu.memref_squeeze %dma_wait3A_76 : memref<1x128xi32, #tpu.memory_space<vmem>> -> memref<128xi32, #tpu.memory_space<vmem>>
      %dma_wait3A_78 = arith.constant 0 : i32
      %dma_wait3A_79 = arith.constant 0 : i32
      %dma_wait3A_80 = tpu.memref_slice %arg2[%dma_wait3A_78, %dma_wait3A_79] : memref<10000x128xf32, #tpu.memory_space<hbm>> -> memref<10000x128xf32, #tpu.memory_space<hbm>>
      tpu.wait_indirect_dma semaphore(%arg13 : memref<!tpu.dma_semaphore, #tpu.memory_space<semaphore_mem>>) src(%dma_wait3A_80 : memref<10000x128xf32, #tpu.memory_space<hbm>>) dst(%arg10 : memref<128x128xf32, #tpu.memory_space<vmem>>)
      "tpu.region"() ({
        %run_scoped3A = tpu.sem_alloc : memref<!tpu.dma_semaphore, #tpu.memory_space<semaphore_mem>>
        %dma_start3A_88 = arith.constant 0 : i32
        %dma_start3A_89 = tpu.memref_slice %arg8[%add3A_74, %dma_start3A_88] : memref<40x128xi32, #tpu.memory_space<vmem>> -> memref<1x128xi32, #tpu.memory_space<vmem>>
        %dma_start3A_90 = tpu.memref_squeeze %dma_start3A_89 : memref<1x128xi32, #tpu.memory_space<vmem>> -> memref<128xi32, #tpu.memory_space<vmem>>
        %dma_start3A_91 = arith.constant 0 : i32
        %dma_start3A_92 = arith.constant 0 : i32
        %dma_start3A_93 = tpu.memref_slice %arg11[%dma_start3A_91, %dma_start3A_92] : memref<10240x128xf32, #tpu.memory_space<vmem_shared>> -> memref<10240x128xf32, #tpu.memory_space<vmem_shared>>
        tpu.enqueue_indirect_dma source(%arg10 : memref<128x128xf32, #tpu.memory_space<vmem>>) target(%dma_start3A_93 : memref<10240x128xf32, #tpu.memory_space<vmem_shared>>) offsets(%dma_start3A_90 : memref<128xi32, #tpu.memory_space<vmem>>) semaphore(%run_scoped3A : memref<!tpu.dma_semaphore, #tpu.memory_space<semaphore_mem>>) {add = true}
        %dma_wait3A_94 = arith.constant 0 : i32
        %dma_wait3A_95 = tpu.memref_slice %arg8[%add3A_74, %dma_wait3A_94] : memref<40x128xi32, #tpu.memory_space<vmem>> -> memref<1x128xi32, #tpu.memory_space<vmem>>
        %dma_wait3A_96 = tpu.memref_squeeze %dma_wait3A_95 : memref<1x128xi32, #tpu.memory_space<vmem>> -> memref<128xi32, #tpu.memory_space<vmem>>
        %dma_wait3A_97 = arith.constant 0 : i32
        %dma_wait3A_98 = arith.constant 0 : i32
        %dma_wait3A_99 = tpu.memref_slice %arg11[%dma_wait3A_97, %dma_wait3A_98] : memref<10240x128xf32, #tpu.memory_space<vmem_shared>> -> memref<10240x128xf32, #tpu.memory_space<vmem_shared>>
        tpu.wait_indirect_dma semaphore(%run_scoped3A : memref<!tpu.dma_semaphore, #tpu.memory_space<semaphore_mem>>) src(%arg10 : memref<128x128xf32, #tpu.memory_space<vmem>>) dst(%dma_wait3A_99 : memref<10240x128xf32, #tpu.memory_space<vmem_shared>>)
        tpu.yield
      }) : () -> ()
      %add3A_81 = arith.constant 2 : i32
      %add3A_82 = arith.addi %add3A_74, %add3A_81 : i32
      %lt3A_83 = arith.constant 40 : i32
      %lt3A_84 = arith.cmpi slt, %add3A_82, %lt3A_83 : i32
      %convert_element_type3A_85 = arith.extui %lt3A_84 : i1 to i32
      %cond3A_86 = arith.constant 0 : i32
      %cond3A_87 = arith.cmpi ne, %convert_element_type3A_85, %cond3A_86 : i32
      scf.if %cond3A_87 {
        %add3A_88 = arith.constant 2 : i32
        %add3A_89 = arith.addi %add3A_74, %add3A_88 : i32
        %dma_start3A_90 = arith.constant 0 : i32
        %dma_start3A_91 = tpu.memref_slice %arg7[%add3A_89, %dma_start3A_90] : memref<40x128xi32, #tpu.memory_space<vmem>> -> memref<1x128xi32, #tpu.memory_space<vmem>>
        %dma_start3A_92 = tpu.memref_squeeze %dma_start3A_91 : memref<1x128xi32, #tpu.memory_space<vmem>> -> memref<128xi32, #tpu.memory_space<vmem>>
        %dma_start3A_93 = arith.constant 0 : i32
        %dma_start3A_94 = arith.constant 0 : i32
        %dma_start3A_95 = tpu.memref_slice %arg2[%dma_start3A_93, %dma_start3A_94] : memref<10000x128xf32, #tpu.memory_space<hbm>> -> memref<10000x128xf32, #tpu.memory_space<hbm>>
        tpu.enqueue_indirect_dma source(%dma_start3A_95 : memref<10000x128xf32, #tpu.memory_space<hbm>>) target(%arg10 : memref<128x128xf32, #tpu.memory_space<vmem>>) offsets(%dma_start3A_92 : memref<128xi32, #tpu.memory_space<vmem>>) semaphore(%arg13 : memref<!tpu.dma_semaphore, #tpu.memory_space<semaphore_mem>>)
      } else {
      }
    }
    %scan3A_46 = arith.constant 20 : i32
    %barrier3A_47 = arith.constant 0 : index
    tpu.barrier barrier_id(%barrier3A_47)
    %eq3A = arith.constant 0 : i32
    %eq3A_48 = arith.cmpi eq, %arg0, %eq3A : i32
    %convert_element_type3A = arith.extui %eq3A_48 : i1 to i32
    %cond3A = arith.constant 0 : i32
    %cond3A_49 = arith.cmpi ne, %convert_element_type3A, %cond3A : i32
    scf.if %cond3A_49 {
      %run_scoped3A = arith.constant 0 : i32
      "tpu.region"() ({
        %run_scoped3A_55 = tpu.sem_alloc : memref<!tpu.dma_semaphore, #tpu.memory_space<semaphore_mem>>
        %dma_start3A_56 = arith.constant 0 : i32
        %dma_start3A_57 = tpu.memref_slice %arg6[%run_scoped3A, %mul3A_2, %dma_start3A_56] : memref<2x10240x128xf32, #tpu.memory_space<hbm>> -> memref<1x640x128xf32, #tpu.memory_space<hbm>>
        %dma_start3A_58 = tpu.memref_squeeze %dma_start3A_57 : memref<1x640x128xf32, #tpu.memory_space<hbm>> -> memref<640x128xf32, #tpu.memory_space<hbm>>
        %dma_start3A_59 = arith.constant 0 : i32
        %dma_start3A_60 = tpu.memref_slice %arg11[%mul3A_2, %dma_start3A_59] : memref<10240x128xf32, #tpu.memory_space<vmem_shared>> -> memref<640x128xf32, #tpu.memory_space<vmem_shared>>
        tpu.enqueue_dma source(%dma_start3A_60 : memref<640x128xf32, #tpu.memory_space<vmem_shared>>) target(%dma_start3A_58 : memref<640x128xf32, #tpu.memory_space<hbm>>) target_semaphore(%run_scoped3A_55 : memref<!tpu.dma_semaphore, #tpu.memory_space<semaphore_mem>>)
        %dma_wait3A = arith.constant 0 : i32
        %dma_wait3A_61 = tpu.memref_slice %arg6[%run_scoped3A, %mul3A_2, %dma_wait3A] : memref<2x10240x128xf32, #tpu.memory_space<hbm>> -> memref<1x640x128xf32, #tpu.memory_space<hbm>>
        %dma_wait3A_62 = tpu.memref_squeeze %dma_wait3A_61 : memref<1x640x128xf32, #tpu.memory_space<hbm>> -> memref<640x128xf32, #tpu.memory_space<hbm>>
        %dma_wait3A_63 = arith.constant 0 : i32
        %dma_wait3A_64 = tpu.memref_slice %arg11[%mul3A_2, %dma_wait3A_63] : memref<10240x128xf32, #tpu.memory_space<vmem_shared>> -> memref<640x128xf32, #tpu.memory_space<vmem_shared>>
        tpu.wait_dma2 semaphore(%run_scoped3A_55 : memref<!tpu.dma_semaphore, #tpu.memory_space<semaphore_mem>>) src(%dma_wait3A_64 : memref<640x128xf32, #tpu.memory_space<vmem_shared>>) dst(%dma_wait3A_62 : memref<640x128xf32, #tpu.memory_space<hbm>>)
        tpu.yield
      }) : () -> ()
    } else {
    }
    %eq3A_50 = arith.constant 1 : i32
    %eq3A_51 = arith.cmpi eq, %arg0, %eq3A_50 : i32
    %convert_element_type3A_52 = arith.extui %eq3A_51 : i1 to i32
    %cond3A_53 = arith.constant 0 : i32
    %cond3A_54 = arith.cmpi ne, %convert_element_type3A_52, %cond3A_53 : i32
    scf.if %cond3A_54 {
      %run_scoped3A = arith.constant 1 : i32
      "tpu.region"() ({
        %run_scoped3A_55 = tpu.sem_alloc : memref<!tpu.dma_semaphore, #tpu.memory_space<semaphore_mem>>
        %dma_start3A_56 = arith.constant 0 : i32
        %dma_start3A_57 = tpu.memref_slice %arg6[%run_scoped3A, %mul3A_2, %dma_start3A_56] : memref<2x10240x128xf32, #tpu.memory_space<hbm>> -> memref<1x640x128xf32, #tpu.memory_space<hbm>>
        %dma_start3A_58 = tpu.memref_squeeze %dma_start3A_57 : memref<1x640x128xf32, #tpu.memory_space<hbm>> -> memref<640x128xf32, #tpu.memory_space<hbm>>
        %dma_start3A_59 = arith.constant 0 : i32
        %dma_start3A_60 = tpu.memref_slice %arg11[%mul3A_2, %dma_start3A_59] : memref<10240x128xf32, #tpu.memory_space<vmem_shared>> -> memref<640x128xf32, #tpu.memory_space<vmem_shared>>
        tpu.enqueue_dma source(%dma_start3A_60 : memref<640x128xf32, #tpu.memory_space<vmem_shared>>) target(%dma_start3A_58 : memref<640x128xf32, #tpu.memory_space<hbm>>) target_semaphore(%run_scoped3A_55 : memref<!tpu.dma_semaphore, #tpu.memory_space<semaphore_mem>>)
        %dma_wait3A = arith.constant 0 : i32
        %dma_wait3A_61 = tpu.memref_slice %arg6[%run_scoped3A, %mul3A_2, %dma_wait3A] : memref<2x10240x128xf32, #tpu.memory_space<hbm>> -> memref<1x640x128xf32, #tpu.memory_space<hbm>>
        %dma_wait3A_62 = tpu.memref_squeeze %dma_wait3A_61 : memref<1x640x128xf32, #tpu.memory_space<hbm>> -> memref<640x128xf32, #tpu.memory_space<hbm>>
        %dma_wait3A_63 = arith.constant 0 : i32
        %dma_wait3A_64 = tpu.memref_slice %arg11[%mul3A_2, %dma_wait3A_63] : memref<10240x128xf32, #tpu.memory_space<vmem_shared>> -> memref<640x128xf32, #tpu.memory_space<vmem_shared>>
        tpu.wait_dma2 semaphore(%run_scoped3A_55 : memref<!tpu.dma_semaphore, #tpu.memory_space<semaphore_mem>>) src(%dma_wait3A_64 : memref<640x128xf32, #tpu.memory_space<vmem_shared>>) dst(%dma_wait3A_62 : memref<640x128xf32, #tpu.memory_space<hbm>>)
        tpu.yield
      }) : () -> ()
    } else {
    }
    return
  }
}

#map = affine_map<(d0, d1) -> (0, 0)>
#map1 = affine_map<(d0, d1) -> (0, 0, 0)>
module attributes {stable_mosaic.version = 14 : i64} {
  func.func @k(%arg0: i32, %arg1: i32, %arg2: memref<10000x128xf32, #tpu.memory_space<hbm>>, %arg3: memref<2560x128xi32, #tpu.memory_space<hbm>>, %arg4: memref<2560x128xi32, #tpu.memory_space<hbm>>, %arg5: memref<640x128xf32, #tpu.memory_space<hbm>>, %arg6: memref<2x10240x128xf32, #tpu.memory_space<hbm>>, %arg7: memref<40x128xi32, #tpu.memory_space<vmem>>, %arg8: memref<40x128xi32, #tpu.memory_space<vmem>>, %arg9: memref<128x128xf32, #tpu.memory_space<vmem>>, %arg10: memref<128x128xf32, #tpu.memory_space<vmem>>, %arg11: memref<10240x128xf32, #tpu.memory_space<vmem_shared>>, %arg12: memref<!tpu.dma_semaphore, #tpu.memory_space<semaphore_mem>>, %arg13: memref<!tpu.dma_semaphore, #tpu.memory_space<semaphore_mem>>) attributes {dimension_semantics = [#tpu.dimension_semantics<core_parallel>, #tpu.dimension_semantics<subcore_parallel>], iteration_bounds = array<i64: 2, 16>, scalar_prefetch = 0 : i64, scratch_operands = 7 : i64, tpu.core_type = #tpu.core_type<sc_vector_subcore>, window_params = [{transform_indices = #map}, {transform_indices = #map}, {transform_indices = #map}, {transform_indices = #map}, {transform_indices = #map1}]} {
    %mul3A = arith.constant 2 : i32
    %mul3A_0 = arith.muli %arg1, %mul3A : i32
    %add3A = arith.addi %mul3A_0, %arg0 : i32
    %mul3A_1 = arith.constant 640 : i32
    %mul3A_2 = arith.muli %arg1, %mul3A_1 : i32
    "tpu.region"() ({
      %run_scoped3A = tpu.sem_alloc : memref<!tpu.dma_semaphore, #tpu.memory_space<semaphore_mem>>
      %dma_start3A_55 = arith.constant 0 : i32
      %dma_start3A_56 = tpu.memref_slice %arg11[%mul3A_2, %dma_start3A_55] : memref<10240x128xf32, #tpu.memory_space<vmem_shared>> -> memref<640x128xf32, #tpu.memory_space<vmem_shared>>
      tpu.enqueue_dma source(%arg5 : memref<640x128xf32, #tpu.memory_space<hbm>>) target(%dma_start3A_56 : memref<640x128xf32, #tpu.memory_space<vmem_shared>>) target_semaphore(%run_scoped3A : memref<!tpu.dma_semaphore, #tpu.memory_space<semaphore_mem>>)
      %dma_wait3A = arith.constant 0 : i32
      %dma_wait3A_57 = tpu.memref_slice %arg11[%mul3A_2, %dma_wait3A] : memref<10240x128xf32, #tpu.memory_space<vmem_shared>> -> memref<640x128xf32, #tpu.memory_space<vmem_shared>>
      tpu.wait_dma2 semaphore(%run_scoped3A : memref<!tpu.dma_semaphore, #tpu.memory_space<semaphore_mem>>) src(%arg5 : memref<640x128xf32, #tpu.memory_space<hbm>>) dst(%dma_wait3A_57 : memref<640x128xf32, #tpu.memory_space<vmem_shared>>)
      tpu.yield
    }) : () -> ()
    %mul3A_3 = arith.constant 80 : i32
    %mul3A_4 = arith.muli %add3A, %mul3A_3 : i32
    %barrier3A = arith.constant 0 : index
    tpu.barrier barrier_id(%barrier3A)
    %add3A_5 = arith.constant 0 : i32
    %add3A_6 = arith.addi %mul3A_4, %add3A_5 : i32
    "tpu.region"() ({
      %run_scoped3A = tpu.sem_alloc : memref<!tpu.dma_semaphore, #tpu.memory_space<semaphore_mem>>
      %dma_start3A_55 = arith.constant 0 : i32
      %dma_start3A_56 = tpu.memref_slice %arg3[%add3A_6, %dma_start3A_55] : memref<2560x128xi32, #tpu.memory_space<hbm>> -> memref<40x128xi32, #tpu.memory_space<hbm>>
      %dma_start3A_57 = arith.constant 0 : i32
      %dma_start3A_58 = tpu.memref_slice %arg3[%add3A_6, %dma_start3A_57] : memref<2560x128xi32, #tpu.memory_space<hbm>> -> memref<40x128xi32, #tpu.memory_space<hbm>>
      tpu.enqueue_dma source(%dma_start3A_58 : memref<40x128xi32, #tpu.memory_space<hbm>>) target(%arg7 : memref<40x128xi32, #tpu.memory_space<vmem>>) target_semaphore(%run_scoped3A : memref<!tpu.dma_semaphore, #tpu.memory_space<semaphore_mem>>)
      %dma_wait3A = arith.constant 0 : i32
      %dma_wait3A_59 = tpu.memref_slice %arg3[%add3A_6, %dma_wait3A] : memref<2560x128xi32, #tpu.memory_space<hbm>> -> memref<40x128xi32, #tpu.memory_space<hbm>>
      %dma_wait3A_60 = arith.constant 0 : i32
      %dma_wait3A_61 = tpu.memref_slice %arg3[%add3A_6, %dma_wait3A_60] : memref<2560x128xi32, #tpu.memory_space<hbm>> -> memref<40x128xi32, #tpu.memory_space<hbm>>
      tpu.wait_dma2 semaphore(%run_scoped3A : memref<!tpu.dma_semaphore, #tpu.memory_space<semaphore_mem>>) src(%dma_wait3A_61 : memref<40x128xi32, #tpu.memory_space<hbm>>) dst(%arg7 : memref<40x128xi32, #tpu.memory_space<vmem>>)
      tpu.yield
    }) : () -> ()
    "tpu.region"() ({
      %run_scoped3A = tpu.sem_alloc : memref<!tpu.dma_semaphore, #tpu.memory_space<semaphore_mem>>
      %dma_start3A_55 = arith.constant 0 : i32
      %dma_start3A_56 = tpu.memref_slice %arg4[%add3A_6, %dma_start3A_55] : memref<2560x128xi32, #tpu.memory_space<hbm>> -> memref<40x128xi32, #tpu.memory_space<hbm>>
      %dma_start3A_57 = arith.constant 0 : i32
      %dma_start3A_58 = tpu.memref_slice %arg4[%add3A_6, %dma_start3A_57] : memref<2560x128xi32, #tpu.memory_space<hbm>> -> memref<40x128xi32, #tpu.memory_space<hbm>>
      tpu.enqueue_dma source(%dma_start3A_58 : memref<40x128xi32, #tpu.memory_space<hbm>>) target(%arg8 : memref<40x128xi32, #tpu.memory_space<vmem>>) target_semaphore(%run_scoped3A : memref<!tpu.dma_semaphore, #tpu.memory_space<semaphore_mem>>)
      %dma_wait3A = arith.constant 0 : i32
      %dma_wait3A_59 = tpu.memref_slice %arg4[%add3A_6, %dma_wait3A] : memref<2560x128xi32, #tpu.memory_space<hbm>> -> memref<40x128xi32, #tpu.memory_space<hbm>>
      %dma_wait3A_60 = arith.constant 0 : i32
      %dma_wait3A_61 = tpu.memref_slice %arg4[%add3A_6, %dma_wait3A_60] : memref<2560x128xi32, #tpu.memory_space<hbm>> -> memref<40x128xi32, #tpu.memory_space<hbm>>
      tpu.wait_dma2 semaphore(%run_scoped3A : memref<!tpu.dma_semaphore, #tpu.memory_space<semaphore_mem>>) src(%dma_wait3A_61 : memref<40x128xi32, #tpu.memory_space<hbm>>) dst(%arg8 : memref<40x128xi32, #tpu.memory_space<vmem>>)
      tpu.yield
    }) : () -> ()
    %dma_start3A = arith.constant 0 : i32
    %dma_start3A_7 = arith.constant 0 : i32
    %dma_start3A_8 = tpu.memref_slice %arg7[%dma_start3A, %dma_start3A_7] : memref<40x128xi32, #tpu.memory_space<vmem>> -> memref<1x128xi32, #tpu.memory_space<vmem>>
    %dma_start3A_9 = tpu.memref_squeeze %dma_start3A_8 : memref<1x128xi32, #tpu.memory_space<vmem>> -> memref<128xi32, #tpu.memory_space<vmem>>
    %dma_start3A_10 = arith.constant 0 : i32
    %dma_start3A_11 = arith.constant 0 : i32
    %dma_start3A_12 = tpu.memref_slice %arg2[%dma_start3A_10, %dma_start3A_11] : memref<10000x128xf32, #tpu.memory_space<hbm>> -> memref<10000x128xf32, #tpu.memory_space<hbm>>
    tpu.enqueue_indirect_dma source(%dma_start3A_12 : memref<10000x128xf32, #tpu.memory_space<hbm>>) target(%arg9 : memref<128x128xf32, #tpu.memory_space<vmem>>) offsets(%dma_start3A_9 : memref<128xi32, #tpu.memory_space<vmem>>) semaphore(%arg12 : memref<!tpu.dma_semaphore, #tpu.memory_space<semaphore_mem>>)
    %dma_start3A_13 = arith.constant 1 : i32
    %dma_start3A_14 = arith.constant 0 : i32
    %dma_start3A_15 = tpu.memref_slice %arg7[%dma_start3A_13, %dma_start3A_14] : memref<40x128xi32, #tpu.memory_space<vmem>> -> memref<1x128xi32, #tpu.memory_space<vmem>>
    %dma_start3A_16 = tpu.memref_squeeze %dma_start3A_15 : memref<1x128xi32, #tpu.memory_space<vmem>> -> memref<128xi32, #tpu.memory_space<vmem>>
    %dma_start3A_17 = arith.constant 0 : i32
    %dma_start3A_18 = arith.constant 0 : i32
    %dma_start3A_19 = tpu.memref_slice %arg2[%dma_start3A_17, %dma_start3A_18] : memref<10000x128xf32, #tpu.memory_space<hbm>> -> memref<10000x128xf32, #tpu.memory_space<hbm>>
    tpu.enqueue_indirect_dma source(%dma_start3A_19 : memref<10000x128xf32, #tpu.memory_space<hbm>>) target(%arg10 : memref<128x128xf32, #tpu.memory_space<vmem>>) offsets(%dma_start3A_16 : memref<128xi32, #tpu.memory_space<vmem>>) semaphore(%arg13 : memref<!tpu.dma_semaphore, #tpu.memory_space<semaphore_mem>>)
    %scan3A = arith.constant 0 : i32
    %scan3A_20 = arith.constant 0 : i32
    %scan3A_21 = arith.constant 20 : i32
    %scan3A_22 = arith.addi %scan3A_20, %scan3A_21 : i32
    %scan3A_23 = arith.constant 1 : i32
    scf.for %scan3A_55 = %scan3A_20 to %scan3A_22 step %scan3A_23  : i32 {
      %mul3A_56 = arith.constant 2 : i32
      %mul3A_57 = arith.muli %mul3A_56, %scan3A_55 : i32
      %add3A_58 = arith.constant 0 : i32
      %add3A_59 = arith.addi %mul3A_57, %add3A_58 : i32
      %dma_wait3A = arith.constant 0 : i32
      %dma_wait3A_60 = tpu.memref_slice %arg7[%add3A_59, %dma_wait3A] : memref<40x128xi32, #tpu.memory_space<vmem>> -> memref<1x128xi32, #tpu.memory_space<vmem>>
      %dma_wait3A_61 = tpu.memref_squeeze %dma_wait3A_60 : memref<1x128xi32, #tpu.memory_space<vmem>> -> memref<128xi32, #tpu.memory_space<vmem>>
      %dma_wait3A_62 = arith.constant 0 : i32
      %dma_wait3A_63 = arith.constant 0 : i32
      %dma_wait3A_64 = tpu.memref_slice %arg2[%dma_wait3A_62, %dma_wait3A_63] : memref<10000x128xf32, #tpu.memory_space<hbm>> -> memref<10000x128xf32, #tpu.memory_space<hbm>>
      tpu.wait_indirect_dma semaphore(%arg12 : memref<!tpu.dma_semaphore, #tpu.memory_space<semaphore_mem>>) src(%dma_wait3A_64 : memref<10000x128xf32, #tpu.memory_space<hbm>>) dst(%arg9 : memref<128x128xf32, #tpu.memory_space<vmem>>)
      "tpu.region"() ({
        %run_scoped3A = tpu.sem_alloc : memref<!tpu.dma_semaphore, #tpu.memory_space<semaphore_mem>>
        %dma_start3A_88 = arith.constant 0 : i32
        %dma_start3A_89 = tpu.memref_slice %arg8[%add3A_59, %dma_start3A_88] : memref<40x128xi32, #tpu.memory_space<vmem>> -> memref<1x128xi32, #tpu.memory_space<vmem>>
        %dma_start3A_90 = tpu.memref_squeeze %dma_start3A_89 : memref<1x128xi32, #tpu.memory_space<vmem>> -> memref<128xi32, #tpu.memory_space<vmem>>
        %dma_start3A_91 = arith.constant 0 : i32
        %dma_start3A_92 = arith.constant 0 : i32
        %dma_start3A_93 = tpu.memref_slice %arg11[%dma_start3A_91, %dma_start3A_92] : memref<10240x128xf32, #tpu.memory_space<vmem_shared>> -> memref<10240x128xf32, #tpu.memory_space<vmem_shared>>
        tpu.enqueue_indirect_dma source(%arg9 : memref<128x128xf32, #tpu.memory_space<vmem>>) target(%dma_start3A_93 : memref<10240x128xf32, #tpu.memory_space<vmem_shared>>) offsets(%dma_start3A_90 : memref<128xi32, #tpu.memory_space<vmem>>) semaphore(%run_scoped3A : memref<!tpu.dma_semaphore, #tpu.memory_space<semaphore_mem>>) {add = true}
        %dma_wait3A_94 = arith.constant 0 : i32
        %dma_wait3A_95 = tpu.memref_slice %arg8[%add3A_59, %dma_wait3A_94] : memref<40x128xi32, #tpu.memory_space<vmem>> -> memref<1x128xi32, #tpu.memory_space<vmem>>
        %dma_wait3A_96 = tpu.memref_squeeze %dma_wait3A_95 : memref<1x128xi32, #tpu.memory_space<vmem>> -> memref<128xi32, #tpu.memory_space<vmem>>
        %dma_wait3A_97 = arith.constant 0 : i32
        %dma_wait3A_98 = arith.constant 0 : i32
        %dma_wait3A_99 = tpu.memref_slice %arg11[%dma_wait3A_97, %dma_wait3A_98] : memref<10240x128xf32, #tpu.memory_space<vmem_shared>> -> memref<10240x128xf32, #tpu.memory_space<vmem_shared>>
        tpu.wait_indirect_dma semaphore(%run_scoped3A : memref<!tpu.dma_semaphore, #tpu.memory_space<semaphore_mem>>) src(%arg9 : memref<128x128xf32, #tpu.memory_space<vmem>>) dst(%dma_wait3A_99 : memref<10240x128xf32, #tpu.memory_space<vmem_shared>>)
        tpu.yield
      }) : () -> ()
      %add3A_65 = arith.constant 2 : i32
      %add3A_66 = arith.addi %add3A_59, %add3A_65 : i32
      %lt3A = arith.constant 40 : i32
      %lt3A_67 = arith.cmpi slt, %add3A_66, %lt3A : i32
      %convert_element_type3A_68 = arith.extui %lt3A_67 : i1 to i32
      %cond3A_69 = arith.constant 0 : i32
      %cond3A_70 = arith.cmpi ne, %convert_element_type3A_68, %cond3A_69 : i32
      scf.if %cond3A_70 {
        %add3A_88 = arith.constant 2 : i32
        %add3A_89 = arith.addi %add3A_59, %add3A_88 : i32
        %dma_start3A_90 = arith.constant 0 : i32
        %dma_start3A_91 = tpu.memref_slice %arg7[%add3A_89, %dma_start3A_90] : memref<40x128xi32, #tpu.memory_space<vmem>> -> memref<1x128xi32, #tpu.memory_space<vmem>>
        %dma_start3A_92 = tpu.memref_squeeze %dma_start3A_91 : memref<1x128xi32, #tpu.memory_space<vmem>> -> memref<128xi32, #tpu.memory_space<vmem>>
        %dma_start3A_93 = arith.constant 0 : i32
        %dma_start3A_94 = arith.constant 0 : i32
        %dma_start3A_95 = tpu.memref_slice %arg2[%dma_start3A_93, %dma_start3A_94] : memref<10000x128xf32, #tpu.memory_space<hbm>> -> memref<10000x128xf32, #tpu.memory_space<hbm>>
        tpu.enqueue_indirect_dma source(%dma_start3A_95 : memref<10000x128xf32, #tpu.memory_space<hbm>>) target(%arg9 : memref<128x128xf32, #tpu.memory_space<vmem>>) offsets(%dma_start3A_92 : memref<128xi32, #tpu.memory_space<vmem>>) semaphore(%arg12 : memref<!tpu.dma_semaphore, #tpu.memory_space<semaphore_mem>>)
      } else {
      }
      %mul3A_71 = arith.constant 2 : i32
      %mul3A_72 = arith.muli %mul3A_71, %scan3A_55 : i32
      %add3A_73 = arith.constant 1 : i32
      %add3A_74 = arith.addi %mul3A_72, %add3A_73 : i32
      %dma_wait3A_75 = arith.constant 0 : i32
      %dma_wait3A_76 = tpu.memref_slice %arg7[%add3A_74, %dma_wait3A_75] : memref<40x128xi32, #tpu.memory_space<vmem>> -> memref<1x128xi32, #tpu.memory_space<vmem>>
      %dma_wait3A_77 = tpu.memref_squeeze %dma_wait3A_76 : memref<1x128xi32, #tpu.memory_space<vmem>> -> memref<128xi32, #tpu.memory_space<vmem>>
      %dma_wait3A_78 = arith.constant 0 : i32
      %dma_wait3A_79 = arith.constant 0 : i32
      %dma_wait3A_80 = tpu.memref_slice %arg2[%dma_wait3A_78, %dma_wait3A_79] : memref<10000x128xf32, #tpu.memory_space<hbm>> -> memref<10000x128xf32, #tpu.memory_space<hbm>>
      tpu.wait_indirect_dma semaphore(%arg13 : memref<!tpu.dma_semaphore, #tpu.memory_space<semaphore_mem>>) src(%dma_wait3A_80 : memref<10000x128xf32, #tpu.memory_space<hbm>>) dst(%arg10 : memref<128x128xf32, #tpu.memory_space<vmem>>)
      "tpu.region"() ({
        %run_scoped3A = tpu.sem_alloc : memref<!tpu.dma_semaphore, #tpu.memory_space<semaphore_mem>>
        %dma_start3A_88 = arith.constant 0 : i32
        %dma_start3A_89 = tpu.memref_slice %arg8[%add3A_74, %dma_start3A_88] : memref<40x128xi32, #tpu.memory_space<vmem>> -> memref<1x128xi32, #tpu.memory_space<vmem>>
        %dma_start3A_90 = tpu.memref_squeeze %dma_start3A_89 : memref<1x128xi32, #tpu.memory_space<vmem>> -> memref<128xi32, #tpu.memory_space<vmem>>
        %dma_start3A_91 = arith.constant 0 : i32
        %dma_start3A_92 = arith.constant 0 : i32
        %dma_start3A_93 = tpu.memref_slice %arg11[%dma_start3A_91, %dma_start3A_92] : memref<10240x128xf32, #tpu.memory_space<vmem_shared>> -> memref<10240x128xf32, #tpu.memory_space<vmem_shared>>
        tpu.enqueue_indirect_dma source(%arg10 : memref<128x128xf32, #tpu.memory_space<vmem>>) target(%dma_start3A_93 : memref<10240x128xf32, #tpu.memory_space<vmem_shared>>) offsets(%dma_start3A_90 : memref<128xi32, #tpu.memory_space<vmem>>) semaphore(%run_scoped3A : memref<!tpu.dma_semaphore, #tpu.memory_space<semaphore_mem>>) {add = true}
        %dma_wait3A_94 = arith.constant 0 : i32
        %dma_wait3A_95 = tpu.memref_slice %arg8[%add3A_74, %dma_wait3A_94] : memref<40x128xi32, #tpu.memory_space<vmem>> -> memref<1x128xi32, #tpu.memory_space<vmem>>
        %dma_wait3A_96 = tpu.memref_squeeze %dma_wait3A_95 : memref<1x128xi32, #tpu.memory_space<vmem>> -> memref<128xi32, #tpu.memory_space<vmem>>
        %dma_wait3A_97 = arith.constant 0 : i32
        %dma_wait3A_98 = arith.constant 0 : i32
        %dma_wait3A_99 = tpu.memref_slice %arg11[%dma_wait3A_97, %dma_wait3A_98] : memref<10240x128xf32, #tpu.memory_space<vmem_shared>> -> memref<10240x128xf32, #tpu.memory_space<vmem_shared>>
        tpu.wait_indirect_dma semaphore(%run_scoped3A : memref<!tpu.dma_semaphore, #tpu.memory_space<semaphore_mem>>) src(%arg10 : memref<128x128xf32, #tpu.memory_space<vmem>>) dst(%dma_wait3A_99 : memref<10240x128xf32, #tpu.memory_space<vmem_shared>>)
        tpu.yield
      }) : () -> ()
      %add3A_81 = arith.constant 2 : i32
      %add3A_82 = arith.addi %add3A_74, %add3A_81 : i32
      %lt3A_83 = arith.constant 40 : i32
      %lt3A_84 = arith.cmpi slt, %add3A_82, %lt3A_83 : i32
      %convert_element_type3A_85 = arith.extui %lt3A_84 : i1 to i32
      %cond3A_86 = arith.constant 0 : i32
      %cond3A_87 = arith.cmpi ne, %convert_element_type3A_85, %cond3A_86 : i32
      scf.if %cond3A_87 {
        %add3A_88 = arith.constant 2 : i32
        %add3A_89 = arith.addi %add3A_74, %add3A_88 : i32
        %dma_start3A_90 = arith.constant 0 : i32
        %dma_start3A_91 = tpu.memref_slice %arg7[%add3A_89, %dma_start3A_90] : memref<40x128xi32, #tpu.memory_space<vmem>> -> memref<1x128xi32, #tpu.memory_space<vmem>>
        %dma_start3A_92 = tpu.memref_squeeze %dma_start3A_91 : memref<1x128xi32, #tpu.memory_space<vmem>> -> memref<128xi32, #tpu.memory_space<vmem>>
        %dma_start3A_93 = arith.constant 0 : i32
        %dma_start3A_94 = arith.constant 0 : i32
        %dma_start3A_95 = tpu.memref_slice %arg2[%dma_start3A_93, %dma_start3A_94] : memref<10000x128xf32, #tpu.memory_space<hbm>> -> memref<10000x128xf32, #tpu.memory_space<hbm>>
        tpu.enqueue_indirect_dma source(%dma_start3A_95 : memref<10000x128xf32, #tpu.memory_space<hbm>>) target(%arg10 : memref<128x128xf32, #tpu.memory_space<vmem>>) offsets(%dma_start3A_92 : memref<128xi32, #tpu.memory_space<vmem>>) semaphore(%arg13 : memref<!tpu.dma_semaphore, #tpu.memory_space<semaphore_mem>>)
      } else {
      }
    }
    %scan3A_24 = arith.constant 20 : i32
    %add3A_25 = arith.constant 40 : i32
    %add3A_26 = arith.addi %mul3A_4, %add3A_25 : i32
    "tpu.region"() ({
      %run_scoped3A = tpu.sem_alloc : memref<!tpu.dma_semaphore, #tpu.memory_space<semaphore_mem>>
      %dma_start3A_55 = arith.constant 0 : i32
      %dma_start3A_56 = tpu.memref_slice %arg3[%add3A_26, %dma_start3A_55] : memref<2560x128xi32, #tpu.memory_space<hbm>> -> memref<40x128xi32, #tpu.memory_space<hbm>>
      %dma_start3A_57 = arith.constant 0 : i32
      %dma_start3A_58 = tpu.memref_slice %arg3[%add3A_26, %dma_start3A_57] : memref<2560x128xi32, #tpu.memory_space<hbm>> -> memref<40x128xi32, #tpu.memory_space<hbm>>
      tpu.enqueue_dma source(%dma_start3A_58 : memref<40x128xi32, #tpu.memory_space<hbm>>) target(%arg7 : memref<40x128xi32, #tpu.memory_space<vmem>>) target_semaphore(%run_scoped3A : memref<!tpu.dma_semaphore, #tpu.memory_space<semaphore_mem>>)
      %dma_wait3A = arith.constant 0 : i32
      %dma_wait3A_59 = tpu.memref_slice %arg3[%add3A_26, %dma_wait3A] : memref<2560x128xi32, #tpu.memory_space<hbm>> -> memref<40x128xi32, #tpu.memory_space<hbm>>
      %dma_wait3A_60 = arith.constant 0 : i32
      %dma_wait3A_61 = tpu.memref_slice %arg3[%add3A_26, %dma_wait3A_60] : memref<2560x128xi32, #tpu.memory_space<hbm>> -> memref<40x128xi32, #tpu.memory_space<hbm>>
      tpu.wait_dma2 semaphore(%run_scoped3A : memref<!tpu.dma_semaphore, #tpu.memory_space<semaphore_mem>>) src(%dma_wait3A_61 : memref<40x128xi32, #tpu.memory_space<hbm>>) dst(%arg7 : memref<40x128xi32, #tpu.memory_space<vmem>>)
      tpu.yield
    }) : () -> ()
    "tpu.region"() ({
      %run_scoped3A = tpu.sem_alloc : memref<!tpu.dma_semaphore, #tpu.memory_space<semaphore_mem>>
      %dma_start3A_55 = arith.constant 0 : i32
      %dma_start3A_56 = tpu.memref_slice %arg4[%add3A_26, %dma_start3A_55] : memref<2560x128xi32, #tpu.memory_space<hbm>> -> memref<40x128xi32, #tpu.memory_space<hbm>>
      %dma_start3A_57 = arith.constant 0 : i32
      %dma_start3A_58 = tpu.memref_slice %arg4[%add3A_26, %dma_start3A_57] : memref<2560x128xi32, #tpu.memory_space<hbm>> -> memref<40x128xi32, #tpu.memory_space<hbm>>
      tpu.enqueue_dma source(%dma_start3A_58 : memref<40x128xi32, #tpu.memory_space<hbm>>) target(%arg8 : memref<40x128xi32, #tpu.memory_space<vmem>>) target_semaphore(%run_scoped3A : memref<!tpu.dma_semaphore, #tpu.memory_space<semaphore_mem>>)
      %dma_wait3A = arith.constant 0 : i32
      %dma_wait3A_59 = tpu.memref_slice %arg4[%add3A_26, %dma_wait3A] : memref<2560x128xi32, #tpu.memory_space<hbm>> -> memref<40x128xi32, #tpu.memory_space<hbm>>
      %dma_wait3A_60 = arith.constant 0 : i32
      %dma_wait3A_61 = tpu.memref_slice %arg4[%add3A_26, %dma_wait3A_60] : memref<2560x128xi32, #tpu.memory_space<hbm>> -> memref<40x128xi32, #tpu.memory_space<hbm>>
      tpu.wait_dma2 semaphore(%run_scoped3A : memref<!tpu.dma_semaphore, #tpu.memory_space<semaphore_mem>>) src(%dma_wait3A_61 : memref<40x128xi32, #tpu.memory_space<hbm>>) dst(%arg8 : memref<40x128xi32, #tpu.memory_space<vmem>>)
      tpu.yield
    }) : () -> ()
    %dma_start3A_27 = arith.constant 0 : i32
    %dma_start3A_28 = arith.constant 0 : i32
    %dma_start3A_29 = tpu.memref_slice %arg7[%dma_start3A_27, %dma_start3A_28] : memref<40x128xi32, #tpu.memory_space<vmem>> -> memref<1x128xi32, #tpu.memory_space<vmem>>
    %dma_start3A_30 = tpu.memref_squeeze %dma_start3A_29 : memref<1x128xi32, #tpu.memory_space<vmem>> -> memref<128xi32, #tpu.memory_space<vmem>>
    %dma_start3A_31 = arith.constant 0 : i32
    %dma_start3A_32 = arith.constant 0 : i32
    %dma_start3A_33 = tpu.memref_slice %arg2[%dma_start3A_31, %dma_start3A_32] : memref<10000x128xf32, #tpu.memory_space<hbm>> -> memref<10000x128xf32, #tpu.memory_space<hbm>>
    tpu.enqueue_indirect_dma source(%dma_start3A_33 : memref<10000x128xf32, #tpu.memory_space<hbm>>) target(%arg9 : memref<128x128xf32, #tpu.memory_space<vmem>>) offsets(%dma_start3A_30 : memref<128xi32, #tpu.memory_space<vmem>>) semaphore(%arg12 : memref<!tpu.dma_semaphore, #tpu.memory_space<semaphore_mem>>)
    %dma_start3A_34 = arith.constant 1 : i32
    %dma_start3A_35 = arith.constant 0 : i32
    %dma_start3A_36 = tpu.memref_slice %arg7[%dma_start3A_34, %dma_start3A_35] : memref<40x128xi32, #tpu.memory_space<vmem>> -> memref<1x128xi32, #tpu.memory_space<vmem>>
    %dma_start3A_37 = tpu.memref_squeeze %dma_start3A_36 : memref<1x128xi32, #tpu.memory_space<vmem>> -> memref<128xi32, #tpu.memory_space<vmem>>
    %dma_start3A_38 = arith.constant 0 : i32
    %dma_start3A_39 = arith.constant 0 : i32
    %dma_start3A_40 = tpu.memref_slice %arg2[%dma_start3A_38, %dma_start3A_39] : memref<10000x128xf32, #tpu.memory_space<hbm>> -> memref<10000x128xf32, #tpu.memory_space<hbm>>
    tpu.enqueue_indirect_dma source(%dma_start3A_40 : memref<10000x128xf32, #tpu.memory_space<hbm>>) target(%arg10 : memref<128x128xf32, #tpu.memory_space<vmem>>) offsets(%dma_start3A_37 : memref<128xi32, #tpu.memory_space<vmem>>) semaphore(%arg13 : memref<!tpu.dma_semaphore, #tpu.memory_space<semaphore_mem>>)
    %scan3A_41 = arith.constant 0 : i32
    %scan3A_42 = arith.constant 0 : i32
    %scan3A_43 = arith.constant 20 : i32
    %scan3A_44 = arith.addi %scan3A_42, %scan3A_43 : i32
    %scan3A_45 = arith.constant 1 : i32
    scf.for %scan3A_55 = %scan3A_42 to %scan3A_44 step %scan3A_45  : i32 {
      %mul3A_56 = arith.constant 2 : i32
      %mul3A_57 = arith.muli %mul3A_56, %scan3A_55 : i32
      %add3A_58 = arith.constant 0 : i32
      %add3A_59 = arith.addi %mul3A_57, %add3A_58 : i32
      %dma_wait3A = arith.constant 0 : i32
      %dma_wait3A_60 = tpu.memref_slice %arg7[%add3A_59, %dma_wait3A] : memref<40x128xi32, #tpu.memory_space<vmem>> -> memref<1x128xi32, #tpu.memory_space<vmem>>
      %dma_wait3A_61 = tpu.memref_squeeze %dma_wait3A_60 : memref<1x128xi32, #tpu.memory_space<vmem>> -> memref<128xi32, #tpu.memory_space<vmem>>
      %dma_wait3A_62 = arith.constant 0 : i32
      %dma_wait3A_63 = arith.constant 0 : i32
      %dma_wait3A_64 = tpu.memref_slice %arg2[%dma_wait3A_62, %dma_wait3A_63] : memref<10000x128xf32, #tpu.memory_space<hbm>> -> memref<10000x128xf32, #tpu.memory_space<hbm>>
      tpu.wait_indirect_dma semaphore(%arg12 : memref<!tpu.dma_semaphore, #tpu.memory_space<semaphore_mem>>) src(%dma_wait3A_64 : memref<10000x128xf32, #tpu.memory_space<hbm>>) dst(%arg9 : memref<128x128xf32, #tpu.memory_space<vmem>>)
      "tpu.region"() ({
        %run_scoped3A = tpu.sem_alloc : memref<!tpu.dma_semaphore, #tpu.memory_space<semaphore_mem>>
        %dma_start3A_88 = arith.constant 0 : i32
        %dma_start3A_89 = tpu.memref_slice %arg8[%add3A_59, %dma_start3A_88] : memref<40x128xi32, #tpu.memory_space<vmem>> -> memref<1x128xi32, #tpu.memory_space<vmem>>
        %dma_start3A_90 = tpu.memref_squeeze %dma_start3A_89 : memref<1x128xi32, #tpu.memory_space<vmem>> -> memref<128xi32, #tpu.memory_space<vmem>>
        %dma_start3A_91 = arith.constant 0 : i32
        %dma_start3A_92 = arith.constant 0 : i32
        %dma_start3A_93 = tpu.memref_slice %arg11[%dma_start3A_91, %dma_start3A_92] : memref<10240x128xf32, #tpu.memory_space<vmem_shared>> -> memref<10240x128xf32, #tpu.memory_space<vmem_shared>>
        tpu.enqueue_indirect_dma source(%arg9 : memref<128x128xf32, #tpu.memory_space<vmem>>) target(%dma_start3A_93 : memref<10240x128xf32, #tpu.memory_space<vmem_shared>>) offsets(%dma_start3A_90 : memref<128xi32, #tpu.memory_space<vmem>>) semaphore(%run_scoped3A : memref<!tpu.dma_semaphore, #tpu.memory_space<semaphore_mem>>) {add = true}
        %dma_wait3A_94 = arith.constant 0 : i32
        %dma_wait3A_95 = tpu.memref_slice %arg8[%add3A_59, %dma_wait3A_94] : memref<40x128xi32, #tpu.memory_space<vmem>> -> memref<1x128xi32, #tpu.memory_space<vmem>>
        %dma_wait3A_96 = tpu.memref_squeeze %dma_wait3A_95 : memref<1x128xi32, #tpu.memory_space<vmem>> -> memref<128xi32, #tpu.memory_space<vmem>>
        %dma_wait3A_97 = arith.constant 0 : i32
        %dma_wait3A_98 = arith.constant 0 : i32
        %dma_wait3A_99 = tpu.memref_slice %arg11[%dma_wait3A_97, %dma_wait3A_98] : memref<10240x128xf32, #tpu.memory_space<vmem_shared>> -> memref<10240x128xf32, #tpu.memory_space<vmem_shared>>
        tpu.wait_indirect_dma semaphore(%run_scoped3A : memref<!tpu.dma_semaphore, #tpu.memory_space<semaphore_mem>>) src(%arg9 : memref<128x128xf32, #tpu.memory_space<vmem>>) dst(%dma_wait3A_99 : memref<10240x128xf32, #tpu.memory_space<vmem_shared>>)
        tpu.yield
      }) : () -> ()
      %add3A_65 = arith.constant 2 : i32
      %add3A_66 = arith.addi %add3A_59, %add3A_65 : i32
      %lt3A = arith.constant 40 : i32
      %lt3A_67 = arith.cmpi slt, %add3A_66, %lt3A : i32
      %convert_element_type3A_68 = arith.extui %lt3A_67 : i1 to i32
      %cond3A_69 = arith.constant 0 : i32
      %cond3A_70 = arith.cmpi ne, %convert_element_type3A_68, %cond3A_69 : i32
      scf.if %cond3A_70 {
        %add3A_88 = arith.constant 2 : i32
        %add3A_89 = arith.addi %add3A_59, %add3A_88 : i32
        %dma_start3A_90 = arith.constant 0 : i32
        %dma_start3A_91 = tpu.memref_slice %arg7[%add3A_89, %dma_start3A_90] : memref<40x128xi32, #tpu.memory_space<vmem>> -> memref<1x128xi32, #tpu.memory_space<vmem>>
        %dma_start3A_92 = tpu.memref_squeeze %dma_start3A_91 : memref<1x128xi32, #tpu.memory_space<vmem>> -> memref<128xi32, #tpu.memory_space<vmem>>
        %dma_start3A_93 = arith.constant 0 : i32
        %dma_start3A_94 = arith.constant 0 : i32
        %dma_start3A_95 = tpu.memref_slice %arg2[%dma_start3A_93, %dma_start3A_94] : memref<10000x128xf32, #tpu.memory_space<hbm>> -> memref<10000x128xf32, #tpu.memory_space<hbm>>
        tpu.enqueue_indirect_dma source(%dma_start3A_95 : memref<10000x128xf32, #tpu.memory_space<hbm>>) target(%arg9 : memref<128x128xf32, #tpu.memory_space<vmem>>) offsets(%dma_start3A_92 : memref<128xi32, #tpu.memory_space<vmem>>) semaphore(%arg12 : memref<!tpu.dma_semaphore, #tpu.memory_space<semaphore_mem>>)
      } else {
      }
      %mul3A_71 = arith.constant 2 : i32
      %mul3A_72 = arith.muli %mul3A_71, %scan3A_55 : i32
      %add3A_73 = arith.constant 1 : i32
      %add3A_74 = arith.addi %mul3A_72, %add3A_73 : i32
      %dma_wait3A_75 = arith.constant 0 : i32
      %dma_wait3A_76 = tpu.memref_slice %arg7[%add3A_74, %dma_wait3A_75] : memref<40x128xi32, #tpu.memory_space<vmem>> -> memref<1x128xi32, #tpu.memory_space<vmem>>
      %dma_wait3A_77 = tpu.memref_squeeze %dma_wait3A_76 : memref<1x128xi32, #tpu.memory_space<vmem>> -> memref<128xi32, #tpu.memory_space<vmem>>
      %dma_wait3A_78 = arith.constant 0 : i32
      %dma_wait3A_79 = arith.constant 0 : i32
      %dma_wait3A_80 = tpu.memref_slice %arg2[%dma_wait3A_78, %dma_wait3A_79] : memref<10000x128xf32, #tpu.memory_space<hbm>> -> memref<10000x128xf32, #tpu.memory_space<hbm>>
      tpu.wait_indirect_dma semaphore(%arg13 : memref<!tpu.dma_semaphore, #tpu.memory_space<semaphore_mem>>) src(%dma_wait3A_80 : memref<10000x128xf32, #tpu.memory_space<hbm>>) dst(%arg10 : memref<128x128xf32, #tpu.memory_space<vmem>>)
      "tpu.region"() ({
        %run_scoped3A = tpu.sem_alloc : memref<!tpu.dma_semaphore, #tpu.memory_space<semaphore_mem>>
        %dma_start3A_88 = arith.constant 0 : i32
        %dma_start3A_89 = tpu.memref_slice %arg8[%add3A_74, %dma_start3A_88] : memref<40x128xi32, #tpu.memory_space<vmem>> -> memref<1x128xi32, #tpu.memory_space<vmem>>
        %dma_start3A_90 = tpu.memref_squeeze %dma_start3A_89 : memref<1x128xi32, #tpu.memory_space<vmem>> -> memref<128xi32, #tpu.memory_space<vmem>>
        %dma_start3A_91 = arith.constant 0 : i32
        %dma_start3A_92 = arith.constant 0 : i32
        %dma_start3A_93 = tpu.memref_slice %arg11[%dma_start3A_91, %dma_start3A_92] : memref<10240x128xf32, #tpu.memory_space<vmem_shared>> -> memref<10240x128xf32, #tpu.memory_space<vmem_shared>>
        tpu.enqueue_indirect_dma source(%arg10 : memref<128x128xf32, #tpu.memory_space<vmem>>) target(%dma_start3A_93 : memref<10240x128xf32, #tpu.memory_space<vmem_shared>>) offsets(%dma_start3A_90 : memref<128xi32, #tpu.memory_space<vmem>>) semaphore(%run_scoped3A : memref<!tpu.dma_semaphore, #tpu.memory_space<semaphore_mem>>) {add = true}
        %dma_wait3A_94 = arith.constant 0 : i32
        %dma_wait3A_95 = tpu.memref_slice %arg8[%add3A_74, %dma_wait3A_94] : memref<40x128xi32, #tpu.memory_space<vmem>> -> memref<1x128xi32, #tpu.memory_space<vmem>>
        %dma_wait3A_96 = tpu.memref_squeeze %dma_wait3A_95 : memref<1x128xi32, #tpu.memory_space<vmem>> -> memref<128xi32, #tpu.memory_space<vmem>>
        %dma_wait3A_97 = arith.constant 0 : i32
        %dma_wait3A_98 = arith.constant 0 : i32
        %dma_wait3A_99 = tpu.memref_slice %arg11[%dma_wait3A_97, %dma_wait3A_98] : memref<10240x128xf32, #tpu.memory_space<vmem_shared>> -> memref<10240x128xf32, #tpu.memory_space<vmem_shared>>
        tpu.wait_indirect_dma semaphore(%run_scoped3A : memref<!tpu.dma_semaphore, #tpu.memory_space<semaphore_mem>>) src(%arg10 : memref<128x128xf32, #tpu.memory_space<vmem>>) dst(%dma_wait3A_99 : memref<10240x128xf32, #tpu.memory_space<vmem_shared>>)
        tpu.yield
      }) : () -> ()
      %add3A_81 = arith.constant 2 : i32
      %add3A_82 = arith.addi %add3A_74, %add3A_81 : i32
      %lt3A_83 = arith.constant 40 : i32
      %lt3A_84 = arith.cmpi slt, %add3A_82, %lt3A_83 : i32
      %convert_element_type3A_85 = arith.extui %lt3A_84 : i1 to i32
      %cond3A_86 = arith.constant 0 : i32
      %cond3A_87 = arith.cmpi ne, %convert_element_type3A_85, %cond3A_86 : i32
      scf.if %cond3A_87 {
        %add3A_88 = arith.constant 2 : i32
        %add3A_89 = arith.addi %add3A_74, %add3A_88 : i32
        %dma_start3A_90 = arith.constant 0 : i32
        %dma_start3A_91 = tpu.memref_slice %arg7[%add3A_89, %dma_start3A_90] : memref<40x128xi32, #tpu.memory_space<vmem>> -> memref<1x128xi32, #tpu.memory_space<vmem>>
        %dma_start3A_92 = tpu.memref_squeeze %dma_start3A_91 : memref<1x128xi32, #tpu.memory_space<vmem>> -> memref<128xi32, #tpu.memory_space<vmem>>
        %dma_start3A_93 = arith.constant 0 : i32
        %dma_start3A_94 = arith.constant 0 : i32
        %dma_start3A_95 = tpu.memref_slice %arg2[%dma_start3A_93, %dma_start3A_94] : memref<10000x128xf32, #tpu.memory_space<hbm>> -> memref<10000x128xf32, #tpu.memory_space<hbm>>
        tpu.enqueue_indirect_dma source(%dma_start3A_95 : memref<10000x128xf32, #tpu.memory_space<hbm>>) target(%arg10 : memref<128x128xf32, #tpu.memory_space<vmem>>) offsets(%dma_start3A_92 : memref<128xi32, #tpu.memory_space<vmem>>) semaphore(%arg13 : memref<!tpu.dma_semaphore, #tpu.memory_space<semaphore_mem>>)
      } else {
      }
    }
    %scan3A_46 = arith.constant 20 : i32
    %barrier3A_47 = arith.constant 0 : index
    tpu.barrier barrier_id(%barrier3A_47)
    %eq3A = arith.constant 0 : i32
    %eq3A_48 = arith.cmpi eq, %arg0, %eq3A : i32
    %convert_element_type3A = arith.extui %eq3A_48 : i1 to i32
    %cond3A = arith.constant 0 : i32
    %cond3A_49 = arith.cmpi ne, %convert_element_type3A, %cond3A : i32
    scf.if %cond3A_49 {
      %run_scoped3A = arith.constant 0 : i32
      "tpu.region"() ({
        %run_scoped3A_55 = tpu.sem_alloc : memref<!tpu.dma_semaphore, #tpu.memory_space<semaphore_mem>>
        %dma_start3A_56 = arith.constant 0 : i32
        %dma_start3A_57 = tpu.memref_slice %arg6[%run_scoped3A, %mul3A_2, %dma_start3A_56] : memref<2x10240x128xf32, #tpu.memory_space<hbm>> -> memref<1x640x128xf32, #tpu.memory_space<hbm>>
        %dma_start3A_58 = tpu.memref_squeeze %dma_start3A_57 : memref<1x640x128xf32, #tpu.memory_space<hbm>> -> memref<640x128xf32, #tpu.memory_space<hbm>>
        %dma_start3A_59 = arith.constant 0 : i32
        %dma_start3A_60 = tpu.memref_slice %arg11[%mul3A_2, %dma_start3A_59] : memref<10240x128xf32, #tpu.memory_space<vmem_shared>> -> memref<640x128xf32, #tpu.memory_space<vmem_shared>>
        tpu.enqueue_dma source(%dma_start3A_60 : memref<640x128xf32, #tpu.memory_space<vmem_shared>>) target(%dma_start3A_58 : memref<640x128xf32, #tpu.memory_space<hbm>>) target_semaphore(%run_scoped3A_55 : memref<!tpu.dma_semaphore, #tpu.memory_space<semaphore_mem>>)
        %dma_wait3A = arith.constant 0 : i32
        %dma_wait3A_61 = tpu.memref_slice %arg6[%run_scoped3A, %mul3A_2, %dma_wait3A] : memref<2x10240x128xf32, #tpu.memory_space<hbm>> -> memref<1x640x128xf32, #tpu.memory_space<hbm>>
        %dma_wait3A_62 = tpu.memref_squeeze %dma_wait3A_61 : memref<1x640x128xf32, #tpu.memory_space<hbm>> -> memref<640x128xf32, #tpu.memory_space<hbm>>
        %dma_wait3A_63 = arith.constant 0 : i32
        %dma_wait3A_64 = tpu.memref_slice %arg11[%mul3A_2, %dma_wait3A_63] : memref<10240x128xf32, #tpu.memory_space<vmem_shared>> -> memref<640x128xf32, #tpu.memory_space<vmem_shared>>
        tpu.wait_dma2 semaphore(%run_scoped3A_55 : memref<!tpu.dma_semaphore, #tpu.memory_space<semaphore_mem>>) src(%dma_wait3A_64 : memref<640x128xf32, #tpu.memory_space<vmem_shared>>) dst(%dma_wait3A_62 : memref<640x128xf32, #tpu.memory_space<hbm>>)
        tpu.yield
      }) : () -> ()
    } else {
    }
    %eq3A_50 = arith.constant 1 : i32
    %eq3A_51 = arith.cmpi eq, %arg0, %eq3A_50 : i32
    %convert_element_type3A_52 = arith.extui %eq3A_51 : i1 to i32
    %cond3A_53 = arith.constant 0 : i32
    %cond3A_54 = arith.cmpi ne, %convert_element_type3A_52, %cond3A_53 : i32
    scf.if %cond3A_54 {
      %run_scoped3A = arith.constant 1 : i32
      "tpu.region"() ({
        %run_scoped3A_55 = tpu.sem_alloc : memref<!tpu.dma_semaphore, #tpu.memory_space<semaphore_mem>>
        %dma_start3A_56 = arith.constant 0 : i32
        %dma_start3A_57 = tpu.memref_slice %arg6[%run_scoped3A, %mul3A_2, %dma_start3A_56] : memref<2x10240x128xf32, #tpu.memory_space<hbm>> -> memref<1x640x128xf32, #tpu.memory_space<hbm>>
        %dma_start3A_58 = tpu.memref_squeeze %dma_start3A_57 : memref<1x640x128xf32, #tpu.memory_space<hbm>> -> memref<640x128xf32, #tpu.memory_space<hbm>>
        %dma_start3A_59 = arith.constant 0 : i32
        %dma_start3A_60 = tpu.memref_slice %arg11[%mul3A_2, %dma_start3A_59] : memref<10240x128xf32, #tpu.memory_space<vmem_shared>> -> memref<640x128xf32, #tpu.memory_space<vmem_shared>>
        tpu.enqueue_dma source(%dma_start3A_60 : memref<640x128xf32, #tpu.memory_space<vmem_shared>>) target(%dma_start3A_58 : memref<640x128xf32, #tpu.memory_space<hbm>>) target_semaphore(%run_scoped3A_55 : memref<!tpu.dma_semaphore, #tpu.memory_space<semaphore_mem>>)
        %dma_wait3A = arith.constant 0 : i32
        %dma_wait3A_61 = tpu.memref_slice %arg6[%run_scoped3A, %mul3A_2, %dma_wait3A] : memref<2x10240x128xf32, #tpu.memory_space<hbm>> -> memref<1x640x128xf32, #tpu.memory_space<hbm>>
        %dma_wait3A_62 = tpu.memref_squeeze %dma_wait3A_61 : memref<1x640x128xf32, #tpu.memory_space<hbm>> -> memref<640x128xf32, #tpu.memory_space<hbm>>
        %dma_wait3A_63 = arith.constant 0 : i32
        %dma_wait3A_64 = tpu.memref_slice %arg11[%mul3A_2, %dma_wait3A_63] : memref<10240x128xf32, #tpu.memory_space<vmem_shared>> -> memref<640x128xf32, #tpu.memory_space<vmem_shared>>
        tpu.wait_dma2 semaphore(%run_scoped3A_55 : memref<!tpu.dma_semaphore, #tpu.memory_space<semaphore_mem>>) src(%dma_wait3A_64 : memref<640x128xf32, #tpu.memory_space<vmem_shared>>) dst(%dma_wait3A_62 : memref<640x128xf32, #tpu.memory_space<hbm>>)
        tpu.yield
      }) : () -> ()
    } else {
    }
    return
  }
}

#map = affine_map<(d0, d1) -> (0, 0)>
#map1 = affine_map<(d0, d1) -> (0, 0, 0)>
module attributes {stable_mosaic.version = 14 : i64} {
  func.func @k(%arg0: i32, %arg1: i32, %arg2: memref<10000x128xf32, #tpu.memory_space<hbm>>, %arg3: memref<2560x128xi32, #tpu.memory_space<hbm>>, %arg4: memref<2560x128xi32, #tpu.memory_space<hbm>>, %arg5: memref<640x128xf32, #tpu.memory_space<hbm>>, %arg6: memref<2x10240x128xf32, #tpu.memory_space<hbm>>, %arg7: memref<40x128xi32, #tpu.memory_space<vmem>>, %arg8: memref<40x128xi32, #tpu.memory_space<vmem>>, %arg9: memref<128x128xf32, #tpu.memory_space<vmem>>, %arg10: memref<128x128xf32, #tpu.memory_space<vmem>>, %arg11: memref<10240x128xf32, #tpu.memory_space<vmem_shared>>, %arg12: memref<!tpu.dma_semaphore, #tpu.memory_space<semaphore_mem>>, %arg13: memref<!tpu.dma_semaphore, #tpu.memory_space<semaphore_mem>>) attributes {dimension_semantics = [#tpu.dimension_semantics<core_parallel>, #tpu.dimension_semantics<subcore_parallel>], iteration_bounds = array<i64: 2, 16>, scalar_prefetch = 0 : i64, scratch_operands = 7 : i64, tpu.core_type = #tpu.core_type<sc_vector_subcore>, window_params = [{transform_indices = #map}, {transform_indices = #map}, {transform_indices = #map}, {transform_indices = #map}, {transform_indices = #map1}]} {
    %mul3A = arith.constant 2 : i32
    %mul3A_0 = arith.muli %arg1, %mul3A : i32
    %add3A = arith.addi %mul3A_0, %arg0 : i32
    %mul3A_1 = arith.constant 640 : i32
    %mul3A_2 = arith.muli %arg1, %mul3A_1 : i32
    "tpu.region"() ({
      %run_scoped3A = tpu.sem_alloc : memref<!tpu.dma_semaphore, #tpu.memory_space<semaphore_mem>>
      %dma_start3A_55 = arith.constant 0 : i32
      %dma_start3A_56 = tpu.memref_slice %arg11[%mul3A_2, %dma_start3A_55] : memref<10240x128xf32, #tpu.memory_space<vmem_shared>> -> memref<640x128xf32, #tpu.memory_space<vmem_shared>>
      tpu.enqueue_dma source(%arg5 : memref<640x128xf32, #tpu.memory_space<hbm>>) target(%dma_start3A_56 : memref<640x128xf32, #tpu.memory_space<vmem_shared>>) target_semaphore(%run_scoped3A : memref<!tpu.dma_semaphore, #tpu.memory_space<semaphore_mem>>)
      %dma_wait3A = arith.constant 0 : i32
      %dma_wait3A_57 = tpu.memref_slice %arg11[%mul3A_2, %dma_wait3A] : memref<10240x128xf32, #tpu.memory_space<vmem_shared>> -> memref<640x128xf32, #tpu.memory_space<vmem_shared>>
      tpu.wait_dma2 semaphore(%run_scoped3A : memref<!tpu.dma_semaphore, #tpu.memory_space<semaphore_mem>>) src(%arg5 : memref<640x128xf32, #tpu.memory_space<hbm>>) dst(%dma_wait3A_57 : memref<640x128xf32, #tpu.memory_space<vmem_shared>>)
      tpu.yield
    }) : () -> ()
    %mul3A_3 = arith.constant 80 : i32
    %mul3A_4 = arith.muli %add3A, %mul3A_3 : i32
    %barrier3A = arith.constant 0 : index
    tpu.barrier barrier_id(%barrier3A)
    %add3A_5 = arith.constant 0 : i32
    %add3A_6 = arith.addi %mul3A_4, %add3A_5 : i32
    "tpu.region"() ({
      %run_scoped3A = tpu.sem_alloc : memref<!tpu.dma_semaphore, #tpu.memory_space<semaphore_mem>>
      %dma_start3A_55 = arith.constant 0 : i32
      %dma_start3A_56 = tpu.memref_slice %arg3[%add3A_6, %dma_start3A_55] : memref<2560x128xi32, #tpu.memory_space<hbm>> -> memref<40x128xi32, #tpu.memory_space<hbm>>
      %dma_start3A_57 = arith.constant 0 : i32
      %dma_start3A_58 = tpu.memref_slice %arg3[%add3A_6, %dma_start3A_57] : memref<2560x128xi32, #tpu.memory_space<hbm>> -> memref<40x128xi32, #tpu.memory_space<hbm>>
      tpu.enqueue_dma source(%dma_start3A_58 : memref<40x128xi32, #tpu.memory_space<hbm>>) target(%arg7 : memref<40x128xi32, #tpu.memory_space<vmem>>) target_semaphore(%run_scoped3A : memref<!tpu.dma_semaphore, #tpu.memory_space<semaphore_mem>>)
      %dma_wait3A = arith.constant 0 : i32
      %dma_wait3A_59 = tpu.memref_slice %arg3[%add3A_6, %dma_wait3A] : memref<2560x128xi32, #tpu.memory_space<hbm>> -> memref<40x128xi32, #tpu.memory_space<hbm>>
      %dma_wait3A_60 = arith.constant 0 : i32
      %dma_wait3A_61 = tpu.memref_slice %arg3[%add3A_6, %dma_wait3A_60] : memref<2560x128xi32, #tpu.memory_space<hbm>> -> memref<40x128xi32, #tpu.memory_space<hbm>>
      tpu.wait_dma2 semaphore(%run_scoped3A : memref<!tpu.dma_semaphore, #tpu.memory_space<semaphore_mem>>) src(%dma_wait3A_61 : memref<40x128xi32, #tpu.memory_space<hbm>>) dst(%arg7 : memref<40x128xi32, #tpu.memory_space<vmem>>)
      tpu.yield
    }) : () -> ()
    "tpu.region"() ({
      %run_scoped3A = tpu.sem_alloc : memref<!tpu.dma_semaphore, #tpu.memory_space<semaphore_mem>>
      %dma_start3A_55 = arith.constant 0 : i32
      %dma_start3A_56 = tpu.memref_slice %arg4[%add3A_6, %dma_start3A_55] : memref<2560x128xi32, #tpu.memory_space<hbm>> -> memref<40x128xi32, #tpu.memory_space<hbm>>
      %dma_start3A_57 = arith.constant 0 : i32
      %dma_start3A_58 = tpu.memref_slice %arg4[%add3A_6, %dma_start3A_57] : memref<2560x128xi32, #tpu.memory_space<hbm>> -> memref<40x128xi32, #tpu.memory_space<hbm>>
      tpu.enqueue_dma source(%dma_start3A_58 : memref<40x128xi32, #tpu.memory_space<hbm>>) target(%arg8 : memref<40x128xi32, #tpu.memory_space<vmem>>) target_semaphore(%run_scoped3A : memref<!tpu.dma_semaphore, #tpu.memory_space<semaphore_mem>>)
      %dma_wait3A = arith.constant 0 : i32
      %dma_wait3A_59 = tpu.memref_slice %arg4[%add3A_6, %dma_wait3A] : memref<2560x128xi32, #tpu.memory_space<hbm>> -> memref<40x128xi32, #tpu.memory_space<hbm>>
      %dma_wait3A_60 = arith.constant 0 : i32
      %dma_wait3A_61 = tpu.memref_slice %arg4[%add3A_6, %dma_wait3A_60] : memref<2560x128xi32, #tpu.memory_space<hbm>> -> memref<40x128xi32, #tpu.memory_space<hbm>>
      tpu.wait_dma2 semaphore(%run_scoped3A : memref<!tpu.dma_semaphore, #tpu.memory_space<semaphore_mem>>) src(%dma_wait3A_61 : memref<40x128xi32, #tpu.memory_space<hbm>>) dst(%arg8 : memref<40x128xi32, #tpu.memory_space<vmem>>)
      tpu.yield
    }) : () -> ()
    %dma_start3A = arith.constant 0 : i32
    %dma_start3A_7 = arith.constant 0 : i32
    %dma_start3A_8 = tpu.memref_slice %arg7[%dma_start3A, %dma_start3A_7] : memref<40x128xi32, #tpu.memory_space<vmem>> -> memref<1x128xi32, #tpu.memory_space<vmem>>
    %dma_start3A_9 = tpu.memref_squeeze %dma_start3A_8 : memref<1x128xi32, #tpu.memory_space<vmem>> -> memref<128xi32, #tpu.memory_space<vmem>>
    %dma_start3A_10 = arith.constant 0 : i32
    %dma_start3A_11 = arith.constant 0 : i32
    %dma_start3A_12 = tpu.memref_slice %arg2[%dma_start3A_10, %dma_start3A_11] : memref<10000x128xf32, #tpu.memory_space<hbm>> -> memref<10000x128xf32, #tpu.memory_space<hbm>>
    tpu.enqueue_indirect_dma source(%dma_start3A_12 : memref<10000x128xf32, #tpu.memory_space<hbm>>) target(%arg9 : memref<128x128xf32, #tpu.memory_space<vmem>>) offsets(%dma_start3A_9 : memref<128xi32, #tpu.memory_space<vmem>>) semaphore(%arg12 : memref<!tpu.dma_semaphore, #tpu.memory_space<semaphore_mem>>)
    %dma_start3A_13 = arith.constant 1 : i32
    %dma_start3A_14 = arith.constant 0 : i32
    %dma_start3A_15 = tpu.memref_slice %arg7[%dma_start3A_13, %dma_start3A_14] : memref<40x128xi32, #tpu.memory_space<vmem>> -> memref<1x128xi32, #tpu.memory_space<vmem>>
    %dma_start3A_16 = tpu.memref_squeeze %dma_start3A_15 : memref<1x128xi32, #tpu.memory_space<vmem>> -> memref<128xi32, #tpu.memory_space<vmem>>
    %dma_start3A_17 = arith.constant 0 : i32
    %dma_start3A_18 = arith.constant 0 : i32
    %dma_start3A_19 = tpu.memref_slice %arg2[%dma_start3A_17, %dma_start3A_18] : memref<10000x128xf32, #tpu.memory_space<hbm>> -> memref<10000x128xf32, #tpu.memory_space<hbm>>
    tpu.enqueue_indirect_dma source(%dma_start3A_19 : memref<10000x128xf32, #tpu.memory_space<hbm>>) target(%arg10 : memref<128x128xf32, #tpu.memory_space<vmem>>) offsets(%dma_start3A_16 : memref<128xi32, #tpu.memory_space<vmem>>) semaphore(%arg13 : memref<!tpu.dma_semaphore, #tpu.memory_space<semaphore_mem>>)
    %scan3A = arith.constant 0 : i32
    %scan3A_20 = arith.constant 0 : i32
    %scan3A_21 = arith.constant 20 : i32
    %scan3A_22 = arith.addi %scan3A_20, %scan3A_21 : i32
    %scan3A_23 = arith.constant 1 : i32
    scf.for %scan3A_55 = %scan3A_20 to %scan3A_22 step %scan3A_23  : i32 {
      %mul3A_56 = arith.constant 2 : i32
      %mul3A_57 = arith.muli %mul3A_56, %scan3A_55 : i32
      %add3A_58 = arith.constant 0 : i32
      %add3A_59 = arith.addi %mul3A_57, %add3A_58 : i32
      %dma_wait3A = arith.constant 0 : i32
      %dma_wait3A_60 = tpu.memref_slice %arg7[%add3A_59, %dma_wait3A] : memref<40x128xi32, #tpu.memory_space<vmem>> -> memref<1x128xi32, #tpu.memory_space<vmem>>
      %dma_wait3A_61 = tpu.memref_squeeze %dma_wait3A_60 : memref<1x128xi32, #tpu.memory_space<vmem>> -> memref<128xi32, #tpu.memory_space<vmem>>
      %dma_wait3A_62 = arith.constant 0 : i32
      %dma_wait3A_63 = arith.constant 0 : i32
      %dma_wait3A_64 = tpu.memref_slice %arg2[%dma_wait3A_62, %dma_wait3A_63] : memref<10000x128xf32, #tpu.memory_space<hbm>> -> memref<10000x128xf32, #tpu.memory_space<hbm>>
      tpu.wait_indirect_dma semaphore(%arg12 : memref<!tpu.dma_semaphore, #tpu.memory_space<semaphore_mem>>) src(%dma_wait3A_64 : memref<10000x128xf32, #tpu.memory_space<hbm>>) dst(%arg9 : memref<128x128xf32, #tpu.memory_space<vmem>>)
      "tpu.region"() ({
        %run_scoped3A = tpu.sem_alloc : memref<!tpu.dma_semaphore, #tpu.memory_space<semaphore_mem>>
        %dma_start3A_88 = arith.constant 0 : i32
        %dma_start3A_89 = tpu.memref_slice %arg8[%add3A_59, %dma_start3A_88] : memref<40x128xi32, #tpu.memory_space<vmem>> -> memref<1x128xi32, #tpu.memory_space<vmem>>
        %dma_start3A_90 = tpu.memref_squeeze %dma_start3A_89 : memref<1x128xi32, #tpu.memory_space<vmem>> -> memref<128xi32, #tpu.memory_space<vmem>>
        %dma_start3A_91 = arith.constant 0 : i32
        %dma_start3A_92 = arith.constant 0 : i32
        %dma_start3A_93 = tpu.memref_slice %arg11[%dma_start3A_91, %dma_start3A_92] : memref<10240x128xf32, #tpu.memory_space<vmem_shared>> -> memref<10240x128xf32, #tpu.memory_space<vmem_shared>>
        tpu.enqueue_indirect_dma source(%arg9 : memref<128x128xf32, #tpu.memory_space<vmem>>) target(%dma_start3A_93 : memref<10240x128xf32, #tpu.memory_space<vmem_shared>>) offsets(%dma_start3A_90 : memref<128xi32, #tpu.memory_space<vmem>>) semaphore(%run_scoped3A : memref<!tpu.dma_semaphore, #tpu.memory_space<semaphore_mem>>) {add = true}
        %dma_wait3A_94 = arith.constant 0 : i32
        %dma_wait3A_95 = tpu.memref_slice %arg8[%add3A_59, %dma_wait3A_94] : memref<40x128xi32, #tpu.memory_space<vmem>> -> memref<1x128xi32, #tpu.memory_space<vmem>>
        %dma_wait3A_96 = tpu.memref_squeeze %dma_wait3A_95 : memref<1x128xi32, #tpu.memory_space<vmem>> -> memref<128xi32, #tpu.memory_space<vmem>>
        %dma_wait3A_97 = arith.constant 0 : i32
        %dma_wait3A_98 = arith.constant 0 : i32
        %dma_wait3A_99 = tpu.memref_slice %arg11[%dma_wait3A_97, %dma_wait3A_98] : memref<10240x128xf32, #tpu.memory_space<vmem_shared>> -> memref<10240x128xf32, #tpu.memory_space<vmem_shared>>
        tpu.wait_indirect_dma semaphore(%run_scoped3A : memref<!tpu.dma_semaphore, #tpu.memory_space<semaphore_mem>>) src(%arg9 : memref<128x128xf32, #tpu.memory_space<vmem>>) dst(%dma_wait3A_99 : memref<10240x128xf32, #tpu.memory_space<vmem_shared>>)
        tpu.yield
      }) : () -> ()
      %add3A_65 = arith.constant 2 : i32
      %add3A_66 = arith.addi %add3A_59, %add3A_65 : i32
      %lt3A = arith.constant 40 : i32
      %lt3A_67 = arith.cmpi slt, %add3A_66, %lt3A : i32
      %convert_element_type3A_68 = arith.extui %lt3A_67 : i1 to i32
      %cond3A_69 = arith.constant 0 : i32
      %cond3A_70 = arith.cmpi ne, %convert_element_type3A_68, %cond3A_69 : i32
      scf.if %cond3A_70 {
        %add3A_88 = arith.constant 2 : i32
        %add3A_89 = arith.addi %add3A_59, %add3A_88 : i32
        %dma_start3A_90 = arith.constant 0 : i32
        %dma_start3A_91 = tpu.memref_slice %arg7[%add3A_89, %dma_start3A_90] : memref<40x128xi32, #tpu.memory_space<vmem>> -> memref<1x128xi32, #tpu.memory_space<vmem>>
        %dma_start3A_92 = tpu.memref_squeeze %dma_start3A_91 : memref<1x128xi32, #tpu.memory_space<vmem>> -> memref<128xi32, #tpu.memory_space<vmem>>
        %dma_start3A_93 = arith.constant 0 : i32
        %dma_start3A_94 = arith.constant 0 : i32
        %dma_start3A_95 = tpu.memref_slice %arg2[%dma_start3A_93, %dma_start3A_94] : memref<10000x128xf32, #tpu.memory_space<hbm>> -> memref<10000x128xf32, #tpu.memory_space<hbm>>
        tpu.enqueue_indirect_dma source(%dma_start3A_95 : memref<10000x128xf32, #tpu.memory_space<hbm>>) target(%arg9 : memref<128x128xf32, #tpu.memory_space<vmem>>) offsets(%dma_start3A_92 : memref<128xi32, #tpu.memory_space<vmem>>) semaphore(%arg12 : memref<!tpu.dma_semaphore, #tpu.memory_space<semaphore_mem>>)
      } else {
      }
      %mul3A_71 = arith.constant 2 : i32
      %mul3A_72 = arith.muli %mul3A_71, %scan3A_55 : i32
      %add3A_73 = arith.constant 1 : i32
      %add3A_74 = arith.addi %mul3A_72, %add3A_73 : i32
      %dma_wait3A_75 = arith.constant 0 : i32
      %dma_wait3A_76 = tpu.memref_slice %arg7[%add3A_74, %dma_wait3A_75] : memref<40x128xi32, #tpu.memory_space<vmem>> -> memref<1x128xi32, #tpu.memory_space<vmem>>
      %dma_wait3A_77 = tpu.memref_squeeze %dma_wait3A_76 : memref<1x128xi32, #tpu.memory_space<vmem>> -> memref<128xi32, #tpu.memory_space<vmem>>
      %dma_wait3A_78 = arith.constant 0 : i32
      %dma_wait3A_79 = arith.constant 0 : i32
      %dma_wait3A_80 = tpu.memref_slice %arg2[%dma_wait3A_78, %dma_wait3A_79] : memref<10000x128xf32, #tpu.memory_space<hbm>> -> memref<10000x128xf32, #tpu.memory_space<hbm>>
      tpu.wait_indirect_dma semaphore(%arg13 : memref<!tpu.dma_semaphore, #tpu.memory_space<semaphore_mem>>) src(%dma_wait3A_80 : memref<10000x128xf32, #tpu.memory_space<hbm>>) dst(%arg10 : memref<128x128xf32, #tpu.memory_space<vmem>>)
      "tpu.region"() ({
        %run_scoped3A = tpu.sem_alloc : memref<!tpu.dma_semaphore, #tpu.memory_space<semaphore_mem>>
        %dma_start3A_88 = arith.constant 0 : i32
        %dma_start3A_89 = tpu.memref_slice %arg8[%add3A_74, %dma_start3A_88] : memref<40x128xi32, #tpu.memory_space<vmem>> -> memref<1x128xi32, #tpu.memory_space<vmem>>
        %dma_start3A_90 = tpu.memref_squeeze %dma_start3A_89 : memref<1x128xi32, #tpu.memory_space<vmem>> -> memref<128xi32, #tpu.memory_space<vmem>>
        %dma_start3A_91 = arith.constant 0 : i32
        %dma_start3A_92 = arith.constant 0 : i32
        %dma_start3A_93 = tpu.memref_slice %arg11[%dma_start3A_91, %dma_start3A_92] : memref<10240x128xf32, #tpu.memory_space<vmem_shared>> -> memref<10240x128xf32, #tpu.memory_space<vmem_shared>>
        tpu.enqueue_indirect_dma source(%arg10 : memref<128x128xf32, #tpu.memory_space<vmem>>) target(%dma_start3A_93 : memref<10240x128xf32, #tpu.memory_space<vmem_shared>>) offsets(%dma_start3A_90 : memref<128xi32, #tpu.memory_space<vmem>>) semaphore(%run_scoped3A : memref<!tpu.dma_semaphore, #tpu.memory_space<semaphore_mem>>) {add = true}
        %dma_wait3A_94 = arith.constant 0 : i32
        %dma_wait3A_95 = tpu.memref_slice %arg8[%add3A_74, %dma_wait3A_94] : memref<40x128xi32, #tpu.memory_space<vmem>> -> memref<1x128xi32, #tpu.memory_space<vmem>>
        %dma_wait3A_96 = tpu.memref_squeeze %dma_wait3A_95 : memref<1x128xi32, #tpu.memory_space<vmem>> -> memref<128xi32, #tpu.memory_space<vmem>>
        %dma_wait3A_97 = arith.constant 0 : i32
        %dma_wait3A_98 = arith.constant 0 : i32
        %dma_wait3A_99 = tpu.memref_slice %arg11[%dma_wait3A_97, %dma_wait3A_98] : memref<10240x128xf32, #tpu.memory_space<vmem_shared>> -> memref<10240x128xf32, #tpu.memory_space<vmem_shared>>
        tpu.wait_indirect_dma semaphore(%run_scoped3A : memref<!tpu.dma_semaphore, #tpu.memory_space<semaphore_mem>>) src(%arg10 : memref<128x128xf32, #tpu.memory_space<vmem>>) dst(%dma_wait3A_99 : memref<10240x128xf32, #tpu.memory_space<vmem_shared>>)
        tpu.yield
      }) : () -> ()
      %add3A_81 = arith.constant 2 : i32
      %add3A_82 = arith.addi %add3A_74, %add3A_81 : i32
      %lt3A_83 = arith.constant 40 : i32
      %lt3A_84 = arith.cmpi slt, %add3A_82, %lt3A_83 : i32
      %convert_element_type3A_85 = arith.extui %lt3A_84 : i1 to i32
      %cond3A_86 = arith.constant 0 : i32
      %cond3A_87 = arith.cmpi ne, %convert_element_type3A_85, %cond3A_86 : i32
      scf.if %cond3A_87 {
        %add3A_88 = arith.constant 2 : i32
        %add3A_89 = arith.addi %add3A_74, %add3A_88 : i32
        %dma_start3A_90 = arith.constant 0 : i32
        %dma_start3A_91 = tpu.memref_slice %arg7[%add3A_89, %dma_start3A_90] : memref<40x128xi32, #tpu.memory_space<vmem>> -> memref<1x128xi32, #tpu.memory_space<vmem>>
        %dma_start3A_92 = tpu.memref_squeeze %dma_start3A_91 : memref<1x128xi32, #tpu.memory_space<vmem>> -> memref<128xi32, #tpu.memory_space<vmem>>
        %dma_start3A_93 = arith.constant 0 : i32
        %dma_start3A_94 = arith.constant 0 : i32
        %dma_start3A_95 = tpu.memref_slice %arg2[%dma_start3A_93, %dma_start3A_94] : memref<10000x128xf32, #tpu.memory_space<hbm>> -> memref<10000x128xf32, #tpu.memory_space<hbm>>
        tpu.enqueue_indirect_dma source(%dma_start3A_95 : memref<10000x128xf32, #tpu.memory_space<hbm>>) target(%arg10 : memref<128x128xf32, #tpu.memory_space<vmem>>) offsets(%dma_start3A_92 : memref<128xi32, #tpu.memory_space<vmem>>) semaphore(%arg13 : memref<!tpu.dma_semaphore, #tpu.memory_space<semaphore_mem>>)
      } else {
      }
    }
    %scan3A_24 = arith.constant 20 : i32
    %add3A_25 = arith.constant 40 : i32
    %add3A_26 = arith.addi %mul3A_4, %add3A_25 : i32
    "tpu.region"() ({
      %run_scoped3A = tpu.sem_alloc : memref<!tpu.dma_semaphore, #tpu.memory_space<semaphore_mem>>
      %dma_start3A_55 = arith.constant 0 : i32
      %dma_start3A_56 = tpu.memref_slice %arg3[%add3A_26, %dma_start3A_55] : memref<2560x128xi32, #tpu.memory_space<hbm>> -> memref<40x128xi32, #tpu.memory_space<hbm>>
      %dma_start3A_57 = arith.constant 0 : i32
      %dma_start3A_58 = tpu.memref_slice %arg3[%add3A_26, %dma_start3A_57] : memref<2560x128xi32, #tpu.memory_space<hbm>> -> memref<40x128xi32, #tpu.memory_space<hbm>>
      tpu.enqueue_dma source(%dma_start3A_58 : memref<40x128xi32, #tpu.memory_space<hbm>>) target(%arg7 : memref<40x128xi32, #tpu.memory_space<vmem>>) target_semaphore(%run_scoped3A : memref<!tpu.dma_semaphore, #tpu.memory_space<semaphore_mem>>)
      %dma_wait3A = arith.constant 0 : i32
      %dma_wait3A_59 = tpu.memref_slice %arg3[%add3A_26, %dma_wait3A] : memref<2560x128xi32, #tpu.memory_space<hbm>> -> memref<40x128xi32, #tpu.memory_space<hbm>>
      %dma_wait3A_60 = arith.constant 0 : i32
      %dma_wait3A_61 = tpu.memref_slice %arg3[%add3A_26, %dma_wait3A_60] : memref<2560x128xi32, #tpu.memory_space<hbm>> -> memref<40x128xi32, #tpu.memory_space<hbm>>
      tpu.wait_dma2 semaphore(%run_scoped3A : memref<!tpu.dma_semaphore, #tpu.memory_space<semaphore_mem>>) src(%dma_wait3A_61 : memref<40x128xi32, #tpu.memory_space<hbm>>) dst(%arg7 : memref<40x128xi32, #tpu.memory_space<vmem>>)
      tpu.yield
    }) : () -> ()
    "tpu.region"() ({
      %run_scoped3A = tpu.sem_alloc : memref<!tpu.dma_semaphore, #tpu.memory_space<semaphore_mem>>
      %dma_start3A_55 = arith.constant 0 : i32
      %dma_start3A_56 = tpu.memref_slice %arg4[%add3A_26, %dma_start3A_55] : memref<2560x128xi32, #tpu.memory_space<hbm>> -> memref<40x128xi32, #tpu.memory_space<hbm>>
      %dma_start3A_57 = arith.constant 0 : i32
      %dma_start3A_58 = tpu.memref_slice %arg4[%add3A_26, %dma_start3A_57] : memref<2560x128xi32, #tpu.memory_space<hbm>> -> memref<40x128xi32, #tpu.memory_space<hbm>>
      tpu.enqueue_dma source(%dma_start3A_58 : memref<40x128xi32, #tpu.memory_space<hbm>>) target(%arg8 : memref<40x128xi32, #tpu.memory_space<vmem>>) target_semaphore(%run_scoped3A : memref<!tpu.dma_semaphore, #tpu.memory_space<semaphore_mem>>)
      %dma_wait3A = arith.constant 0 : i32
      %dma_wait3A_59 = tpu.memref_slice %arg4[%add3A_26, %dma_wait3A] : memref<2560x128xi32, #tpu.memory_space<hbm>> -> memref<40x128xi32, #tpu.memory_space<hbm>>
      %dma_wait3A_60 = arith.constant 0 : i32
      %dma_wait3A_61 = tpu.memref_slice %arg4[%add3A_26, %dma_wait3A_60] : memref<2560x128xi32, #tpu.memory_space<hbm>> -> memref<40x128xi32, #tpu.memory_space<hbm>>
      tpu.wait_dma2 semaphore(%run_scoped3A : memref<!tpu.dma_semaphore, #tpu.memory_space<semaphore_mem>>) src(%dma_wait3A_61 : memref<40x128xi32, #tpu.memory_space<hbm>>) dst(%arg8 : memref<40x128xi32, #tpu.memory_space<vmem>>)
      tpu.yield
    }) : () -> ()
    %dma_start3A_27 = arith.constant 0 : i32
    %dma_start3A_28 = arith.constant 0 : i32
    %dma_start3A_29 = tpu.memref_slice %arg7[%dma_start3A_27, %dma_start3A_28] : memref<40x128xi32, #tpu.memory_space<vmem>> -> memref<1x128xi32, #tpu.memory_space<vmem>>
    %dma_start3A_30 = tpu.memref_squeeze %dma_start3A_29 : memref<1x128xi32, #tpu.memory_space<vmem>> -> memref<128xi32, #tpu.memory_space<vmem>>
    %dma_start3A_31 = arith.constant 0 : i32
    %dma_start3A_32 = arith.constant 0 : i32
    %dma_start3A_33 = tpu.memref_slice %arg2[%dma_start3A_31, %dma_start3A_32] : memref<10000x128xf32, #tpu.memory_space<hbm>> -> memref<10000x128xf32, #tpu.memory_space<hbm>>
    tpu.enqueue_indirect_dma source(%dma_start3A_33 : memref<10000x128xf32, #tpu.memory_space<hbm>>) target(%arg9 : memref<128x128xf32, #tpu.memory_space<vmem>>) offsets(%dma_start3A_30 : memref<128xi32, #tpu.memory_space<vmem>>) semaphore(%arg12 : memref<!tpu.dma_semaphore, #tpu.memory_space<semaphore_mem>>)
    %dma_start3A_34 = arith.constant 1 : i32
    %dma_start3A_35 = arith.constant 0 : i32
    %dma_start3A_36 = tpu.memref_slice %arg7[%dma_start3A_34, %dma_start3A_35] : memref<40x128xi32, #tpu.memory_space<vmem>> -> memref<1x128xi32, #tpu.memory_space<vmem>>
    %dma_start3A_37 = tpu.memref_squeeze %dma_start3A_36 : memref<1x128xi32, #tpu.memory_space<vmem>> -> memref<128xi32, #tpu.memory_space<vmem>>
    %dma_start3A_38 = arith.constant 0 : i32
    %dma_start3A_39 = arith.constant 0 : i32
    %dma_start3A_40 = tpu.memref_slice %arg2[%dma_start3A_38, %dma_start3A_39] : memref<10000x128xf32, #tpu.memory_space<hbm>> -> memref<10000x128xf32, #tpu.memory_space<hbm>>
    tpu.enqueue_indirect_dma source(%dma_start3A_40 : memref<10000x128xf32, #tpu.memory_space<hbm>>) target(%arg10 : memref<128x128xf32, #tpu.memory_space<vmem>>) offsets(%dma_start3A_37 : memref<128xi32, #tpu.memory_space<vmem>>) semaphore(%arg13 : memref<!tpu.dma_semaphore, #tpu.memory_space<semaphore_mem>>)
    %scan3A_41 = arith.constant 0 : i32
    %scan3A_42 = arith.constant 0 : i32
    %scan3A_43 = arith.constant 20 : i32
    %scan3A_44 = arith.addi %scan3A_42, %scan3A_43 : i32
    %scan3A_45 = arith.constant 1 : i32
    scf.for %scan3A_55 = %scan3A_42 to %scan3A_44 step %scan3A_45  : i32 {
      %mul3A_56 = arith.constant 2 : i32
      %mul3A_57 = arith.muli %mul3A_56, %scan3A_55 : i32
      %add3A_58 = arith.constant 0 : i32
      %add3A_59 = arith.addi %mul3A_57, %add3A_58 : i32
      %dma_wait3A = arith.constant 0 : i32
      %dma_wait3A_60 = tpu.memref_slice %arg7[%add3A_59, %dma_wait3A] : memref<40x128xi32, #tpu.memory_space<vmem>> -> memref<1x128xi32, #tpu.memory_space<vmem>>
      %dma_wait3A_61 = tpu.memref_squeeze %dma_wait3A_60 : memref<1x128xi32, #tpu.memory_space<vmem>> -> memref<128xi32, #tpu.memory_space<vmem>>
      %dma_wait3A_62 = arith.constant 0 : i32
      %dma_wait3A_63 = arith.constant 0 : i32
      %dma_wait3A_64 = tpu.memref_slice %arg2[%dma_wait3A_62, %dma_wait3A_63] : memref<10000x128xf32, #tpu.memory_space<hbm>> -> memref<10000x128xf32, #tpu.memory_space<hbm>>
      tpu.wait_indirect_dma semaphore(%arg12 : memref<!tpu.dma_semaphore, #tpu.memory_space<semaphore_mem>>) src(%dma_wait3A_64 : memref<10000x128xf32, #tpu.memory_space<hbm>>) dst(%arg9 : memref<128x128xf32, #tpu.memory_space<vmem>>)
      "tpu.region"() ({
        %run_scoped3A = tpu.sem_alloc : memref<!tpu.dma_semaphore, #tpu.memory_space<semaphore_mem>>
        %dma_start3A_88 = arith.constant 0 : i32
        %dma_start3A_89 = tpu.memref_slice %arg8[%add3A_59, %dma_start3A_88] : memref<40x128xi32, #tpu.memory_space<vmem>> -> memref<1x128xi32, #tpu.memory_space<vmem>>
        %dma_start3A_90 = tpu.memref_squeeze %dma_start3A_89 : memref<1x128xi32, #tpu.memory_space<vmem>> -> memref<128xi32, #tpu.memory_space<vmem>>
        %dma_start3A_91 = arith.constant 0 : i32
        %dma_start3A_92 = arith.constant 0 : i32
        %dma_start3A_93 = tpu.memref_slice %arg11[%dma_start3A_91, %dma_start3A_92] : memref<10240x128xf32, #tpu.memory_space<vmem_shared>> -> memref<10240x128xf32, #tpu.memory_space<vmem_shared>>
        tpu.enqueue_indirect_dma source(%arg9 : memref<128x128xf32, #tpu.memory_space<vmem>>) target(%dma_start3A_93 : memref<10240x128xf32, #tpu.memory_space<vmem_shared>>) offsets(%dma_start3A_90 : memref<128xi32, #tpu.memory_space<vmem>>) semaphore(%run_scoped3A : memref<!tpu.dma_semaphore, #tpu.memory_space<semaphore_mem>>) {add = true}
        %dma_wait3A_94 = arith.constant 0 : i32
        %dma_wait3A_95 = tpu.memref_slice %arg8[%add3A_59, %dma_wait3A_94] : memref<40x128xi32, #tpu.memory_space<vmem>> -> memref<1x128xi32, #tpu.memory_space<vmem>>
        %dma_wait3A_96 = tpu.memref_squeeze %dma_wait3A_95 : memref<1x128xi32, #tpu.memory_space<vmem>> -> memref<128xi32, #tpu.memory_space<vmem>>
        %dma_wait3A_97 = arith.constant 0 : i32
        %dma_wait3A_98 = arith.constant 0 : i32
        %dma_wait3A_99 = tpu.memref_slice %arg11[%dma_wait3A_97, %dma_wait3A_98] : memref<10240x128xf32, #tpu.memory_space<vmem_shared>> -> memref<10240x128xf32, #tpu.memory_space<vmem_shared>>
        tpu.wait_indirect_dma semaphore(%run_scoped3A : memref<!tpu.dma_semaphore, #tpu.memory_space<semaphore_mem>>) src(%arg9 : memref<128x128xf32, #tpu.memory_space<vmem>>) dst(%dma_wait3A_99 : memref<10240x128xf32, #tpu.memory_space<vmem_shared>>)
        tpu.yield
      }) : () -> ()
      %add3A_65 = arith.constant 2 : i32
      %add3A_66 = arith.addi %add3A_59, %add3A_65 : i32
      %lt3A = arith.constant 40 : i32
      %lt3A_67 = arith.cmpi slt, %add3A_66, %lt3A : i32
      %convert_element_type3A_68 = arith.extui %lt3A_67 : i1 to i32
      %cond3A_69 = arith.constant 0 : i32
      %cond3A_70 = arith.cmpi ne, %convert_element_type3A_68, %cond3A_69 : i32
      scf.if %cond3A_70 {
        %add3A_88 = arith.constant 2 : i32
        %add3A_89 = arith.addi %add3A_59, %add3A_88 : i32
        %dma_start3A_90 = arith.constant 0 : i32
        %dma_start3A_91 = tpu.memref_slice %arg7[%add3A_89, %dma_start3A_90] : memref<40x128xi32, #tpu.memory_space<vmem>> -> memref<1x128xi32, #tpu.memory_space<vmem>>
        %dma_start3A_92 = tpu.memref_squeeze %dma_start3A_91 : memref<1x128xi32, #tpu.memory_space<vmem>> -> memref<128xi32, #tpu.memory_space<vmem>>
        %dma_start3A_93 = arith.constant 0 : i32
        %dma_start3A_94 = arith.constant 0 : i32
        %dma_start3A_95 = tpu.memref_slice %arg2[%dma_start3A_93, %dma_start3A_94] : memref<10000x128xf32, #tpu.memory_space<hbm>> -> memref<10000x128xf32, #tpu.memory_space<hbm>>
        tpu.enqueue_indirect_dma source(%dma_start3A_95 : memref<10000x128xf32, #tpu.memory_space<hbm>>) target(%arg9 : memref<128x128xf32, #tpu.memory_space<vmem>>) offsets(%dma_start3A_92 : memref<128xi32, #tpu.memory_space<vmem>>) semaphore(%arg12 : memref<!tpu.dma_semaphore, #tpu.memory_space<semaphore_mem>>)
      } else {
      }
      %mul3A_71 = arith.constant 2 : i32
      %mul3A_72 = arith.muli %mul3A_71, %scan3A_55 : i32
      %add3A_73 = arith.constant 1 : i32
      %add3A_74 = arith.addi %mul3A_72, %add3A_73 : i32
      %dma_wait3A_75 = arith.constant 0 : i32
      %dma_wait3A_76 = tpu.memref_slice %arg7[%add3A_74, %dma_wait3A_75] : memref<40x128xi32, #tpu.memory_space<vmem>> -> memref<1x128xi32, #tpu.memory_space<vmem>>
      %dma_wait3A_77 = tpu.memref_squeeze %dma_wait3A_76 : memref<1x128xi32, #tpu.memory_space<vmem>> -> memref<128xi32, #tpu.memory_space<vmem>>
      %dma_wait3A_78 = arith.constant 0 : i32
      %dma_wait3A_79 = arith.constant 0 : i32
      %dma_wait3A_80 = tpu.memref_slice %arg2[%dma_wait3A_78, %dma_wait3A_79] : memref<10000x128xf32, #tpu.memory_space<hbm>> -> memref<10000x128xf32, #tpu.memory_space<hbm>>
      tpu.wait_indirect_dma semaphore(%arg13 : memref<!tpu.dma_semaphore, #tpu.memory_space<semaphore_mem>>) src(%dma_wait3A_80 : memref<10000x128xf32, #tpu.memory_space<hbm>>) dst(%arg10 : memref<128x128xf32, #tpu.memory_space<vmem>>)
      "tpu.region"() ({
        %run_scoped3A = tpu.sem_alloc : memref<!tpu.dma_semaphore, #tpu.memory_space<semaphore_mem>>
        %dma_start3A_88 = arith.constant 0 : i32
        %dma_start3A_89 = tpu.memref_slice %arg8[%add3A_74, %dma_start3A_88] : memref<40x128xi32, #tpu.memory_space<vmem>> -> memref<1x128xi32, #tpu.memory_space<vmem>>
        %dma_start3A_90 = tpu.memref_squeeze %dma_start3A_89 : memref<1x128xi32, #tpu.memory_space<vmem>> -> memref<128xi32, #tpu.memory_space<vmem>>
        %dma_start3A_91 = arith.constant 0 : i32
        %dma_start3A_92 = arith.constant 0 : i32
        %dma_start3A_93 = tpu.memref_slice %arg11[%dma_start3A_91, %dma_start3A_92] : memref<10240x128xf32, #tpu.memory_space<vmem_shared>> -> memref<10240x128xf32, #tpu.memory_space<vmem_shared>>
        tpu.enqueue_indirect_dma source(%arg10 : memref<128x128xf32, #tpu.memory_space<vmem>>) target(%dma_start3A_93 : memref<10240x128xf32, #tpu.memory_space<vmem_shared>>) offsets(%dma_start3A_90 : memref<128xi32, #tpu.memory_space<vmem>>) semaphore(%run_scoped3A : memref<!tpu.dma_semaphore, #tpu.memory_space<semaphore_mem>>) {add = true}
        %dma_wait3A_94 = arith.constant 0 : i32
        %dma_wait3A_95 = tpu.memref_slice %arg8[%add3A_74, %dma_wait3A_94] : memref<40x128xi32, #tpu.memory_space<vmem>> -> memref<1x128xi32, #tpu.memory_space<vmem>>
        %dma_wait3A_96 = tpu.memref_squeeze %dma_wait3A_95 : memref<1x128xi32, #tpu.memory_space<vmem>> -> memref<128xi32, #tpu.memory_space<vmem>>
        %dma_wait3A_97 = arith.constant 0 : i32
        %dma_wait3A_98 = arith.constant 0 : i32
        %dma_wait3A_99 = tpu.memref_slice %arg11[%dma_wait3A_97, %dma_wait3A_98] : memref<10240x128xf32, #tpu.memory_space<vmem_shared>> -> memref<10240x128xf32, #tpu.memory_space<vmem_shared>>
        tpu.wait_indirect_dma semaphore(%run_scoped3A : memref<!tpu.dma_semaphore, #tpu.memory_space<semaphore_mem>>) src(%arg10 : memref<128x128xf32, #tpu.memory_space<vmem>>) dst(%dma_wait3A_99 : memref<10240x128xf32, #tpu.memory_space<vmem_shared>>)
        tpu.yield
      }) : () -> ()
      %add3A_81 = arith.constant 2 : i32
      %add3A_82 = arith.addi %add3A_74, %add3A_81 : i32
      %lt3A_83 = arith.constant 40 : i32
      %lt3A_84 = arith.cmpi slt, %add3A_82, %lt3A_83 : i32
      %convert_element_type3A_85 = arith.extui %lt3A_84 : i1 to i32
      %cond3A_86 = arith.constant 0 : i32
      %cond3A_87 = arith.cmpi ne, %convert_element_type3A_85, %cond3A_86 : i32
      scf.if %cond3A_87 {
        %add3A_88 = arith.constant 2 : i32
        %add3A_89 = arith.addi %add3A_74, %add3A_88 : i32
        %dma_start3A_90 = arith.constant 0 : i32
        %dma_start3A_91 = tpu.memref_slice %arg7[%add3A_89, %dma_start3A_90] : memref<40x128xi32, #tpu.memory_space<vmem>> -> memref<1x128xi32, #tpu.memory_space<vmem>>
        %dma_start3A_92 = tpu.memref_squeeze %dma_start3A_91 : memref<1x128xi32, #tpu.memory_space<vmem>> -> memref<128xi32, #tpu.memory_space<vmem>>
        %dma_start3A_93 = arith.constant 0 : i32
        %dma_start3A_94 = arith.constant 0 : i32
        %dma_start3A_95 = tpu.memref_slice %arg2[%dma_start3A_93, %dma_start3A_94] : memref<10000x128xf32, #tpu.memory_space<hbm>> -> memref<10000x128xf32, #tpu.memory_space<hbm>>
        tpu.enqueue_indirect_dma source(%dma_start3A_95 : memref<10000x128xf32, #tpu.memory_space<hbm>>) target(%arg10 : memref<128x128xf32, #tpu.memory_space<vmem>>) offsets(%dma_start3A_92 : memref<128xi32, #tpu.memory_space<vmem>>) semaphore(%arg13 : memref<!tpu.dma_semaphore, #tpu.memory_space<semaphore_mem>>)
      } else {
      }
    }
    %scan3A_46 = arith.constant 20 : i32
    %barrier3A_47 = arith.constant 0 : index
    tpu.barrier barrier_id(%barrier3A_47)
    %eq3A = arith.constant 0 : i32
    %eq3A_48 = arith.cmpi eq, %arg0, %eq3A : i32
    %convert_element_type3A = arith.extui %eq3A_48 : i1 to i32
    %cond3A = arith.constant 0 : i32
    %cond3A_49 = arith.cmpi ne, %convert_element_type3A, %cond3A : i32
    scf.if %cond3A_49 {
      %run_scoped3A = arith.constant 0 : i32
      "tpu.region"() ({
        %run_scoped3A_55 = tpu.sem_alloc : memref<!tpu.dma_semaphore, #tpu.memory_space<semaphore_mem>>
        %dma_start3A_56 = arith.constant 0 : i32
        %dma_start3A_57 = tpu.memref_slice %arg6[%run_scoped3A, %mul3A_2, %dma_start3A_56] : memref<2x10240x128xf32, #tpu.memory_space<hbm>> -> memref<1x640x128xf32, #tpu.memory_space<hbm>>
        %dma_start3A_58 = tpu.memref_squeeze %dma_start3A_57 : memref<1x640x128xf32, #tpu.memory_space<hbm>> -> memref<640x128xf32, #tpu.memory_space<hbm>>
        %dma_start3A_59 = arith.constant 0 : i32
        %dma_start3A_60 = tpu.memref_slice %arg11[%mul3A_2, %dma_start3A_59] : memref<10240x128xf32, #tpu.memory_space<vmem_shared>> -> memref<640x128xf32, #tpu.memory_space<vmem_shared>>
        tpu.enqueue_dma source(%dma_start3A_60 : memref<640x128xf32, #tpu.memory_space<vmem_shared>>) target(%dma_start3A_58 : memref<640x128xf32, #tpu.memory_space<hbm>>) target_semaphore(%run_scoped3A_55 : memref<!tpu.dma_semaphore, #tpu.memory_space<semaphore_mem>>)
        %dma_wait3A = arith.constant 0 : i32
        %dma_wait3A_61 = tpu.memref_slice %arg6[%run_scoped3A, %mul3A_2, %dma_wait3A] : memref<2x10240x128xf32, #tpu.memory_space<hbm>> -> memref<1x640x128xf32, #tpu.memory_space<hbm>>
        %dma_wait3A_62 = tpu.memref_squeeze %dma_wait3A_61 : memref<1x640x128xf32, #tpu.memory_space<hbm>> -> memref<640x128xf32, #tpu.memory_space<hbm>>
        %dma_wait3A_63 = arith.constant 0 : i32
        %dma_wait3A_64 = tpu.memref_slice %arg11[%mul3A_2, %dma_wait3A_63] : memref<10240x128xf32, #tpu.memory_space<vmem_shared>> -> memref<640x128xf32, #tpu.memory_space<vmem_shared>>
        tpu.wait_dma2 semaphore(%run_scoped3A_55 : memref<!tpu.dma_semaphore, #tpu.memory_space<semaphore_mem>>) src(%dma_wait3A_64 : memref<640x128xf32, #tpu.memory_space<vmem_shared>>) dst(%dma_wait3A_62 : memref<640x128xf32, #tpu.memory_space<hbm>>)
        tpu.yield
      }) : () -> ()
    } else {
    }
    %eq3A_50 = arith.constant 1 : i32
    %eq3A_51 = arith.cmpi eq, %arg0, %eq3A_50 : i32
    %convert_element_type3A_52 = arith.extui %eq3A_51 : i1 to i32
    %cond3A_53 = arith.constant 0 : i32
    %cond3A_54 = arith.cmpi ne, %convert_element_type3A_52, %cond3A_53 : i32
    scf.if %cond3A_54 {
      %run_scoped3A = arith.constant 1 : i32
      "tpu.region"() ({
        %run_scoped3A_55 = tpu.sem_alloc : memref<!tpu.dma_semaphore, #tpu.memory_space<semaphore_mem>>
        %dma_start3A_56 = arith.constant 0 : i32
        %dma_start3A_57 = tpu.memref_slice %arg6[%run_scoped3A, %mul3A_2, %dma_start3A_56] : memref<2x10240x128xf32, #tpu.memory_space<hbm>> -> memref<1x640x128xf32, #tpu.memory_space<hbm>>
        %dma_start3A_58 = tpu.memref_squeeze %dma_start3A_57 : memref<1x640x128xf32, #tpu.memory_space<hbm>> -> memref<640x128xf32, #tpu.memory_space<hbm>>
        %dma_start3A_59 = arith.constant 0 : i32
        %dma_start3A_60 = tpu.memref_slice %arg11[%mul3A_2, %dma_start3A_59] : memref<10240x128xf32, #tpu.memory_space<vmem_shared>> -> memref<640x128xf32, #tpu.memory_space<vmem_shared>>
        tpu.enqueue_dma source(%dma_start3A_60 : memref<640x128xf32, #tpu.memory_space<vmem_shared>>) target(%dma_start3A_58 : memref<640x128xf32, #tpu.memory_space<hbm>>) target_semaphore(%run_scoped3A_55 : memref<!tpu.dma_semaphore, #tpu.memory_space<semaphore_mem>>)
        %dma_wait3A = arith.constant 0 : i32
        %dma_wait3A_61 = tpu.memref_slice %arg6[%run_scoped3A, %mul3A_2, %dma_wait3A] : memref<2x10240x128xf32, #tpu.memory_space<hbm>> -> memref<1x640x128xf32, #tpu.memory_space<hbm>>
        %dma_wait3A_62 = tpu.memref_squeeze %dma_wait3A_61 : memref<1x640x128xf32, #tpu.memory_space<hbm>> -> memref<640x128xf32, #tpu.memory_space<hbm>>
        %dma_wait3A_63 = arith.constant 0 : i32
        %dma_wait3A_64 = tpu.memref_slice %arg11[%mul3A_2, %dma_wait3A_63] : memref<10240x128xf32, #tpu.memory_space<vmem_shared>> -> memref<640x128xf32, #tpu.memory_space<vmem_shared>>
        tpu.wait_dma2 semaphore(%run_scoped3A_55 : memref<!tpu.dma_semaphore, #tpu.memory_space<semaphore_mem>>) src(%dma_wait3A_64 : memref<640x128xf32, #tpu.memory_space<vmem_shared>>) dst(%dma_wait3A_62 : memref<640x128xf32, #tpu.memory_space<hbm>>)
        tpu.yield
      }) : () -> ()
    } else {
    }
    return
  }
}

module attributes {stable_mosaic.version = 14 : i64} {
  func.func @body(%arg0: i32, %arg1: memref<1000x128xf32, #tpu.memory_space<vmem>>, %arg2: memref<128x128xf32, #tpu.memory_space<vmem>>, %arg3: memref<1000x128xf32, #tpu.memory_space<vmem>>) attributes {dimension_semantics = [#tpu.dimension_semantics<arbitrary>], iteration_bounds = array<i64: 10>, scalar_prefetch = 0 : i64, scratch_operands = 0 : i64, tpu.core_type = #tpu.core_type<tc>, window_params = [{transform_indices = @transform_0, window_bounds = array<i64: 1000, 128>}, {pipeline_mode = #tpu.pipeline_mode<synchronous>, transform_indices = @transform_1, window_bounds = array<i64: 128, 128>}, {transform_indices = @transform_2, window_bounds = array<i64: 1000, 128>}]} {
    %get3A = arith.constant 0 : index
    %get3A_0 = arith.constant 0 : index
    %get3A_1 = vector.load %arg1[%get3A, %get3A_0] : memref<1000x128xf32, #tpu.memory_space<vmem>>, vector<1000x128xf32>
    %get3A_2 = arith.constant 0 : index
    %get3A_3 = arith.constant 0 : index
    %get3A_4 = vector.load %arg2[%get3A_2, %get3A_3] : memref<128x128xf32, #tpu.memory_space<vmem>>, vector<128x128xf32>
    %dot_general3A = arith.constant dense<0.000000e+00> : vector<1000x128xf32>
    %dot_general3A_5 = tpu.matmul %get3A_1, %get3A_4, %dot_general3A {dimension_numbers = #tpu.dot_dimension_numbers<[1], [0], [0], [1], [0, 0, 1, 1], [], []>, transpose_lhs_hint = false} : vector<1000x128xf32>, vector<128x128xf32>, vector<1000x128xf32> -> vector<1000x128xf32>
    %swap3A = arith.constant 0 : index
    %swap3A_6 = arith.constant 0 : index
    %swap3A_7 = vector.load %arg3[%swap3A, %swap3A_6] : memref<1000x128xf32, #tpu.memory_space<vmem>>, vector<1000x128xf32>
    tpu.vector_store %arg3[%swap3A, %swap3A_6], %dot_general3A_5 {strides = array<i32>} : memref<1000x128xf32, #tpu.memory_space<vmem>>, vector<1000x128xf32>,
    return
  }
  func.func @transform_0(%arg0: i32) -> (i32, i32) {
    %c0_i32 = arith.constant 0 : i32
    %c0_i32_0 = arith.constant 0 : i32
    return %arg0, %c0_i32 : i32, i32
  }
  func.func @transform_1(%arg0: i32) -> (i32, i32) {
    %c0_i32 = arith.constant 0 : i32
    %c0_i32_0 = arith.constant 0 : i32
    %c0_i32_1 = arith.constant 0 : i32
    return %c0_i32, %c0_i32_0 : i32, i32
  }
  func.func @transform_2(%arg0: i32) -> (i32, i32) {
    %c0_i32 = arith.constant 0 : i32
    %c0_i32_0 = arith.constant 0 : i32
    return %arg0, %c0_i32 : i32, i32
  }
}

module attributes {stable_mosaic.version = 14 : i64} {
  func.func @body(%arg0: i32, %arg1: memref<2x1000x128xf32, #tpu.memory_space<vmem>>, %arg2: memref<1x128xf32, #tpu.memory_space<vmem>>, %arg3: memref<128x128xf32, #tpu.memory_space<vmem>>, %arg4: memref<128x128xf32, #tpu.memory_space<vmem>>, %arg5: memref<1000x128xf32, #tpu.memory_space<vmem>>, %arg6: memref<1000x128xf32, #tpu.memory_space<vmem>>) attributes {dimension_semantics = [#tpu.dimension_semantics<arbitrary>], iteration_bounds = array<i64: 10>, scalar_prefetch = 0 : i64, scratch_operands = 0 : i64, tpu.core_type = #tpu.core_type<tc>, window_params = [{transform_indices = @transform_0, window_bounds = array<i64: 2, 1000, 128>}, {pipeline_mode = #tpu.pipeline_mode<synchronous>, transform_indices = @transform_1, window_bounds = array<i64: 1, 128>}, {pipeline_mode = #tpu.pipeline_mode<synchronous>, transform_indices = @transform_2, window_bounds = array<i64: 128, 128>}, {pipeline_mode = #tpu.pipeline_mode<synchronous>, transform_indices = @transform_3, window_bounds = array<i64: 128, 128>}, {transform_indices = @transform_4, window_bounds = array<i64: 1000, 128>}, {transform_indices = @transform_5, window_bounds = array<i64: 1000, 128>}]} {
    %get3A = arith.constant 0 : index
    %get3A_0 = arith.constant 0 : index
    %get3A_1 = arith.constant 0 : index
    %get3A_2 = vector.load %arg1[%get3A, %get3A_0, %get3A_1] : memref<2x1000x128xf32, #tpu.memory_space<vmem>>, vector<1x1000x128xf32>
    %get3A_3 = vector.shape_cast %get3A_2 : vector<1x1000x128xf32> to vector<1000x128xf32>
    %get3A_4 = arith.constant 1 : index
    %get3A_5 = arith.constant 0 : index
    %get3A_6 = arith.constant 0 : index
    %get3A_7 = vector.load %arg1[%get3A_4, %get3A_5, %get3A_6] : memref<2x1000x128xf32, #tpu.memory_space<vmem>>, vector<1x1000x128xf32>
    %get3A_8 = vector.shape_cast %get3A_7 : vector<1x1000x128xf32> to vector<1000x128xf32>
    %add3A = arith.addf %get3A_3, %get3A_8 : vector<1000x128xf32>
    %get3A_9 = arith.constant 0 : index
    %get3A_10 = arith.constant 0 : index
    %get3A_11 = vector.load %arg2[%get3A_9, %get3A_10] : memref<1x128xf32, #tpu.memory_space<vmem>>, vector<1x128xf32>
    %add3A_12 = vector.broadcast %get3A_11 : vector<1x128xf32> to vector<1000x128xf32>
    %add3A_13 = arith.addf %add3A, %add3A_12 : vector<1000x128xf32>
    %max3A = arith.constant 0.000000e+00 : f32
    %max3A_14 = vector.broadcast %max3A : f32 to vector<1000x128xf32>
    %max3A_15 = arith.maximumf %add3A_13, %max3A_14 : vector<1000x128xf32>
    %get3A_16 = arith.constant 0 : index
    %get3A_17 = arith.constant 0 : index
    %get3A_18 = vector.load %arg3[%get3A_16, %get3A_17] : memref<128x128xf32, #tpu.memory_space<vmem>>, vector<128x128xf32>
    %dot_general3A = arith.constant dense<0.000000e+00> : vector<1000x128xf32>
    %dot_general3A_19 = tpu.matmul %max3A_15, %get3A_18, %dot_general3A {dimension_numbers = #tpu.dot_dimension_numbers<[1], [0], [0], [1], [0, 0, 1, 1], [], []>, transpose_lhs_hint = false} : vector<1000x128xf32>, vector<128x128xf32>, vector<1000x128xf32> -> vector<1000x128xf32>
    %swap3A = arith.constant 0 : index
    %swap3A_20 = arith.constant 0 : index
    %swap3A_21 = vector.load %arg5[%swap3A, %swap3A_20] : memref<1000x128xf32, #tpu.memory_space<vmem>>, vector<1000x128xf32>
    tpu.vector_store %arg5[%swap3A, %swap3A_20], %dot_general3A_19 {strides = array<i32>} : memref<1000x128xf32, #tpu.memory_space<vmem>>, vector<1000x128xf32>,
    %get3A_22 = arith.constant 0 : index
    %get3A_23 = arith.constant 0 : index
    %get3A_24 = vector.load %arg4[%get3A_22, %get3A_23] : memref<128x128xf32, #tpu.memory_space<vmem>>, vector<128x128xf32>
    %dot_general3A_25 = arith.constant dense<0.000000e+00> : vector<1000x128xf32>
    %dot_general3A_26 = tpu.matmul %max3A_15, %get3A_24, %dot_general3A_25 {dimension_numbers = #tpu.dot_dimension_numbers<[1], [0], [0], [1], [0, 0, 1, 1], [], []>, transpose_lhs_hint = false} : vector<1000x128xf32>, vector<128x128xf32>, vector<1000x128xf32> -> vector<1000x128xf32>
    %swap3A_27 = arith.constant 0 : index
    %swap3A_28 = arith.constant 0 : index
    %swap3A_29 = vector.load %arg6[%swap3A_27, %swap3A_28] : memref<1000x128xf32, #tpu.memory_space<vmem>>, vector<1000x128xf32>
    tpu.vector_store %arg6[%swap3A_27, %swap3A_28], %dot_general3A_26 {strides = array<i32>} : memref<1000x128xf32, #tpu.memory_space<vmem>>, vector<1000x128xf32>,
    return
  }
  func.func @transform_0(%arg0: i32) -> (i32, i32, i32) {
    %c0_i32 = arith.constant 0 : i32
    %c0_i32_0 = arith.constant 0 : i32
    %c0_i32_1 = arith.constant 0 : i32
    return %c0_i32, %arg0, %c0_i32_0 : i32, i32, i32
  }
  func.func @transform_1(%arg0: i32) -> (i32, i32) {
    %c0_i32 = arith.constant 0 : i32
    %c0_i32_0 = arith.constant 0 : i32
    %c0_i32_1 = arith.constant 0 : i32
    return %c0_i32, %c0_i32_0 : i32, i32
  }
  func.func @transform_2(%arg0: i32) -> (i32, i32) {
    %c0_i32 = arith.constant 0 : i32
    %c0_i32_0 = arith.constant 0 : i32
    %c0_i32_1 = arith.constant 0 : i32
    return %c0_i32, %c0_i32_0 : i32, i32
  }
  func.func @transform_3(%arg0: i32) -> (i32, i32) {
    %c0_i32 = arith.constant 0 : i32
    %c0_i32_0 = arith.constant 0 : i32
    %c0_i32_1 = arith.constant 0 : i32
    return %c0_i32, %c0_i32_0 : i32, i32
  }
  func.func @transform_4(%arg0: i32) -> (i32, i32) {
    %c0_i32 = arith.constant 0 : i32
    %c0_i32_0 = arith.constant 0 : i32
    return %arg0, %c0_i32 : i32, i32
  }
  func.func @transform_5(%arg0: i32) -> (i32, i32) {
    %c0_i32 = arith.constant 0 : i32
    %c0_i32_0 = arith.constant 0 : i32
    return %arg0, %c0_i32 : i32, i32
  }
}

module attributes {stable_mosaic.version = 14 : i64} {
  func.func @body(%arg0: i32, %arg1: memref<2x1000x128xf32, #tpu.memory_space<vmem>>, %arg2: memref<2x1000x128xf32, #tpu.memory_space<vmem>>, %arg3: memref<1x256xf32, #tpu.memory_space<vmem>>, %arg4: memref<256x128xf32, #tpu.memory_space<vmem>>, %arg5: memref<256x128xf32, #tpu.memory_space<vmem>>, %arg6: memref<256x128xf32, #tpu.memory_space<vmem>>, %arg7: memref<256x128xf32, #tpu.memory_space<vmem>>, %arg8: memref<1000x128xf32, #tpu.memory_space<vmem>>, %arg9: memref<1000x128xf32, #tpu.memory_space<vmem>>, %arg10: memref<1000x128xf32, #tpu.memory_space<vmem>>, %arg11: memref<1000x128xf32, #tpu.memory_space<vmem>>) attributes {dimension_semantics = [#tpu.dimension_semantics<arbitrary>], iteration_bounds = array<i64: 10>, scalar_prefetch = 0 : i64, scratch_operands = 0 : i64, tpu.core_type = #tpu.core_type<tc>, window_params = [{transform_indices = @transform_0, window_bounds = array<i64: 2, 1000, 128>}, {transform_indices = @transform_1, window_bounds = array<i64: 2, 1000, 128>}, {pipeline_mode = #tpu.pipeline_mode<synchronous>, transform_indices = @transform_2, window_bounds = array<i64: 1, 256>}, {pipeline_mode = #tpu.pipeline_mode<synchronous>, transform_indices = @transform_3, window_bounds = array<i64: 256, 128>}, {pipeline_mode = #tpu.pipeline_mode<synchronous>, transform_indices = @transform_4, window_bounds = array<i64: 256, 128>}, {pipeline_mode = #tpu.pipeline_mode<synchronous>, transform_indices = @transform_5, window_bounds = array<i64: 256, 128>}, {pipeline_mode = #tpu.pipeline_mode<synchronous>, transform_indices = @transform_6, window_bounds = array<i64: 256, 128>}, {transform_indices = @transform_7, window_bounds = array<i64: 1000, 128>}, {transform_indices = @transform_8, window_bounds = array<i64: 1000, 128>}, {transform_indices = @transform_9, window_bounds = array<i64: 1000, 128>}, {transform_indices = @transform_10, window_bounds = array<i64: 1000, 128>}]} {
    %get3A = arith.constant 0 : index
    %get3A_0 = arith.constant 0 : index
    %get3A_1 = arith.constant 0 : index
    %get3A_2 = vector.load %arg1[%get3A, %get3A_0, %get3A_1] : memref<2x1000x128xf32, #tpu.memory_space<vmem>>, vector<1x1000x128xf32>
    %get3A_3 = vector.shape_cast %get3A_2 : vector<1x1000x128xf32> to vector<1000x128xf32>
    %get3A_4 = arith.constant 1 : index
    %get3A_5 = arith.constant 0 : index
    %get3A_6 = arith.constant 0 : index
    %get3A_7 = vector.load %arg1[%get3A_4, %get3A_5, %get3A_6] : memref<2x1000x128xf32, #tpu.memory_space<vmem>>, vector<1x1000x128xf32>
    %get3A_8 = vector.shape_cast %get3A_7 : vector<1x1000x128xf32> to vector<1000x128xf32>
    %add3A = arith.addf %get3A_3, %get3A_8 : vector<1000x128xf32>
    %get3A_9 = arith.constant 0 : index
    %get3A_10 = arith.constant 0 : index
    %get3A_11 = arith.constant 0 : index
    %get3A_12 = vector.load %arg2[%get3A_9, %get3A_10, %get3A_11] : memref<2x1000x128xf32, #tpu.memory_space<vmem>>, vector<1x1000x128xf32>
    %get3A_13 = vector.shape_cast %get3A_12 : vector<1x1000x128xf32> to vector<1000x128xf32>
    %get3A_14 = arith.constant 1 : index
    %get3A_15 = arith.constant 0 : index
    %get3A_16 = arith.constant 0 : index
    %get3A_17 = vector.load %arg2[%get3A_14, %get3A_15, %get3A_16] : memref<2x1000x128xf32, #tpu.memory_space<vmem>>, vector<1x1000x128xf32>
    %get3A_18 = vector.shape_cast %get3A_17 : vector<1x1000x128xf32> to vector<1000x128xf32>
    %add3A_19 = arith.addf %get3A_13, %get3A_18 : vector<1000x128xf32>
    %concatenate3A = tpu.concatenate %add3A, %add3A_19 in 1 : vector<1000x128xf32>, vector<1000x128xf32> -> vector<1000x256xf32>
    %get3A_20 = arith.constant 0 : index
    %get3A_21 = arith.constant 0 : index
    %get3A_22 = vector.load %arg3[%get3A_20, %get3A_21] : memref<1x256xf32, #tpu.memory_space<vmem>>, vector<1x256xf32>
    %add3A_23 = vector.broadcast %get3A_22 : vector<1x256xf32> to vector<1000x256xf32>
    %add3A_24 = arith.addf %concatenate3A, %add3A_23 : vector<1000x256xf32>
    %max3A = arith.constant 0.000000e+00 : f32
    %max3A_25 = vector.broadcast %max3A : f32 to vector<1000x256xf32>
    %max3A_26 = arith.maximumf %add3A_24, %max3A_25 : vector<1000x256xf32>
    %get3A_27 = arith.constant 0 : index
    %get3A_28 = arith.constant 0 : index
    %get3A_29 = vector.load %arg4[%get3A_27, %get3A_28] : memref<256x128xf32, #tpu.memory_space<vmem>>, vector<256x128xf32>
    %dot_general3A = arith.constant dense<0.000000e+00> : vector<1000x128xf32>
    %dot_general3A_30 = tpu.matmul %max3A_26, %get3A_29, %dot_general3A {dimension_numbers = #tpu.dot_dimension_numbers<[1], [0], [0], [1], [0, 0, 1, 1], [], []>, transpose_lhs_hint = false} : vector<1000x256xf32>, vector<256x128xf32>, vector<1000x128xf32> -> vector<1000x128xf32>
    %swap3A = arith.constant 0 : index
    %swap3A_31 = arith.constant 0 : index
    %swap3A_32 = vector.load %arg8[%swap3A, %swap3A_31] : memref<1000x128xf32, #tpu.memory_space<vmem>>, vector<1000x128xf32>
    tpu.vector_store %arg8[%swap3A, %swap3A_31], %dot_general3A_30 {strides = array<i32>} : memref<1000x128xf32, #tpu.memory_space<vmem>>, vector<1000x128xf32>,
    %get3A_33 = arith.constant 0 : index
    %get3A_34 = arith.constant 0 : index
    %get3A_35 = vector.load %arg5[%get3A_33, %get3A_34] : memref<256x128xf32, #tpu.memory_space<vmem>>, vector<256x128xf32>
    %dot_general3A_36 = arith.constant dense<0.000000e+00> : vector<1000x128xf32>
    %dot_general3A_37 = tpu.matmul %max3A_26, %get3A_35, %dot_general3A_36 {dimension_numbers = #tpu.dot_dimension_numbers<[1], [0], [0], [1], [0, 0, 1, 1], [], []>, transpose_lhs_hint = false} : vector<1000x256xf32>, vector<256x128xf32>, vector<1000x128xf32> -> vector<1000x128xf32>
    %swap3A_38 = arith.constant 0 : index
    %swap3A_39 = arith.constant 0 : index
    %swap3A_40 = vector.load %arg9[%swap3A_38, %swap3A_39] : memref<1000x128xf32, #tpu.memory_space<vmem>>, vector<1000x128xf32>
    tpu.vector_store %arg9[%swap3A_38, %swap3A_39], %dot_general3A_37 {strides = array<i32>} : memref<1000x128xf32, #tpu.memory_space<vmem>>, vector<1000x128xf32>,
    %get3A_41 = arith.constant 0 : index
    %get3A_42 = arith.constant 0 : index
    %get3A_43 = vector.load %arg6[%get3A_41, %get3A_42] : memref<256x128xf32, #tpu.memory_space<vmem>>, vector<256x128xf32>
    %dot_general3A_44 = arith.constant dense<0.000000e+00> : vector<1000x128xf32>
    %dot_general3A_45 = tpu.matmul %max3A_26, %get3A_43, %dot_general3A_44 {dimension_numbers = #tpu.dot_dimension_numbers<[1], [0], [0], [1], [0, 0, 1, 1], [], []>, transpose_lhs_hint = false} : vector<1000x256xf32>, vector<256x128xf32>, vector<1000x128xf32> -> vector<1000x128xf32>
    %swap3A_46 = arith.constant 0 : index
    %swap3A_47 = arith.constant 0 : index
    %swap3A_48 = vector.load %arg10[%swap3A_46, %swap3A_47] : memref<1000x128xf32, #tpu.memory_space<vmem>>, vector<1000x128xf32>
    tpu.vector_store %arg10[%swap3A_46, %swap3A_47], %dot_general3A_45 {strides = array<i32>} : memref<1000x128xf32, #tpu.memory_space<vmem>>, vector<1000x128xf32>,
    %get3A_49 = arith.constant 0 : index
    %get3A_50 = arith.constant 0 : index
    %get3A_51 = vector.load %arg7[%get3A_49, %get3A_50] : memref<256x128xf32, #tpu.memory_space<vmem>>, vector<256x128xf32>
    %dot_general3A_52 = arith.constant dense<0.000000e+00> : vector<1000x128xf32>
    %dot_general3A_53 = tpu.matmul %max3A_26, %get3A_51, %dot_general3A_52 {dimension_numbers = #tpu.dot_dimension_numbers<[1], [0], [0], [1], [0, 0, 1, 1], [], []>, transpose_lhs_hint = false} : vector<1000x256xf32>, vector<256x128xf32>, vector<1000x128xf32> -> vector<1000x128xf32>
    %swap3A_54 = arith.constant 0 : index
    %swap3A_55 = arith.constant 0 : index
    %swap3A_56 = vector.load %arg11[%swap3A_54, %swap3A_55] : memref<1000x128xf32, #tpu.memory_space<vmem>>, vector<1000x128xf32>
    tpu.vector_store %arg11[%swap3A_54, %swap3A_55], %dot_general3A_53 {strides = array<i32>} : memref<1000x128xf32, #tpu.memory_space<vmem>>, vector<1000x128xf32>,
    return
  }
  func.func @transform_0(%arg0: i32) -> (i32, i32, i32) {
    %c0_i32 = arith.constant 0 : i32
    %c0_i32_0 = arith.constant 0 : i32
    %c0_i32_1 = arith.constant 0 : i32
    return %c0_i32, %arg0, %c0_i32_0 : i32, i32, i32
  }
  func.func @transform_1(%arg0: i32) -> (i32, i32, i32) {
    %c0_i32 = arith.constant 0 : i32
    %c0_i32_0 = arith.constant 0 : i32
    %c0_i32_1 = arith.constant 0 : i32
    return %c0_i32, %arg0, %c0_i32_0 : i32, i32, i32
  }
  func.func @transform_2(%arg0: i32) -> (i32, i32) {
    %c0_i32 = arith.constant 0 : i32
    %c0_i32_0 = arith.constant 0 : i32
    %c0_i32_1 = arith.constant 0 : i32
    return %c0_i32, %c0_i32_0 : i32, i32
  }
  func.func @transform_3(%arg0: i32) -> (i32, i32) {
    %c0_i32 = arith.constant 0 : i32
    %c0_i32_0 = arith.constant 0 : i32
    %c0_i32_1 = arith.constant 0 : i32
    return %c0_i32, %c0_i32_0 : i32, i32
  }
  func.func @transform_4(%arg0: i32) -> (i32, i32) {
    %c0_i32 = arith.constant 0 : i32
    %c0_i32_0 = arith.constant 0 : i32
    %c0_i32_1 = arith.constant 0 : i32
    return %c0_i32, %c0_i32_0 : i32, i32
  }
  func.func @transform_5(%arg0: i32) -> (i32, i32) {
    %c0_i32 = arith.constant 0 : i32
    %c0_i32_0 = arith.constant 0 : i32
    %c0_i32_1 = arith.constant 0 : i32
    return %c0_i32, %c0_i32_0 : i32, i32
  }
  func.func @transform_6(%arg0: i32) -> (i32, i32) {
    %c0_i32 = arith.constant 0 : i32
    %c0_i32_0 = arith.constant 0 : i32
    %c0_i32_1 = arith.constant 0 : i32
    return %c0_i32, %c0_i32_0 : i32, i32
  }
  func.func @transform_7(%arg0: i32) -> (i32, i32) {
    %c0_i32 = arith.constant 0 : i32
    %c0_i32_0 = arith.constant 0 : i32
    return %arg0, %c0_i32 : i32, i32
  }
  func.func @transform_8(%arg0: i32) -> (i32, i32) {
    %c0_i32 = arith.constant 0 : i32
    %c0_i32_0 = arith.constant 0 : i32
    return %arg0, %c0_i32 : i32, i32
  }
  func.func @transform_9(%arg0: i32) -> (i32, i32) {
    %c0_i32 = arith.constant 0 : i32
    %c0_i32_0 = arith.constant 0 : i32
    return %arg0, %c0_i32 : i32, i32
  }
  func.func @transform_10(%arg0: i32) -> (i32, i32) {
    %c0_i32 = arith.constant 0 : i32
    %c0_i32_0 = arith.constant 0 : i32
    return %arg0, %c0_i32 : i32, i32
  }
}

module attributes {stable_mosaic.version = 14 : i64} {
  func.func @body(%arg0: i32, %arg1: memref<2x1000x128xf32, #tpu.memory_space<vmem>>, %arg2: memref<2x1000x128xf32, #tpu.memory_space<vmem>>, %arg3: memref<2x1000x128xf32, #tpu.memory_space<vmem>>, %arg4: memref<2x1000x128xf32, #tpu.memory_space<vmem>>, %arg5: memref<1x1x1000xi32, #tpu.memory_space<vmem>>, %arg6: memref<1x1000x1xi32, #tpu.memory_space<vmem>>, %arg7: memref<1x512xf32, #tpu.memory_space<vmem>>, %arg8: memref<512x1xf32, #tpu.memory_space<vmem>>, %arg9: memref<1x1xf32, #tpu.memory_space<vmem>>, %arg10: memref<512x128xf32, #tpu.memory_space<vmem>>, %arg11: memref<512x128xf32, #tpu.memory_space<vmem>>, %arg12: memref<1x128xf32, #tpu.memory_space<vmem>>, %arg13: memref<1x128xf32, #tpu.memory_space<vmem>>, %arg14: memref<1x128xf32, #tpu.memory_space<vmem>>, %arg15: memref<1x128xf32, #tpu.memory_space<vmem>>, %arg16: memref<1x128xf32, #tpu.memory_space<vmem>>, %arg17: memref<128x1xf32, #tpu.memory_space<vmem>>, %arg18: memref<1x1xf32, #tpu.memory_space<vmem>>, %arg19: memref<64x1xf32, #tpu.memory_space<vmem>>, %arg20: memref<64x512xf32, #tpu.memory_space<vmem>>, %arg21: memref<64x512xf32, #tpu.memory_space<vmem>>) attributes {dimension_semantics = [#tpu.dimension_semantics<arbitrary>], iteration_bounds = array<i64: 10>, scalar_prefetch = 0 : i64, scratch_operands = 2 : i64, tpu.core_type = #tpu.core_type<tc>, window_params = [{transform_indices = @transform_0, window_bounds = array<i64: 2, 1000, 128>}, {transform_indices = @transform_1, window_bounds = array<i64: 2, 1000, 128>}, {transform_indices = @transform_2, window_bounds = array<i64: 2, 1000, 128>}, {transform_indices = @transform_3, window_bounds = array<i64: 2, 1000, 128>}, {transform_indices = @transform_4, window_bounds = array<i64: 1, 1, 1000>}, {transform_indices = @transform_5, window_bounds = array<i64: 1, 1000, 1>}, {pipeline_mode = #tpu.pipeline_mode<synchronous>, transform_indices = @transform_6, window_bounds = array<i64: 1, 512>}, {pipeline_mode = #tpu.pipeline_mode<synchronous>, transform_indices = @transform_7, window_bounds = array<i64: 512, 1>}, {pipeline_mode = #tpu.pipeline_mode<synchronous>, transform_indices = @transform_8, window_bounds = array<i64: 1, 1>}, {pipeline_mode = #tpu.pipeline_mode<synchronous>, transform_indices = @transform_9, window_bounds = array<i64: 512, 128>}, {pipeline_mode = #tpu.pipeline_mode<synchronous>, transform_indices = @transform_10, window_bounds = array<i64: 512, 128>}, {pipeline_mode = #tpu.pipeline_mode<synchronous>, transform_indices = @transform_11, window_bounds = array<i64: 1, 128>}, {pipeline_mode = #tpu.pipeline_mode<synchronous>, transform_indices = @transform_12, window_bounds = array<i64: 1, 128>}, {pipeline_mode = #tpu.pipeline_mode<synchronous>, transform_indices = @transform_13, window_bounds = array<i64: 1, 128>}, {pipeline_mode = #tpu.pipeline_mode<synchronous>, transform_indices = @transform_14, window_bounds = array<i64: 1, 128>}, {pipeline_mode = #tpu.pipeline_mode<synchronous>, transform_indices = @transform_15, window_bounds = array<i64: 1, 128>}, {pipeline_mode = #tpu.pipeline_mode<synchronous>, transform_indices = @transform_16, window_bounds = array<i64: 128, 1>}, {pipeline_mode = #tpu.pipeline_mode<synchronous>, transform_indices = @transform_17, window_bounds = array<i64: 1, 1>}, {pipeline_mode = #tpu.pipeline_mode<synchronous>, transform_indices = @transform_18, window_bounds = array<i64: 64, 1>}]} {
    %eq3A = arith.constant 0 : i32
    %eq3A_0 = arith.cmpi eq, %arg0, %eq3A : i32
    %convert_element_type3A = arith.extui %eq3A_0 : i1 to i32
    %cond3A = arith.constant 0 : i32
    %cond3A_1 = arith.cmpi ne, %convert_element_type3A, %cond3A : i32
    scf.if %cond3A_1 {
      %broadcast_in_dim3A = arith.constant 0.000000e+00 : f32
      %broadcast_in_dim3A_112 = vector.broadcast %broadcast_in_dim3A : f32 to vector<64x512xf32>
      %swap3A_113 = arith.constant 0 : index
      %swap3A_114 = arith.constant 0 : index
      %swap3A_115 = vector.load %arg20[%swap3A_113, %swap3A_114] : memref<64x512xf32, #tpu.memory_space<vmem>>, vector<64x512xf32>
      tpu.vector_store %arg20[%swap3A_113, %swap3A_114], %broadcast_in_dim3A_112 {strides = array<i32>} : memref<64x512xf32, #tpu.memory_space<vmem>>, vector<64x512xf32>,
      %broadcast_in_dim3A_116 = arith.constant 0xFF800000 : f32
      %broadcast_in_dim3A_117 = vector.broadcast %broadcast_in_dim3A_116 : f32 to vector<64x512xf32>
      %swap3A_118 = arith.constant 0 : index
      %swap3A_119 = arith.constant 0 : index
      %swap3A_120 = vector.load %arg21[%swap3A_118, %swap3A_119] : memref<64x512xf32, #tpu.memory_space<vmem>>, vector<64x512xf32>
      tpu.vector_store %arg21[%swap3A_118, %swap3A_119], %broadcast_in_dim3A_117 {strides = array<i32>} : memref<64x512xf32, #tpu.memory_space<vmem>>, vector<64x512xf32>,
    } else {
    }
    %get3A = arith.constant 0 : index
    %get3A_2 = arith.constant 0 : index
    %get3A_3 = arith.constant 0 : index
    %get3A_4 = vector.load %arg1[%get3A, %get3A_2, %get3A_3] : memref<2x1000x128xf32, #tpu.memory_space<vmem>>, vector<1x1000x128xf32>
    %get3A_5 = vector.shape_cast %get3A_4 : vector<1x1000x128xf32> to vector<1000x128xf32>
    %get3A_6 = arith.constant 1 : index
    %get3A_7 = arith.constant 0 : index
    %get3A_8 = arith.constant 0 : index
    %get3A_9 = vector.load %arg1[%get3A_6, %get3A_7, %get3A_8] : memref<2x1000x128xf32, #tpu.memory_space<vmem>>, vector<1x1000x128xf32>
    %get3A_10 = vector.shape_cast %get3A_9 : vector<1x1000x128xf32> to vector<1000x128xf32>
    %add3A = arith.addf %get3A_5, %get3A_10 : vector<1000x128xf32>
    %get3A_11 = arith.constant 0 : index
    %get3A_12 = arith.constant 0 : index
    %get3A_13 = arith.constant 0 : index
    %get3A_14 = vector.load %arg2[%get3A_11, %get3A_12, %get3A_13] : memref<2x1000x128xf32, #tpu.memory_space<vmem>>, vector<1x1000x128xf32>
    %get3A_15 = vector.shape_cast %get3A_14 : vector<1x1000x128xf32> to vector<1000x128xf32>
    %get3A_16 = arith.constant 1 : index
    %get3A_17 = arith.constant 0 : index
    %get3A_18 = arith.constant 0 : index
    %get3A_19 = vector.load %arg2[%get3A_16, %get3A_17, %get3A_18] : memref<2x1000x128xf32, #tpu.memory_space<vmem>>, vector<1x1000x128xf32>
    %get3A_20 = vector.shape_cast %get3A_19 : vector<1x1000x128xf32> to vector<1000x128xf32>
    %add3A_21 = arith.addf %get3A_15, %get3A_20 : vector<1000x128xf32>
    %get3A_22 = arith.constant 0 : index
    %get3A_23 = arith.constant 0 : index
    %get3A_24 = arith.constant 0 : index
    %get3A_25 = vector.load %arg3[%get3A_22, %get3A_23, %get3A_24] : memref<2x1000x128xf32, #tpu.memory_space<vmem>>, vector<1x1000x128xf32>
    %get3A_26 = vector.shape_cast %get3A_25 : vector<1x1000x128xf32> to vector<1000x128xf32>
    %get3A_27 = arith.constant 1 : index
    %get3A_28 = arith.constant 0 : index
    %get3A_29 = arith.constant 0 : index
    %get3A_30 = vector.load %arg3[%get3A_27, %get3A_28, %get3A_29] : memref<2x1000x128xf32, #tpu.memory_space<vmem>>, vector<1x1000x128xf32>
    %get3A_31 = vector.shape_cast %get3A_30 : vector<1x1000x128xf32> to vector<1000x128xf32>
    %add3A_32 = arith.addf %get3A_26, %get3A_31 : vector<1000x128xf32>
    %get3A_33 = arith.constant 0 : index
    %get3A_34 = arith.constant 0 : index
    %get3A_35 = arith.constant 0 : index
    %get3A_36 = vector.load %arg4[%get3A_33, %get3A_34, %get3A_35] : memref<2x1000x128xf32, #tpu.memory_space<vmem>>, vector<1x1000x128xf32>
    %get3A_37 = vector.shape_cast %get3A_36 : vector<1x1000x128xf32> to vector<1000x128xf32>
    %get3A_38 = arith.constant 1 : index
    %get3A_39 = arith.constant 0 : index
    %get3A_40 = arith.constant 0 : index
    %get3A_41 = vector.load %arg4[%get3A_38, %get3A_39, %get3A_40] : memref<2x1000x128xf32, #tpu.memory_space<vmem>>, vector<1x1000x128xf32>
    %get3A_42 = vector.shape_cast %get3A_41 : vector<1x1000x128xf32> to vector<1000x128xf32>
    %add3A_43 = arith.addf %get3A_37, %get3A_42 : vector<1000x128xf32>
    %concatenate3A = tpu.concatenate %add3A, %add3A_21, %add3A_32, %add3A_43 in 1 : vector<1000x128xf32>, vector<1000x128xf32>, vector<1000x128xf32>, vector<1000x128xf32> -> vector<1000x512xf32>
    %get3A_44 = arith.constant 0 : index
    %get3A_45 = arith.constant 0 : index
    %get3A_46 = vector.load %arg7[%get3A_44, %get3A_45] : memref<1x512xf32, #tpu.memory_space<vmem>>, vector<1x512xf32>
    %add3A_47 = vector.broadcast %get3A_46 : vector<1x512xf32> to vector<1000x512xf32>
    %add3A_48 = arith.addf %concatenate3A, %add3A_47 : vector<1000x512xf32>
    %max3A = arith.constant 0.000000e+00 : f32
    %max3A_49 = vector.broadcast %max3A : f32 to vector<1000x512xf32>
    %max3A_50 = arith.maximumf %add3A_48, %max3A_49 : vector<1000x512xf32>
    %get3A_51 = arith.constant 0 : index
    %get3A_52 = arith.constant 0 : index
    %get3A_53 = vector.load %arg8[%get3A_51, %get3A_52] : memref<512x1xf32, #tpu.memory_space<vmem>>, vector<512x1xf32>
    %dot_general3A = arith.constant dense<0.000000e+00> : vector<1000x1xf32>
    %dot_general3A_54 = tpu.matmul %max3A_50, %get3A_53, %dot_general3A {dimension_numbers = #tpu.dot_dimension_numbers<[1], [0], [0], [1], [0, 0, 1, 1], [], []>, transpose_lhs_hint = false} : vector<1000x512xf32>, vector<512x1xf32>, vector<1000x1xf32> -> vector<1000x1xf32>
    %get3A_55 = arith.constant 0 : index
    %get3A_56 = arith.constant 0 : index
    %get3A_57 = vector.load %arg9[%get3A_55, %get3A_56] : memref<1x1xf32, #tpu.memory_space<vmem>>, vector<1x1xf32>
    %get3A_58 = vector.extract %get3A_57[0, 0] : f32 from vector<1x1xf32>
    %add3A_59 = vector.broadcast %get3A_58 : f32 to vector<1000x1xf32>
    %add3A_60 = arith.addf %dot_general3A_54, %add3A_59 : vector<1000x1xf32>
    %logistic3A = arith.negf %add3A_60 : vector<1000x1xf32>
    %logistic3A_61 = math.exp %logistic3A : vector<1000x1xf32>
    %logistic3A_62 = arith.constant 1.000000e+00 : f32
    %logistic3A_63 = vector.broadcast %logistic3A_62 : f32 to vector<1000x1xf32>
    %logistic3A_64 = arith.addf %logistic3A_63, %logistic3A_61 : vector<1000x1xf32>
    %logistic3A_65 = arith.divf %logistic3A_63, %logistic3A_64 : vector<1000x1xf32>
    %get3A_66 = arith.constant 0 : index
    %get3A_67 = arith.constant 0 : index
    %get3A_68 = arith.constant 0 : index
    %get3A_69 = vector.load %arg5[%get3A_66, %get3A_67, %get3A_68] : memref<1x1x1000xi32, #tpu.memory_space<vmem>>, vector<1x1x1000xi32>
    %get3A_70 = vector.shape_cast %get3A_69 : vector<1x1x1000xi32> to vector<1x1000xi32>
    %get3A_71 = arith.constant 0 : index
    %get3A_72 = arith.constant 0 : index
    %get3A_73 = arith.constant 0 : index
    %get3A_74 = vector.load %arg6[%get3A_71, %get3A_72, %get3A_73] : memref<1x1000x1xi32, #tpu.memory_space<vmem>>, vector<1x1000x1xi32>
    %get3A_75 = vector.shape_cast %get3A_74 : vector<1x1000x1xi32> to vector<1000x1xi32>
    %iota3A = tpu.iota {dimensions = array<i32: 0>} : vector<64x1000xi32>
    %eq3A_76 = vector.broadcast %get3A_70 : vector<1x1000xi32> to vector<64x1000xi32>
    %eq3A_77 = arith.cmpi eq, %iota3A, %eq3A_76 : vector<64x1000xi32>
    %convert_element_type3A_78 = arith.extui %eq3A_77 : vector<64x1000xi1> to vector<64x1000xi32>
    %convert_element_type3A_79 = arith.sitofp %convert_element_type3A_78 : vector<64x1000xi32> to vector<64x1000xf32>
    %get3A_80 = arith.constant 0 : index
    %get3A_81 = arith.constant 0 : index
    %get3A_82 = vector.load %arg20[%get3A_80, %get3A_81] : memref<64x512xf32, #tpu.memory_space<vmem>>, vector<64x512xf32>
    %mul3A = vector.broadcast %logistic3A_65 : vector<1000x1xf32> to vector<1000x512xf32>
    %mul3A_83 = arith.mulf %max3A_50, %mul3A : vector<1000x512xf32>
    %dot_general3A_84 = arith.constant dense<0.000000e+00> : vector<64x512xf32>
    %dot_general3A_85 = tpu.matmul %convert_element_type3A_79, %mul3A_83, %dot_general3A_84 {dimension_numbers = #tpu.dot_dimension_numbers<[1], [0], [0], [1], [0, 0, 1, 1], [], []>, precision = #tpu.contract_precision<fp32>, transpose_lhs_hint = false} : vector<64x1000xf32>, vector<1000x512xf32>, vector<64x512xf32> -> vector<64x512xf32>
    %add3A_86 = arith.addf %get3A_82, %dot_general3A_85 : vector<64x512xf32>
    %swap3A = arith.constant 0 : index
    %swap3A_87 = arith.constant 0 : index
    %swap3A_88 = vector.load %arg20[%swap3A, %swap3A_87] : memref<64x512xf32, #tpu.memory_space<vmem>>, vector<64x512xf32>
    tpu.vector_store %arg20[%swap3A, %swap3A_87], %add3A_86 {strides = array<i32>} : memref<64x512xf32, #tpu.memory_space<vmem>>, vector<64x512xf32>,
    %reduce_min3A = vector.shape_cast %get3A_70 : vector<1x1000xi32> to vector<1x1x1000xi32>
    %reduce_min3A_89 = arith.constant dense<2147483647> : vector<1xi32>
    %reduce_min3A_90 = vector.multi_reduction <minsi>, %reduce_min3A, %reduce_min3A_89 [1, 2] : vector<1x1x1000xi32> to vector<1xi32>
    %reduce_min3A_91 = vector.shape_cast %reduce_min3A_90 : vector<1xi32> to vector<1x1x1xi32>
    %reduce_min3A_92 = vector.extract %reduce_min3A_91[0, 0, 0] : i32 from vector<1x1x1xi32>
    %reduce_max3A = vector.shape_cast %get3A_70 : vector<1x1000xi32> to vector<1x1x1000xi32>
    %reduce_max3A_93 = arith.constant dense<-2147483648> : vector<1xi32>
    %reduce_max3A_94 = vector.multi_reduction <maxsi>, %reduce_max3A, %reduce_max3A_93 [1, 2] : vector<1x1x1000xi32> to vector<1xi32>
    %reduce_max3A_95 = vector.shape_cast %reduce_max3A_94 : vector<1xi32> to vector<1x1x1xi32>
    %reduce_max3A_96 = vector.extract %reduce_max3A_95[0, 0, 0] : i32 from vector<1x1x1xi32>
    %add3A_97 = arith.constant 1 : i32
    %add3A_98 = arith.addi %reduce_max3A_96, %add3A_97 : i32
    %while3A = arith.constant 0 : i32
    %while3A_99 = arith.subi %add3A_98, %reduce_min3A_92 : i32
    %while3A_100 = arith.addi %reduce_min3A_92, %while3A_99 : i32
    %while3A_101 = arith.constant 1 : i32
    %while3A_102 = arith.divsi %while3A_99, %while3A_101 : i32
    %while3A_103 = arith.muli %while3A_102, %while3A_101 : i32
    %while3A_104 = arith.addi %reduce_min3A_92, %while3A_103 : i32
    %while3A_105 = arith.constant 1 : i32
    scf.for %while3A_112 = %reduce_min3A_92 to %while3A_104 step %while3A_105  : i32 {
      %eq3A_113 = vector.broadcast %while3A_112 : i32 to vector<1000x1xi32>
      %eq3A_114 = arith.cmpi eq, %get3A_75, %eq3A_113 : vector<1000x1xi32>
      %jit3A = arith.constant 0xFF800000 : f32
      %broadcast_in_dim3A = vector.shape_cast %eq3A_114 : vector<1000x1xi1> to vector<1000x1xi1>
      %broadcast_in_dim3A_115 = vector.broadcast %broadcast_in_dim3A : vector<1000x1xi1> to vector<1000x512xi1>
      %broadcast_in_dim3A_116 = vector.broadcast %jit3A : f32 to vector<1000x512xf32>
      %select_n3A = arith.select %broadcast_in_dim3A_115, %max3A_50, %broadcast_in_dim3A_116 : vector<1000x512xi1>, vector<1000x512xf32>
      %reduce_max3A_117 = arith.constant dense<0xFF800000> : vector<512xf32>
      %reduce_max3A_118 = vector.multi_reduction <maximumf>, %select_n3A, %reduce_max3A_117 [0] : vector<1000x512xf32> to vector<512xf32>
      %broadcast_in_dim3A_119 = vector.shape_cast %reduce_max3A_118 : vector<512xf32> to vector<1x512xf32>
      %get3A_120 = arith.index_cast %while3A_112 : i32 to index
      %get3A_121 = arith.constant 0 : index
      %get3A_122 = vector.load %arg21[%get3A_120, %get3A_121] : memref<64x512xf32, #tpu.memory_space<vmem>>, vector<1x512xf32>
      %max3A_123 = arith.maximumf %get3A_122, %broadcast_in_dim3A_119 : vector<1x512xf32>
      %swap3A_124 = arith.index_cast %while3A_112 : i32 to index
      %swap3A_125 = arith.constant 0 : index
      %swap3A_126 = vector.load %arg21[%swap3A_124, %swap3A_125] : memref<64x512xf32, #tpu.memory_space<vmem>>, vector<1x512xf32>
      tpu.vector_store %arg21[%swap3A_124, %swap3A_125], %max3A_123 {strides = array<i32>} : memref<64x512xf32, #tpu.memory_space<vmem>>, vector<1x512xf32>,
    }
    %while3A_106 = arith.constant 1 : i32
    scf.for %while3A_112 = %while3A_104 to %while3A_100 step %while3A_106  : i32 {
      %eq3A_113 = vector.broadcast %while3A_112 : i32 to vector<1000x1xi32>
      %eq3A_114 = arith.cmpi eq, %get3A_75, %eq3A_113 : vector<1000x1xi32>
      %jit3A = arith.constant 0xFF800000 : f32
      %broadcast_in_dim3A = vector.shape_cast %eq3A_114 : vector<1000x1xi1> to vector<1000x1xi1>
      %broadcast_in_dim3A_115 = vector.broadcast %broadcast_in_dim3A : vector<1000x1xi1> to vector<1000x512xi1>
      %broadcast_in_dim3A_116 = vector.broadcast %jit3A : f32 to vector<1000x512xf32>
      %select_n3A = arith.select %broadcast_in_dim3A_115, %max3A_50, %broadcast_in_dim3A_116 : vector<1000x512xi1>, vector<1000x512xf32>
      %reduce_max3A_117 = arith.constant dense<0xFF800000> : vector<512xf32>
      %reduce_max3A_118 = vector.multi_reduction <maximumf>, %select_n3A, %reduce_max3A_117 [0] : vector<1000x512xf32> to vector<512xf32>
      %broadcast_in_dim3A_119 = vector.shape_cast %reduce_max3A_118 : vector<512xf32> to vector<1x512xf32>
      %get3A_120 = arith.index_cast %while3A_112 : i32 to index
      %get3A_121 = arith.constant 0 : index
      %get3A_122 = vector.load %arg21[%get3A_120, %get3A_121] : memref<64x512xf32, #tpu.memory_space<vmem>>, vector<1x512xf32>
      %max3A_123 = arith.maximumf %get3A_122, %broadcast_in_dim3A_119 : vector<1x512xf32>
      %swap3A_124 = arith.index_cast %while3A_112 : i32 to index
      %swap3A_125 = arith.constant 0 : index
      %swap3A_126 = vector.load %arg21[%swap3A_124, %swap3A_125] : memref<64x512xf32, #tpu.memory_space<vmem>>, vector<1x512xf32>
      tpu.vector_store %arg21[%swap3A_124, %swap3A_125], %max3A_123 {strides = array<i32>} : memref<64x512xf32, #tpu.memory_space<vmem>>, vector<1x512xf32>,
    }
    %eq3A_107 = arith.constant 9 : i32
    %eq3A_108 = arith.cmpi eq, %arg0, %eq3A_107 : i32
    %convert_element_type3A_109 = arith.extui %eq3A_108 : i1 to i32
    %cond3A_110 = arith.constant 0 : i32
    %cond3A_111 = arith.cmpi ne, %convert_element_type3A_109, %cond3A_110 : i32
    scf.if %cond3A_111 {
      %get3A_112 = arith.constant 0 : index
      %get3A_113 = arith.constant 0 : index
      %get3A_114 = vector.load %arg20[%get3A_112, %get3A_113] : memref<64x512xf32, #tpu.memory_space<vmem>>, vector<64x512xf32>
      %get3A_115 = arith.constant 0 : index
      %get3A_116 = arith.constant 0 : index
      %get3A_117 = vector.load %arg10[%get3A_115, %get3A_116] : memref<512x128xf32, #tpu.memory_space<vmem>>, vector<512x128xf32>
      %dot_general3A_118 = arith.constant dense<0.000000e+00> : vector<64x128xf32>
      %dot_general3A_119 = tpu.matmul %get3A_114, %get3A_117, %dot_general3A_118 {dimension_numbers = #tpu.dot_dimension_numbers<[1], [0], [0], [1], [0, 0, 1, 1], [], []>, transpose_lhs_hint = false} : vector<64x512xf32>, vector<512x128xf32>, vector<64x128xf32> -> vector<64x128xf32>
      %get3A_120 = arith.constant 0 : index
      %get3A_121 = arith.constant 0 : index
      %get3A_122 = vector.load %arg21[%get3A_120, %get3A_121] : memref<64x512xf32, #tpu.memory_space<vmem>>, vector<64x512xf32>
      %get3A_123 = arith.constant 0 : index
      %get3A_124 = arith.constant 0 : index
      %get3A_125 = vector.load %arg11[%get3A_123, %get3A_124] : memref<512x128xf32, #tpu.memory_space<vmem>>, vector<512x128xf32>
      %dot_general3A_126 = arith.constant dense<0.000000e+00> : vector<64x128xf32>
      %dot_general3A_127 = tpu.matmul %get3A_122, %get3A_125, %dot_general3A_126 {dimension_numbers = #tpu.dot_dimension_numbers<[1], [0], [0], [1], [0, 0, 1, 1], [], []>, transpose_lhs_hint = false} : vector<64x512xf32>, vector<512x128xf32>, vector<64x128xf32> -> vector<64x128xf32>
      %add3A_128 = arith.addf %dot_general3A_119, %dot_general3A_127 : vector<64x128xf32>
      %get3A_129 = arith.constant 0 : index
      %get3A_130 = arith.constant 0 : index
      %get3A_131 = vector.load %arg12[%get3A_129, %get3A_130] : memref<1x128xf32, #tpu.memory_space<vmem>>, vector<1x128xf32>
      %add3A_132 = vector.broadcast %get3A_131 : vector<1x128xf32> to vector<64x128xf32>
      %add3A_133 = arith.addf %add3A_128, %add3A_132 : vector<64x128xf32>
      %max3A_134 = arith.constant 0.000000e+00 : f32
      %max3A_135 = vector.broadcast %max3A_134 : f32 to vector<64x128xf32>
      %max3A_136 = arith.maximumf %add3A_133, %max3A_135 : vector<64x128xf32>
      %get3A_137 = arith.constant 0 : index
      %get3A_138 = arith.constant 0 : index
      %get3A_139 = vector.load %arg15[%get3A_137, %get3A_138] : memref<1x128xf32, #tpu.memory_space<vmem>>, vector<1x128xf32>
      %sub3A = vector.broadcast %get3A_139 : vector<1x128xf32> to vector<64x128xf32>
      %sub3A_140 = arith.subf %max3A_136, %sub3A : vector<64x128xf32>
      %get3A_141 = arith.constant 0 : index
      %get3A_142 = arith.constant 0 : index
      %get3A_143 = vector.load %arg16[%get3A_141, %get3A_142] : memref<1x128xf32, #tpu.memory_space<vmem>>, vector<1x128xf32>
      %add3A_144 = arith.constant 9.99999974E-6 : f32
      %add3A_145 = vector.broadcast %add3A_144 : f32 to vector<1x128xf32>
      %add3A_146 = arith.addf %get3A_143, %add3A_145 : vector<1x128xf32>
      %sqrt3A = math.sqrt %add3A_146 : vector<1x128xf32>
      %div3A = vector.broadcast %sqrt3A : vector<1x128xf32> to vector<64x128xf32>
      %div3A_147 = arith.divf %sub3A_140, %div3A : vector<64x128xf32>
      %get3A_148 = arith.constant 0 : index
      %get3A_149 = arith.constant 0 : index
      %get3A_150 = vector.load %arg13[%get3A_148, %get3A_149] : memref<1x128xf32, #tpu.memory_space<vmem>>, vector<1x128xf32>
      %mul3A_151 = vector.broadcast %get3A_150 : vector<1x128xf32> to vector<64x128xf32>
      %mul3A_152 = arith.mulf %div3A_147, %mul3A_151 : vector<64x128xf32>
      %get3A_153 = arith.constant 0 : index
      %get3A_154 = arith.constant 0 : index
      %get3A_155 = vector.load %arg14[%get3A_153, %get3A_154] : memref<1x128xf32, #tpu.memory_space<vmem>>, vector<1x128xf32>
      %add3A_156 = vector.broadcast %get3A_155 : vector<1x128xf32> to vector<64x128xf32>
      %add3A_157 = arith.addf %mul3A_152, %add3A_156 : vector<64x128xf32>
      %get3A_158 = arith.constant 0 : index
      %get3A_159 = arith.constant 0 : index
      %get3A_160 = vector.load %arg17[%get3A_158, %get3A_159] : memref<128x1xf32, #tpu.memory_space<vmem>>, vector<128x1xf32>
      %dot_general3A_161 = arith.constant dense<0.000000e+00> : vector<64x1xf32>
      %dot_general3A_162 = tpu.matmul %add3A_157, %get3A_160, %dot_general3A_161 {dimension_numbers = #tpu.dot_dimension_numbers<[1], [0], [0], [1], [0, 0, 1, 1], [], []>, transpose_lhs_hint = false} : vector<64x128xf32>, vector<128x1xf32>, vector<64x1xf32> -> vector<64x1xf32>
      %get3A_163 = arith.constant 0 : index
      %get3A_164 = arith.constant 0 : index
      %get3A_165 = vector.load %arg18[%get3A_163, %get3A_164] : memref<1x1xf32, #tpu.memory_space<vmem>>, vector<1x1xf32>
      %get3A_166 = vector.extract %get3A_165[0, 0] : f32 from vector<1x1xf32>
      %add3A_167 = vector.broadcast %get3A_166 : f32 to vector<64x1xf32>
      %add3A_168 = arith.addf %dot_general3A_162, %add3A_167 : vector<64x1xf32>
      %swap3A_169 = arith.constant 0 : index
      %swap3A_170 = arith.constant 0 : index
      %swap3A_171 = vector.load %arg19[%swap3A_169, %swap3A_170] : memref<64x1xf32, #tpu.memory_space<vmem>>, vector<64x1xf32>
      tpu.vector_store %arg19[%swap3A_169, %swap3A_170], %add3A_168 {strides = array<i32>} : memref<64x1xf32, #tpu.memory_space<vmem>>, vector<64x1xf32>,
    } else {
    }
    return
  }
  func.func @transform_0(%arg0: i32) -> (i32, i32, i32) {
    %c0_i32 = arith.constant 0 : i32
    %c0_i32_0 = arith.constant 0 : i32
    %c0_i32_1 = arith.constant 0 : i32
    return %c0_i32, %arg0, %c0_i32_0 : i32, i32, i32
  }
  func.func @transform_1(%arg0: i32) -> (i32, i32, i32) {
    %c0_i32 = arith.constant 0 : i32
    %c0_i32_0 = arith.constant 0 : i32
    %c0_i32_1 = arith.constant 0 : i32
    return %c0_i32, %arg0, %c0_i32_0 : i32, i32, i32
  }
  func.func @transform_2(%arg0: i32) -> (i32, i32, i32) {
    %c0_i32 = arith.constant 0 : i32
    %c0_i32_0 = arith.constant 0 : i32
    %c0_i32_1 = arith.constant 0 : i32
    return %c0_i32, %arg0, %c0_i32_0 : i32, i32, i32
  }
  func.func @transform_3(%arg0: i32) -> (i32, i32, i32) {
    %c0_i32 = arith.constant 0 : i32
    %c0_i32_0 = arith.constant 0 : i32
    %c0_i32_1 = arith.constant 0 : i32
    return %c0_i32, %arg0, %c0_i32_0 : i32, i32, i32
  }
  func.func @transform_4(%arg0: i32) -> (i32, i32, i32) {
    %c0_i32 = arith.constant 0 : i32
    %c0_i32_0 = arith.constant 0 : i32
    %c0_i32_1 = arith.constant 0 : i32
    return %arg0, %c0_i32, %c0_i32_0 : i32, i32, i32
  }
  func.func @transform_5(%arg0: i32) -> (i32, i32, i32) {
    %c0_i32 = arith.constant 0 : i32
    %c0_i32_0 = arith.constant 0 : i32
    %c0_i32_1 = arith.constant 0 : i32
    return %arg0, %c0_i32, %c0_i32_0 : i32, i32, i32
  }
  func.func @transform_6(%arg0: i32) -> (i32, i32) {
    %c0_i32 = arith.constant 0 : i32
    %c0_i32_0 = arith.constant 0 : i32
    %c0_i32_1 = arith.constant 0 : i32
    return %c0_i32, %c0_i32_0 : i32, i32
  }
  func.func @transform_7(%arg0: i32) -> (i32, i32) {
    %c0_i32 = arith.constant 0 : i32
    %c0_i32_0 = arith.constant 0 : i32
    %c0_i32_1 = arith.constant 0 : i32
    return %c0_i32, %c0_i32_0 : i32, i32
  }
  func.func @transform_8(%arg0: i32) -> (i32, i32) {
    %c0_i32 = arith.constant 0 : i32
    %c0_i32_0 = arith.constant 0 : i32
    %c0_i32_1 = arith.constant 0 : i32
    return %c0_i32, %c0_i32_0 : i32, i32
  }
  func.func @transform_9(%arg0: i32) -> (i32, i32) {
    %c0_i32 = arith.constant 0 : i32
    %c0_i32_0 = arith.constant 0 : i32
    %c0_i32_1 = arith.constant 0 : i32
    return %c0_i32, %c0_i32_0 : i32, i32
  }
  func.func @transform_10(%arg0: i32) -> (i32, i32) {
    %c0_i32 = arith.constant 0 : i32
    %c0_i32_0 = arith.constant 0 : i32
    %c0_i32_1 = arith.constant 0 : i32
    return %c0_i32, %c0_i32_0 : i32, i32
  }
  func.func @transform_11(%arg0: i32) -> (i32, i32) {
    %c0_i32 = arith.constant 0 : i32
    %c0_i32_0 = arith.constant 0 : i32
    %c0_i32_1 = arith.constant 0 : i32
    return %c0_i32, %c0_i32_0 : i32, i32
  }
  func.func @transform_12(%arg0: i32) -> (i32, i32) {
    %c0_i32 = arith.constant 0 : i32
    %c0_i32_0 = arith.constant 0 : i32
    %c0_i32_1 = arith.constant 0 : i32
    return %c0_i32, %c0_i32_0 : i32, i32
  }
  func.func @transform_13(%arg0: i32) -> (i32, i32) {
    %c0_i32 = arith.constant 0 : i32
    %c0_i32_0 = arith.constant 0 : i32
    %c0_i32_1 = arith.constant 0 : i32
    return %c0_i32, %c0_i32_0 : i32, i32
  }
  func.func @transform_14(%arg0: i32) -> (i32, i32) {
    %c0_i32 = arith.constant 0 : i32
    %c0_i32_0 = arith.constant 0 : i32
    %c0_i32_1 = arith.constant 0 : i32
    return %c0_i32, %c0_i32_0 : i32, i32
  }
  func.func @transform_15(%arg0: i32) -> (i32, i32) {
    %c0_i32 = arith.constant 0 : i32
    %c0_i32_0 = arith.constant 0 : i32
    %c0_i32_1 = arith.constant 0 : i32
    return %c0_i32, %c0_i32_0 : i32, i32
  }
  func.func @transform_16(%arg0: i32) -> (i32, i32) {
    %c0_i32 = arith.constant 0 : i32
    %c0_i32_0 = arith.constant 0 : i32
    %c0_i32_1 = arith.constant 0 : i32
    return %c0_i32, %c0_i32_0 : i32, i32
  }
  func.func @transform_17(%arg0: i32) -> (i32, i32) {
    %c0_i32 = arith.constant 0 : i32
    %c0_i32_0 = arith.constant 0 : i32
    %c0_i32_1 = arith.constant 0 : i32
    return %c0_i32, %c0_i32_0 : i32, i32
  }
  func.func @transform_18(%arg0: i32) -> (i32, i32) {
    %c0_i32 = arith.constant 0 : i32
    %c0_i32_0 = arith.constant 0 : i32
    %c0_i32_1 = arith.constant 0 : i32
    return %c0_i32, %c0_i32_0 : i32, i32
  }
}

</mosaic_0001>

<sc_bundles>
// kernel: kernel.13.cloned.1.call-start
scs
__scs_entry_jumppad:
0x0: {  	(pc) =	sbr.rel $0x88, $3  }
0x1: {  	(tag) =	ssettag $0x0;
	lr =	simm.s32 $0x1  }
0x2: {  	[smem:$0x3F8E] =	sst lr;
	_ =	strace $0xD0000000  }
0x3: {  	_ = 	snop  }
0x4: {  	_ = 	snop  }
0x5: {  	_ = 	snop  }
0x6: {  	_ = 	snop  }
0x7: {  	_ = 	snop  }
__scs_overlays_trampoline_lowered:
0x8: {  	[smem:$0x3F9D] =	sst s0  }
0x9: {  	[smem:$0x3F9E] =	sst s1  }
0xa: {  	[smem:$0x3F9F] =	sst s2  }
0xb: {  	[smem:$0x3FA0] =	sst s3  }
0xc: {  	[smem:$0x3FA1] =	sst s4  }
0xd: {  	[smem:$0x3FA2] =	sst s5  }
0xe: {  	[smem:$0x3FA3] =	sst s6  }
0xf: {  	[smem:$0x3FA4] =	sst s7  }
0x10: {  	[smem:$0x3FA5] =	sst s8  }
0x11: {  	[smem:$0x3FA6] =	sst s9;
	s0 =	simm.s32 @!p0 $0x0  }
0x12: {  	s1 =	sld [smem:$0x3F8C];
	s0 =	simm.s32 @p0 $0x1  }
0x13: {  	[smem:$0x3FA7] =	sst s0;
	s0 =	simm.s32 @!p1 $0x0  }
0x14: {  	s2 =	sld [smem:$0x3F8B];
	s0 =	simm.s32 @p1 $0x1  }
0x15: {  	[smem:$0x3FA8] =	sst s0;
	s0 =	simm.s32 @!p2 $0x0  }
0x16: {  	s3 =	sld [smem:$0x3FDB];
	s0 =	simm.s32 @p2 $0x1  }
0x17: {  	s4 =	simm.s32 $0x1BF5;
	[smem:$0x3FAA] =	sst s0  }
0x18: {  	s0 =	sld [smem:$0x3F8D];
	_ =	swait.ge [sflag:s4], $0x0  }
0x19: {  	s7 =	sld [smem:$0x3F8E]  }
0x1a: {  	s8 =	sadd.s32 $0xFFFFE003, lr  }
0x1b: {  	s9 =	sadd.s32 $0xFFFFFEF7, lr;
	s5 =	simm.s32 $0xFFFFFFFF;
	p2 =	slt.u32 s8, $0xFFFFF086  }
0x1c: {  	p1 =	slt.u32 s9, $0xF7A;
	s5 =	simm.s32 @!p2 $0x0  }
0x1d: {  	s5 =	simm.s32 @p1 $0x1;
	p0 =	seq.s32 s7, s2  }
0x1e: {  	s7 =	smul.u32 @!p0 $0xF7A, s2;
	p2 =	seq.s32 @!p0 s5, $0x0  }
0x1f: {  	s9 =	smul.u32 $0xF7A, s1;
	s8 =	simm.s32 @!p0 $0x1BF5;
	p2 =	por !p2, p0  }
0x20: {  	[sflag:s8] =	ssyncset.s32 @!p0 $0xFFFFF086;
	s6 =	sadd.s32 @!p0 s3, s7;
	s7 =	simm.s32 @!p0 $0x108  }
0x21: {  	s3 =	sadd.s32 s3, s9;
	s6 =	sadd.s32 @!p0 $0x88, s6;
	s7 =	simm.s32 @p2 $0x1082  }
0x22: {  	[simem:s7], [sflag:s8] =	dma.local @!p0 [hbm:s6], $0xF7A  }
0x23: {  	s9 =	sor.u32 $0xD0000000, s2;
	s6 =	simm.s32 $0x108;
	_ =	swait.ge @!p0 [sflag:s8], $0x0  }
0x24: {  	s3 =	sadd.s32 $0x88, s3;
	s6 =	simm.s32 @!p1 $0x1082;
	[sflag:s4] =	ssyncset.s32 $0xFFFFF086  }
0x25: {  	[simem:s6], [sflag:s4] =	dma.local [hbm:s3], $0xF7A  }
0x26: {  	[smem:$0x3F8E] =	sst s1;
	(tag) =	ssettag s2;
	_ =	strace s9  }
0x27: {  	s1 =	sld [smem:$0x3F9E]  }
0x28: {  	s2 =	sld [smem:$0x3F9F]  }
0x29: {  	s4 =	sld [smem:$0x3FA1]  }
0x2a: {  	p0 =	seq.s32 s5, $0x0;
	s5 =	sld [smem:$0x3FA2]  }
0x2b: {  	s6 =	sld [smem:$0x3FA3]  }
0x2c: {  	s7 =	sld [smem:$0x3FA4]  }
0x2d: {  	s3 =	simm.s32 $0x108;
	s8 =	sld [smem:$0x3FA5]  }
0x2e: {  	s3 =	simm.s32 @!p0 $0x1082;
	s9 =	sld [smem:$0x3FA6]  }
0x2f: {  	lr =	sadd.s32 s0, s3;
	s0 =	sld [smem:$0x3F9D]  }
0x30: {  	s3 =	sld [smem:$0x3FA0]  }
0x31: {  	[smem:$0x3FA9] =	sst s10  }
0x32: {  	s10 =	sld [smem:$0x3FA7];
	_ =	sdelay $0x3  }
0x33: {  	p0 =	seq.s32 s10, $0x1;
	s10 =	sld [smem:$0x3FA9];
	_ =	sdelay $0x3  }
0x34: {  	[smem:$0x3FA9] =	sst s10  }
0x35: {  	s10 =	sld [smem:$0x3FA8];
	_ =	sdelay $0x3  }
0x36: {  	p1 =	seq.s32 s10, $0x1;
	s10 =	sld [smem:$0x3FA9];
	_ =	sdelay $0x3  }
0x37: {  	[smem:$0x3FA9] =	sst s10  }
0x38: {  	s10 =	sld [smem:$0x3FAA]  }
0x39: {  	_ = 	snop;
	(pc) =	sbr.ind lr, $3  }
0x3a: {  	_ = 	snop  }
0x3b: {  	_ = 	snop  }
0x3c: {  	p2 =	seq.s32 s10, $0x1;
	s10 =	sld [smem:$0x3FA9]  }
0x3d: {  	_ =	shalt  }
0x3e: {  	_ =	shalt  }
0x3f: {  	_ =	shalt  }
0x40: {  	_ =	shalt  }
0x41: {  	_ =	shalt  }
0x42: {  	_ =	shalt  }
0x43: {  	_ =	shalt  }
0x44: {  	_ =	shalt  }
0x45: {  	_ =	shalt  }
0x46: {  	_ =	shalt  }
0x47: {  	_ =	shalt  }
0x48: {  	_ =	shalt  }
0x49: {  	_ =	shalt  }
0x4a: {  	_ =	shalt  }
0x4b: {  	_ =	shalt  }
0x4c: {  	_ =	shalt  }
0x4d: {  	_ =	shalt  }
0x4e: {  	_ =	shalt  }
0x4f: {  	_ =	shalt  }
0x50: {  	_ =	shalt  }
0x51: {  	_ =	shalt  }
0x52: {  	_ =	shalt  }
0x53: {  	_ =	shalt  }
0x54: {  	_ =	shalt  }
0x55: {  	_ =	shalt  }
0x56: {  	_ =	shalt  }
0x57: {  	_ =	shalt  }
0x58: {  	_ =	shalt  }
0x59: {  	_ =	shalt  }
0x5a: {  	_ =	shalt  }
0x5b: {  	_ =	shalt  }
0x5c: {  	_ =	shalt  }
0x5d: {  	_ =	shalt  }
0x5e: {  	_ =	shalt  }
0x5f: {  	_ =	shalt  }
0x60: {  	_ =	shalt  }
0x61: {  	_ =	shalt  }
0x62: {  	_ =	shalt  }
0x63: {  	_ =	shalt  }
0x64: {  	_ =	shalt  }
0x65: {  	_ =	shalt  }
0x66: {  	_ =	shalt  }
0x67: {  	_ =	shalt  }
0x68: {  	_ =	shalt  }
0x69: {  	_ =	shalt  }
0x6a: {  	_ =	shalt  }
0x6b: {  	_ =	shalt  }
0x6c: {  	_ =	shalt  }
0x6d: {  	_ =	shalt  }
0x6e: {  	_ =	shalt  }
0x6f: {  	_ =	shalt  }
0x70: {  	_ =	shalt  }
0x71: {  	_ =	shalt  }
0x72: {  	_ =	shalt  }
0x73: {  	_ =	shalt  }
0x74: {  	_ =	shalt  }
0x75: {  	_ =	shalt  }
0x76: {  	_ =	shalt  }
0x77: {  	_ =	shalt  }
0x78: {  	_ =	shalt  }
0x79: {  	_ =	shalt  }
0x7a: {  	_ =	shalt  }
0x7b: {  	_ =	shalt  }
0x7c: {  	_ =	shalt  }
0x7d: {  	_ =	shalt  }
0x7e: {  	_ =	shalt  }
0x7f: {  	_ =	shalt  }
0x80: {  	_ =	shalt  }
0x81: {  	_ =	shalt  }
0x82: {  	_ =	shalt  }
0x83: {  	_ =	shalt  }
0x84: {  	_ =	shalt  }
0x85: {  	_ =	shalt  }
0x86: {  	_ =	shalt  }
0x87: {  	_ =	shalt  }
.Lfunc_end0:
.L_simem_size_0:
called_computation_lowered:
.L_overlay_start_0:
0x88: {  	s2 =	sld [smem:$0x3FD9]  }
0x89: {  	s3 =	sld [smem:$0x3FFE];
	_ =	sdelay $0x1  }
0x8a: {  	s1 =	srdreg.scid  }
0x8b: {  	s0 =	sand.u32 $0x1, s1  }
0x8c: {  	s16 =	sshll.u32 s0, $0xA;
	s2 =	sadd.s32 s3, s2  }
0x8d: {  	s2 =	sadd.s32 s2, s16  }
0x8e: {  	[smem:$0x3FB5] =	sst s2  }
0x8f: {  	_ = 	snop  }
0x90: {  	(tm) =	ssettm $0x1  }
0x91: {  	s17 =	sld [smem:$0x3FFB];
	_ =	sdelay $0x3  }
0x92: {  	_ =	strace s17  }
0x93: {  	s2 =	sld [smem:$0x3FFC];
	_ =	sdelay $0x3  }
0x94: {  	_ =	strace s2  }
0x95: {  	s2 =	sld [smem:$0x3FFD];
	_ =	sdelay $0x3  }
0x96: {  	_ =	strace s2  }
0x97: {  	_ =	strace $0x8FFFFFFF  }
0x98: {  	s18 =	sld [smem:$0x3FDB];
	_ =	sdelay $0x1  }
0x99: {  	s19 =	simm.s32 $_scs_section_size  }
0x9a: {  	s4 =	simm.s32 $_size__tile_overlayer_lowered;
	s5 =	simm.s32 $_tile_overlayer_lowered  }
0x9b: {  	s22 =	simm.s32 $0x1BFF;
	s21 =	sshll.u32 s5, $0x1;
	s2 =	sadd.s32 s19, s18  }
0x9c: {  	s6 =	simm.s32 $0x0;
	s20 =	sshll.u32 s4, $0x1;
	s4 =	sadd.s32 s21, s2  }
0x9d: {  	[timem:s6], [sflag:s22] =	dma.local [hbm:s4], s20  }
0x9e: {  	_ =	swait.ge [sflag:s22], s20  }
0x9f: {  	s3 =	ssub.s32 $0x0, s20;
	[sflag:s22] =	ssyncset.done $0x0  }
0xa0: {  	[sflag:s22] =	ssyncadd.s32 s3;
	_ =	sdelay $0x1  }
0xa1: {  	s23 =	simm.s32 $0x1B8B  }
0xa2: {  	_ =	swait.ge [sflag:s23], $0x1  }
0xa3: {  	[sflag:s23] =	ssyncset.done $0x0  }
0xa4: {  	s25 =	simm.s32 $0x1B8E;
	s24 =	sld [smem:$0x3FFE];
	[sflag:s23] =	ssyncadd.s32 $0xFFFFFFFF  }
0xa5: {  	s26 =	simm.s32 $execute0_lowered;
	[smem:$0x3FD2] =	sst s25  }
0xa6: {  	s4 =	sshll.u32 s26, $0x1;
	_ =	strace $0x80000046;
	[dreg:$0x1] =	wrdreg $0xFFFFFFFF  }
0xa7: {  	s28 =	simm.s32 $_size_execute0_lowered;
	s2 =	sadd.s32 s2, s4;
	[dreg:$0x0] =	wrdreg $0x0  }
0xa8: {  	s4 =	sshll.u32 s28, $0x1;
	[dreg:$0x2] =	wrdreg s2  }
0xa9: {  	[dreg:$0x3] =	wrdreg s4  }
0xaa: {  	[dreg:$0x4] =	wrdreg $0xC0  }
0xab: {  	_ =	task [dreg:s6], $0x5FFFF  }
0xac: {  	[dreg:$0x1] =	wrdreg $0xFFFFFFFF  }
0xad: {  	[dreg:$0x0] =	wrdreg $0x60  }
0xae: {  	[dreg:$0x2] =	wrdreg s24  }
0xaf: {  	[dreg:$0x3] =	wrdreg $0xA8000  }
0xb0: {  	[dreg:$0x4] =	wrdreg $0x9  }
0xb1: {  	_ =	task.clear_ibuf [dreg:s6], $0x5FFFF;
	_ =	strace $0x90000046  }
0xb2: {  	s29 =	simm.s32 $0x9;
	_ =	strace $0x80000048  }
0xb3: {  	_ =	swait.ge [sflag:s29], $0x1  }
0xb4: {  	[sflag:s29] =	ssyncadd.s32 $0xFFFFFFFF  }
0xb5: {  	_ =	strace $0x90000048  }
0xb6: {  	_ =	sfence  }
0xb7: {  	s30 =	sld [smem:$0x0];
	_ =	sdelay $0x2  }
0xb8: {  	s31 =	sshll.u32 s1, $0xD;
	s1 =	sshrl.u32 s1, $0x2  }
0xb9: {  	s3 =	sand.u32 $0x4000, s31;
	s1 =	sadd.s32 s1, s30  }
0xba: {  	s0 =	sor.u32 s3, s0;
	s1 =	sshll.u32 s1, $0x11  }
0xbb: {  	s0 =	sor.u32 s1, s0  }
0xbc: {  	s0 =	sadd.s32 $0x8F2B, s0  }
0xbd: {  	[sflag:s0] =	ssyncadd.remote.s32 $0x1  }
0xbe: {  	_ =	sfence.sel $0xFFFF  }
0xbf: {  	[dreg:$0x0] =	wrdreg $0xFFFFFFFF;
	(pc) =	sbr.abs _section_cstart, $3  }
0xc0: {  	[dreg:$0x1] =	wrdreg $0xFFFFFFFF  }
0xc1: {  	_ =	task.clear_ibuf [dreg:s6], $0x2FFFF;
	_ =	strace $0x9FFFFFFF  }
0xc2: {  	(tm) =	ssettm $0x7FFFFFFF  }
0xc3: {  	_ =	shalt  }
tec
execute0_lowered:
.L_overlay_start_1:
0x0: {  	(tag) =	ssettag $0x1  }
0x1: {  	s6 =	rddreg [dreg:$0x0]  }
0x2: {  	s2 =	rddreg [dreg:$0x1]  }
0x3: {  	s0 =	rddreg [dreg:$0x2]  }
0x4: {  	s3 =	simm.s32 $0x0;
	s1 =	stileid.u32;
	s7 =	srdreg.scid  }
0x5: {  	s16 =	simm.s32 $0x80;
	s17 =	simm.s32 $0x2800;
	s18 =	simm.s32 $0x6800  }
0x6: {  	s19 =	simm.s32 $0x1;
	s20 =	simm.s32 $0x2;
	s21 =	simm.s32 $0x2700  }
0x7: {  	s22 =	simm.s32 $0x2780;
	s23 =	simm.s32 $0x0;
	[smem:$0x7FF] =	sst s3  }
0x8: {  	s4 =	sadd.s32 $0x19200, s6;
	s5 =	smul.u32 $0x14000, s1;
	s9 =	sadd.s32 $0xF200, s6  }
0x9: {  	s10 =	sadd.s32 $0x5200, s6;
	s7 =	sand.u32 $0x1, s7;
	s8 =	smul.u32 $0x2800, s1  }
0xa: {  	s12 =	sshll.u32 s1, $0x1;
	s25 =	smul.u32 $0x50000, s1;
	s29 =	sshll.u32 s1, $0x6  }
0xb: {  	_ =	strace $0x80000047;
	p0 =	seq.s32 s7, $0x1;
	s24 =	ssub.s32 $0x2, s7  }
0xc: {  	s7 =	sor.u32 s7, s12;
	s11 =	sshrl.u32 s5, $0x3;
	s5 =	sadd.s32 $0x40400, s6  }
0xd: {  	s13 =	sshrl.u32 s24, $0x1;
	s26 =	smul.u32 $0x2800, s7;
	s28 =	sshrl.u32 s25, $0x2  }
0xe: {  	s30 =	smul.u32 $0x500, s7;
	s11 =	sadd.s32 $0x28000, s11;
	s15 =	sadd.s32 s28, s2  }
0xf: {  	s8 =	smov.u32 @p0 s11;
	s11 =	ssub.s32 s24, s13;
	s31 =	sshrl.u32 s26, $0x3  }
0x10: {  	s7 =	sadd.s32 s9, s30;
	s13 =	sshrl.u32 s15, $0x3;
	s15 =	simm.s32 $0x1400  }
0x11: {  	s14 =	sadd.s32 s8, s6;
	s6 =	sor.u32 $0x1C03, s29;
	s12 =	sadd.s32 $0x280, s31  }
0x12: {  	s8 =	sadd.s32 s10, s30;
	s11 =	smax.u32 s11, $0x1;
	s9 =	sadd.s32 s9, s12  }
0x13: {  	s10 =	sadd.s32 s10, s12;
	s12 =	sadd.s32 $0x42C00, s14;
	s14 =	simm.s32 $0x3  }
.LBB2_1:
0x14: {  	[spmem:s13], [sflag:s6] =	dma.local [hbm:s5], $0x2800  }
0x15: {  	_ =	swait.ge [sflag:s14], $0x2800  }
0x16: {  	[sflag:s14] =	ssyncset.done $0x0  }
0x17: {  	[sflag:s14] =	ssyncadd.s32 $0xFFFFD800  }
0x18: {  	[bflag:$0x0] =	sbarrier.arrive $0xFFFF  }
0x19: {  	[tilespmem:s3], [sflag:$0x3] =	stream.linear.gather [hbm4b:s7+s3], $0x1400, $0x38;
	[tilespmem:$0x1E800] =	vst v63  }
0x1a: {  	_ =	swait.ge [sflag:s14], $0x1400  }
0x1b: {  	[sflag:s14] =	ssyncset.done $0x0  }
0x1c: {  	[sflag:s14] =	ssyncadd.s32 $0xFFFFEC00  }
0x1d: {  	[tilespmem:s15], [sflag:$0x3] =	stream.linear.gather [hbm4b:s8+s3], $0x1400, $0x38;
	[tilespmem:$0x1E800] =	vst v63  }
0x1e: {  	_ =	swait.ge [sflag:s14], $0x1400  }
0x1f: {  	[sflag:s14] =	ssyncset.done $0x0  }
0x20: {  	[sflag:s14] =	ssyncadd.s32 $0xFFFFEC00  }
0x21: {  	[tilespmem:s17], [sflag:$0x1] =	stream.indirect.gather [hbm4b:s4+s16], $0x80, s3, s16, $0xb8;
	[tilespmem:$0x1E800] =	vst v63  }
0x22: {  	_ = 	snop  }
0x23: {  	[tilespmem:s18], [sflag:$0x2] =	stream.indirect.gather [hbm4b:s4+s16], $0x80, s16, s16, $0xb8;
	[tilespmem:$0x1E800] =	vst v63  }
0x24: {  	_ =	swait.ge [sflag:s19], $0x4000  }
0x25: {  	[sflag:s19] =	ssyncset.done $0x0  }
0x26: {  	s24 =	simm.s32 $0x1400;
	[sflag:s19] =	ssyncadd.s32 $0xFFFFC000  }
0x27: {  	[spmem:s2] =	stream.indirect.scatter.add.f32 [tilespmem:s17], [sflag:$0x3], $0x80, s24, s16, $0xb8;
	[tilespmem:$0x1E800] =	vst v63  }
0x28: {  	_ =	swait.ge [sflag:s14], $0x4000  }
0x29: {  	[sflag:s14] =	ssyncset.done $0x0  }
0x2a: {  	s30 =	simm.s32 $0x100;
	[sflag:s14] =	ssyncadd.s32 $0xFFFFC000  }
0x2b: {  	[tilespmem:s17], [sflag:$0x1] =	stream.indirect.gather [hbm4b:s4+s16], $0x80, s30, s16, $0xb8;
	[tilespmem:$0x1E800] =	vst v63  }
0x2c: {  	_ =	swait.ge [sflag:s20], $0x4000  }
0x2d: {  	[sflag:s20] =	ssyncset.done $0x0  }
0x2e: {  	s31 =	simm.s32 $0x1480;
	[sflag:s20] =	ssyncadd.s32 $0xFFFFC000  }
0x2f: {  	[spmem:s2] =	stream.indirect.scatter.add.f32 [tilespmem:s18], [sflag:$0x3], $0x80, s31, s16, $0xb8;
	[tilespmem:$0x1E800] =	vst v63  }
0x30: {  	_ =	swait.ge [sflag:s14], $0x4000  }
0x31: {  	[sflag:s14] =	ssyncset.done $0x0  }
0x32: {  	s25 =	simm.s32 $0x180;
	s24 =	simm.s32 $0x400;
	[sflag:s14] =	ssyncadd.s32 $0xFFFFC000  }
.LBB2_2:
0x33: {  	[tilespmem:s18], [sflag:$0x2] =	stream.indirect.gather [hbm4b:s4+s16], $0x80, s25, s16, $0xb8;
	[tilespmem:$0x1E800] =	vst v63  }
0x34: {  	s25 =	smov.u32 s24  }
0x35: {  	p0 =	sne.s32 s24, $0x4800;
	s24 =	sadd.s32 $0x400, s24;
	_ =	swait.ge [sflag:s19], $0x4000  }
0x36: {  	s25 =	sshra.s32 s25, $0x2;
	[sflag:s19] =	ssyncset.done $0x0  }
0x37: {  	s26 =	sadd.s32 $0x1400, s25;
	[sflag:s19] =	ssyncadd.s32 $0xFFFFC000  }
0x38: {  	[spmem:s2] =	stream.indirect.scatter.add.f32 [tilespmem:s17], [sflag:$0x3], $0x80, s26, s16, $0xb8;
	[tilespmem:$0x1E800] =	vst v63  }
0x39: {  	_ =	swait.ge [sflag:s14], $0x4000  }
0x3a: {  	[sflag:s14] =	ssyncset.done $0x0  }
0x3b: {  	s26 =	sadd.s32 $0x100, s25;
	[sflag:s14] =	ssyncadd.s32 $0xFFFFC000  }
0x3c: {  	[tilespmem:s17], [sflag:$0x1] =	stream.indirect.gather [hbm4b:s4+s16], $0x80, s26, s16, $0xb8;
	[tilespmem:$0x1E800] =	vst v63  }
0x3d: {  	_ =	swait.ge [sflag:s20], $0x4000  }
0x3e: {  	[sflag:s20] =	ssyncset.done $0x0  }
.Ltmp0:
0x3f: {  	s26 =	sadd.s32 $0x1480, s25;
	[sflag:s20] =	ssyncadd.s32 $0xFFFFC000;
	(pc) =	sbr.rel @p0 .LBB2_2-.Ltmp0, $4  }
0x40: {  	[spmem:s2] =	stream.indirect.scatter.add.f32 [tilespmem:s18], [sflag:$0x3], $0x80, s26, s16, $0xb8;
	[tilespmem:$0x1E800] =	vst v63  }
0x41: {  	_ =	swait.ge [sflag:s14], $0x4000  }
0x42: {  	[sflag:s14] =	ssyncset.done $0x0  }
0x43: {  	s25 =	sadd.s32 $0x180, s25;
	[sflag:s14] =	ssyncadd.s32 $0xFFFFC000  }
0x44: {  	[tilespmem:s18], [sflag:$0x2] =	stream.indirect.gather [hbm4b:s4+s16], $0x80, s25, s16, $0xb8;
	[tilespmem:$0x1E800] =	vst v63  }
0x45: {  	_ =	swait.ge [sflag:s19], $0x4000  }
0x46: {  	[sflag:s19] =	ssyncset.done $0x0  }
0x47: {  	[sflag:s19] =	ssyncadd.s32 $0xFFFFC000  }
0x48: {  	[spmem:s2] =	stream.indirect.scatter.add.f32 [tilespmem:s17], [sflag:$0x3], $0x80, s21, s16, $0xb8;
	[tilespmem:$0x1E800] =	vst v63  }
0x49: {  	_ =	swait.ge [sflag:s14], $0x4000  }
0x4a: {  	[sflag:s14] =	ssyncset.done $0x0  }
0x4b: {  	[sflag:s14] =	ssyncadd.s32 $0xFFFFC000  }
0x4c: {  	_ =	swait.ge [sflag:s20], $0x4000  }
0x4d: {  	[sflag:s20] =	ssyncset.done $0x0  }
0x4e: {  	[sflag:s20] =	ssyncadd.s32 $0xFFFFC000  }
0x4f: {  	[spmem:s2] =	stream.indirect.scatter.add.f32 [tilespmem:s18], [sflag:$0x3], $0x80, s22, s16, $0xb8;
	[tilespmem:$0x1E800] =	vst v63  }
0x50: {  	_ =	swait.ge [sflag:s14], $0x4000  }
0x51: {  	[sflag:s14] =	ssyncset.done $0x0  }
0x52: {  	s24 =	simm.s32 $0x0;
	[sflag:s14] =	ssyncadd.s32 $0xFFFFC000  }
0x53: {  	[tilespmem:s24], [sflag:$0x3] =	stream.linear.gather [hbm4b:s9+s24], $0x1400, $0x38;
	[tilespmem:$0x1E800] =	vst v63  }
0x54: {  	_ =	swait.ge [sflag:s14], $0x1400  }
0x55: {  	[sflag:s14] =	ssyncset.done $0x0  }
0x56: {  	[sflag:s14] =	ssyncadd.s32 $0xFFFFEC00  }
0x57: {  	[tilespmem:s15], [sflag:$0x3] =	stream.linear.gather [hbm4b:s10+s24], $0x1400, $0x38;
	[tilespmem:$0x1E800] =	vst v63  }
0x58: {  	_ =	swait.ge [sflag:s14], $0x1400  }
0x59: {  	[sflag:s14] =	ssyncset.done $0x0  }
0x5a: {  	[sflag:s14] =	ssyncadd.s32 $0xFFFFEC00  }
0x5b: {  	[tilespmem:s17], [sflag:$0x1] =	stream.indirect.gather [hbm4b:s4+s16], $0x80, s24, s16, $0xb8;
	[tilespmem:$0x1E800] =	vst v63  }
0x5c: {  	_ = 	snop  }
0x5d: {  	[tilespmem:s18], [sflag:$0x2] =	stream.indirect.gather [hbm4b:s4+s16], $0x80, s16, s16, $0xb8;
	[tilespmem:$0x1E800] =	vst v63  }
0x5e: {  	_ =	swait.ge [sflag:s19], $0x4000  }
0x5f: {  	[sflag:s19] =	ssyncset.done $0x0  }
0x60: {  	s29 =	simm.s32 $0x1400;
	[sflag:s19] =	ssyncadd.s32 $0xFFFFC000  }
0x61: {  	[spmem:s2] =	stream.indirect.scatter.add.f32 [tilespmem:s17], [sflag:$0x3], $0x80, s29, s16, $0xb8;
	[tilespmem:$0x1E800] =	vst v63  }
0x62: {  	_ =	swait.ge [sflag:s14], $0x4000  }
0x63: {  	[sflag:s14] =	ssyncset.done $0x0  }
0x64: {  	s30 =	simm.s32 $0x100;
	[sflag:s14] =	ssyncadd.s32 $0xFFFFC000  }
0x65: {  	[tilespmem:s17], [sflag:$0x1] =	stream.indirect.gather [hbm4b:s4+s16], $0x80, s30, s16, $0xb8;
	[tilespmem:$0x1E800] =	vst v63  }
0x66: {  	_ =	swait.ge [sflag:s20], $0x4000  }
0x67: {  	[sflag:s20] =	ssyncset.done $0x0  }
0x68: {  	s31 =	simm.s32 $0x1480;
	[sflag:s20] =	ssyncadd.s32 $0xFFFFC000  }
0x69: {  	[spmem:s2] =	stream.indirect.scatter.add.f32 [tilespmem:s18], [sflag:$0x3], $0x80, s31, s16, $0xb8;
	[tilespmem:$0x1E800] =	vst v63  }
0x6a: {  	_ =	swait.ge [sflag:s14], $0x4000  }
0x6b: {  	[sflag:s14] =	ssyncset.done $0x0  }
0x6c: {  	s25 =	simm.s32 $0x180;
	s24 =	simm.s32 $0x400;
	[sflag:s14] =	ssyncadd.s32 $0xFFFFC000  }
.LBB2_4:
0x6d: {  	[tilespmem:s18], [sflag:$0x2] =	stream.indirect.gather [hbm4b:s4+s16], $0x80, s25, s16, $0xb8;
	[tilespmem:$0x1E800] =	vst v63  }
0x6e: {  	s25 =	smov.u32 s24  }
0x6f: {  	p0 =	sne.s32 s24, $0x4800;
	s24 =	sadd.s32 $0x400, s24;
	_ =	swait.ge [sflag:s19], $0x4000  }
0x70: {  	s25 =	sshra.s32 s25, $0x2;
	[sflag:s19] =	ssyncset.done $0x0  }
0x71: {  	s26 =	sadd.s32 $0x1400, s25;
	[sflag:s19] =	ssyncadd.s32 $0xFFFFC000  }
0x72: {  	[spmem:s2] =	stream.indirect.scatter.add.f32 [tilespmem:s17], [sflag:$0x3], $0x80, s26, s16, $0xb8;
	[tilespmem:$0x1E800] =	vst v63  }
0x73: {  	_ =	swait.ge [sflag:s14], $0x4000  }
0x74: {  	[sflag:s14] =	ssyncset.done $0x0  }
0x75: {  	s26 =	sadd.s32 $0x100, s25;
	[sflag:s14] =	ssyncadd.s32 $0xFFFFC000  }
0x76: {  	[tilespmem:s17], [sflag:$0x1] =	stream.indirect.gather [hbm4b:s4+s16], $0x80, s26, s16, $0xb8;
	[tilespmem:$0x1E800] =	vst v63  }
0x77: {  	_ =	swait.ge [sflag:s20], $0x4000  }
0x78: {  	[sflag:s20] =	ssyncset.done $0x0  }
.Ltmp1:
0x79: {  	s26 =	sadd.s32 $0x1480, s25;
	[sflag:s20] =	ssyncadd.s32 $0xFFFFC000;
	(pc) =	sbr.rel @p0 .LBB2_4-.Ltmp1, $4  }
0x7a: {  	[spmem:s2] =	stream.indirect.scatter.add.f32 [tilespmem:s18], [sflag:$0x3], $0x80, s26, s16, $0xb8;
	[tilespmem:$0x1E800] =	vst v63  }
0x7b: {  	_ =	swait.ge [sflag:s14], $0x4000  }
0x7c: {  	[sflag:s14] =	ssyncset.done $0x0  }
0x7d: {  	s25 =	sadd.s32 $0x180, s25;
	[sflag:s14] =	ssyncadd.s32 $0xFFFFC000  }
0x7e: {  	[tilespmem:s18], [sflag:$0x2] =	stream.indirect.gather [hbm4b:s4+s16], $0x80, s25, s16, $0xb8;
	[tilespmem:$0x1E800] =	vst v63  }
0x7f: {  	_ =	swait.ge [sflag:s19], $0x4000  }
0x80: {  	[sflag:s19] =	ssyncset.done $0x0  }
0x81: {  	[sflag:s19] =	ssyncadd.s32 $0xFFFFC000  }
0x82: {  	[spmem:s2] =	stream.indirect.scatter.add.f32 [tilespmem:s17], [sflag:$0x3], $0x80, s21, s16, $0xb8;
	[tilespmem:$0x1E800] =	vst v63  }
0x83: {  	_ =	swait.ge [sflag:s14], $0x4000  }
0x84: {  	[sflag:s14] =	ssyncset.done $0x0  }
0x85: {  	[sflag:s14] =	ssyncadd.s32 $0xFFFFC000  }
0x86: {  	_ =	swait.ge [sflag:s20], $0x4000  }
0x87: {  	[sflag:s20] =	ssyncset.done $0x0  }
0x88: {  	[sflag:s20] =	ssyncadd.s32 $0xFFFFC000  }
0x89: {  	[spmem:s2] =	stream.indirect.scatter.add.f32 [tilespmem:s18], [sflag:$0x3], $0x80, s22, s16, $0xb8;
	[tilespmem:$0x1E800] =	vst v63  }
0x8a: {  	_ =	swait.ge [sflag:s14], $0x4000  }
0x8b: {  	s23 =	sadd.s32 $0x1, s23;
	[sflag:s14] =	ssyncset.done $0x0  }
0x8c: {  	p0 =	sne.s32 s23, s11;
	[sflag:s14] =	ssyncadd.s32 $0xFFFFC000  }
.Ltmp2:
0x8d: {  	[bflag:$0x0] =	sbarrier.arrive $0xFFFF;
	(pc) =	sbr.rel @p0 .LBB2_1-.Ltmp2, $4  }
0x8e: {  	[hbm:s12], [sflag:s6] =	dma.local [spmem:s13], $0x2800  }
0x8f: {  	_ =	swait.ge [sflag:s14], $0x2800  }
0x90: {  	[sflag:s14] =	ssyncset.done $0x0  }
0x91: {  	[sflag:s14] =	ssyncadd.s32 $0xFFFFD800  }
0x92: {  	_ =	sfence.sel $0x180000  }
0x93: {  	[bflag:$0x0] =	sbarrier.arrive $0xFFFF  }
0x94: {  	p0 =	sne.s32 s1, $0x0;
	_ =	strace $0x90000047  }
0x95: {  	s0 =	sadd.s32 @!p0 $0x100000, s0;
	[bflag:$0x2] =	sbarrier.arrive $0xFFFF  }
0x96: {  	[sflag:s0] =	ssyncadd.tile.s32 @!p0 $0x1;
	_ =	shalt  }
.Lfunc_end2:
_tile_overlayer_lowered:
.L_overlay_start_2:
0x97: {  	(tag) =	ssettag $0x2  }
0x98: {  	s0 =	rddreg [dreg:$0x0];
	s2 =	stileid.u32  }
0x99: {  	s1 =	rddreg [dreg:$0x1];
	p0 =	sne.s32 s2, $0x0  }
0x9a: {  	s3 =	rddreg [dreg:$0x2];
	[bflag:$0x3] =	sbarrier.arrive $0xFFFF;
	s2 =	simm.s32 @!p0 $0x1C03  }
0x9b: {  	[timem:s3], [sflag:s2] =	dma.local @!p0 [hbm:s0], s1  }
0x9c: {  	s0 =	simm.s32 @!p0 $0x3  }
0x9d: {  	_ =	swait.ge @!p0 [sflag:s0], s1  }
0x9e: {  	s1 =	ssub.s32 @!p0 $0x0, s1;
	[sflag:s0] =	ssyncset.done @!p0 $0x0  }
0x9f: {  	[sflag:s0] =	ssyncadd.s32 @!p0 s1  }
0xa0: {  	[bflag:$0x3] =	sbarrier.arrive $0xFFFF  }
0xa1: {  	_ =	shalt  }

// kernel: kernel.16.cloned.1.call-start
scs
__scs_entry_jumppad:
0x0: {  	(pc) =	sbr.rel $0x88, $3  }
0x1: {  	(tag) =	ssettag $0x0;
	lr =	simm.s32 $0x1  }
0x2: {  	[smem:$0x3F8E] =	sst lr;
	_ =	strace $0xD0000000  }
0x3: {  	_ = 	snop  }
0x4: {  	_ = 	snop  }
0x5: {  	_ = 	snop  }
0x6: {  	_ = 	snop  }
0x7: {  	_ = 	snop  }
__scs_overlays_trampoline_lowered:
0x8: {  	[smem:$0x3F9D] =	sst s0  }
0x9: {  	[smem:$0x3F9E] =	sst s1  }
0xa: {  	[smem:$0x3F9F] =	sst s2  }
0xb: {  	[smem:$0x3FA0] =	sst s3  }
0xc: {  	[smem:$0x3FA1] =	sst s4  }
0xd: {  	[smem:$0x3FA2] =	sst s5  }
0xe: {  	[smem:$0x3FA3] =	sst s6  }
0xf: {  	[smem:$0x3FA4] =	sst s7  }
0x10: {  	[smem:$0x3FA5] =	sst s8  }
0x11: {  	[smem:$0x3FA6] =	sst s9;
	s0 =	simm.s32 @!p0 $0x0  }
0x12: {  	s1 =	sld [smem:$0x3F8C];
	s0 =	simm.s32 @p0 $0x1  }
0x13: {  	[smem:$0x3FA7] =	sst s0;
	s0 =	simm.s32 @!p1 $0x0  }
0x14: {  	s2 =	sld [smem:$0x3F8B];
	s0 =	simm.s32 @p1 $0x1  }
0x15: {  	[smem:$0x3FA8] =	sst s0;
	s0 =	simm.s32 @!p2 $0x0  }
0x16: {  	s3 =	sld [smem:$0x3FDB];
	s0 =	simm.s32 @p2 $0x1  }
0x17: {  	s4 =	simm.s32 $0x1BF5;
	[smem:$0x3FAA] =	sst s0  }
0x18: {  	s0 =	sld [smem:$0x3F8D];
	_ =	swait.ge [sflag:s4], $0x0  }
0x19: {  	s7 =	sld [smem:$0x3F8E]  }
0x1a: {  	s8 =	sadd.s32 $0xFFFFE003, lr  }
0x1b: {  	s9 =	sadd.s32 $0xFFFFFEF7, lr;
	s5 =	simm.s32 $0xFFFFFFFF;
	p2 =	slt.u32 s8, $0xFFFFF086  }
0x1c: {  	p1 =	slt.u32 s9, $0xF7A;
	s5 =	simm.s32 @!p2 $0x0  }
0x1d: {  	s5 =	simm.s32 @p1 $0x1;
	p0 =	seq.s32 s7, s2  }
0x1e: {  	s7 =	smul.u32 @!p0 $0xF7A, s2;
	p2 =	seq.s32 @!p0 s5, $0x0  }
0x1f: {  	s9 =	smul.u32 $0xF7A, s1;
	s8 =	simm.s32 @!p0 $0x1BF5;
	p2 =	por !p2, p0  }
0x20: {  	[sflag:s8] =	ssyncset.s32 @!p0 $0xFFFFF086;
	s6 =	sadd.s32 @!p0 s3, s7;
	s7 =	simm.s32 @!p0 $0x108  }
0x21: {  	s3 =	sadd.s32 s3, s9;
	s6 =	sadd.s32 @!p0 $0x88, s6;
	s7 =	simm.s32 @p2 $0x1082  }
0x22: {  	[simem:s7], [sflag:s8] =	dma.local @!p0 [hbm:s6], $0xF7A  }
0x23: {  	s9 =	sor.u32 $0xD0000000, s2;
	s6 =	simm.s32 $0x108;
	_ =	swait.ge @!p0 [sflag:s8], $0x0  }
0x24: {  	s3 =	sadd.s32 $0x88, s3;
	s6 =	simm.s32 @!p1 $0x1082;
	[sflag:s4] =	ssyncset.s32 $0xFFFFF086  }
0x25: {  	[simem:s6], [sflag:s4] =	dma.local [hbm:s3], $0xF7A  }
0x26: {  	[smem:$0x3F8E] =	sst s1;
	(tag) =	ssettag s2;
	_ =	strace s9  }
0x27: {  	s1 =	sld [smem:$0x3F9E]  }
0x28: {  	s2 =	sld [smem:$0x3F9F]  }
0x29: {  	s4 =	sld [smem:$0x3FA1]  }
0x2a: {  	p0 =	seq.s32 s5, $0x0;
	s5 =	sld [smem:$0x3FA2]  }
0x2b: {  	s6 =	sld [smem:$0x3FA3]  }
0x2c: {  	s7 =	sld [smem:$0x3FA4]  }
0x2d: {  	s3 =	simm.s32 $0x108;
	s8 =	sld [smem:$0x3FA5]  }
0x2e: {  	s3 =	simm.s32 @!p0 $0x1082;
	s9 =	sld [smem:$0x3FA6]  }
0x2f: {  	lr =	sadd.s32 s0, s3;
	s0 =	sld [smem:$0x3F9D]  }
0x30: {  	s3 =	sld [smem:$0x3FA0]  }
0x31: {  	[smem:$0x3FA9] =	sst s10  }
0x32: {  	s10 =	sld [smem:$0x3FA7];
	_ =	sdelay $0x3  }
0x33: {  	p0 =	seq.s32 s10, $0x1;
	s10 =	sld [smem:$0x3FA9];
	_ =	sdelay $0x3  }
0x34: {  	[smem:$0x3FA9] =	sst s10  }
0x35: {  	s10 =	sld [smem:$0x3FA8];
	_ =	sdelay $0x3  }
0x36: {  	p1 =	seq.s32 s10, $0x1;
	s10 =	sld [smem:$0x3FA9];
	_ =	sdelay $0x3  }
0x37: {  	[smem:$0x3FA9] =	sst s10  }
0x38: {  	s10 =	sld [smem:$0x3FAA]  }
0x39: {  	_ = 	snop;
	(pc) =	sbr.ind lr, $3  }
0x3a: {  	_ = 	snop  }
0x3b: {  	_ = 	snop  }
0x3c: {  	p2 =	seq.s32 s10, $0x1;
	s10 =	sld [smem:$0x3FA9]  }
0x3d: {  	_ =	shalt  }
0x3e: {  	_ =	shalt  }
0x3f: {  	_ =	shalt  }
0x40: {  	_ =	shalt  }
0x41: {  	_ =	shalt  }
0x42: {  	_ =	shalt  }
0x43: {  	_ =	shalt  }
0x44: {  	_ =	shalt  }
0x45: {  	_ =	shalt  }
0x46: {  	_ =	shalt  }
0x47: {  	_ =	shalt  }
0x48: {  	_ =	shalt  }
0x49: {  	_ =	shalt  }
0x4a: {  	_ =	shalt  }
0x4b: {  	_ =	shalt  }
0x4c: {  	_ =	shalt  }
0x4d: {  	_ =	shalt  }
0x4e: {  	_ =	shalt  }
0x4f: {  	_ =	shalt  }
0x50: {  	_ =	shalt  }
0x51: {  	_ =	shalt  }
0x52: {  	_ =	shalt  }
0x53: {  	_ =	shalt  }
0x54: {  	_ =	shalt  }
0x55: {  	_ =	shalt  }
0x56: {  	_ =	shalt  }
0x57: {  	_ =	shalt  }
0x58: {  	_ =	shalt  }
0x59: {  	_ =	shalt  }
0x5a: {  	_ =	shalt  }
0x5b: {  	_ =	shalt  }
0x5c: {  	_ =	shalt  }
0x5d: {  	_ =	shalt  }
0x5e: {  	_ =	shalt  }
0x5f: {  	_ =	shalt  }
0x60: {  	_ =	shalt  }
0x61: {  	_ =	shalt  }
0x62: {  	_ =	shalt  }
0x63: {  	_ =	shalt  }
0x64: {  	_ =	shalt  }
0x65: {  	_ =	shalt  }
0x66: {  	_ =	shalt  }
0x67: {  	_ =	shalt  }
0x68: {  	_ =	shalt  }
0x69: {  	_ =	shalt  }
0x6a: {  	_ =	shalt  }
0x6b: {  	_ =	shalt  }
0x6c: {  	_ =	shalt  }
0x6d: {  	_ =	shalt  }
0x6e: {  	_ =	shalt  }
0x6f: {  	_ =	shalt  }
0x70: {  	_ =	shalt  }
0x71: {  	_ =	shalt  }
0x72: {  	_ =	shalt  }
0x73: {  	_ =	shalt  }
0x74: {  	_ =	shalt  }
0x75: {  	_ =	shalt  }
0x76: {  	_ =	shalt  }
0x77: {  	_ =	shalt  }
0x78: {  	_ =	shalt  }
0x79: {  	_ =	shalt  }
0x7a: {  	_ =	shalt  }
0x7b: {  	_ =	shalt  }
0x7c: {  	_ =	shalt  }
0x7d: {  	_ =	shalt  }
0x7e: {  	_ =	shalt  }
0x7f: {  	_ =	shalt  }
0x80: {  	_ =	shalt  }
0x81: {  	_ =	shalt  }
0x82: {  	_ =	shalt  }
0x83: {  	_ =	shalt  }
0x84: {  	_ =	shalt  }
0x85: {  	_ =	shalt  }
0x86: {  	_ =	shalt  }
0x87: {  	_ =	shalt  }
.Lfunc_end0:
.L_simem_size_0:
called_computation.1_lowered:
.L_overlay_start_0:
0x88: {  	s2 =	sld [smem:$0x3FD9]  }
0x89: {  	s3 =	sld [smem:$0x3FFE];
	_ =	sdelay $0x1  }
0x8a: {  	s1 =	srdreg.scid  }
0x8b: {  	s0 =	sand.u32 $0x1, s1  }
0x8c: {  	s17 =	sshll.u32 s0, $0xA;
	s2 =	sadd.s32 s3, s2  }
0x8d: {  	s2 =	sadd.s32 s2, s17  }
0x8e: {  	[smem:$0x3FB5] =	sst s2  }
0x8f: {  	_ = 	snop  }
0x90: {  	(tm) =	ssettm $0x1  }
0x91: {  	s18 =	sld [smem:$0x3FFB];
	_ =	sdelay $0x3  }
0x92: {  	_ =	strace s18  }
0x93: {  	s2 =	sld [smem:$0x3FFC];
	_ =	sdelay $0x3  }
0x94: {  	_ =	strace s2  }
0x95: {  	s2 =	sld [smem:$0x3FFD];
	_ =	sdelay $0x3  }
0x96: {  	_ =	strace s2  }
0x97: {  	_ =	strace $0x8FFFFFFF  }
0x98: {  	s19 =	sld [smem:$0x3FDB];
	_ =	sdelay $0x1  }
0x99: {  	s20 =	simm.s32 $_scs_section_size  }
0x9a: {  	s4 =	simm.s32 $_size__tile_overlayer_lowered;
	s5 =	simm.s32 $_tile_overlayer_lowered  }
0x9b: {  	s6 =	simm.s32 $0x1BFF;
	s21 =	sshll.u32 s5, $0x1;
	s3 =	sadd.s32 s20, s19  }
0x9c: {  	s22 =	simm.s32 $0x0;
	s4 =	sshll.u32 s4, $0x1;
	s5 =	sadd.s32 s21, s3  }
0x9d: {  	[timem:s22], [sflag:s6] =	dma.local [hbm:s5], s4  }
0x9e: {  	_ =	swait.ge [sflag:s6], s4  }
0x9f: {  	s4 =	ssub.s32 $0x0, s4;
	[sflag:s6] =	ssyncset.done $0x0  }
0xa0: {  	[sflag:s6] =	ssyncadd.s32 s4;
	_ =	sdelay $0x1  }
0xa1: {  	s23 =	simm.s32 $0x1B8B  }
0xa2: {  	_ =	swait.ge [sflag:s23], $0x1  }
0xa3: {  	[sflag:s23] =	ssyncset.done $0x0  }
0xa4: {  	[sflag:s23] =	ssyncadd.s32 $0xFFFFFFFF  }
0xa5: {  	s4 =	sld [smem:$0x0]  }
0xa6: {  	s5 =	sand.u32 $0xFFFFFFFE, s1  }
0xa7: {  	p0 =	sne.s32 s1, s5  }
0xa8: {  	s5 =	sshll.u32 @p0 s5, $0xE  }
0xa9: {  	s5 =	sadd.s32 @p0 $0x11B8D, s5;
	s6 =	sshll.u32 @p0 s4, $0x11  }
0xaa: {  	s5 =	sor.u32 @p0 s6, s5  }
0xab: {  	[sflag:s5] =	ssyncadd.remote.s32 @p0 $0x1;
	_ =	sdelay $0x1  }
0xac: {  	s5 =	simm.s32 @p0 $0x1B8D  }
0xad: {  	_ =	swait.eq @p0 [sflag:s5], $0x1  }
0xae: {  	[sflag:s5] =	ssyncadd.s32 @p0 $0xFFFFFFFF  }
0xaf: {  	s6 =	sshll.u32 @!p0 s1, $0xE  }
0xb0: {  	s6 =	sor.u32 @!p0 $0x4000, s6;
	s5 =	simm.s32 @!p0 $0x1B8D  }
0xb1: {  	s4 =	sshll.u32 @!p0 s4, $0x11;
	s6 =	sadd.s32 @!p0 $0x11B8D, s6;
	_ =	swait.eq @!p0 [sflag:s5], $0x1  }
0xb2: {  	s4 =	sor.u32 @!p0 s4, s6;
	[sflag:s5] =	ssyncadd.s32 @!p0 $0xFFFFFFFF  }
0xb3: {  	s25 =	simm.s32 $0x1B8E;
	s24 =	sld [smem:$0x3FFE];
	[sflag:s4] =	ssyncadd.remote.s32 @!p0 $0x1  }
0xb4: {  	s26 =	simm.s32 $execute0_lowered;
	[smem:$0x3FD2] =	sst s25  }
0xb5: {  	s5 =	sshll.u32 s26, $0x1;
	_ =	strace $0x8000004C;
	[dreg:$0x1] =	wrdreg $0xFFFFFFFF  }
0xb6: {  	s28 =	simm.s32 $_size_execute0_lowered;
	s3 =	sadd.s32 s3, s5;
	[dreg:$0x0] =	wrdreg $0x0  }
0xb7: {  	s5 =	sshll.u32 s28, $0x1;
	[dreg:$0x2] =	wrdreg s3  }
0xb8: {  	[dreg:$0x3] =	wrdreg s5  }
0xb9: {  	[dreg:$0x4] =	wrdreg $0xC0  }
0xba: {  	_ =	task [dreg:s22], $0x5FFFF  }
0xbb: {  	[dreg:$0x1] =	wrdreg $0xFFFFFFFF  }
0xbc: {  	[dreg:$0x0] =	wrdreg $0x60  }
0xbd: {  	[dreg:$0x2] =	wrdreg s24  }
0xbe: {  	[dreg:$0x3] =	wrdreg $0xA8000  }
0xbf: {  	[dreg:$0x4] =	wrdreg $0x9  }
0xc0: {  	_ =	task.clear_ibuf [dreg:s22], $0x5FFFF;
	_ =	strace $0x9000004C  }
0xc1: {  	s29 =	simm.s32 $0x9;
	_ =	strace $0x8000004E  }
0xc2: {  	_ =	swait.ge [sflag:s29], $0x1  }
0xc3: {  	[sflag:s29] =	ssyncadd.s32 $0xFFFFFFFF  }
0xc4: {  	_ =	strace $0x9000004E  }
0xc5: {  	_ =	sfence  }
0xc6: {  	s30 =	sld [smem:$0x0];
	_ =	sdelay $0x2  }
0xc7: {  	s31 =	sshll.u32 s1, $0xD;
	s1 =	sshrl.u32 s1, $0x2  }
0xc8: {  	s4 =	sand.u32 $0x4000, s31;
	s1 =	sadd.s32 s1, s30  }
0xc9: {  	s0 =	sor.u32 s4, s0;
	s1 =	sshll.u32 s1, $0x11  }
0xca: {  	s0 =	sor.u32 s1, s0  }
0xcb: {  	s0 =	sadd.s32 $0x8F2B, s0  }
0xcc: {  	[sflag:s0] =	ssyncadd.remote.s32 $0x1  }
0xcd: {  	_ =	sfence.sel $0xFFFF  }
0xce: {  	[dreg:$0x0] =	wrdreg $0xFFFFFFFF;
	(pc) =	sbr.abs _section_cstart, $3  }
0xcf: {  	[dreg:$0x1] =	wrdreg $0xFFFFFFFF  }
0xd0: {  	_ =	task.clear_ibuf [dreg:s22], $0x2FFFF;
	_ =	strace $0x9FFFFFFF  }
0xd1: {  	(tm) =	ssettm $0x7FFFFFFF  }
tec
execute0_lowered:
.L_overlay_start_1:
0x0: {  	(tag) =	ssettag $0x1  }
0x1: {  	s6 =	rddreg [dreg:$0x0]  }
0x2: {  	s2 =	rddreg [dreg:$0x1]  }
0x3: {  	s0 =	rddreg [dreg:$0x2]  }
0x4: {  	s3 =	simm.s32 $0x0;
	s1 =	stileid.u32;
	s7 =	srdreg.scid  }
0x5: {  	s16 =	simm.s32 $0x80;
	s17 =	simm.s32 $0x2800;
	s18 =	simm.s32 $0x6800  }
0x6: {  	s19 =	simm.s32 $0x1;
	s20 =	simm.s32 $0x2;
	s21 =	simm.s32 $0x2700  }
0x7: {  	s22 =	simm.s32 $0x2780;
	s23 =	simm.s32 $0x0;
	[smem:$0x7FF] =	sst s3  }
0x8: {  	s4 =	sadd.s32 $0x42C00, s6;
	s5 =	smul.u32 $0x14000, s1;
	s9 =	sadd.s32 $0xF200, s6  }
0x9: {  	s10 =	sadd.s32 $0x5200, s6;
	s7 =	sand.u32 $0x1, s7;
	s8 =	smul.u32 $0x2800, s1  }
0xa: {  	s12 =	sshll.u32 s1, $0x1;
	s25 =	smul.u32 $0x50000, s1;
	s29 =	sshll.u32 s1, $0x6  }
0xb: {  	_ =	strace $0x8000004D;
	p0 =	seq.s32 s7, $0x1;
	s24 =	ssub.s32 $0x2, s7  }
0xc: {  	s7 =	sor.u32 s7, s12;
	s11 =	sshrl.u32 s5, $0x3;
	s5 =	sadd.s32 $0x40400, s6  }
0xd: {  	s13 =	sshrl.u32 s24, $0x1;
	s26 =	smul.u32 $0x2800, s7;
	s28 =	sshrl.u32 s25, $0x2  }
0xe: {  	s30 =	smul.u32 $0x500, s7;
	s11 =	sadd.s32 $0x28000, s11;
	s15 =	sadd.s32 s28, s2  }
0xf: {  	s8 =	smov.u32 @p0 s11;
	s11 =	ssub.s32 s24, s13;
	s31 =	sshrl.u32 s26, $0x3  }
0x10: {  	s7 =	sadd.s32 s9, s30;
	s13 =	sshrl.u32 s15, $0x3;
	s15 =	simm.s32 $0x1400  }
0x11: {  	s14 =	sadd.s32 s8, s6;
	s6 =	sor.u32 $0x1C03, s29;
	s12 =	sadd.s32 $0x280, s31  }
0x12: {  	s8 =	sadd.s32 s10, s30;
	s11 =	smax.u32 s11, $0x1;
	s9 =	sadd.s32 s9, s12  }
0x13: {  	s10 =	sadd.s32 s10, s12;
	s12 =	sadd.s32 $0xB9E00, s14;
	s14 =	simm.s32 $0x3  }
.LBB2_1:
0x14: {  	[spmem:s13], [sflag:s6] =	dma.local [hbm:s5], $0x2800  }
0x15: {  	_ =	swait.ge [sflag:s14], $0x2800  }
0x16: {  	[sflag:s14] =	ssyncset.done $0x0  }
0x17: {  	[sflag:s14] =	ssyncadd.s32 $0xFFFFD800  }
0x18: {  	[bflag:$0x0] =	sbarrier.arrive $0xFFFF  }
0x19: {  	[tilespmem:s3], [sflag:$0x3] =	stream.linear.gather [hbm4b:s7+s3], $0x1400, $0x38;
	[tilespmem:$0x1E800] =	vst v63  }
0x1a: {  	_ =	swait.ge [sflag:s14], $0x1400  }
0x1b: {  	[sflag:s14] =	ssyncset.done $0x0  }
0x1c: {  	[sflag:s14] =	ssyncadd.s32 $0xFFFFEC00  }
0x1d: {  	[tilespmem:s15], [sflag:$0x3] =	stream.linear.gather [hbm4b:s8+s3], $0x1400, $0x38;
	[tilespmem:$0x1E800] =	vst v63  }
0x1e: {  	_ =	swait.ge [sflag:s14], $0x1400  }
0x1f: {  	[sflag:s14] =	ssyncset.done $0x0  }
0x20: {  	[sflag:s14] =	ssyncadd.s32 $0xFFFFEC00  }
0x21: {  	[tilespmem:s17], [sflag:$0x1] =	stream.indirect.gather [hbm4b:s4+s16], $0x80, s3, s16, $0xb8;
	[tilespmem:$0x1E800] =	vst v63  }
0x22: {  	_ = 	snop  }
0x23: {  	[tilespmem:s18], [sflag:$0x2] =	stream.indirect.gather [hbm4b:s4+s16], $0x80, s16, s16, $0xb8;
	[tilespmem:$0x1E800] =	vst v63  }
0x24: {  	_ =	swait.ge [sflag:s19], $0x4000  }
0x25: {  	[sflag:s19] =	ssyncset.done $0x0  }
0x26: {  	s24 =	simm.s32 $0x1400;
	[sflag:s19] =	ssyncadd.s32 $0xFFFFC000  }
0x27: {  	[spmem:s2] =	stream.indirect.scatter.add.f32 [tilespmem:s17], [sflag:$0x3], $0x80, s24, s16, $0xb8;
	[tilespmem:$0x1E800] =	vst v63  }
0x28: {  	_ =	swait.ge [sflag:s14], $0x4000  }
0x29: {  	[sflag:s14] =	ssyncset.done $0x0  }
0x2a: {  	s30 =	simm.s32 $0x100;
	[sflag:s14] =	ssyncadd.s32 $0xFFFFC000  }
0x2b: {  	[tilespmem:s17], [sflag:$0x1] =	stream.indirect.gather [hbm4b:s4+s16], $0x80, s30, s16, $0xb8;
	[tilespmem:$0x1E800] =	vst v63  }
0x2c: {  	_ =	swait.ge [sflag:s20], $0x4000  }
0x2d: {  	[sflag:s20] =	ssyncset.done $0x0  }
0x2e: {  	s31 =	simm.s32 $0x1480;
	[sflag:s20] =	ssyncadd.s32 $0xFFFFC000  }
0x2f: {  	[spmem:s2] =	stream.indirect.scatter.add.f32 [tilespmem:s18], [sflag:$0x3], $0x80, s31, s16, $0xb8;
	[tilespmem:$0x1E800] =	vst v63  }
0x30: {  	_ =	swait.ge [sflag:s14], $0x4000  }
0x31: {  	[sflag:s14] =	ssyncset.done $0x0  }
0x32: {  	s25 =	simm.s32 $0x180;
	s24 =	simm.s32 $0x400;
	[sflag:s14] =	ssyncadd.s32 $0xFFFFC000  }
.LBB2_2:
0x33: {  	[tilespmem:s18], [sflag:$0x2] =	stream.indirect.gather [hbm4b:s4+s16], $0x80, s25, s16, $0xb8;
	[tilespmem:$0x1E800] =	vst v63  }
0x34: {  	s25 =	smov.u32 s24  }
0x35: {  	p0 =	sne.s32 s24, $0x4800;
	s24 =	sadd.s32 $0x400, s24;
	_ =	swait.ge [sflag:s19], $0x4000  }
0x36: {  	s25 =	sshra.s32 s25, $0x2;
	[sflag:s19] =	ssyncset.done $0x0  }
0x37: {  	s26 =	sadd.s32 $0x1400, s25;
	[sflag:s19] =	ssyncadd.s32 $0xFFFFC000  }
0x38: {  	[spmem:s2] =	stream.indirect.scatter.add.f32 [tilespmem:s17], [sflag:$0x3], $0x80, s26, s16, $0xb8;
	[tilespmem:$0x1E800] =	vst v63  }
0x39: {  	_ =	swait.ge [sflag:s14], $0x4000  }
0x3a: {  	[sflag:s14] =	ssyncset.done $0x0  }
0x3b: {  	s26 =	sadd.s32 $0x100, s25;
	[sflag:s14] =	ssyncadd.s32 $0xFFFFC000  }
0x3c: {  	[tilespmem:s17], [sflag:$0x1] =	stream.indirect.gather [hbm4b:s4+s16], $0x80, s26, s16, $0xb8;
	[tilespmem:$0x1E800] =	vst v63  }
0x3d: {  	_ =	swait.ge [sflag:s20], $0x4000  }
0x3e: {  	[sflag:s20] =	ssyncset.done $0x0  }
.Ltmp0:
0x3f: {  	s26 =	sadd.s32 $0x1480, s25;
	[sflag:s20] =	ssyncadd.s32 $0xFFFFC000;
	(pc) =	sbr.rel @p0 .LBB2_2-.Ltmp0, $4  }
0x40: {  	[spmem:s2] =	stream.indirect.scatter.add.f32 [tilespmem:s18], [sflag:$0x3], $0x80, s26, s16, $0xb8;
	[tilespmem:$0x1E800] =	vst v63  }
0x41: {  	_ =	swait.ge [sflag:s14], $0x4000  }
0x42: {  	[sflag:s14] =	ssyncset.done $0x0  }
0x43: {  	s25 =	sadd.s32 $0x180, s25;
	[sflag:s14] =	ssyncadd.s32 $0xFFFFC000  }
0x44: {  	[tilespmem:s18], [sflag:$0x2] =	stream.indirect.gather [hbm4b:s4+s16], $0x80, s25, s16, $0xb8;
	[tilespmem:$0x1E800] =	vst v63  }
0x45: {  	_ =	swait.ge [sflag:s19], $0x4000  }
0x46: {  	[sflag:s19] =	ssyncset.done $0x0  }
0x47: {  	[sflag:s19] =	ssyncadd.s32 $0xFFFFC000  }
0x48: {  	[spmem:s2] =	stream.indirect.scatter.add.f32 [tilespmem:s17], [sflag:$0x3], $0x80, s21, s16, $0xb8;
	[tilespmem:$0x1E800] =	vst v63  }
0x49: {  	_ =	swait.ge [sflag:s14], $0x4000  }
0x4a: {  	[sflag:s14] =	ssyncset.done $0x0  }
0x4b: {  	[sflag:s14] =	ssyncadd.s32 $0xFFFFC000  }
0x4c: {  	_ =	swait.ge [sflag:s20], $0x4000  }
0x4d: {  	[sflag:s20] =	ssyncset.done $0x0  }
0x4e: {  	[sflag:s20] =	ssyncadd.s32 $0xFFFFC000  }
0x4f: {  	[spmem:s2] =	stream.indirect.scatter.add.f32 [tilespmem:s18], [sflag:$0x3], $0x80, s22, s16, $0xb8;
	[tilespmem:$0x1E800] =	vst v63  }
0x50: {  	_ =	swait.ge [sflag:s14], $0x4000  }
0x51: {  	[sflag:s14] =	ssyncset.done $0x0  }
0x52: {  	s24 =	simm.s32 $0x0;
	[sflag:s14] =	ssyncadd.s32 $0xFFFFC000  }
0x53: {  	[tilespmem:s24], [sflag:$0x3] =	stream.linear.gather [hbm4b:s9+s24], $0x1400, $0x38;
	[tilespmem:$0x1E800] =	vst v63  }
0x54: {  	_ =	swait.ge [sflag:s14], $0x1400  }
0x55: {  	[sflag:s14] =	ssyncset.done $0x0  }
0x56: {  	[sflag:s14] =	ssyncadd.s32 $0xFFFFEC00  }
0x57: {  	[tilespmem:s15], [sflag:$0x3] =	stream.linear.gather [hbm4b:s10+s24], $0x1400, $0x38;
	[tilespmem:$0x1E800] =	vst v63  }
0x58: {  	_ =	swait.ge [sflag:s14], $0x1400  }
0x59: {  	[sflag:s14] =	ssyncset.done $0x0  }
0x5a: {  	[sflag:s14] =	ssyncadd.s32 $0xFFFFEC00  }
0x5b: {  	[tilespmem:s17], [sflag:$0x1] =	stream.indirect.gather [hbm4b:s4+s16], $0x80, s24, s16, $0xb8;
	[tilespmem:$0x1E800] =	vst v63  }
0x5c: {  	_ = 	snop  }
0x5d: {  	[tilespmem:s18], [sflag:$0x2] =	stream.indirect.gather [hbm4b:s4+s16], $0x80, s16, s16, $0xb8;
	[tilespmem:$0x1E800] =	vst v63  }
0x5e: {  	_ =	swait.ge [sflag:s19], $0x4000  }
0x5f: {  	[sflag:s19] =	ssyncset.done $0x0  }
0x60: {  	s29 =	simm.s32 $0x1400;
	[sflag:s19] =	ssyncadd.s32 $0xFFFFC000  }
0x61: {  	[spmem:s2] =	stream.indirect.scatter.add.f32 [tilespmem:s17], [sflag:$0x3], $0x80, s29, s16, $0xb8;
	[tilespmem:$0x1E800] =	vst v63  }
0x62: {  	_ =	swait.ge [sflag:s14], $0x4000  }
0x63: {  	[sflag:s14] =	ssyncset.done $0x0  }
0x64: {  	s30 =	simm.s32 $0x100;
	[sflag:s14] =	ssyncadd.s32 $0xFFFFC000  }
0x65: {  	[tilespmem:s17], [sflag:$0x1] =	stream.indirect.gather [hbm4b:s4+s16], $0x80, s30, s16, $0xb8;
	[tilespmem:$0x1E800] =	vst v63  }
0x66: {  	_ =	swait.ge [sflag:s20], $0x4000  }
0x67: {  	[sflag:s20] =	ssyncset.done $0x0  }
0x68: {  	s31 =	simm.s32 $0x1480;
	[sflag:s20] =	ssyncadd.s32 $0xFFFFC000  }
0x69: {  	[spmem:s2] =	stream.indirect.scatter.add.f32 [tilespmem:s18], [sflag:$0x3], $0x80, s31, s16, $0xb8;
	[tilespmem:$0x1E800] =	vst v63  }
0x6a: {  	_ =	swait.ge [sflag:s14], $0x4000  }
0x6b: {  	[sflag:s14] =	ssyncset.done $0x0  }
0x6c: {  	s25 =	simm.s32 $0x180;
	s24 =	simm.s32 $0x400;
	[sflag:s14] =	ssyncadd.s32 $0xFFFFC000  }
.LBB2_4:
0x6d: {  	[tilespmem:s18], [sflag:$0x2] =	stream.indirect.gather [hbm4b:s4+s16], $0x80, s25, s16, $0xb8;
	[tilespmem:$0x1E800] =	vst v63  }
0x6e: {  	s25 =	smov.u32 s24  }
0x6f: {  	p0 =	sne.s32 s24, $0x4800;
	s24 =	sadd.s32 $0x400, s24;
	_ =	swait.ge [sflag:s19], $0x4000  }
0x70: {  	s25 =	sshra.s32 s25, $0x2;
	[sflag:s19] =	ssyncset.done $0x0  }
0x71: {  	s26 =	sadd.s32 $0x1400, s25;
	[sflag:s19] =	ssyncadd.s32 $0xFFFFC000  }
0x72: {  	[spmem:s2] =	stream.indirect.scatter.add.f32 [tilespmem:s17], [sflag:$0x3], $0x80, s26, s16, $0xb8;
	[tilespmem:$0x1E800] =	vst v63  }
0x73: {  	_ =	swait.ge [sflag:s14], $0x4000  }
0x74: {  	[sflag:s14] =	ssyncset.done $0x0  }
0x75: {  	s26 =	sadd.s32 $0x100, s25;
	[sflag:s14] =	ssyncadd.s32 $0xFFFFC000  }
0x76: {  	[tilespmem:s17], [sflag:$0x1] =	stream.indirect.gather [hbm4b:s4+s16], $0x80, s26, s16, $0xb8;
	[tilespmem:$0x1E800] =	vst v63  }
0x77: {  	_ =	swait.ge [sflag:s20], $0x4000  }
0x78: {  	[sflag:s20] =	ssyncset.done $0x0  }
.Ltmp1:
0x79: {  	s26 =	sadd.s32 $0x1480, s25;
	[sflag:s20] =	ssyncadd.s32 $0xFFFFC000;
	(pc) =	sbr.rel @p0 .LBB2_4-.Ltmp1, $4  }
0x7a: {  	[spmem:s2] =	stream.indirect.scatter.add.f32 [tilespmem:s18], [sflag:$0x3], $0x80, s26, s16, $0xb8;
	[tilespmem:$0x1E800] =	vst v63  }
0x7b: {  	_ =	swait.ge [sflag:s14], $0x4000  }
0x7c: {  	[sflag:s14] =	ssyncset.done $0x0  }
0x7d: {  	s25 =	sadd.s32 $0x180, s25;
	[sflag:s14] =	ssyncadd.s32 $0xFFFFC000  }
0x7e: {  	[tilespmem:s18], [sflag:$0x2] =	stream.indirect.gather [hbm4b:s4+s16], $0x80, s25, s16, $0xb8;
	[tilespmem:$0x1E800] =	vst v63  }
0x7f: {  	_ =	swait.ge [sflag:s19], $0x4000  }
0x80: {  	[sflag:s19] =	ssyncset.done $0x0  }
0x81: {  	[sflag:s19] =	ssyncadd.s32 $0xFFFFC000  }
0x82: {  	[spmem:s2] =	stream.indirect.scatter.add.f32 [tilespmem:s17], [sflag:$0x3], $0x80, s21, s16, $0xb8;
	[tilespmem:$0x1E800] =	vst v63  }
0x83: {  	_ =	swait.ge [sflag:s14], $0x4000  }
0x84: {  	[sflag:s14] =	ssyncset.done $0x0  }
0x85: {  	[sflag:s14] =	ssyncadd.s32 $0xFFFFC000  }
0x86: {  	_ =	swait.ge [sflag:s20], $0x4000  }
0x87: {  	[sflag:s20] =	ssyncset.done $0x0  }
0x88: {  	[sflag:s20] =	ssyncadd.s32 $0xFFFFC000  }
0x89: {  	[spmem:s2] =	stream.indirect.scatter.add.f32 [tilespmem:s18], [sflag:$0x3], $0x80, s22, s16, $0xb8;
	[tilespmem:$0x1E800] =	vst v63  }
0x8a: {  	_ =	swait.ge [sflag:s14], $0x4000  }
0x8b: {  	s23 =	sadd.s32 $0x1, s23;
	[sflag:s14] =	ssyncset.done $0x0  }
0x8c: {  	p0 =	sne.s32 s23, s11;
	[sflag:s14] =	ssyncadd.s32 $0xFFFFC000  }
.Ltmp2:
0x8d: {  	[bflag:$0x0] =	sbarrier.arrive $0xFFFF;
	(pc) =	sbr.rel @p0 .LBB2_1-.Ltmp2, $4  }
0x8e: {  	[hbm:s12], [sflag:s6] =	dma.local [spmem:s13], $0x2800  }
0x8f: {  	_ =	swait.ge [sflag:s14], $0x2800  }
0x90: {  	[sflag:s14] =	ssyncset.done $0x0  }
0x91: {  	[sflag:s14] =	ssyncadd.s32 $0xFFFFD800  }
0x92: {  	_ =	sfence.sel $0x180000  }
0x93: {  	[bflag:$0x0] =	sbarrier.arrive $0xFFFF  }
0x94: {  	p0 =	sne.s32 s1, $0x0;
	_ =	strace $0x9000004D  }
0x95: {  	s0 =	sadd.s32 @!p0 $0x100000, s0;
	[bflag:$0x2] =	sbarrier.arrive $0xFFFF  }
0x96: {  	[sflag:s0] =	ssyncadd.tile.s32 @!p0 $0x1;
	_ =	shalt  }
.Lfunc_end2:
_tile_overlayer_lowered:
.L_overlay_start_2:
0x97: {  	(tag) =	ssettag $0x2  }
0x98: {  	s0 =	rddreg [dreg:$0x0];
	s2 =	stileid.u32  }
0x99: {  	s1 =	rddreg [dreg:$0x1];
	p0 =	sne.s32 s2, $0x0  }
0x9a: {  	s3 =	rddreg [dreg:$0x2];
	[bflag:$0x3] =	sbarrier.arrive $0xFFFF;
	s2 =	simm.s32 @!p0 $0x1C03  }
0x9b: {  	[timem:s3], [sflag:s2] =	dma.local @!p0 [hbm:s0], s1  }
0x9c: {  	s0 =	simm.s32 @!p0 $0x3  }
0x9d: {  	_ =	swait.ge @!p0 [sflag:s0], s1  }
0x9e: {  	s1 =	ssub.s32 @!p0 $0x0, s1;
	[sflag:s0] =	ssyncset.done @!p0 $0x0  }
0x9f: {  	[sflag:s0] =	ssyncadd.s32 @!p0 s1  }
0xa0: {  	[bflag:$0x3] =	sbarrier.arrive $0xFFFF  }
0xa1: {  	_ =	shalt  }

// kernel: kernel.19.cloned.1.call-start
scs
__scs_entry_jumppad:
0x0: {  	(pc) =	sbr.rel $0x88, $3  }
0x1: {  	(tag) =	ssettag $0x0;
	lr =	simm.s32 $0x1  }
0x2: {  	[smem:$0x3F8E] =	sst lr;
	_ =	strace $0xD0000000  }
0x3: {  	_ = 	snop  }
0x4: {  	_ = 	snop  }
0x5: {  	_ = 	snop  }
0x6: {  	_ = 	snop  }
0x7: {  	_ = 	snop  }
__scs_overlays_trampoline_lowered:
0x8: {  	[smem:$0x3F9D] =	sst s0  }
0x9: {  	[smem:$0x3F9E] =	sst s1  }
0xa: {  	[smem:$0x3F9F] =	sst s2  }
0xb: {  	[smem:$0x3FA0] =	sst s3  }
0xc: {  	[smem:$0x3FA1] =	sst s4  }
0xd: {  	[smem:$0x3FA2] =	sst s5  }
0xe: {  	[smem:$0x3FA3] =	sst s6  }
0xf: {  	[smem:$0x3FA4] =	sst s7  }
0x10: {  	[smem:$0x3FA5] =	sst s8  }
0x11: {  	[smem:$0x3FA6] =	sst s9;
	s0 =	simm.s32 @!p0 $0x0  }
0x12: {  	s1 =	sld [smem:$0x3F8C];
	s0 =	simm.s32 @p0 $0x1  }
0x13: {  	[smem:$0x3FA7] =	sst s0;
	s0 =	simm.s32 @!p1 $0x0  }
0x14: {  	s2 =	sld [smem:$0x3F8B];
	s0 =	simm.s32 @p1 $0x1  }
0x15: {  	[smem:$0x3FA8] =	sst s0;
	s0 =	simm.s32 @!p2 $0x0  }
0x16: {  	s3 =	sld [smem:$0x3FDB];
	s0 =	simm.s32 @p2 $0x1  }
0x17: {  	s4 =	simm.s32 $0x1BF5;
	[smem:$0x3FAA] =	sst s0  }
0x18: {  	s0 =	sld [smem:$0x3F8D];
	_ =	swait.ge [sflag:s4], $0x0  }
0x19: {  	s7 =	sld [smem:$0x3F8E]  }
0x1a: {  	s8 =	sadd.s32 $0xFFFFE003, lr  }
0x1b: {  	s9 =	sadd.s32 $0xFFFFFEF7, lr;
	s5 =	simm.s32 $0xFFFFFFFF;
	p2 =	slt.u32 s8, $0xFFFFF086  }
0x1c: {  	p1 =	slt.u32 s9, $0xF7A;
	s5 =	simm.s32 @!p2 $0x0  }
0x1d: {  	s5 =	simm.s32 @p1 $0x1;
	p0 =	seq.s32 s7, s2  }
0x1e: {  	s7 =	smul.u32 @!p0 $0xF7A, s2;
	p2 =	seq.s32 @!p0 s5, $0x0  }
0x1f: {  	s9 =	smul.u32 $0xF7A, s1;
	s8 =	simm.s32 @!p0 $0x1BF5;
	p2 =	por !p2, p0  }
0x20: {  	[sflag:s8] =	ssyncset.s32 @!p0 $0xFFFFF086;
	s6 =	sadd.s32 @!p0 s3, s7;
	s7 =	simm.s32 @!p0 $0x108  }
0x21: {  	s3 =	sadd.s32 s3, s9;
	s6 =	sadd.s32 @!p0 $0x88, s6;
	s7 =	simm.s32 @p2 $0x1082  }
0x22: {  	[simem:s7], [sflag:s8] =	dma.local @!p0 [hbm:s6], $0xF7A  }
0x23: {  	s9 =	sor.u32 $0xD0000000, s2;
	s6 =	simm.s32 $0x108;
	_ =	swait.ge @!p0 [sflag:s8], $0x0  }
0x24: {  	s3 =	sadd.s32 $0x88, s3;
	s6 =	simm.s32 @!p1 $0x1082;
	[sflag:s4] =	ssyncset.s32 $0xFFFFF086  }
0x25: {  	[simem:s6], [sflag:s4] =	dma.local [hbm:s3], $0xF7A  }
0x26: {  	[smem:$0x3F8E] =	sst s1;
	(tag) =	ssettag s2;
	_ =	strace s9  }
0x27: {  	s1 =	sld [smem:$0x3F9E]  }
0x28: {  	s2 =	sld [smem:$0x3F9F]  }
0x29: {  	s4 =	sld [smem:$0x3FA1]  }
0x2a: {  	p0 =	seq.s32 s5, $0x0;
	s5 =	sld [smem:$0x3FA2]  }
0x2b: {  	s6 =	sld [smem:$0x3FA3]  }
0x2c: {  	s7 =	sld [smem:$0x3FA4]  }
0x2d: {  	s3 =	simm.s32 $0x108;
	s8 =	sld [smem:$0x3FA5]  }
0x2e: {  	s3 =	simm.s32 @!p0 $0x1082;
	s9 =	sld [smem:$0x3FA6]  }
0x2f: {  	lr =	sadd.s32 s0, s3;
	s0 =	sld [smem:$0x3F9D]  }
0x30: {  	s3 =	sld [smem:$0x3FA0]  }
0x31: {  	[smem:$0x3FA9] =	sst s10  }
0x32: {  	s10 =	sld [smem:$0x3FA7];
	_ =	sdelay $0x3  }
0x33: {  	p0 =	seq.s32 s10, $0x1;
	s10 =	sld [smem:$0x3FA9];
	_ =	sdelay $0x3  }
0x34: {  	[smem:$0x3FA9] =	sst s10  }
0x35: {  	s10 =	sld [smem:$0x3FA8];
	_ =	sdelay $0x3  }
0x36: {  	p1 =	seq.s32 s10, $0x1;
	s10 =	sld [smem:$0x3FA9];
	_ =	sdelay $0x3  }
0x37: {  	[smem:$0x3FA9] =	sst s10  }
0x38: {  	s10 =	sld [smem:$0x3FAA]  }
0x39: {  	_ = 	snop;
	(pc) =	sbr.ind lr, $3  }
0x3a: {  	_ = 	snop  }
0x3b: {  	_ = 	snop  }
0x3c: {  	p2 =	seq.s32 s10, $0x1;
	s10 =	sld [smem:$0x3FA9]  }
0x3d: {  	_ =	shalt  }
0x3e: {  	_ =	shalt  }
0x3f: {  	_ =	shalt  }
0x40: {  	_ =	shalt  }
0x41: {  	_ =	shalt  }
0x42: {  	_ =	shalt  }
0x43: {  	_ =	shalt  }
0x44: {  	_ =	shalt  }
0x45: {  	_ =	shalt  }
0x46: {  	_ =	shalt  }
0x47: {  	_ =	shalt  }
0x48: {  	_ =	shalt  }
0x49: {  	_ =	shalt  }
0x4a: {  	_ =	shalt  }
0x4b: {  	_ =	shalt  }
0x4c: {  	_ =	shalt  }
0x4d: {  	_ =	shalt  }
0x4e: {  	_ =	shalt  }
0x4f: {  	_ =	shalt  }
0x50: {  	_ =	shalt  }
0x51: {  	_ =	shalt  }
0x52: {  	_ =	shalt  }
0x53: {  	_ =	shalt  }
0x54: {  	_ =	shalt  }
0x55: {  	_ =	shalt  }
0x56: {  	_ =	shalt  }
0x57: {  	_ =	shalt  }
0x58: {  	_ =	shalt  }
0x59: {  	_ =	shalt  }
0x5a: {  	_ =	shalt  }
0x5b: {  	_ =	shalt  }
0x5c: {  	_ =	shalt  }
0x5d: {  	_ =	shalt  }
0x5e: {  	_ =	shalt  }
0x5f: {  	_ =	shalt  }
0x60: {  	_ =	shalt  }
0x61: {  	_ =	shalt  }
0x62: {  	_ =	shalt  }
0x63: {  	_ =	shalt  }
0x64: {  	_ =	shalt  }
0x65: {  	_ =	shalt  }
0x66: {  	_ =	shalt  }
0x67: {  	_ =	shalt  }
0x68: {  	_ =	shalt  }
0x69: {  	_ =	shalt  }
0x6a: {  	_ =	shalt  }
0x6b: {  	_ =	shalt  }
0x6c: {  	_ =	shalt  }
0x6d: {  	_ =	shalt  }
0x6e: {  	_ =	shalt  }
0x6f: {  	_ =	shalt  }
0x70: {  	_ =	shalt  }
0x71: {  	_ =	shalt  }
0x72: {  	_ =	shalt  }
0x73: {  	_ =	shalt  }
0x74: {  	_ =	shalt  }
0x75: {  	_ =	shalt  }
0x76: {  	_ =	shalt  }
0x77: {  	_ =	shalt  }
0x78: {  	_ =	shalt  }
0x79: {  	_ =	shalt  }
0x7a: {  	_ =	shalt  }
0x7b: {  	_ =	shalt  }
0x7c: {  	_ =	shalt  }
0x7d: {  	_ =	shalt  }
0x7e: {  	_ =	shalt  }
0x7f: {  	_ =	shalt  }
0x80: {  	_ =	shalt  }
0x81: {  	_ =	shalt  }
0x82: {  	_ =	shalt  }
0x83: {  	_ =	shalt  }
0x84: {  	_ =	shalt  }
0x85: {  	_ =	shalt  }
0x86: {  	_ =	shalt  }
0x87: {  	_ =	shalt  }
.Lfunc_end0:
.L_simem_size_0:
called_computation.2_lowered:
.L_overlay_start_0:
0x88: {  	s2 =	sld [smem:$0x3FD9]  }
0x89: {  	s3 =	sld [smem:$0x3FFE];
	_ =	sdelay $0x1  }
0x8a: {  	s1 =	srdreg.scid  }
0x8b: {  	s0 =	sand.u32 $0x1, s1  }
0x8c: {  	s16 =	sshll.u32 s0, $0xA;
	s2 =	sadd.s32 s3, s2  }
0x8d: {  	s2 =	sadd.s32 s2, s16  }
0x8e: {  	[smem:$0x3FB5] =	sst s2  }
0x8f: {  	_ = 	snop  }
0x90: {  	(tm) =	ssettm $0x1  }
0x91: {  	s17 =	sld [smem:$0x3FFB];
	_ =	sdelay $0x3  }
0x92: {  	_ =	strace s17  }
0x93: {  	s2 =	sld [smem:$0x3FFC];
	_ =	sdelay $0x3  }
0x94: {  	_ =	strace s2  }
0x95: {  	s2 =	sld [smem:$0x3FFD];
	_ =	sdelay $0x3  }
0x96: {  	_ =	strace s2  }
0x97: {  	_ =	strace $0x8FFFFFFF  }
0x98: {  	s18 =	sld [smem:$0x3FDB];
	_ =	sdelay $0x1  }
0x99: {  	s19 =	simm.s32 $_scs_section_size  }
0x9a: {  	s4 =	simm.s32 $_size__tile_overlayer_lowered;
	s5 =	simm.s32 $_tile_overlayer_lowered  }
0x9b: {  	s22 =	simm.s32 $0x1BFF;
	s21 =	sshll.u32 s5, $0x1;
	s2 =	sadd.s32 s19, s18  }
0x9c: {  	s6 =	simm.s32 $0x0;
	s20 =	sshll.u32 s4, $0x1;
	s4 =	sadd.s32 s21, s2  }
0x9d: {  	[timem:s6], [sflag:s22] =	dma.local [hbm:s4], s20  }
0x9e: {  	_ =	swait.ge [sflag:s22], s20  }
0x9f: {  	s3 =	ssub.s32 $0x0, s20;
	[sflag:s22] =	ssyncset.done $0x0  }
0xa0: {  	[sflag:s22] =	ssyncadd.s32 s3;
	_ =	sdelay $0x1  }
0xa1: {  	s23 =	simm.s32 $0x1B8B  }
0xa2: {  	_ =	swait.ge [sflag:s23], $0x1  }
0xa3: {  	[sflag:s23] =	ssyncset.done $0x0  }
0xa4: {  	s25 =	simm.s32 $0x1B8E;
	s24 =	sld [smem:$0x3FFE];
	[sflag:s23] =	ssyncadd.s32 $0xFFFFFFFF  }
0xa5: {  	s26 =	simm.s32 $execute0_lowered;
	[smem:$0x3FD2] =	sst s25  }
0xa6: {  	s4 =	sshll.u32 s26, $0x1;
	_ =	strace $0x80000049;
	[dreg:$0x1] =	wrdreg $0xFFFFFFFF  }
0xa7: {  	s28 =	simm.s32 $_size_execute0_lowered;
	s2 =	sadd.s32 s2, s4;
	[dreg:$0x0] =	wrdreg $0x0  }
0xa8: {  	s4 =	sshll.u32 s28, $0x1;
	[dreg:$0x2] =	wrdreg s2  }
0xa9: {  	[dreg:$0x3] =	wrdreg s4  }
0xaa: {  	[dreg:$0x4] =	wrdreg $0xC0  }
0xab: {  	_ =	task [dreg:s6], $0x5FFFF  }
0xac: {  	[dreg:$0x1] =	wrdreg $0xFFFFFFFF  }
0xad: {  	[dreg:$0x0] =	wrdreg $0x60  }
0xae: {  	[dreg:$0x2] =	wrdreg s24  }
0xaf: {  	[dreg:$0x3] =	wrdreg $0xA8000  }
0xb0: {  	[dreg:$0x4] =	wrdreg $0xA  }
0xb1: {  	_ =	task.clear_ibuf [dreg:s6], $0x5FFFF;
	_ =	strace $0x90000049  }
0xb2: {  	s29 =	simm.s32 $0xA;
	_ =	strace $0x8000004B  }
0xb3: {  	_ =	swait.ge [sflag:s29], $0x1  }
0xb4: {  	[sflag:s29] =	ssyncadd.s32 $0xFFFFFFFF  }
0xb5: {  	_ =	strace $0x9000004B  }
0xb6: {  	_ =	sfence  }
0xb7: {  	s30 =	sld [smem:$0x0];
	_ =	sdelay $0x2  }
0xb8: {  	s31 =	sshll.u32 s1, $0xD;
	s1 =	sshrl.u32 s1, $0x2  }
0xb9: {  	s3 =	sand.u32 $0x4000, s31;
	s1 =	sadd.s32 s1, s30  }
0xba: {  	s0 =	sor.u32 s3, s0;
	s1 =	sshll.u32 s1, $0x11  }
0xbb: {  	s0 =	sor.u32 s1, s0  }
0xbc: {  	s0 =	sadd.s32 $0x8F2B, s0  }
0xbd: {  	[sflag:s0] =	ssyncadd.remote.s32 $0x1  }
0xbe: {  	_ =	sfence.sel $0xFFFF  }
0xbf: {  	[dreg:$0x0] =	wrdreg $0xFFFFFFFF;
	(pc) =	sbr.abs _section_cstart, $3  }
0xc0: {  	[dreg:$0x1] =	wrdreg $0xFFFFFFFF  }
0xc1: {  	_ =	task.clear_ibuf [dreg:s6], $0x2FFFF;
	_ =	strace $0x9FFFFFFF  }
0xc2: {  	(tm) =	ssettm $0x7FFFFFFF  }
0xc3: {  	_ =	shalt  }
tec
execute0_lowered:
.L_overlay_start_1:
0x0: {  	(tag) =	ssettag $0x1  }
0x1: {  	s6 =	rddreg [dreg:$0x0]  }
0x2: {  	s2 =	rddreg [dreg:$0x1]  }
0x3: {  	s0 =	rddreg [dreg:$0x2]  }
0x4: {  	s3 =	simm.s32 $0x0;
	s1 =	stileid.u32;
	s7 =	srdreg.scid  }
0x5: {  	s16 =	simm.s32 $0x80;
	s17 =	simm.s32 $0x2800;
	s18 =	simm.s32 $0x6800  }
0x6: {  	s19 =	simm.s32 $0x1;
	s20 =	simm.s32 $0x2;
	s21 =	simm.s32 $0x2700  }
0x7: {  	s22 =	simm.s32 $0x2780;
	s23 =	simm.s32 $0x0;
	[smem:$0x7FF] =	sst s3  }
0x8: {  	s4 =	sadd.s32 $0x19200, s6;
	s5 =	smul.u32 $0x14000, s1;
	s9 =	sadd.s32 $0xF200, s6  }
0x9: {  	s10 =	sadd.s32 $0x5200, s6;
	s7 =	sand.u32 $0x1, s7;
	s8 =	smul.u32 $0x2800, s1  }
0xa: {  	s12 =	sshll.u32 s1, $0x1;
	s25 =	smul.u32 $0x50000, s1;
	s29 =	sshll.u32 s1, $0x6  }
0xb: {  	_ =	strace $0x8000004A;
	p0 =	seq.s32 s7, $0x1;
	s24 =	ssub.s32 $0x2, s7  }
0xc: {  	s7 =	sor.u32 s7, s12;
	s11 =	sshrl.u32 s5, $0x3;
	s5 =	sadd.s32 $0x40400, s6  }
0xd: {  	s13 =	sshrl.u32 s24, $0x1;
	s26 =	smul.u32 $0x2800, s7;
	s28 =	sshrl.u32 s25, $0x2  }
0xe: {  	s30 =	smul.u32 $0x500, s7;
	s11 =	sadd.s32 $0x28000, s11;
	s15 =	sadd.s32 s28, s2  }
0xf: {  	s8 =	smov.u32 @p0 s11;
	s11 =	ssub.s32 s24, s13;
	s31 =	sshrl.u32 s26, $0x3  }
0x10: {  	s7 =	sadd.s32 s9, s30;
	s13 =	sshrl.u32 s15, $0x3;
	s15 =	simm.s32 $0x1400  }
0x11: {  	s14 =	sadd.s32 s8, s6;
	s6 =	sor.u32 $0x1C03, s29;
	s12 =	sadd.s32 $0x280, s31  }
0x12: {  	s8 =	sadd.s32 s10, s30;
	s11 =	smax.u32 s11, $0x1;
	s9 =	sadd.s32 s9, s12  }
0x13: {  	s10 =	sadd.s32 s10, s12;
	s12 =	sadd.s32 $0x69E00, s14;
	s14 =	simm.s32 $0x3  }
.LBB2_1:
0x14: {  	[spmem:s13], [sflag:s6] =	dma.local [hbm:s5], $0x2800  }
0x15: {  	_ =	swait.ge [sflag:s14], $0x2800  }
0x16: {  	[sflag:s14] =	ssyncset.done $0x0  }
0x17: {  	[sflag:s14] =	ssyncadd.s32 $0xFFFFD800  }
0x18: {  	[bflag:$0x0] =	sbarrier.arrive $0xFFFF  }
0x19: {  	[tilespmem:s3], [sflag:$0x3] =	stream.linear.gather [hbm4b:s7+s3], $0x1400, $0x38;
	[tilespmem:$0x1E800] =	vst v63  }
0x1a: {  	_ =	swait.ge [sflag:s14], $0x1400  }
0x1b: {  	[sflag:s14] =	ssyncset.done $0x0  }
0x1c: {  	[sflag:s14] =	ssyncadd.s32 $0xFFFFEC00  }
0x1d: {  	[tilespmem:s15], [sflag:$0x3] =	stream.linear.gather [hbm4b:s8+s3], $0x1400, $0x38;
	[tilespmem:$0x1E800] =	vst v63  }
0x1e: {  	_ =	swait.ge [sflag:s14], $0x1400  }
0x1f: {  	[sflag:s14] =	ssyncset.done $0x0  }
0x20: {  	[sflag:s14] =	ssyncadd.s32 $0xFFFFEC00  }
0x21: {  	[tilespmem:s17], [sflag:$0x1] =	stream.indirect.gather [hbm4b:s4+s16], $0x80, s3, s16, $0xb8;
	[tilespmem:$0x1E800] =	vst v63  }
0x22: {  	_ = 	snop  }
0x23: {  	[tilespmem:s18], [sflag:$0x2] =	stream.indirect.gather [hbm4b:s4+s16], $0x80, s16, s16, $0xb8;
	[tilespmem:$0x1E800] =	vst v63  }
0x24: {  	_ =	swait.ge [sflag:s19], $0x4000  }
0x25: {  	[sflag:s19] =	ssyncset.done $0x0  }
0x26: {  	s24 =	simm.s32 $0x1400;
	[sflag:s19] =	ssyncadd.s32 $0xFFFFC000  }
0x27: {  	[spmem:s2] =	stream.indirect.scatter.add.f32 [tilespmem:s17], [sflag:$0x3], $0x80, s24, s16, $0xb8;
	[tilespmem:$0x1E800] =	vst v63  }
0x28: {  	_ =	swait.ge [sflag:s14], $0x4000  }
0x29: {  	[sflag:s14] =	ssyncset.done $0x0  }
0x2a: {  	s30 =	simm.s32 $0x100;
	[sflag:s14] =	ssyncadd.s32 $0xFFFFC000  }
0x2b: {  	[tilespmem:s17], [sflag:$0x1] =	stream.indirect.gather [hbm4b:s4+s16], $0x80, s30, s16, $0xb8;
	[tilespmem:$0x1E800] =	vst v63  }
0x2c: {  	_ =	swait.ge [sflag:s20], $0x4000  }
0x2d: {  	[sflag:s20] =	ssyncset.done $0x0  }
0x2e: {  	s31 =	simm.s32 $0x1480;
	[sflag:s20] =	ssyncadd.s32 $0xFFFFC000  }
0x2f: {  	[spmem:s2] =	stream.indirect.scatter.add.f32 [tilespmem:s18], [sflag:$0x3], $0x80, s31, s16, $0xb8;
	[tilespmem:$0x1E800] =	vst v63  }
0x30: {  	_ =	swait.ge [sflag:s14], $0x4000  }
0x31: {  	[sflag:s14] =	ssyncset.done $0x0  }
0x32: {  	s25 =	simm.s32 $0x180;
	s24 =	simm.s32 $0x400;
	[sflag:s14] =	ssyncadd.s32 $0xFFFFC000  }
.LBB2_2:
0x33: {  	[tilespmem:s18], [sflag:$0x2] =	stream.indirect.gather [hbm4b:s4+s16], $0x80, s25, s16, $0xb8;
	[tilespmem:$0x1E800] =	vst v63  }
0x34: {  	s25 =	smov.u32 s24  }
0x35: {  	p0 =	sne.s32 s24, $0x4800;
	s24 =	sadd.s32 $0x400, s24;
	_ =	swait.ge [sflag:s19], $0x4000  }
0x36: {  	s25 =	sshra.s32 s25, $0x2;
	[sflag:s19] =	ssyncset.done $0x0  }
0x37: {  	s26 =	sadd.s32 $0x1400, s25;
	[sflag:s19] =	ssyncadd.s32 $0xFFFFC000  }
0x38: {  	[spmem:s2] =	stream.indirect.scatter.add.f32 [tilespmem:s17], [sflag:$0x3], $0x80, s26, s16, $0xb8;
	[tilespmem:$0x1E800] =	vst v63  }
0x39: {  	_ =	swait.ge [sflag:s14], $0x4000  }
0x3a: {  	[sflag:s14] =	ssyncset.done $0x0  }
0x3b: {  	s26 =	sadd.s32 $0x100, s25;
	[sflag:s14] =	ssyncadd.s32 $0xFFFFC000  }
0x3c: {  	[tilespmem:s17], [sflag:$0x1] =	stream.indirect.gather [hbm4b:s4+s16], $0x80, s26, s16, $0xb8;
	[tilespmem:$0x1E800] =	vst v63  }
0x3d: {  	_ =	swait.ge [sflag:s20], $0x4000  }
0x3e: {  	[sflag:s20] =	ssyncset.done $0x0  }
.Ltmp0:
0x3f: {  	s26 =	sadd.s32 $0x1480, s25;
	[sflag:s20] =	ssyncadd.s32 $0xFFFFC000;
	(pc) =	sbr.rel @p0 .LBB2_2-.Ltmp0, $4  }
0x40: {  	[spmem:s2] =	stream.indirect.scatter.add.f32 [tilespmem:s18], [sflag:$0x3], $0x80, s26, s16, $0xb8;
	[tilespmem:$0x1E800] =	vst v63  }
0x41: {  	_ =	swait.ge [sflag:s14], $0x4000  }
0x42: {  	[sflag:s14] =	ssyncset.done $0x0  }
0x43: {  	s25 =	sadd.s32 $0x180, s25;
	[sflag:s14] =	ssyncadd.s32 $0xFFFFC000  }
0x44: {  	[tilespmem:s18], [sflag:$0x2] =	stream.indirect.gather [hbm4b:s4+s16], $0x80, s25, s16, $0xb8;
	[tilespmem:$0x1E800] =	vst v63  }
0x45: {  	_ =	swait.ge [sflag:s19], $0x4000  }
0x46: {  	[sflag:s19] =	ssyncset.done $0x0  }
0x47: {  	[sflag:s19] =	ssyncadd.s32 $0xFFFFC000  }
0x48: {  	[spmem:s2] =	stream.indirect.scatter.add.f32 [tilespmem:s17], [sflag:$0x3], $0x80, s21, s16, $0xb8;
	[tilespmem:$0x1E800] =	vst v63  }
0x49: {  	_ =	swait.ge [sflag:s14], $0x4000  }
0x4a: {  	[sflag:s14] =	ssyncset.done $0x0  }
0x4b: {  	[sflag:s14] =	ssyncadd.s32 $0xFFFFC000  }
0x4c: {  	_ =	swait.ge [sflag:s20], $0x4000  }
0x4d: {  	[sflag:s20] =	ssyncset.done $0x0  }
0x4e: {  	[sflag:s20] =	ssyncadd.s32 $0xFFFFC000  }
0x4f: {  	[spmem:s2] =	stream.indirect.scatter.add.f32 [tilespmem:s18], [sflag:$0x3], $0x80, s22, s16, $0xb8;
	[tilespmem:$0x1E800] =	vst v63  }
0x50: {  	_ =	swait.ge [sflag:s14], $0x4000  }
0x51: {  	[sflag:s14] =	ssyncset.done $0x0  }
0x52: {  	s24 =	simm.s32 $0x0;
	[sflag:s14] =	ssyncadd.s32 $0xFFFFC000  }
0x53: {  	[tilespmem:s24], [sflag:$0x3] =	stream.linear.gather [hbm4b:s9+s24], $0x1400, $0x38;
	[tilespmem:$0x1E800] =	vst v63  }
0x54: {  	_ =	swait.ge [sflag:s14], $0x1400  }
0x55: {  	[sflag:s14] =	ssyncset.done $0x0  }
0x56: {  	[sflag:s14] =	ssyncadd.s32 $0xFFFFEC00  }
0x57: {  	[tilespmem:s15], [sflag:$0x3] =	stream.linear.gather [hbm4b:s10+s24], $0x1400, $0x38;
	[tilespmem:$0x1E800] =	vst v63  }
0x58: {  	_ =	swait.ge [sflag:s14], $0x1400  }
0x59: {  	[sflag:s14] =	ssyncset.done $0x0  }
0x5a: {  	[sflag:s14] =	ssyncadd.s32 $0xFFFFEC00  }
0x5b: {  	[tilespmem:s17], [sflag:$0x1] =	stream.indirect.gather [hbm4b:s4+s16], $0x80, s24, s16, $0xb8;
	[tilespmem:$0x1E800] =	vst v63  }
0x5c: {  	_ = 	snop  }
0x5d: {  	[tilespmem:s18], [sflag:$0x2] =	stream.indirect.gather [hbm4b:s4+s16], $0x80, s16, s16, $0xb8;
	[tilespmem:$0x1E800] =	vst v63  }
0x5e: {  	_ =	swait.ge [sflag:s19], $0x4000  }
0x5f: {  	[sflag:s19] =	ssyncset.done $0x0  }
0x60: {  	s29 =	simm.s32 $0x1400;
	[sflag:s19] =	ssyncadd.s32 $0xFFFFC000  }
0x61: {  	[spmem:s2] =	stream.indirect.scatter.add.f32 [tilespmem:s17], [sflag:$0x3], $0x80, s29, s16, $0xb8;
	[tilespmem:$0x1E800] =	vst v63  }
0x62: {  	_ =	swait.ge [sflag:s14], $0x4000  }
0x63: {  	[sflag:s14] =	ssyncset.done $0x0  }
0x64: {  	s30 =	simm.s32 $0x100;
	[sflag:s14] =	ssyncadd.s32 $0xFFFFC000  }
0x65: {  	[tilespmem:s17], [sflag:$0x1] =	stream.indirect.gather [hbm4b:s4+s16], $0x80, s30, s16, $0xb8;
	[tilespmem:$0x1E800] =	vst v63  }
0x66: {  	_ =	swait.ge [sflag:s20], $0x4000  }
0x67: {  	[sflag:s20] =	ssyncset.done $0x0  }
0x68: {  	s31 =	simm.s32 $0x1480;
	[sflag:s20] =	ssyncadd.s32 $0xFFFFC000  }
0x69: {  	[spmem:s2] =	stream.indirect.scatter.add.f32 [tilespmem:s18], [sflag:$0x3], $0x80, s31, s16, $0xb8;
	[tilespmem:$0x1E800] =	vst v63  }
0x6a: {  	_ =	swait.ge [sflag:s14], $0x4000  }
0x6b: {  	[sflag:s14] =	ssyncset.done $0x0  }
0x6c: {  	s25 =	simm.s32 $0x180;
	s24 =	simm.s32 $0x400;
	[sflag:s14] =	ssyncadd.s32 $0xFFFFC000  }
.LBB2_4:
0x6d: {  	[tilespmem:s18], [sflag:$0x2] =	stream.indirect.gather [hbm4b:s4+s16], $0x80, s25, s16, $0xb8;
	[tilespmem:$0x1E800] =	vst v63  }
0x6e: {  	s25 =	smov.u32 s24  }
0x6f: {  	p0 =	sne.s32 s24, $0x4800;
	s24 =	sadd.s32 $0x400, s24;
	_ =	swait.ge [sflag:s19], $0x4000  }
0x70: {  	s25 =	sshra.s32 s25, $0x2;
	[sflag:s19] =	ssyncset.done $0x0  }
0x71: {  	s26 =	sadd.s32 $0x1400, s25;
	[sflag:s19] =	ssyncadd.s32 $0xFFFFC000  }
0x72: {  	[spmem:s2] =	stream.indirect.scatter.add.f32 [tilespmem:s17], [sflag:$0x3], $0x80, s26, s16, $0xb8;
	[tilespmem:$0x1E800] =	vst v63  }
0x73: {  	_ =	swait.ge [sflag:s14], $0x4000  }
0x74: {  	[sflag:s14] =	ssyncset.done $0x0  }
0x75: {  	s26 =	sadd.s32 $0x100, s25;
	[sflag:s14] =	ssyncadd.s32 $0xFFFFC000  }
0x76: {  	[tilespmem:s17], [sflag:$0x1] =	stream.indirect.gather [hbm4b:s4+s16], $0x80, s26, s16, $0xb8;
	[tilespmem:$0x1E800] =	vst v63  }
0x77: {  	_ =	swait.ge [sflag:s20], $0x4000  }
0x78: {  	[sflag:s20] =	ssyncset.done $0x0  }
.Ltmp1:
0x79: {  	s26 =	sadd.s32 $0x1480, s25;
	[sflag:s20] =	ssyncadd.s32 $0xFFFFC000;
	(pc) =	sbr.rel @p0 .LBB2_4-.Ltmp1, $4  }
0x7a: {  	[spmem:s2] =	stream.indirect.scatter.add.f32 [tilespmem:s18], [sflag:$0x3], $0x80, s26, s16, $0xb8;
	[tilespmem:$0x1E800] =	vst v63  }
0x7b: {  	_ =	swait.ge [sflag:s14], $0x4000  }
0x7c: {  	[sflag:s14] =	ssyncset.done $0x0  }
0x7d: {  	s25 =	sadd.s32 $0x180, s25;
	[sflag:s14] =	ssyncadd.s32 $0xFFFFC000  }
0x7e: {  	[tilespmem:s18], [sflag:$0x2] =	stream.indirect.gather [hbm4b:s4+s16], $0x80, s25, s16, $0xb8;
	[tilespmem:$0x1E800] =	vst v63  }
0x7f: {  	_ =	swait.ge [sflag:s19], $0x4000  }
0x80: {  	[sflag:s19] =	ssyncset.done $0x0  }
0x81: {  	[sflag:s19] =	ssyncadd.s32 $0xFFFFC000  }
0x82: {  	[spmem:s2] =	stream.indirect.scatter.add.f32 [tilespmem:s17], [sflag:$0x3], $0x80, s21, s16, $0xb8;
	[tilespmem:$0x1E800] =	vst v63  }
0x83: {  	_ =	swait.ge [sflag:s14], $0x4000  }
0x84: {  	[sflag:s14] =	ssyncset.done $0x0  }
0x85: {  	[sflag:s14] =	ssyncadd.s32 $0xFFFFC000  }
0x86: {  	_ =	swait.ge [sflag:s20], $0x4000  }
0x87: {  	[sflag:s20] =	ssyncset.done $0x0  }
0x88: {  	[sflag:s20] =	ssyncadd.s32 $0xFFFFC000  }
0x89: {  	[spmem:s2] =	stream.indirect.scatter.add.f32 [tilespmem:s18], [sflag:$0x3], $0x80, s22, s16, $0xb8;
	[tilespmem:$0x1E800] =	vst v63  }
0x8a: {  	_ =	swait.ge [sflag:s14], $0x4000  }
0x8b: {  	s23 =	sadd.s32 $0x1, s23;
	[sflag:s14] =	ssyncset.done $0x0  }
0x8c: {  	p0 =	sne.s32 s23, s11;
	[sflag:s14] =	ssyncadd.s32 $0xFFFFC000  }
.Ltmp2:
0x8d: {  	[bflag:$0x0] =	sbarrier.arrive $0xFFFF;
	(pc) =	sbr.rel @p0 .LBB2_1-.Ltmp2, $4  }
0x8e: {  	[hbm:s12], [sflag:s6] =	dma.local [spmem:s13], $0x2800  }
0x8f: {  	_ =	swait.ge [sflag:s14], $0x2800  }
0x90: {  	[sflag:s14] =	ssyncset.done $0x0  }
0x91: {  	[sflag:s14] =	ssyncadd.s32 $0xFFFFD800  }
0x92: {  	_ =	sfence.sel $0x180000  }
0x93: {  	[bflag:$0x0] =	sbarrier.arrive $0xFFFF  }
0x94: {  	p0 =	sne.s32 s1, $0x0;
	_ =	strace $0x9000004A  }
0x95: {  	s0 =	sadd.s32 @!p0 $0x100000, s0;
	[bflag:$0x2] =	sbarrier.arrive $0xFFFF  }
0x96: {  	[sflag:s0] =	ssyncadd.tile.s32 @!p0 $0x1;
	_ =	shalt  }
.Lfunc_end2:
_tile_overlayer_lowered:
.L_overlay_start_2:
0x97: {  	(tag) =	ssettag $0x2  }
0x98: {  	s0 =	rddreg [dreg:$0x0];
	s2 =	stileid.u32  }
0x99: {  	s1 =	rddreg [dreg:$0x1];
	p0 =	sne.s32 s2, $0x0  }
0x9a: {  	s3 =	rddreg [dreg:$0x2];
	[bflag:$0x3] =	sbarrier.arrive $0xFFFF;
	s2 =	simm.s32 @!p0 $0x1C03  }
0x9b: {  	[timem:s3], [sflag:s2] =	dma.local @!p0 [hbm:s0], s1  }
0x9c: {  	s0 =	simm.s32 @!p0 $0x3  }
0x9d: {  	_ =	swait.ge @!p0 [sflag:s0], s1  }
0x9e: {  	s1 =	ssub.s32 @!p0 $0x0, s1;
	[sflag:s0] =	ssyncset.done @!p0 $0x0  }
0x9f: {  	[sflag:s0] =	ssyncadd.s32 @!p0 s1  }
0xa0: {  	[bflag:$0x3] =	sbarrier.arrive $0xFFFF  }
0xa1: {  	_ =	shalt  }

// kernel: kernel.22.cloned.1.call-start
scs
__scs_entry_jumppad:
0x0: {  	(pc) =	sbr.rel $0x88, $3  }
0x1: {  	(tag) =	ssettag $0x0;
	lr =	simm.s32 $0x1  }
0x2: {  	[smem:$0x3F8E] =	sst lr;
	_ =	strace $0xD0000000  }
0x3: {  	_ = 	snop  }
0x4: {  	_ = 	snop  }
0x5: {  	_ = 	snop  }
0x6: {  	_ = 	snop  }
0x7: {  	_ = 	snop  }
__scs_overlays_trampoline_lowered:
0x8: {  	[smem:$0x3F9D] =	sst s0  }
0x9: {  	[smem:$0x3F9E] =	sst s1  }
0xa: {  	[smem:$0x3F9F] =	sst s2  }
0xb: {  	[smem:$0x3FA0] =	sst s3  }
0xc: {  	[smem:$0x3FA1] =	sst s4  }
0xd: {  	[smem:$0x3FA2] =	sst s5  }
0xe: {  	[smem:$0x3FA3] =	sst s6  }
0xf: {  	[smem:$0x3FA4] =	sst s7  }
0x10: {  	[smem:$0x3FA5] =	sst s8  }
0x11: {  	[smem:$0x3FA6] =	sst s9;
	s0 =	simm.s32 @!p0 $0x0  }
0x12: {  	s1 =	sld [smem:$0x3F8C];
	s0 =	simm.s32 @p0 $0x1  }
0x13: {  	[smem:$0x3FA7] =	sst s0;
	s0 =	simm.s32 @!p1 $0x0  }
0x14: {  	s2 =	sld [smem:$0x3F8B];
	s0 =	simm.s32 @p1 $0x1  }
0x15: {  	[smem:$0x3FA8] =	sst s0;
	s0 =	simm.s32 @!p2 $0x0  }
0x16: {  	s3 =	sld [smem:$0x3FDB];
	s0 =	simm.s32 @p2 $0x1  }
0x17: {  	s4 =	simm.s32 $0x1BF5;
	[smem:$0x3FAA] =	sst s0  }
0x18: {  	s0 =	sld [smem:$0x3F8D];
	_ =	swait.ge [sflag:s4], $0x0  }
0x19: {  	s7 =	sld [smem:$0x3F8E]  }
0x1a: {  	s8 =	sadd.s32 $0xFFFFE003, lr  }
0x1b: {  	s9 =	sadd.s32 $0xFFFFFEF7, lr;
	s5 =	simm.s32 $0xFFFFFFFF;
	p2 =	slt.u32 s8, $0xFFFFF086  }
0x1c: {  	p1 =	slt.u32 s9, $0xF7A;
	s5 =	simm.s32 @!p2 $0x0  }
0x1d: {  	s5 =	simm.s32 @p1 $0x1;
	p0 =	seq.s32 s7, s2  }
0x1e: {  	s7 =	smul.u32 @!p0 $0xF7A, s2;
	p2 =	seq.s32 @!p0 s5, $0x0  }
0x1f: {  	s9 =	smul.u32 $0xF7A, s1;
	s8 =	simm.s32 @!p0 $0x1BF5;
	p2 =	por !p2, p0  }
0x20: {  	[sflag:s8] =	ssyncset.s32 @!p0 $0xFFFFF086;
	s6 =	sadd.s32 @!p0 s3, s7;
	s7 =	simm.s32 @!p0 $0x108  }
0x21: {  	s3 =	sadd.s32 s3, s9;
	s6 =	sadd.s32 @!p0 $0x88, s6;
	s7 =	simm.s32 @p2 $0x1082  }
0x22: {  	[simem:s7], [sflag:s8] =	dma.local @!p0 [hbm:s6], $0xF7A  }
0x23: {  	s9 =	sor.u32 $0xD0000000, s2;
	s6 =	simm.s32 $0x108;
	_ =	swait.ge @!p0 [sflag:s8], $0x0  }
0x24: {  	s3 =	sadd.s32 $0x88, s3;
	s6 =	simm.s32 @!p1 $0x1082;
	[sflag:s4] =	ssyncset.s32 $0xFFFFF086  }
0x25: {  	[simem:s6], [sflag:s4] =	dma.local [hbm:s3], $0xF7A  }
0x26: {  	[smem:$0x3F8E] =	sst s1;
	(tag) =	ssettag s2;
	_ =	strace s9  }
0x27: {  	s1 =	sld [smem:$0x3F9E]  }
0x28: {  	s2 =	sld [smem:$0x3F9F]  }
0x29: {  	s4 =	sld [smem:$0x3FA1]  }
0x2a: {  	p0 =	seq.s32 s5, $0x0;
	s5 =	sld [smem:$0x3FA2]  }
0x2b: {  	s6 =	sld [smem:$0x3FA3]  }
0x2c: {  	s7 =	sld [smem:$0x3FA4]  }
0x2d: {  	s3 =	simm.s32 $0x108;
	s8 =	sld [smem:$0x3FA5]  }
0x2e: {  	s3 =	simm.s32 @!p0 $0x1082;
	s9 =	sld [smem:$0x3FA6]  }
0x2f: {  	lr =	sadd.s32 s0, s3;
	s0 =	sld [smem:$0x3F9D]  }
0x30: {  	s3 =	sld [smem:$0x3FA0]  }
0x31: {  	[smem:$0x3FA9] =	sst s10  }
0x32: {  	s10 =	sld [smem:$0x3FA7];
	_ =	sdelay $0x3  }
0x33: {  	p0 =	seq.s32 s10, $0x1;
	s10 =	sld [smem:$0x3FA9];
	_ =	sdelay $0x3  }
0x34: {  	[smem:$0x3FA9] =	sst s10  }
0x35: {  	s10 =	sld [smem:$0x3FA8];
	_ =	sdelay $0x3  }
0x36: {  	p1 =	seq.s32 s10, $0x1;
	s10 =	sld [smem:$0x3FA9];
	_ =	sdelay $0x3  }
0x37: {  	[smem:$0x3FA9] =	sst s10  }
0x38: {  	s10 =	sld [smem:$0x3FAA]  }
0x39: {  	_ = 	snop;
	(pc) =	sbr.ind lr, $3  }
0x3a: {  	_ = 	snop  }
0x3b: {  	_ = 	snop  }
0x3c: {  	p2 =	seq.s32 s10, $0x1;
	s10 =	sld [smem:$0x3FA9]  }
0x3d: {  	_ =	shalt  }
0x3e: {  	_ =	shalt  }
0x3f: {  	_ =	shalt  }
0x40: {  	_ =	shalt  }
0x41: {  	_ =	shalt  }
0x42: {  	_ =	shalt  }
0x43: {  	_ =	shalt  }
0x44: {  	_ =	shalt  }
0x45: {  	_ =	shalt  }
0x46: {  	_ =	shalt  }
0x47: {  	_ =	shalt  }
0x48: {  	_ =	shalt  }
0x49: {  	_ =	shalt  }
0x4a: {  	_ =	shalt  }
0x4b: {  	_ =	shalt  }
0x4c: {  	_ =	shalt  }
0x4d: {  	_ =	shalt  }
0x4e: {  	_ =	shalt  }
0x4f: {  	_ =	shalt  }
0x50: {  	_ =	shalt  }
0x51: {  	_ =	shalt  }
0x52: {  	_ =	shalt  }
0x53: {  	_ =	shalt  }
0x54: {  	_ =	shalt  }
0x55: {  	_ =	shalt  }
0x56: {  	_ =	shalt  }
0x57: {  	_ =	shalt  }
0x58: {  	_ =	shalt  }
0x59: {  	_ =	shalt  }
0x5a: {  	_ =	shalt  }
0x5b: {  	_ =	shalt  }
0x5c: {  	_ =	shalt  }
0x5d: {  	_ =	shalt  }
0x5e: {  	_ =	shalt  }
0x5f: {  	_ =	shalt  }
0x60: {  	_ =	shalt  }
0x61: {  	_ =	shalt  }
0x62: {  	_ =	shalt  }
0x63: {  	_ =	shalt  }
0x64: {  	_ =	shalt  }
0x65: {  	_ =	shalt  }
0x66: {  	_ =	shalt  }
0x67: {  	_ =	shalt  }
0x68: {  	_ =	shalt  }
0x69: {  	_ =	shalt  }
0x6a: {  	_ =	shalt  }
0x6b: {  	_ =	shalt  }
0x6c: {  	_ =	shalt  }
0x6d: {  	_ =	shalt  }
0x6e: {  	_ =	shalt  }
0x6f: {  	_ =	shalt  }
0x70: {  	_ =	shalt  }
0x71: {  	_ =	shalt  }
0x72: {  	_ =	shalt  }
0x73: {  	_ =	shalt  }
0x74: {  	_ =	shalt  }
0x75: {  	_ =	shalt  }
0x76: {  	_ =	shalt  }
0x77: {  	_ =	shalt  }
0x78: {  	_ =	shalt  }
0x79: {  	_ =	shalt  }
0x7a: {  	_ =	shalt  }
0x7b: {  	_ =	shalt  }
0x7c: {  	_ =	shalt  }
0x7d: {  	_ =	shalt  }
0x7e: {  	_ =	shalt  }
0x7f: {  	_ =	shalt  }
0x80: {  	_ =	shalt  }
0x81: {  	_ =	shalt  }
0x82: {  	_ =	shalt  }
0x83: {  	_ =	shalt  }
0x84: {  	_ =	shalt  }
0x85: {  	_ =	shalt  }
0x86: {  	_ =	shalt  }
0x87: {  	_ =	shalt  }
.Lfunc_end0:
.L_simem_size_0:
called_computation.3_lowered:
.L_overlay_start_0:
0x88: {  	s2 =	sld [smem:$0x3FD9]  }
0x89: {  	s3 =	sld [smem:$0x3FFE];
	_ =	sdelay $0x1  }
0x8a: {  	s1 =	srdreg.scid  }
0x8b: {  	s0 =	sand.u32 $0x1, s1  }
0x8c: {  	s17 =	sshll.u32 s0, $0xA;
	s2 =	sadd.s32 s3, s2  }
0x8d: {  	s2 =	sadd.s32 s2, s17  }
0x8e: {  	[smem:$0x3FB5] =	sst s2  }
0x8f: {  	_ = 	snop  }
0x90: {  	(tm) =	ssettm $0x1  }
0x91: {  	s18 =	sld [smem:$0x3FFB];
	_ =	sdelay $0x3  }
0x92: {  	_ =	strace s18  }
0x93: {  	s2 =	sld [smem:$0x3FFC];
	_ =	sdelay $0x3  }
0x94: {  	_ =	strace s2  }
0x95: {  	s2 =	sld [smem:$0x3FFD];
	_ =	sdelay $0x3  }
0x96: {  	_ =	strace s2  }
0x97: {  	_ =	strace $0x8FFFFFFF  }
0x98: {  	s19 =	sld [smem:$0x3FDB];
	_ =	sdelay $0x1  }
0x99: {  	s20 =	simm.s32 $_scs_section_size  }
0x9a: {  	s4 =	simm.s32 $_size__tile_overlayer_lowered;
	s5 =	simm.s32 $_tile_overlayer_lowered  }
0x9b: {  	s6 =	simm.s32 $0x1BFF;
	s21 =	sshll.u32 s5, $0x1;
	s3 =	sadd.s32 s20, s19  }
0x9c: {  	s22 =	simm.s32 $0x0;
	s4 =	sshll.u32 s4, $0x1;
	s5 =	sadd.s32 s21, s3  }
0x9d: {  	[timem:s22], [sflag:s6] =	dma.local [hbm:s5], s4  }
0x9e: {  	_ =	swait.ge [sflag:s6], s4  }
0x9f: {  	s4 =	ssub.s32 $0x0, s4;
	[sflag:s6] =	ssyncset.done $0x0  }
0xa0: {  	[sflag:s6] =	ssyncadd.s32 s4;
	_ =	sdelay $0x1  }
0xa1: {  	s23 =	simm.s32 $0x1B8B  }
0xa2: {  	_ =	swait.ge [sflag:s23], $0x1  }
0xa3: {  	[sflag:s23] =	ssyncset.done $0x0  }
0xa4: {  	[sflag:s23] =	ssyncadd.s32 $0xFFFFFFFF  }
0xa5: {  	s4 =	sld [smem:$0x0]  }
0xa6: {  	s5 =	sand.u32 $0xFFFFFFFE, s1  }
0xa7: {  	p0 =	sne.s32 s1, s5  }
0xa8: {  	s5 =	sshll.u32 @p0 s5, $0xE  }
0xa9: {  	s5 =	sadd.s32 @p0 $0x11B8D, s5;
	s6 =	sshll.u32 @p0 s4, $0x11  }
0xaa: {  	s5 =	sor.u32 @p0 s6, s5  }
0xab: {  	[sflag:s5] =	ssyncadd.remote.s32 @p0 $0x1;
	_ =	sdelay $0x1  }
0xac: {  	s5 =	simm.s32 @p0 $0x1B8D  }
0xad: {  	_ =	swait.eq @p0 [sflag:s5], $0x1  }
0xae: {  	[sflag:s5] =	ssyncadd.s32 @p0 $0xFFFFFFFF  }
0xaf: {  	s6 =	sshll.u32 @!p0 s1, $0xE  }
0xb0: {  	s6 =	sor.u32 @!p0 $0x4000, s6;
	s5 =	simm.s32 @!p0 $0x1B8D  }
0xb1: {  	s4 =	sshll.u32 @!p0 s4, $0x11;
	s6 =	sadd.s32 @!p0 $0x11B8D, s6;
	_ =	swait.eq @!p0 [sflag:s5], $0x1  }
0xb2: {  	s4 =	sor.u32 @!p0 s4, s6;
	[sflag:s5] =	ssyncadd.s32 @!p0 $0xFFFFFFFF  }
0xb3: {  	s25 =	simm.s32 $0x1B8E;
	s24 =	sld [smem:$0x3FFE];
	[sflag:s4] =	ssyncadd.remote.s32 @!p0 $0x1  }
0xb4: {  	s26 =	simm.s32 $execute0_lowered;
	[smem:$0x3FD2] =	sst s25  }
0xb5: {  	s5 =	sshll.u32 s26, $0x1;
	_ =	strace $0x80000058;
	[dreg:$0x1] =	wrdreg $0xFFFFFFFF  }
0xb6: {  	s28 =	simm.s32 $_size_execute0_lowered;
	s3 =	sadd.s32 s3, s5;
	[dreg:$0x0] =	wrdreg $0x0  }
0xb7: {  	s5 =	sshll.u32 s28, $0x1;
	[dreg:$0x2] =	wrdreg s3  }
0xb8: {  	[dreg:$0x3] =	wrdreg s5  }
0xb9: {  	[dreg:$0x4] =	wrdreg $0xC0  }
0xba: {  	_ =	task [dreg:s22], $0x5FFFF  }
0xbb: {  	[dreg:$0x1] =	wrdreg $0xFFFFFFFF  }
0xbc: {  	[dreg:$0x0] =	wrdreg $0x60  }
0xbd: {  	[dreg:$0x2] =	wrdreg s24  }
0xbe: {  	[dreg:$0x3] =	wrdreg $0xA8000  }
0xbf: {  	[dreg:$0x4] =	wrdreg $0x9  }
0xc0: {  	_ =	task.clear_ibuf [dreg:s22], $0x5FFFF;
	_ =	strace $0x90000058  }
0xc1: {  	s29 =	simm.s32 $0x9;
	_ =	strace $0x8000005A  }
0xc2: {  	_ =	swait.ge [sflag:s29], $0x1  }
0xc3: {  	[sflag:s29] =	ssyncadd.s32 $0xFFFFFFFF  }
0xc4: {  	_ =	strace $0x9000005A  }
0xc5: {  	_ =	sfence  }
0xc6: {  	s30 =	sld [smem:$0x0];
	_ =	sdelay $0x2  }
0xc7: {  	s31 =	sshll.u32 s1, $0xD;
	s1 =	sshrl.u32 s1, $0x2  }
0xc8: {  	s4 =	sand.u32 $0x4000, s31;
	s1 =	sadd.s32 s1, s30  }
0xc9: {  	s0 =	sor.u32 s4, s0;
	s1 =	sshll.u32 s1, $0x11  }
0xca: {  	s0 =	sor.u32 s1, s0  }
0xcb: {  	s0 =	sadd.s32 $0x8F2B, s0  }
0xcc: {  	[sflag:s0] =	ssyncadd.remote.s32 $0x1  }
0xcd: {  	_ =	sfence.sel $0xFFFF  }
0xce: {  	[dreg:$0x0] =	wrdreg $0xFFFFFFFF;
	(pc) =	sbr.abs _section_cstart, $3  }
0xcf: {  	[dreg:$0x1] =	wrdreg $0xFFFFFFFF  }
0xd0: {  	_ =	task.clear_ibuf [dreg:s22], $0x2FFFF;
	_ =	strace $0x9FFFFFFF  }
0xd1: {  	(tm) =	ssettm $0x7FFFFFFF  }
tec
execute0_lowered:
.L_overlay_start_1:
0x0: {  	(tag) =	ssettag $0x1  }
0x1: {  	s6 =	rddreg [dreg:$0x0]  }
0x2: {  	s2 =	rddreg [dreg:$0x1]  }
0x3: {  	s0 =	rddreg [dreg:$0x2]  }
0x4: {  	s3 =	simm.s32 $0x0;
	s1 =	stileid.u32;
	s7 =	srdreg.scid  }
0x5: {  	s16 =	simm.s32 $0x80;
	s17 =	simm.s32 $0x2800;
	s18 =	simm.s32 $0x6800  }
0x6: {  	s19 =	simm.s32 $0x1;
	s20 =	simm.s32 $0x2;
	s21 =	simm.s32 $0x2700  }
0x7: {  	s22 =	simm.s32 $0x2780;
	s23 =	simm.s32 $0x0;
	[smem:$0x7FF] =	sst s3  }
0x8: {  	s4 =	sadd.s32 $0x42C00, s6;
	s5 =	smul.u32 $0x14000, s1;
	s9 =	sadd.s32 $0xF200, s6  }
0x9: {  	s10 =	sadd.s32 $0x5200, s6;
	s7 =	sand.u32 $0x1, s7;
	s8 =	smul.u32 $0x2800, s1  }
0xa: {  	s12 =	sshll.u32 s1, $0x1;
	s25 =	smul.u32 $0x50000, s1;
	s29 =	sshll.u32 s1, $0x6  }
0xb: {  	_ =	strace $0x80000059;
	p0 =	seq.s32 s7, $0x1;
	s24 =	ssub.s32 $0x2, s7  }
0xc: {  	s7 =	sor.u32 s7, s12;
	s11 =	sshrl.u32 s5, $0x3;
	s5 =	sadd.s32 $0x40400, s6  }
0xd: {  	s13 =	sshrl.u32 s24, $0x1;
	s26 =	smul.u32 $0x2800, s7;
	s28 =	sshrl.u32 s25, $0x2  }
0xe: {  	s30 =	smul.u32 $0x500, s7;
	s11 =	sadd.s32 $0x28000, s11;
	s15 =	sadd.s32 s28, s2  }
0xf: {  	s8 =	smov.u32 @p0 s11;
	s11 =	ssub.s32 s24, s13;
	s31 =	sshrl.u32 s26, $0x3  }
0x10: {  	s7 =	sadd.s32 s9, s30;
	s13 =	sshrl.u32 s15, $0x3;
	s15 =	simm.s32 $0x1400  }
0x11: {  	s14 =	sadd.s32 s8, s6;
	s6 =	sor.u32 $0x1C03, s29;
	s12 =	sadd.s32 $0x280, s31  }
0x12: {  	s8 =	sadd.s32 s10, s30;
	s11 =	smax.u32 s11, $0x1;
	s9 =	sadd.s32 s9, s12  }
0x13: {  	s10 =	sadd.s32 s10, s12;
	s12 =	sadd.s32 $0x1A8200, s14;
	s14 =	simm.s32 $0x3  }
.LBB2_1:
0x14: {  	[spmem:s13], [sflag:s6] =	dma.local [hbm:s5], $0x2800  }
0x15: {  	_ =	swait.ge [sflag:s14], $0x2800  }
0x16: {  	[sflag:s14] =	ssyncset.done $0x0  }
0x17: {  	[sflag:s14] =	ssyncadd.s32 $0xFFFFD800  }
0x18: {  	[bflag:$0x0] =	sbarrier.arrive $0xFFFF  }
0x19: {  	[tilespmem:s3], [sflag:$0x3] =	stream.linear.gather [hbm4b:s7+s3], $0x1400, $0x38;
	[tilespmem:$0x1E800] =	vst v63  }
0x1a: {  	_ =	swait.ge [sflag:s14], $0x1400  }
0x1b: {  	[sflag:s14] =	ssyncset.done $0x0  }
0x1c: {  	[sflag:s14] =	ssyncadd.s32 $0xFFFFEC00  }
0x1d: {  	[tilespmem:s15], [sflag:$0x3] =	stream.linear.gather [hbm4b:s8+s3], $0x1400, $0x38;
	[tilespmem:$0x1E800] =	vst v63  }
0x1e: {  	_ =	swait.ge [sflag:s14], $0x1400  }
0x1f: {  	[sflag:s14] =	ssyncset.done $0x0  }
0x20: {  	[sflag:s14] =	ssyncadd.s32 $0xFFFFEC00  }
0x21: {  	[tilespmem:s17], [sflag:$0x1] =	stream.indirect.gather [hbm4b:s4+s16], $0x80, s3, s16, $0xb8;
	[tilespmem:$0x1E800] =	vst v63  }
0x22: {  	_ = 	snop  }
0x23: {  	[tilespmem:s18], [sflag:$0x2] =	stream.indirect.gather [hbm4b:s4+s16], $0x80, s16, s16, $0xb8;
	[tilespmem:$0x1E800] =	vst v63  }
0x24: {  	_ =	swait.ge [sflag:s19], $0x4000  }
0x25: {  	[sflag:s19] =	ssyncset.done $0x0  }
0x26: {  	s24 =	simm.s32 $0x1400;
	[sflag:s19] =	ssyncadd.s32 $0xFFFFC000  }
0x27: {  	[spmem:s2] =	stream.indirect.scatter.add.f32 [tilespmem:s17], [sflag:$0x3], $0x80, s24, s16, $0xb8;
	[tilespmem:$0x1E800] =	vst v63  }
0x28: {  	_ =	swait.ge [sflag:s14], $0x4000  }
0x29: {  	[sflag:s14] =	ssyncset.done $0x0  }
0x2a: {  	s30 =	simm.s32 $0x100;
	[sflag:s14] =	ssyncadd.s32 $0xFFFFC000  }
0x2b: {  	[tilespmem:s17], [sflag:$0x1] =	stream.indirect.gather [hbm4b:s4+s16], $0x80, s30, s16, $0xb8;
	[tilespmem:$0x1E800] =	vst v63  }
0x2c: {  	_ =	swait.ge [sflag:s20], $0x4000  }
0x2d: {  	[sflag:s20] =	ssyncset.done $0x0  }
0x2e: {  	s31 =	simm.s32 $0x1480;
	[sflag:s20] =	ssyncadd.s32 $0xFFFFC000  }
0x2f: {  	[spmem:s2] =	stream.indirect.scatter.add.f32 [tilespmem:s18], [sflag:$0x3], $0x80, s31, s16, $0xb8;
	[tilespmem:$0x1E800] =	vst v63  }
0x30: {  	_ =	swait.ge [sflag:s14], $0x4000  }
0x31: {  	[sflag:s14] =	ssyncset.done $0x0  }
0x32: {  	s25 =	simm.s32 $0x180;
	s24 =	simm.s32 $0x400;
	[sflag:s14] =	ssyncadd.s32 $0xFFFFC000  }
.LBB2_2:
0x33: {  	[tilespmem:s18], [sflag:$0x2] =	stream.indirect.gather [hbm4b:s4+s16], $0x80, s25, s16, $0xb8;
	[tilespmem:$0x1E800] =	vst v63  }
0x34: {  	s25 =	smov.u32 s24  }
0x35: {  	p0 =	sne.s32 s24, $0x4800;
	s24 =	sadd.s32 $0x400, s24;
	_ =	swait.ge [sflag:s19], $0x4000  }
0x36: {  	s25 =	sshra.s32 s25, $0x2;
	[sflag:s19] =	ssyncset.done $0x0  }
0x37: {  	s26 =	sadd.s32 $0x1400, s25;
	[sflag:s19] =	ssyncadd.s32 $0xFFFFC000  }
0x38: {  	[spmem:s2] =	stream.indirect.scatter.add.f32 [tilespmem:s17], [sflag:$0x3], $0x80, s26, s16, $0xb8;
	[tilespmem:$0x1E800] =	vst v63  }
0x39: {  	_ =	swait.ge [sflag:s14], $0x4000  }
0x3a: {  	[sflag:s14] =	ssyncset.done $0x0  }
0x3b: {  	s26 =	sadd.s32 $0x100, s25;
	[sflag:s14] =	ssyncadd.s32 $0xFFFFC000  }
0x3c: {  	[tilespmem:s17], [sflag:$0x1] =	stream.indirect.gather [hbm4b:s4+s16], $0x80, s26, s16, $0xb8;
	[tilespmem:$0x1E800] =	vst v63  }
0x3d: {  	_ =	swait.ge [sflag:s20], $0x4000  }
0x3e: {  	[sflag:s20] =	ssyncset.done $0x0  }
.Ltmp0:
0x3f: {  	s26 =	sadd.s32 $0x1480, s25;
	[sflag:s20] =	ssyncadd.s32 $0xFFFFC000;
	(pc) =	sbr.rel @p0 .LBB2_2-.Ltmp0, $4  }
0x40: {  	[spmem:s2] =	stream.indirect.scatter.add.f32 [tilespmem:s18], [sflag:$0x3], $0x80, s26, s16, $0xb8;
	[tilespmem:$0x1E800] =	vst v63  }
0x41: {  	_ =	swait.ge [sflag:s14], $0x4000  }
0x42: {  	[sflag:s14] =	ssyncset.done $0x0  }
0x43: {  	s25 =	sadd.s32 $0x180, s25;
	[sflag:s14] =	ssyncadd.s32 $0xFFFFC000  }
0x44: {  	[tilespmem:s18], [sflag:$0x2] =	stream.indirect.gather [hbm4b:s4+s16], $0x80, s25, s16, $0xb8;
	[tilespmem:$0x1E800] =	vst v63  }
0x45: {  	_ =	swait.ge [sflag:s19], $0x4000  }
0x46: {  	[sflag:s19] =	ssyncset.done $0x0  }
0x47: {  	[sflag:s19] =	ssyncadd.s32 $0xFFFFC000  }
0x48: {  	[spmem:s2] =	stream.indirect.scatter.add.f32 [tilespmem:s17], [sflag:$0x3], $0x80, s21, s16, $0xb8;
	[tilespmem:$0x1E800] =	vst v63  }
0x49: {  	_ =	swait.ge [sflag:s14], $0x4000  }
0x4a: {  	[sflag:s14] =	ssyncset.done $0x0  }
0x4b: {  	[sflag:s14] =	ssyncadd.s32 $0xFFFFC000  }
0x4c: {  	_ =	swait.ge [sflag:s20], $0x4000  }
0x4d: {  	[sflag:s20] =	ssyncset.done $0x0  }
0x4e: {  	[sflag:s20] =	ssyncadd.s32 $0xFFFFC000  }
0x4f: {  	[spmem:s2] =	stream.indirect.scatter.add.f32 [tilespmem:s18], [sflag:$0x3], $0x80, s22, s16, $0xb8;
	[tilespmem:$0x1E800] =	vst v63  }
0x50: {  	_ =	swait.ge [sflag:s14], $0x4000  }
0x51: {  	[sflag:s14] =	ssyncset.done $0x0  }
0x52: {  	s24 =	simm.s32 $0x0;
	[sflag:s14] =	ssyncadd.s32 $0xFFFFC000  }
0x53: {  	[tilespmem:s24], [sflag:$0x3] =	stream.linear.gather [hbm4b:s9+s24], $0x1400, $0x38;
	[tilespmem:$0x1E800] =	vst v63  }
0x54: {  	_ =	swait.ge [sflag:s14], $0x1400  }
0x55: {  	[sflag:s14] =	ssyncset.done $0x0  }
0x56: {  	[sflag:s14] =	ssyncadd.s32 $0xFFFFEC00  }
0x57: {  	[tilespmem:s15], [sflag:$0x3] =	stream.linear.gather [hbm4b:s10+s24], $0x1400, $0x38;
	[tilespmem:$0x1E800] =	vst v63  }
0x58: {  	_ =	swait.ge [sflag:s14], $0x1400  }
0x59: {  	[sflag:s14] =	ssyncset.done $0x0  }
0x5a: {  	[sflag:s14] =	ssyncadd.s32 $0xFFFFEC00  }
0x5b: {  	[tilespmem:s17], [sflag:$0x1] =	stream.indirect.gather [hbm4b:s4+s16], $0x80, s24, s16, $0xb8;
	[tilespmem:$0x1E800] =	vst v63  }
0x5c: {  	_ = 	snop  }
0x5d: {  	[tilespmem:s18], [sflag:$0x2] =	stream.indirect.gather [hbm4b:s4+s16], $0x80, s16, s16, $0xb8;
	[tilespmem:$0x1E800] =	vst v63  }
0x5e: {  	_ =	swait.ge [sflag:s19], $0x4000  }
0x5f: {  	[sflag:s19] =	ssyncset.done $0x0  }
0x60: {  	s29 =	simm.s32 $0x1400;
	[sflag:s19] =	ssyncadd.s32 $0xFFFFC000  }
0x61: {  	[spmem:s2] =	stream.indirect.scatter.add.f32 [tilespmem:s17], [sflag:$0x3], $0x80, s29, s16, $0xb8;
	[tilespmem:$0x1E800] =	vst v63  }
0x62: {  	_ =	swait.ge [sflag:s14], $0x4000  }
0x63: {  	[sflag:s14] =	ssyncset.done $0x0  }
0x64: {  	s30 =	simm.s32 $0x100;
	[sflag:s14] =	ssyncadd.s32 $0xFFFFC000  }
0x65: {  	[tilespmem:s17], [sflag:$0x1] =	stream.indirect.gather [hbm4b:s4+s16], $0x80, s30, s16, $0xb8;
	[tilespmem:$0x1E800] =	vst v63  }
0x66: {  	_ =	swait.ge [sflag:s20], $0x4000  }
0x67: {  	[sflag:s20] =	ssyncset.done $0x0  }
0x68: {  	s31 =	simm.s32 $0x1480;
	[sflag:s20] =	ssyncadd.s32 $0xFFFFC000  }
0x69: {  	[spmem:s2] =	stream.indirect.scatter.add.f32 [tilespmem:s18], [sflag:$0x3], $0x80, s31, s16, $0xb8;
	[tilespmem:$0x1E800] =	vst v63  }
0x6a: {  	_ =	swait.ge [sflag:s14], $0x4000  }
0x6b: {  	[sflag:s14] =	ssyncset.done $0x0  }
0x6c: {  	s25 =	simm.s32 $0x180;
	s24 =	simm.s32 $0x400;
	[sflag:s14] =	ssyncadd.s32 $0xFFFFC000  }
.LBB2_4:
0x6d: {  	[tilespmem:s18], [sflag:$0x2] =	stream.indirect.gather [hbm4b:s4+s16], $0x80, s25, s16, $0xb8;
	[tilespmem:$0x1E800] =	vst v63  }
0x6e: {  	s25 =	smov.u32 s24  }
0x6f: {  	p0 =	sne.s32 s24, $0x4800;
	s24 =	sadd.s32 $0x400, s24;
	_ =	swait.ge [sflag:s19], $0x4000  }
0x70: {  	s25 =	sshra.s32 s25, $0x2;
	[sflag:s19] =	ssyncset.done $0x0  }
0x71: {  	s26 =	sadd.s32 $0x1400, s25;
	[sflag:s19] =	ssyncadd.s32 $0xFFFFC000  }
0x72: {  	[spmem:s2] =	stream.indirect.scatter.add.f32 [tilespmem:s17], [sflag:$0x3], $0x80, s26, s16, $0xb8;
	[tilespmem:$0x1E800] =	vst v63  }
0x73: {  	_ =	swait.ge [sflag:s14], $0x4000  }
0x74: {  	[sflag:s14] =	ssyncset.done $0x0  }
0x75: {  	s26 =	sadd.s32 $0x100, s25;
	[sflag:s14] =	ssyncadd.s32 $0xFFFFC000  }
0x76: {  	[tilespmem:s17], [sflag:$0x1] =	stream.indirect.gather [hbm4b:s4+s16], $0x80, s26, s16, $0xb8;
	[tilespmem:$0x1E800] =	vst v63  }
0x77: {  	_ =	swait.ge [sflag:s20], $0x4000  }
0x78: {  	[sflag:s20] =	ssyncset.done $0x0  }
.Ltmp1:
0x79: {  	s26 =	sadd.s32 $0x1480, s25;
	[sflag:s20] =	ssyncadd.s32 $0xFFFFC000;
	(pc) =	sbr.rel @p0 .LBB2_4-.Ltmp1, $4  }
0x7a: {  	[spmem:s2] =	stream.indirect.scatter.add.f32 [tilespmem:s18], [sflag:$0x3], $0x80, s26, s16, $0xb8;
	[tilespmem:$0x1E800] =	vst v63  }
0x7b: {  	_ =	swait.ge [sflag:s14], $0x4000  }
0x7c: {  	[sflag:s14] =	ssyncset.done $0x0  }
0x7d: {  	s25 =	sadd.s32 $0x180, s25;
	[sflag:s14] =	ssyncadd.s32 $0xFFFFC000  }
0x7e: {  	[tilespmem:s18], [sflag:$0x2] =	stream.indirect.gather [hbm4b:s4+s16], $0x80, s25, s16, $0xb8;
	[tilespmem:$0x1E800] =	vst v63  }
0x7f: {  	_ =	swait.ge [sflag:s19], $0x4000  }
0x80: {  	[sflag:s19] =	ssyncset.done $0x0  }
0x81: {  	[sflag:s19] =	ssyncadd.s32 $0xFFFFC000  }
0x82: {  	[spmem:s2] =	stream.indirect.scatter.add.f32 [tilespmem:s17], [sflag:$0x3], $0x80, s21, s16, $0xb8;
	[tilespmem:$0x1E800] =	vst v63  }
0x83: {  	_ =	swait.ge [sflag:s14], $0x4000  }
0x84: {  	[sflag:s14] =	ssyncset.done $0x0  }
0x85: {  	[sflag:s14] =	ssyncadd.s32 $0xFFFFC000  }
0x86: {  	_ =	swait.ge [sflag:s20], $0x4000  }
0x87: {  	[sflag:s20] =	ssyncset.done $0x0  }
0x88: {  	[sflag:s20] =	ssyncadd.s32 $0xFFFFC000  }
0x89: {  	[spmem:s2] =	stream.indirect.scatter.add.f32 [tilespmem:s18], [sflag:$0x3], $0x80, s22, s16, $0xb8;
	[tilespmem:$0x1E800] =	vst v63  }
0x8a: {  	_ =	swait.ge [sflag:s14], $0x4000  }
0x8b: {  	s23 =	sadd.s32 $0x1, s23;
	[sflag:s14] =	ssyncset.done $0x0  }
0x8c: {  	p0 =	sne.s32 s23, s11;
	[sflag:s14] =	ssyncadd.s32 $0xFFFFC000  }
.Ltmp2:
0x8d: {  	[bflag:$0x0] =	sbarrier.arrive $0xFFFF;
	(pc) =	sbr.rel @p0 .LBB2_1-.Ltmp2, $4  }
0x8e: {  	[hbm:s12], [sflag:s6] =	dma.local [spmem:s13], $0x2800  }
0x8f: {  	_ =	swait.ge [sflag:s14], $0x2800  }
0x90: {  	[sflag:s14] =	ssyncset.done $0x0  }
0x91: {  	[sflag:s14] =	ssyncadd.s32 $0xFFFFD800  }
0x92: {  	_ =	sfence.sel $0x180000  }
0x93: {  	[bflag:$0x0] =	sbarrier.arrive $0xFFFF  }
0x94: {  	p0 =	sne.s32 s1, $0x0;
	_ =	strace $0x90000059  }
0x95: {  	s0 =	sadd.s32 @!p0 $0x100000, s0;
	[bflag:$0x2] =	sbarrier.arrive $0xFFFF  }
0x96: {  	[sflag:s0] =	ssyncadd.tile.s32 @!p0 $0x1;
	_ =	shalt  }
.Lfunc_end2:
_tile_overlayer_lowered:
.L_overlay_start_2:
0x97: {  	(tag) =	ssettag $0x2  }
0x98: {  	s0 =	rddreg [dreg:$0x0];
	s2 =	stileid.u32  }
0x99: {  	s1 =	rddreg [dreg:$0x1];
	p0 =	sne.s32 s2, $0x0  }
0x9a: {  	s3 =	rddreg [dreg:$0x2];
	[bflag:$0x3] =	sbarrier.arrive $0xFFFF;
	s2 =	simm.s32 @!p0 $0x1C03  }
0x9b: {  	[timem:s3], [sflag:s2] =	dma.local @!p0 [hbm:s0], s1  }
0x9c: {  	s0 =	simm.s32 @!p0 $0x3  }
0x9d: {  	_ =	swait.ge @!p0 [sflag:s0], s1  }
0x9e: {  	s1 =	ssub.s32 @!p0 $0x0, s1;
	[sflag:s0] =	ssyncset.done @!p0 $0x0  }
0x9f: {  	[sflag:s0] =	ssyncadd.s32 @!p0 s1  }
0xa0: {  	[bflag:$0x3] =	sbarrier.arrive $0xFFFF  }
0xa1: {  	_ =	shalt  }

// kernel: kernel.25.cloned.1.call-start
scs
__scs_entry_jumppad:
0x0: {  	(pc) =	sbr.rel $0x88, $3  }
0x1: {  	(tag) =	ssettag $0x0;
	lr =	simm.s32 $0x1  }
0x2: {  	[smem:$0x3F8E] =	sst lr;
	_ =	strace $0xD0000000  }
0x3: {  	_ = 	snop  }
0x4: {  	_ = 	snop  }
0x5: {  	_ = 	snop  }
0x6: {  	_ = 	snop  }
0x7: {  	_ = 	snop  }
__scs_overlays_trampoline_lowered:
0x8: {  	[smem:$0x3F9D] =	sst s0  }
0x9: {  	[smem:$0x3F9E] =	sst s1  }
0xa: {  	[smem:$0x3F9F] =	sst s2  }
0xb: {  	[smem:$0x3FA0] =	sst s3  }
0xc: {  	[smem:$0x3FA1] =	sst s4  }
0xd: {  	[smem:$0x3FA2] =	sst s5  }
0xe: {  	[smem:$0x3FA3] =	sst s6  }
0xf: {  	[smem:$0x3FA4] =	sst s7  }
0x10: {  	[smem:$0x3FA5] =	sst s8  }
0x11: {  	[smem:$0x3FA6] =	sst s9;
	s0 =	simm.s32 @!p0 $0x0  }
0x12: {  	s1 =	sld [smem:$0x3F8C];
	s0 =	simm.s32 @p0 $0x1  }
0x13: {  	[smem:$0x3FA7] =	sst s0;
	s0 =	simm.s32 @!p1 $0x0  }
0x14: {  	s2 =	sld [smem:$0x3F8B];
	s0 =	simm.s32 @p1 $0x1  }
0x15: {  	[smem:$0x3FA8] =	sst s0;
	s0 =	simm.s32 @!p2 $0x0  }
0x16: {  	s3 =	sld [smem:$0x3FDB];
	s0 =	simm.s32 @p2 $0x1  }
0x17: {  	s4 =	simm.s32 $0x1BF5;
	[smem:$0x3FAA] =	sst s0  }
0x18: {  	s0 =	sld [smem:$0x3F8D];
	_ =	swait.ge [sflag:s4], $0x0  }
0x19: {  	s7 =	sld [smem:$0x3F8E]  }
0x1a: {  	s8 =	sadd.s32 $0xFFFFE003, lr  }
0x1b: {  	s9 =	sadd.s32 $0xFFFFFEF7, lr;
	s5 =	simm.s32 $0xFFFFFFFF;
	p2 =	slt.u32 s8, $0xFFFFF086  }
0x1c: {  	p1 =	slt.u32 s9, $0xF7A;
	s5 =	simm.s32 @!p2 $0x0  }
0x1d: {  	s5 =	simm.s32 @p1 $0x1;
	p0 =	seq.s32 s7, s2  }
0x1e: {  	s7 =	smul.u32 @!p0 $0xF7A, s2;
	p2 =	seq.s32 @!p0 s5, $0x0  }
0x1f: {  	s9 =	smul.u32 $0xF7A, s1;
	s8 =	simm.s32 @!p0 $0x1BF5;
	p2 =	por !p2, p0  }
0x20: {  	[sflag:s8] =	ssyncset.s32 @!p0 $0xFFFFF086;
	s6 =	sadd.s32 @!p0 s3, s7;
	s7 =	simm.s32 @!p0 $0x108  }
0x21: {  	s3 =	sadd.s32 s3, s9;
	s6 =	sadd.s32 @!p0 $0x88, s6;
	s7 =	simm.s32 @p2 $0x1082  }
0x22: {  	[simem:s7], [sflag:s8] =	dma.local @!p0 [hbm:s6], $0xF7A  }
0x23: {  	s9 =	sor.u32 $0xD0000000, s2;
	s6 =	simm.s32 $0x108;
	_ =	swait.ge @!p0 [sflag:s8], $0x0  }
0x24: {  	s3 =	sadd.s32 $0x88, s3;
	s6 =	simm.s32 @!p1 $0x1082;
	[sflag:s4] =	ssyncset.s32 $0xFFFFF086  }
0x25: {  	[simem:s6], [sflag:s4] =	dma.local [hbm:s3], $0xF7A  }
0x26: {  	[smem:$0x3F8E] =	sst s1;
	(tag) =	ssettag s2;
	_ =	strace s9  }
0x27: {  	s1 =	sld [smem:$0x3F9E]  }
0x28: {  	s2 =	sld [smem:$0x3F9F]  }
0x29: {  	s4 =	sld [smem:$0x3FA1]  }
0x2a: {  	p0 =	seq.s32 s5, $0x0;
	s5 =	sld [smem:$0x3FA2]  }
0x2b: {  	s6 =	sld [smem:$0x3FA3]  }
0x2c: {  	s7 =	sld [smem:$0x3FA4]  }
0x2d: {  	s3 =	simm.s32 $0x108;
	s8 =	sld [smem:$0x3FA5]  }
0x2e: {  	s3 =	simm.s32 @!p0 $0x1082;
	s9 =	sld [smem:$0x3FA6]  }
0x2f: {  	lr =	sadd.s32 s0, s3;
	s0 =	sld [smem:$0x3F9D]  }
0x30: {  	s3 =	sld [smem:$0x3FA0]  }
0x31: {  	[smem:$0x3FA9] =	sst s10  }
0x32: {  	s10 =	sld [smem:$0x3FA7];
	_ =	sdelay $0x3  }
0x33: {  	p0 =	seq.s32 s10, $0x1;
	s10 =	sld [smem:$0x3FA9];
	_ =	sdelay $0x3  }
0x34: {  	[smem:$0x3FA9] =	sst s10  }
0x35: {  	s10 =	sld [smem:$0x3FA8];
	_ =	sdelay $0x3  }
0x36: {  	p1 =	seq.s32 s10, $0x1;
	s10 =	sld [smem:$0x3FA9];
	_ =	sdelay $0x3  }
0x37: {  	[smem:$0x3FA9] =	sst s10  }
0x38: {  	s10 =	sld [smem:$0x3FAA]  }
0x39: {  	_ = 	snop;
	(pc) =	sbr.ind lr, $3  }
0x3a: {  	_ = 	snop  }
0x3b: {  	_ = 	snop  }
0x3c: {  	p2 =	seq.s32 s10, $0x1;
	s10 =	sld [smem:$0x3FA9]  }
0x3d: {  	_ =	shalt  }
0x3e: {  	_ =	shalt  }
0x3f: {  	_ =	shalt  }
0x40: {  	_ =	shalt  }
0x41: {  	_ =	shalt  }
0x42: {  	_ =	shalt  }
0x43: {  	_ =	shalt  }
0x44: {  	_ =	shalt  }
0x45: {  	_ =	shalt  }
0x46: {  	_ =	shalt  }
0x47: {  	_ =	shalt  }
0x48: {  	_ =	shalt  }
0x49: {  	_ =	shalt  }
0x4a: {  	_ =	shalt  }
0x4b: {  	_ =	shalt  }
0x4c: {  	_ =	shalt  }
0x4d: {  	_ =	shalt  }
0x4e: {  	_ =	shalt  }
0x4f: {  	_ =	shalt  }
0x50: {  	_ =	shalt  }
0x51: {  	_ =	shalt  }
0x52: {  	_ =	shalt  }
0x53: {  	_ =	shalt  }
0x54: {  	_ =	shalt  }
0x55: {  	_ =	shalt  }
0x56: {  	_ =	shalt  }
0x57: {  	_ =	shalt  }
0x58: {  	_ =	shalt  }
0x59: {  	_ =	shalt  }
0x5a: {  	_ =	shalt  }
0x5b: {  	_ =	shalt  }
0x5c: {  	_ =	shalt  }
0x5d: {  	_ =	shalt  }
0x5e: {  	_ =	shalt  }
0x5f: {  	_ =	shalt  }
0x60: {  	_ =	shalt  }
0x61: {  	_ =	shalt  }
0x62: {  	_ =	shalt  }
0x63: {  	_ =	shalt  }
0x64: {  	_ =	shalt  }
0x65: {  	_ =	shalt  }
0x66: {  	_ =	shalt  }
0x67: {  	_ =	shalt  }
0x68: {  	_ =	shalt  }
0x69: {  	_ =	shalt  }
0x6a: {  	_ =	shalt  }
0x6b: {  	_ =	shalt  }
0x6c: {  	_ =	shalt  }
0x6d: {  	_ =	shalt  }
0x6e: {  	_ =	shalt  }
0x6f: {  	_ =	shalt  }
0x70: {  	_ =	shalt  }
0x71: {  	_ =	shalt  }
0x72: {  	_ =	shalt  }
0x73: {  	_ =	shalt  }
0x74: {  	_ =	shalt  }
0x75: {  	_ =	shalt  }
0x76: {  	_ =	shalt  }
0x77: {  	_ =	shalt  }
0x78: {  	_ =	shalt  }
0x79: {  	_ =	shalt  }
0x7a: {  	_ =	shalt  }
0x7b: {  	_ =	shalt  }
0x7c: {  	_ =	shalt  }
0x7d: {  	_ =	shalt  }
0x7e: {  	_ =	shalt  }
0x7f: {  	_ =	shalt  }
0x80: {  	_ =	shalt  }
0x81: {  	_ =	shalt  }
0x82: {  	_ =	shalt  }
0x83: {  	_ =	shalt  }
0x84: {  	_ =	shalt  }
0x85: {  	_ =	shalt  }
0x86: {  	_ =	shalt  }
0x87: {  	_ =	shalt  }
.Lfunc_end0:
.L_simem_size_0:
called_computation.4_lowered:
.L_overlay_start_0:
0x88: {  	s2 =	sld [smem:$0x3FD9]  }
0x89: {  	s3 =	sld [smem:$0x3FFE];
	_ =	sdelay $0x1  }
0x8a: {  	s1 =	srdreg.scid  }
0x8b: {  	s0 =	sand.u32 $0x1, s1  }
0x8c: {  	s17 =	sshll.u32 s0, $0xA;
	s2 =	sadd.s32 s3, s2  }
0x8d: {  	s2 =	sadd.s32 s2, s17  }
0x8e: {  	[smem:$0x3FB5] =	sst s2  }
0x8f: {  	_ = 	snop  }
0x90: {  	(tm) =	ssettm $0x1  }
0x91: {  	s18 =	sld [smem:$0x3FFB];
	_ =	sdelay $0x3  }
0x92: {  	_ =	strace s18  }
0x93: {  	s2 =	sld [smem:$0x3FFC];
	_ =	sdelay $0x3  }
0x94: {  	_ =	strace s2  }
0x95: {  	s2 =	sld [smem:$0x3FFD];
	_ =	sdelay $0x3  }
0x96: {  	_ =	strace s2  }
0x97: {  	_ =	strace $0x8FFFFFFF  }
0x98: {  	s19 =	sld [smem:$0x3FDB];
	_ =	sdelay $0x1  }
0x99: {  	s20 =	simm.s32 $_scs_section_size  }
0x9a: {  	s4 =	simm.s32 $_size__tile_overlayer_lowered;
	s5 =	simm.s32 $_tile_overlayer_lowered  }
0x9b: {  	s6 =	simm.s32 $0x1BFF;
	s21 =	sshll.u32 s5, $0x1;
	s3 =	sadd.s32 s20, s19  }
0x9c: {  	s22 =	simm.s32 $0x0;
	s4 =	sshll.u32 s4, $0x1;
	s5 =	sadd.s32 s21, s3  }
0x9d: {  	[timem:s22], [sflag:s6] =	dma.local [hbm:s5], s4  }
0x9e: {  	_ =	swait.ge [sflag:s6], s4  }
0x9f: {  	s4 =	ssub.s32 $0x0, s4;
	[sflag:s6] =	ssyncset.done $0x0  }
0xa0: {  	[sflag:s6] =	ssyncadd.s32 s4;
	_ =	sdelay $0x1  }
0xa1: {  	s23 =	simm.s32 $0x1B8B  }
0xa2: {  	_ =	swait.ge [sflag:s23], $0x1  }
0xa3: {  	[sflag:s23] =	ssyncset.done $0x0  }
0xa4: {  	[sflag:s23] =	ssyncadd.s32 $0xFFFFFFFF  }
0xa5: {  	s4 =	sld [smem:$0x0]  }
0xa6: {  	s5 =	sand.u32 $0xFFFFFFFE, s1  }
0xa7: {  	p0 =	sne.s32 s1, s5  }
0xa8: {  	s5 =	sshll.u32 @p0 s5, $0xE  }
0xa9: {  	s5 =	sadd.s32 @p0 $0x11B8D, s5;
	s6 =	sshll.u32 @p0 s4, $0x11  }
0xaa: {  	s5 =	sor.u32 @p0 s6, s5  }
0xab: {  	[sflag:s5] =	ssyncadd.remote.s32 @p0 $0x1;
	_ =	sdelay $0x1  }
0xac: {  	s5 =	simm.s32 @p0 $0x1B8D  }
0xad: {  	_ =	swait.eq @p0 [sflag:s5], $0x1  }
0xae: {  	[sflag:s5] =	ssyncadd.s32 @p0 $0xFFFFFFFF  }
0xaf: {  	s6 =	sshll.u32 @!p0 s1, $0xE  }
0xb0: {  	s6 =	sor.u32 @!p0 $0x4000, s6;
	s5 =	simm.s32 @!p0 $0x1B8D  }
0xb1: {  	s4 =	sshll.u32 @!p0 s4, $0x11;
	s6 =	sadd.s32 @!p0 $0x11B8D, s6;
	_ =	swait.eq @!p0 [sflag:s5], $0x1  }
0xb2: {  	s4 =	sor.u32 @!p0 s4, s6;
	[sflag:s5] =	ssyncadd.s32 @!p0 $0xFFFFFFFF  }
0xb3: {  	s25 =	simm.s32 $0x1B8E;
	s24 =	sld [smem:$0x3FFE];
	[sflag:s4] =	ssyncadd.remote.s32 @!p0 $0x1  }
0xb4: {  	s26 =	simm.s32 $execute0_lowered;
	[smem:$0x3FD2] =	sst s25  }
0xb5: {  	s5 =	sshll.u32 s26, $0x1;
	_ =	strace $0x80000055;
	[dreg:$0x1] =	wrdreg $0xFFFFFFFF  }
0xb6: {  	s28 =	simm.s32 $_size_execute0_lowered;
	s3 =	sadd.s32 s3, s5;
	[dreg:$0x0] =	wrdreg $0x0  }
0xb7: {  	s5 =	sshll.u32 s28, $0x1;
	[dreg:$0x2] =	wrdreg s3  }
0xb8: {  	[dreg:$0x3] =	wrdreg s5  }
0xb9: {  	[dreg:$0x4] =	wrdreg $0xC0  }
0xba: {  	_ =	task [dreg:s22], $0x5FFFF  }
0xbb: {  	[dreg:$0x1] =	wrdreg $0xFFFFFFFF  }
0xbc: {  	[dreg:$0x0] =	wrdreg $0x60  }
0xbd: {  	[dreg:$0x2] =	wrdreg s24  }
0xbe: {  	[dreg:$0x3] =	wrdreg $0xA8000  }
0xbf: {  	[dreg:$0x4] =	wrdreg $0xA  }
0xc0: {  	_ =	task.clear_ibuf [dreg:s22], $0x5FFFF;
	_ =	strace $0x90000055  }
0xc1: {  	s29 =	simm.s32 $0xA;
	_ =	strace $0x80000057  }
0xc2: {  	_ =	swait.ge [sflag:s29], $0x1  }
0xc3: {  	[sflag:s29] =	ssyncadd.s32 $0xFFFFFFFF  }
0xc4: {  	_ =	strace $0x90000057  }
0xc5: {  	_ =	sfence  }
0xc6: {  	s30 =	sld [smem:$0x0];
	_ =	sdelay $0x2  }
0xc7: {  	s31 =	sshll.u32 s1, $0xD;
	s1 =	sshrl.u32 s1, $0x2  }
0xc8: {  	s4 =	sand.u32 $0x4000, s31;
	s1 =	sadd.s32 s1, s30  }
0xc9: {  	s0 =	sor.u32 s4, s0;
	s1 =	sshll.u32 s1, $0x11  }
0xca: {  	s0 =	sor.u32 s1, s0  }
0xcb: {  	s0 =	sadd.s32 $0x8F2B, s0  }
0xcc: {  	[sflag:s0] =	ssyncadd.remote.s32 $0x1  }
0xcd: {  	_ =	sfence.sel $0xFFFF  }
0xce: {  	[dreg:$0x0] =	wrdreg $0xFFFFFFFF;
	(pc) =	sbr.abs _section_cstart, $3  }
0xcf: {  	[dreg:$0x1] =	wrdreg $0xFFFFFFFF  }
0xd0: {  	_ =	task.clear_ibuf [dreg:s22], $0x2FFFF;
	_ =	strace $0x9FFFFFFF  }
0xd1: {  	(tm) =	ssettm $0x7FFFFFFF  }
tec
execute0_lowered:
.L_overlay_start_1:
0x0: {  	(tag) =	ssettag $0x1  }
0x1: {  	s6 =	rddreg [dreg:$0x0]  }
0x2: {  	s2 =	rddreg [dreg:$0x1]  }
0x3: {  	s0 =	rddreg [dreg:$0x2]  }
0x4: {  	s3 =	simm.s32 $0x0;
	s1 =	stileid.u32;
	s7 =	srdreg.scid  }
0x5: {  	s16 =	simm.s32 $0x80;
	s17 =	simm.s32 $0x2800;
	s18 =	simm.s32 $0x6800  }
0x6: {  	s19 =	simm.s32 $0x1;
	s20 =	simm.s32 $0x2;
	s21 =	simm.s32 $0x2700  }
0x7: {  	s22 =	simm.s32 $0x2780;
	s23 =	simm.s32 $0x0;
	[smem:$0x7FF] =	sst s3  }
0x8: {  	s4 =	sadd.s32 $0x69E00, s6;
	s5 =	smul.u32 $0x14000, s1;
	s9 =	sadd.s32 $0xF200, s6  }
0x9: {  	s10 =	sadd.s32 $0x5200, s6;
	s7 =	sand.u32 $0x1, s7;
	s8 =	smul.u32 $0x2800, s1  }
0xa: {  	s12 =	sshll.u32 s1, $0x1;
	s25 =	smul.u32 $0x50000, s1;
	s29 =	sshll.u32 s1, $0x6  }
0xb: {  	_ =	strace $0x80000056;
	p0 =	seq.s32 s7, $0x1;
	s24 =	ssub.s32 $0x2, s7  }
0xc: {  	s7 =	sor.u32 s7, s12;
	s11 =	sshrl.u32 s5, $0x3;
	s5 =	sadd.s32 $0x40400, s6  }
0xd: {  	s13 =	sshrl.u32 s24, $0x1;
	s26 =	smul.u32 $0x2800, s7;
	s28 =	sshrl.u32 s25, $0x2  }
0xe: {  	s30 =	smul.u32 $0x500, s7;
	s11 =	sadd.s32 $0x28000, s11;
	s15 =	sadd.s32 s28, s2  }
0xf: {  	s8 =	smov.u32 @p0 s11;
	s11 =	ssub.s32 s24, s13;
	s31 =	sshrl.u32 s26, $0x3  }
0x10: {  	s7 =	sadd.s32 s9, s30;
	s13 =	sshrl.u32 s15, $0x3;
	s15 =	simm.s32 $0x1400  }
0x11: {  	s14 =	sadd.s32 s8, s6;
	s6 =	sor.u32 $0x1C03, s29;
	s12 =	sadd.s32 $0x280, s31  }
0x12: {  	s8 =	sadd.s32 s10, s30;
	s11 =	smax.u32 s11, $0x1;
	s9 =	sadd.s32 s9, s12  }
0x13: {  	s10 =	sadd.s32 s10, s12;
	s12 =	sadd.s32 $0x158200, s14;
	s14 =	simm.s32 $0x3  }
.LBB2_1:
0x14: {  	[spmem:s13], [sflag:s6] =	dma.local [hbm:s5], $0x2800  }
0x15: {  	_ =	swait.ge [sflag:s14], $0x2800  }
0x16: {  	[sflag:s14] =	ssyncset.done $0x0  }
0x17: {  	[sflag:s14] =	ssyncadd.s32 $0xFFFFD800  }
0x18: {  	[bflag:$0x0] =	sbarrier.arrive $0xFFFF  }
0x19: {  	[tilespmem:s3], [sflag:$0x3] =	stream.linear.gather [hbm4b:s7+s3], $0x1400, $0x38;
	[tilespmem:$0x1E800] =	vst v63  }
0x1a: {  	_ =	swait.ge [sflag:s14], $0x1400  }
0x1b: {  	[sflag:s14] =	ssyncset.done $0x0  }
0x1c: {  	[sflag:s14] =	ssyncadd.s32 $0xFFFFEC00  }
0x1d: {  	[tilespmem:s15], [sflag:$0x3] =	stream.linear.gather [hbm4b:s8+s3], $0x1400, $0x38;
	[tilespmem:$0x1E800] =	vst v63  }
0x1e: {  	_ =	swait.ge [sflag:s14], $0x1400  }
0x1f: {  	[sflag:s14] =	ssyncset.done $0x0  }
0x20: {  	[sflag:s14] =	ssyncadd.s32 $0xFFFFEC00  }
0x21: {  	[tilespmem:s17], [sflag:$0x1] =	stream.indirect.gather [hbm4b:s4+s16], $0x80, s3, s16, $0xb8;
	[tilespmem:$0x1E800] =	vst v63  }
0x22: {  	_ = 	snop  }
0x23: {  	[tilespmem:s18], [sflag:$0x2] =	stream.indirect.gather [hbm4b:s4+s16], $0x80, s16, s16, $0xb8;
	[tilespmem:$0x1E800] =	vst v63  }
0x24: {  	_ =	swait.ge [sflag:s19], $0x4000  }
0x25: {  	[sflag:s19] =	ssyncset.done $0x0  }
0x26: {  	s24 =	simm.s32 $0x1400;
	[sflag:s19] =	ssyncadd.s32 $0xFFFFC000  }
0x27: {  	[spmem:s2] =	stream.indirect.scatter.add.f32 [tilespmem:s17], [sflag:$0x3], $0x80, s24, s16, $0xb8;
	[tilespmem:$0x1E800] =	vst v63  }
0x28: {  	_ =	swait.ge [sflag:s14], $0x4000  }
0x29: {  	[sflag:s14] =	ssyncset.done $0x0  }
0x2a: {  	s30 =	simm.s32 $0x100;
	[sflag:s14] =	ssyncadd.s32 $0xFFFFC000  }
0x2b: {  	[tilespmem:s17], [sflag:$0x1] =	stream.indirect.gather [hbm4b:s4+s16], $0x80, s30, s16, $0xb8;
	[tilespmem:$0x1E800] =	vst v63  }
0x2c: {  	_ =	swait.ge [sflag:s20], $0x4000  }
0x2d: {  	[sflag:s20] =	ssyncset.done $0x0  }
0x2e: {  	s31 =	simm.s32 $0x1480;
	[sflag:s20] =	ssyncadd.s32 $0xFFFFC000  }
0x2f: {  	[spmem:s2] =	stream.indirect.scatter.add.f32 [tilespmem:s18], [sflag:$0x3], $0x80, s31, s16, $0xb8;
	[tilespmem:$0x1E800] =	vst v63  }
0x30: {  	_ =	swait.ge [sflag:s14], $0x4000  }
0x31: {  	[sflag:s14] =	ssyncset.done $0x0  }
0x32: {  	s25 =	simm.s32 $0x180;
	s24 =	simm.s32 $0x400;
	[sflag:s14] =	ssyncadd.s32 $0xFFFFC000  }
.LBB2_2:
0x33: {  	[tilespmem:s18], [sflag:$0x2] =	stream.indirect.gather [hbm4b:s4+s16], $0x80, s25, s16, $0xb8;
	[tilespmem:$0x1E800] =	vst v63  }
0x34: {  	s25 =	smov.u32 s24  }
0x35: {  	p0 =	sne.s32 s24, $0x4800;
	s24 =	sadd.s32 $0x400, s24;
	_ =	swait.ge [sflag:s19], $0x4000  }
0x36: {  	s25 =	sshra.s32 s25, $0x2;
	[sflag:s19] =	ssyncset.done $0x0  }
0x37: {  	s26 =	sadd.s32 $0x1400, s25;
	[sflag:s19] =	ssyncadd.s32 $0xFFFFC000  }
0x38: {  	[spmem:s2] =	stream.indirect.scatter.add.f32 [tilespmem:s17], [sflag:$0x3], $0x80, s26, s16, $0xb8;
	[tilespmem:$0x1E800] =	vst v63  }
0x39: {  	_ =	swait.ge [sflag:s14], $0x4000  }
0x3a: {  	[sflag:s14] =	ssyncset.done $0x0  }
0x3b: {  	s26 =	sadd.s32 $0x100, s25;
	[sflag:s14] =	ssyncadd.s32 $0xFFFFC000  }
0x3c: {  	[tilespmem:s17], [sflag:$0x1] =	stream.indirect.gather [hbm4b:s4+s16], $0x80, s26, s16, $0xb8;
	[tilespmem:$0x1E800] =	vst v63  }
0x3d: {  	_ =	swait.ge [sflag:s20], $0x4000  }
0x3e: {  	[sflag:s20] =	ssyncset.done $0x0  }
.Ltmp0:
0x3f: {  	s26 =	sadd.s32 $0x1480, s25;
	[sflag:s20] =	ssyncadd.s32 $0xFFFFC000;
	(pc) =	sbr.rel @p0 .LBB2_2-.Ltmp0, $4  }
0x40: {  	[spmem:s2] =	stream.indirect.scatter.add.f32 [tilespmem:s18], [sflag:$0x3], $0x80, s26, s16, $0xb8;
	[tilespmem:$0x1E800] =	vst v63  }
0x41: {  	_ =	swait.ge [sflag:s14], $0x4000  }
0x42: {  	[sflag:s14] =	ssyncset.done $0x0  }
0x43: {  	s25 =	sadd.s32 $0x180, s25;
	[sflag:s14] =	ssyncadd.s32 $0xFFFFC000  }
0x44: {  	[tilespmem:s18], [sflag:$0x2] =	stream.indirect.gather [hbm4b:s4+s16], $0x80, s25, s16, $0xb8;
	[tilespmem:$0x1E800] =	vst v63  }
0x45: {  	_ =	swait.ge [sflag:s19], $0x4000  }
0x46: {  	[sflag:s19] =	ssyncset.done $0x0  }
0x47: {  	[sflag:s19] =	ssyncadd.s32 $0xFFFFC000  }
0x48: {  	[spmem:s2] =	stream.indirect.scatter.add.f32 [tilespmem:s17], [sflag:$0x3], $0x80, s21, s16, $0xb8;
	[tilespmem:$0x1E800] =	vst v63  }
0x49: {  	_ =	swait.ge [sflag:s14], $0x4000  }
0x4a: {  	[sflag:s14] =	ssyncset.done $0x0  }
0x4b: {  	[sflag:s14] =	ssyncadd.s32 $0xFFFFC000  }
0x4c: {  	_ =	swait.ge [sflag:s20], $0x4000  }
0x4d: {  	[sflag:s20] =	ssyncset.done $0x0  }
0x4e: {  	[sflag:s20] =	ssyncadd.s32 $0xFFFFC000  }
0x4f: {  	[spmem:s2] =	stream.indirect.scatter.add.f32 [tilespmem:s18], [sflag:$0x3], $0x80, s22, s16, $0xb8;
	[tilespmem:$0x1E800] =	vst v63  }
0x50: {  	_ =	swait.ge [sflag:s14], $0x4000  }
0x51: {  	[sflag:s14] =	ssyncset.done $0x0  }
0x52: {  	s24 =	simm.s32 $0x0;
	[sflag:s14] =	ssyncadd.s32 $0xFFFFC000  }
0x53: {  	[tilespmem:s24], [sflag:$0x3] =	stream.linear.gather [hbm4b:s9+s24], $0x1400, $0x38;
	[tilespmem:$0x1E800] =	vst v63  }
0x54: {  	_ =	swait.ge [sflag:s14], $0x1400  }
0x55: {  	[sflag:s14] =	ssyncset.done $0x0  }
0x56: {  	[sflag:s14] =	ssyncadd.s32 $0xFFFFEC00  }
0x57: {  	[tilespmem:s15], [sflag:$0x3] =	stream.linear.gather [hbm4b:s10+s24], $0x1400, $0x38;
	[tilespmem:$0x1E800] =	vst v63  }
0x58: {  	_ =	swait.ge [sflag:s14], $0x1400  }
0x59: {  	[sflag:s14] =	ssyncset.done $0x0  }
0x5a: {  	[sflag:s14] =	ssyncadd.s32 $0xFFFFEC00  }
0x5b: {  	[tilespmem:s17], [sflag:$0x1] =	stream.indirect.gather [hbm4b:s4+s16], $0x80, s24, s16, $0xb8;
	[tilespmem:$0x1E800] =	vst v63  }
0x5c: {  	_ = 	snop  }
0x5d: {  	[tilespmem:s18], [sflag:$0x2] =	stream.indirect.gather [hbm4b:s4+s16], $0x80, s16, s16, $0xb8;
	[tilespmem:$0x1E800] =	vst v63  }
0x5e: {  	_ =	swait.ge [sflag:s19], $0x4000  }
0x5f: {  	[sflag:s19] =	ssyncset.done $0x0  }
0x60: {  	s29 =	simm.s32 $0x1400;
	[sflag:s19] =	ssyncadd.s32 $0xFFFFC000  }
0x61: {  	[spmem:s2] =	stream.indirect.scatter.add.f32 [tilespmem:s17], [sflag:$0x3], $0x80, s29, s16, $0xb8;
	[tilespmem:$0x1E800] =	vst v63  }
0x62: {  	_ =	swait.ge [sflag:s14], $0x4000  }
0x63: {  	[sflag:s14] =	ssyncset.done $0x0  }
0x64: {  	s30 =	simm.s32 $0x100;
	[sflag:s14] =	ssyncadd.s32 $0xFFFFC000  }
0x65: {  	[tilespmem:s17], [sflag:$0x1] =	stream.indirect.gather [hbm4b:s4+s16], $0x80, s30, s16, $0xb8;
	[tilespmem:$0x1E800] =	vst v63  }
0x66: {  	_ =	swait.ge [sflag:s20], $0x4000  }
0x67: {  	[sflag:s20] =	ssyncset.done $0x0  }
0x68: {  	s31 =	simm.s32 $0x1480;
	[sflag:s20] =	ssyncadd.s32 $0xFFFFC000  }
0x69: {  	[spmem:s2] =	stream.indirect.scatter.add.f32 [tilespmem:s18], [sflag:$0x3], $0x80, s31, s16, $0xb8;
	[tilespmem:$0x1E800] =	vst v63  }
0x6a: {  	_ =	swait.ge [sflag:s14], $0x4000  }
0x6b: {  	[sflag:s14] =	ssyncset.done $0x0  }
0x6c: {  	s25 =	simm.s32 $0x180;
	s24 =	simm.s32 $0x400;
	[sflag:s14] =	ssyncadd.s32 $0xFFFFC000  }
.LBB2_4:
0x6d: {  	[tilespmem:s18], [sflag:$0x2] =	stream.indirect.gather [hbm4b:s4+s16], $0x80, s25, s16, $0xb8;
	[tilespmem:$0x1E800] =	vst v63  }
0x6e: {  	s25 =	smov.u32 s24  }
0x6f: {  	p0 =	sne.s32 s24, $0x4800;
	s24 =	sadd.s32 $0x400, s24;
	_ =	swait.ge [sflag:s19], $0x4000  }
0x70: {  	s25 =	sshra.s32 s25, $0x2;
	[sflag:s19] =	ssyncset.done $0x0  }
0x71: {  	s26 =	sadd.s32 $0x1400, s25;
	[sflag:s19] =	ssyncadd.s32 $0xFFFFC000  }
0x72: {  	[spmem:s2] =	stream.indirect.scatter.add.f32 [tilespmem:s17], [sflag:$0x3], $0x80, s26, s16, $0xb8;
	[tilespmem:$0x1E800] =	vst v63  }
0x73: {  	_ =	swait.ge [sflag:s14], $0x4000  }
0x74: {  	[sflag:s14] =	ssyncset.done $0x0  }
0x75: {  	s26 =	sadd.s32 $0x100, s25;
	[sflag:s14] =	ssyncadd.s32 $0xFFFFC000  }
0x76: {  	[tilespmem:s17], [sflag:$0x1] =	stream.indirect.gather [hbm4b:s4+s16], $0x80, s26, s16, $0xb8;
	[tilespmem:$0x1E800] =	vst v63  }
0x77: {  	_ =	swait.ge [sflag:s20], $0x4000  }
0x78: {  	[sflag:s20] =	ssyncset.done $0x0  }
.Ltmp1:
0x79: {  	s26 =	sadd.s32 $0x1480, s25;
	[sflag:s20] =	ssyncadd.s32 $0xFFFFC000;
	(pc) =	sbr.rel @p0 .LBB2_4-.Ltmp1, $4  }
0x7a: {  	[spmem:s2] =	stream.indirect.scatter.add.f32 [tilespmem:s18], [sflag:$0x3], $0x80, s26, s16, $0xb8;
	[tilespmem:$0x1E800] =	vst v63  }
0x7b: {  	_ =	swait.ge [sflag:s14], $0x4000  }
0x7c: {  	[sflag:s14] =	ssyncset.done $0x0  }
0x7d: {  	s25 =	sadd.s32 $0x180, s25;
	[sflag:s14] =	ssyncadd.s32 $0xFFFFC000  }
0x7e: {  	[tilespmem:s18], [sflag:$0x2] =	stream.indirect.gather [hbm4b:s4+s16], $0x80, s25, s16, $0xb8;
	[tilespmem:$0x1E800] =	vst v63  }
0x7f: {  	_ =	swait.ge [sflag:s19], $0x4000  }
0x80: {  	[sflag:s19] =	ssyncset.done $0x0  }
0x81: {  	[sflag:s19] =	ssyncadd.s32 $0xFFFFC000  }
0x82: {  	[spmem:s2] =	stream.indirect.scatter.add.f32 [tilespmem:s17], [sflag:$0x3], $0x80, s21, s16, $0xb8;
	[tilespmem:$0x1E800] =	vst v63  }
0x83: {  	_ =	swait.ge [sflag:s14], $0x4000  }
0x84: {  	[sflag:s14] =	ssyncset.done $0x0  }
0x85: {  	[sflag:s14] =	ssyncadd.s32 $0xFFFFC000  }
0x86: {  	_ =	swait.ge [sflag:s20], $0x4000  }
0x87: {  	[sflag:s20] =	ssyncset.done $0x0  }
0x88: {  	[sflag:s20] =	ssyncadd.s32 $0xFFFFC000  }
0x89: {  	[spmem:s2] =	stream.indirect.scatter.add.f32 [tilespmem:s18], [sflag:$0x3], $0x80, s22, s16, $0xb8;
	[tilespmem:$0x1E800] =	vst v63  }
0x8a: {  	_ =	swait.ge [sflag:s14], $0x4000  }
0x8b: {  	s23 =	sadd.s32 $0x1, s23;
	[sflag:s14] =	ssyncset.done $0x0  }
0x8c: {  	p0 =	sne.s32 s23, s11;
	[sflag:s14] =	ssyncadd.s32 $0xFFFFC000  }
.Ltmp2:
0x8d: {  	[bflag:$0x0] =	sbarrier.arrive $0xFFFF;
	(pc) =	sbr.rel @p0 .LBB2_1-.Ltmp2, $4  }
0x8e: {  	[hbm:s12], [sflag:s6] =	dma.local [spmem:s13], $0x2800  }
0x8f: {  	_ =	swait.ge [sflag:s14], $0x2800  }
0x90: {  	[sflag:s14] =	ssyncset.done $0x0  }
0x91: {  	[sflag:s14] =	ssyncadd.s32 $0xFFFFD800  }
0x92: {  	_ =	sfence.sel $0x180000  }
0x93: {  	[bflag:$0x0] =	sbarrier.arrive $0xFFFF  }
0x94: {  	p0 =	sne.s32 s1, $0x0;
	_ =	strace $0x90000056  }
0x95: {  	s0 =	sadd.s32 @!p0 $0x100000, s0;
	[bflag:$0x2] =	sbarrier.arrive $0xFFFF  }
0x96: {  	[sflag:s0] =	ssyncadd.tile.s32 @!p0 $0x1;
	_ =	shalt  }
.Lfunc_end2:
_tile_overlayer_lowered:
.L_overlay_start_2:
0x97: {  	(tag) =	ssettag $0x2  }
0x98: {  	s0 =	rddreg [dreg:$0x0];
	s2 =	stileid.u32  }
0x99: {  	s1 =	rddreg [dreg:$0x1];
	p0 =	sne.s32 s2, $0x0  }
0x9a: {  	s3 =	rddreg [dreg:$0x2];
	[bflag:$0x3] =	sbarrier.arrive $0xFFFF;
	s2 =	simm.s32 @!p0 $0x1C03  }
0x9b: {  	[timem:s3], [sflag:s2] =	dma.local @!p0 [hbm:s0], s1  }
0x9c: {  	s0 =	simm.s32 @!p0 $0x3  }
0x9d: {  	_ =	swait.ge @!p0 [sflag:s0], s1  }
0x9e: {  	s1 =	ssub.s32 @!p0 $0x0, s1;
	[sflag:s0] =	ssyncset.done @!p0 $0x0  }
0x9f: {  	[sflag:s0] =	ssyncadd.s32 @!p0 s1  }
0xa0: {  	[bflag:$0x3] =	sbarrier.arrive $0xFFFF  }
0xa1: {  	_ =	shalt  }

// kernel: kernel.28.cloned.1.call-start
scs
__scs_entry_jumppad:
0x0: {  	(pc) =	sbr.rel $0x88, $3  }
0x1: {  	(tag) =	ssettag $0x0;
	lr =	simm.s32 $0x1  }
0x2: {  	[smem:$0x3F8E] =	sst lr;
	_ =	strace $0xD0000000  }
0x3: {  	_ = 	snop  }
0x4: {  	_ = 	snop  }
0x5: {  	_ = 	snop  }
0x6: {  	_ = 	snop  }
0x7: {  	_ = 	snop  }
__scs_overlays_trampoline_lowered:
0x8: {  	[smem:$0x3F9D] =	sst s0  }
0x9: {  	[smem:$0x3F9E] =	sst s1  }
0xa: {  	[smem:$0x3F9F] =	sst s2  }
0xb: {  	[smem:$0x3FA0] =	sst s3  }
0xc: {  	[smem:$0x3FA1] =	sst s4  }
0xd: {  	[smem:$0x3FA2] =	sst s5  }
0xe: {  	[smem:$0x3FA3] =	sst s6  }
0xf: {  	[smem:$0x3FA4] =	sst s7  }
0x10: {  	[smem:$0x3FA5] =	sst s8  }
0x11: {  	[smem:$0x3FA6] =	sst s9;
	s0 =	simm.s32 @!p0 $0x0  }
0x12: {  	s1 =	sld [smem:$0x3F8C];
	s0 =	simm.s32 @p0 $0x1  }
0x13: {  	[smem:$0x3FA7] =	sst s0;
	s0 =	simm.s32 @!p1 $0x0  }
0x14: {  	s2 =	sld [smem:$0x3F8B];
	s0 =	simm.s32 @p1 $0x1  }
0x15: {  	[smem:$0x3FA8] =	sst s0;
	s0 =	simm.s32 @!p2 $0x0  }
0x16: {  	s3 =	sld [smem:$0x3FDB];
	s0 =	simm.s32 @p2 $0x1  }
0x17: {  	s4 =	simm.s32 $0x1BF5;
	[smem:$0x3FAA] =	sst s0  }
0x18: {  	s0 =	sld [smem:$0x3F8D];
	_ =	swait.ge [sflag:s4], $0x0  }
0x19: {  	s7 =	sld [smem:$0x3F8E]  }
0x1a: {  	s8 =	sadd.s32 $0xFFFFE003, lr  }
0x1b: {  	s9 =	sadd.s32 $0xFFFFFEF7, lr;
	s5 =	simm.s32 $0xFFFFFFFF;
	p2 =	slt.u32 s8, $0xFFFFF086  }
0x1c: {  	p1 =	slt.u32 s9, $0xF7A;
	s5 =	simm.s32 @!p2 $0x0  }
0x1d: {  	s5 =	simm.s32 @p1 $0x1;
	p0 =	seq.s32 s7, s2  }
0x1e: {  	s7 =	smul.u32 @!p0 $0xF7A, s2;
	p2 =	seq.s32 @!p0 s5, $0x0  }
0x1f: {  	s9 =	smul.u32 $0xF7A, s1;
	s8 =	simm.s32 @!p0 $0x1BF5;
	p2 =	por !p2, p0  }
0x20: {  	[sflag:s8] =	ssyncset.s32 @!p0 $0xFFFFF086;
	s6 =	sadd.s32 @!p0 s3, s7;
	s7 =	simm.s32 @!p0 $0x108  }
0x21: {  	s3 =	sadd.s32 s3, s9;
	s6 =	sadd.s32 @!p0 $0x88, s6;
	s7 =	simm.s32 @p2 $0x1082  }
0x22: {  	[simem:s7], [sflag:s8] =	dma.local @!p0 [hbm:s6], $0xF7A  }
0x23: {  	s9 =	sor.u32 $0xD0000000, s2;
	s6 =	simm.s32 $0x108;
	_ =	swait.ge @!p0 [sflag:s8], $0x0  }
0x24: {  	s3 =	sadd.s32 $0x88, s3;
	s6 =	simm.s32 @!p1 $0x1082;
	[sflag:s4] =	ssyncset.s32 $0xFFFFF086  }
0x25: {  	[simem:s6], [sflag:s4] =	dma.local [hbm:s3], $0xF7A  }
0x26: {  	[smem:$0x3F8E] =	sst s1;
	(tag) =	ssettag s2;
	_ =	strace s9  }
0x27: {  	s1 =	sld [smem:$0x3F9E]  }
0x28: {  	s2 =	sld [smem:$0x3F9F]  }
0x29: {  	s4 =	sld [smem:$0x3FA1]  }
0x2a: {  	p0 =	seq.s32 s5, $0x0;
	s5 =	sld [smem:$0x3FA2]  }
0x2b: {  	s6 =	sld [smem:$0x3FA3]  }
0x2c: {  	s7 =	sld [smem:$0x3FA4]  }
0x2d: {  	s3 =	simm.s32 $0x108;
	s8 =	sld [smem:$0x3FA5]  }
0x2e: {  	s3 =	simm.s32 @!p0 $0x1082;
	s9 =	sld [smem:$0x3FA6]  }
0x2f: {  	lr =	sadd.s32 s0, s3;
	s0 =	sld [smem:$0x3F9D]  }
0x30: {  	s3 =	sld [smem:$0x3FA0]  }
0x31: {  	[smem:$0x3FA9] =	sst s10  }
0x32: {  	s10 =	sld [smem:$0x3FA7];
	_ =	sdelay $0x3  }
0x33: {  	p0 =	seq.s32 s10, $0x1;
	s10 =	sld [smem:$0x3FA9];
	_ =	sdelay $0x3  }
0x34: {  	[smem:$0x3FA9] =	sst s10  }
0x35: {  	s10 =	sld [smem:$0x3FA8];
	_ =	sdelay $0x3  }
0x36: {  	p1 =	seq.s32 s10, $0x1;
	s10 =	sld [smem:$0x3FA9];
	_ =	sdelay $0x3  }
0x37: {  	[smem:$0x3FA9] =	sst s10  }
0x38: {  	s10 =	sld [smem:$0x3FAA]  }
0x39: {  	_ = 	snop;
	(pc) =	sbr.ind lr, $3  }
0x3a: {  	_ = 	snop  }
0x3b: {  	_ = 	snop  }
0x3c: {  	p2 =	seq.s32 s10, $0x1;
	s10 =	sld [smem:$0x3FA9]  }
0x3d: {  	_ =	shalt  }
0x3e: {  	_ =	shalt  }
0x3f: {  	_ =	shalt  }
0x40: {  	_ =	shalt  }
0x41: {  	_ =	shalt  }
0x42: {  	_ =	shalt  }
0x43: {  	_ =	shalt  }
0x44: {  	_ =	shalt  }
0x45: {  	_ =	shalt  }
0x46: {  	_ =	shalt  }
0x47: {  	_ =	shalt  }
0x48: {  	_ =	shalt  }
0x49: {  	_ =	shalt  }
0x4a: {  	_ =	shalt  }
0x4b: {  	_ =	shalt  }
0x4c: {  	_ =	shalt  }
0x4d: {  	_ =	shalt  }
0x4e: {  	_ =	shalt  }
0x4f: {  	_ =	shalt  }
0x50: {  	_ =	shalt  }
0x51: {  	_ =	shalt  }
0x52: {  	_ =	shalt  }
0x53: {  	_ =	shalt  }
0x54: {  	_ =	shalt  }
0x55: {  	_ =	shalt  }
0x56: {  	_ =	shalt  }
0x57: {  	_ =	shalt  }
0x58: {  	_ =	shalt  }
0x59: {  	_ =	shalt  }
0x5a: {  	_ =	shalt  }
0x5b: {  	_ =	shalt  }
0x5c: {  	_ =	shalt  }
0x5d: {  	_ =	shalt  }
0x5e: {  	_ =	shalt  }
0x5f: {  	_ =	shalt  }
0x60: {  	_ =	shalt  }
0x61: {  	_ =	shalt  }
0x62: {  	_ =	shalt  }
0x63: {  	_ =	shalt  }
0x64: {  	_ =	shalt  }
0x65: {  	_ =	shalt  }
0x66: {  	_ =	shalt  }
0x67: {  	_ =	shalt  }
0x68: {  	_ =	shalt  }
0x69: {  	_ =	shalt  }
0x6a: {  	_ =	shalt  }
0x6b: {  	_ =	shalt  }
0x6c: {  	_ =	shalt  }
0x6d: {  	_ =	shalt  }
0x6e: {  	_ =	shalt  }
0x6f: {  	_ =	shalt  }
0x70: {  	_ =	shalt  }
0x71: {  	_ =	shalt  }
0x72: {  	_ =	shalt  }
0x73: {  	_ =	shalt  }
0x74: {  	_ =	shalt  }
0x75: {  	_ =	shalt  }
0x76: {  	_ =	shalt  }
0x77: {  	_ =	shalt  }
0x78: {  	_ =	shalt  }
0x79: {  	_ =	shalt  }
0x7a: {  	_ =	shalt  }
0x7b: {  	_ =	shalt  }
0x7c: {  	_ =	shalt  }
0x7d: {  	_ =	shalt  }
0x7e: {  	_ =	shalt  }
0x7f: {  	_ =	shalt  }
0x80: {  	_ =	shalt  }
0x81: {  	_ =	shalt  }
0x82: {  	_ =	shalt  }
0x83: {  	_ =	shalt  }
0x84: {  	_ =	shalt  }
0x85: {  	_ =	shalt  }
0x86: {  	_ =	shalt  }
0x87: {  	_ =	shalt  }
.Lfunc_end0:
.L_simem_size_0:
called_computation.5_lowered:
.L_overlay_start_0:
0x88: {  	s2 =	sld [smem:$0x3FD9]  }
0x89: {  	s3 =	sld [smem:$0x3FFE];
	_ =	sdelay $0x1  }
0x8a: {  	s1 =	srdreg.scid  }
0x8b: {  	s0 =	sand.u32 $0x1, s1  }
0x8c: {  	s17 =	sshll.u32 s0, $0xA;
	s2 =	sadd.s32 s3, s2  }
0x8d: {  	s2 =	sadd.s32 s2, s17  }
0x8e: {  	[smem:$0x3FB5] =	sst s2  }
0x8f: {  	_ = 	snop  }
0x90: {  	(tm) =	ssettm $0x1  }
0x91: {  	s18 =	sld [smem:$0x3FFB];
	_ =	sdelay $0x3  }
0x92: {  	_ =	strace s18  }
0x93: {  	s2 =	sld [smem:$0x3FFC];
	_ =	sdelay $0x3  }
0x94: {  	_ =	strace s2  }
0x95: {  	s2 =	sld [smem:$0x3FFD];
	_ =	sdelay $0x3  }
0x96: {  	_ =	strace s2  }
0x97: {  	_ =	strace $0x8FFFFFFF  }
0x98: {  	s19 =	sld [smem:$0x3FDB];
	_ =	sdelay $0x1  }
0x99: {  	s20 =	simm.s32 $_scs_section_size  }
0x9a: {  	s4 =	simm.s32 $_size__tile_overlayer_lowered;
	s5 =	simm.s32 $_tile_overlayer_lowered  }
0x9b: {  	s6 =	simm.s32 $0x1BFF;
	s21 =	sshll.u32 s5, $0x1;
	s3 =	sadd.s32 s20, s19  }
0x9c: {  	s22 =	simm.s32 $0x0;
	s4 =	sshll.u32 s4, $0x1;
	s5 =	sadd.s32 s21, s3  }
0x9d: {  	[timem:s22], [sflag:s6] =	dma.local [hbm:s5], s4  }
0x9e: {  	_ =	swait.ge [sflag:s6], s4  }
0x9f: {  	s4 =	ssub.s32 $0x0, s4;
	[sflag:s6] =	ssyncset.done $0x0  }
0xa0: {  	[sflag:s6] =	ssyncadd.s32 s4;
	_ =	sdelay $0x1  }
0xa1: {  	s23 =	simm.s32 $0x1B8B  }
0xa2: {  	_ =	swait.ge [sflag:s23], $0x1  }
0xa3: {  	[sflag:s23] =	ssyncset.done $0x0  }
0xa4: {  	[sflag:s23] =	ssyncadd.s32 $0xFFFFFFFF  }
0xa5: {  	s4 =	sld [smem:$0x0]  }
0xa6: {  	s5 =	sand.u32 $0xFFFFFFFE, s1  }
0xa7: {  	p0 =	sne.s32 s1, s5  }
0xa8: {  	s5 =	sshll.u32 @p0 s5, $0xE  }
0xa9: {  	s5 =	sadd.s32 @p0 $0x11B8D, s5;
	s6 =	sshll.u32 @p0 s4, $0x11  }
0xaa: {  	s5 =	sor.u32 @p0 s6, s5  }
0xab: {  	[sflag:s5] =	ssyncadd.remote.s32 @p0 $0x1;
	_ =	sdelay $0x1  }
0xac: {  	s5 =	simm.s32 @p0 $0x1B8D  }
0xad: {  	_ =	swait.eq @p0 [sflag:s5], $0x1  }
0xae: {  	[sflag:s5] =	ssyncadd.s32 @p0 $0xFFFFFFFF  }
0xaf: {  	s6 =	sshll.u32 @!p0 s1, $0xE  }
0xb0: {  	s6 =	sor.u32 @!p0 $0x4000, s6;
	s5 =	simm.s32 @!p0 $0x1B8D  }
0xb1: {  	s4 =	sshll.u32 @!p0 s4, $0x11;
	s6 =	sadd.s32 @!p0 $0x11B8D, s6;
	_ =	swait.eq @!p0 [sflag:s5], $0x1  }
0xb2: {  	s4 =	sor.u32 @!p0 s4, s6;
	[sflag:s5] =	ssyncadd.s32 @!p0 $0xFFFFFFFF  }
0xb3: {  	s25 =	simm.s32 $0x1B8E;
	s24 =	sld [smem:$0x3FFE];
	[sflag:s4] =	ssyncadd.remote.s32 @!p0 $0x1  }
0xb4: {  	s26 =	simm.s32 $execute0_lowered;
	[smem:$0x3FD2] =	sst s25  }
0xb5: {  	s5 =	sshll.u32 s26, $0x1;
	_ =	strace $0x80000052;
	[dreg:$0x1] =	wrdreg $0xFFFFFFFF  }
0xb6: {  	s28 =	simm.s32 $_size_execute0_lowered;
	s3 =	sadd.s32 s3, s5;
	[dreg:$0x0] =	wrdreg $0x0  }
0xb7: {  	s5 =	sshll.u32 s28, $0x1;
	[dreg:$0x2] =	wrdreg s3  }
0xb8: {  	[dreg:$0x3] =	wrdreg s5  }
0xb9: {  	[dreg:$0x4] =	wrdreg $0xC0  }
0xba: {  	_ =	task [dreg:s22], $0x5FFFF  }
0xbb: {  	[dreg:$0x1] =	wrdreg $0xFFFFFFFF  }
0xbc: {  	[dreg:$0x0] =	wrdreg $0x60  }
0xbd: {  	[dreg:$0x2] =	wrdreg s24  }
0xbe: {  	[dreg:$0x3] =	wrdreg $0xA8000  }
0xbf: {  	[dreg:$0x4] =	wrdreg $0xB  }
0xc0: {  	_ =	task.clear_ibuf [dreg:s22], $0x5FFFF;
	_ =	strace $0x90000052  }
0xc1: {  	s29 =	simm.s32 $0xB;
	_ =	strace $0x80000054  }
0xc2: {  	_ =	swait.ge [sflag:s29], $0x1  }
0xc3: {  	[sflag:s29] =	ssyncadd.s32 $0xFFFFFFFF  }
0xc4: {  	_ =	strace $0x90000054  }
0xc5: {  	_ =	sfence  }
0xc6: {  	s30 =	sld [smem:$0x0];
	_ =	sdelay $0x2  }
0xc7: {  	s31 =	sshll.u32 s1, $0xD;
	s1 =	sshrl.u32 s1, $0x2  }
0xc8: {  	s4 =	sand.u32 $0x4000, s31;
	s1 =	sadd.s32 s1, s30  }
0xc9: {  	s0 =	sor.u32 s4, s0;
	s1 =	sshll.u32 s1, $0x11  }
0xca: {  	s0 =	sor.u32 s1, s0  }
0xcb: {  	s0 =	sadd.s32 $0x8F2B, s0  }
0xcc: {  	[sflag:s0] =	ssyncadd.remote.s32 $0x1  }
0xcd: {  	_ =	sfence.sel $0xFFFF  }
0xce: {  	[dreg:$0x0] =	wrdreg $0xFFFFFFFF;
	(pc) =	sbr.abs _section_cstart, $3  }
0xcf: {  	[dreg:$0x1] =	wrdreg $0xFFFFFFFF  }
0xd0: {  	_ =	task.clear_ibuf [dreg:s22], $0x2FFFF;
	_ =	strace $0x9FFFFFFF  }
0xd1: {  	(tm) =	ssettm $0x7FFFFFFF  }
tec
execute0_lowered:
.L_overlay_start_1:
0x0: {  	(tag) =	ssettag $0x1  }
0x1: {  	s6 =	rddreg [dreg:$0x0]  }
0x2: {  	s2 =	rddreg [dreg:$0x1]  }
0x3: {  	s0 =	rddreg [dreg:$0x2]  }
0x4: {  	s3 =	simm.s32 $0x0;
	s1 =	stileid.u32;
	s7 =	srdreg.scid  }
0x5: {  	s16 =	simm.s32 $0x80;
	s17 =	simm.s32 $0x2800;
	s18 =	simm.s32 $0x6800  }
0x6: {  	s19 =	simm.s32 $0x1;
	s20 =	simm.s32 $0x2;
	s21 =	simm.s32 $0x2700  }
0x7: {  	s22 =	simm.s32 $0x2780;
	s23 =	simm.s32 $0x0;
	[smem:$0x7FF] =	sst s3  }
0x8: {  	s4 =	sadd.s32 $0x91000, s6;
	s5 =	smul.u32 $0x14000, s1;
	s9 =	sadd.s32 $0xF200, s6  }
0x9: {  	s10 =	sadd.s32 $0x5200, s6;
	s7 =	sand.u32 $0x1, s7;
	s8 =	smul.u32 $0x2800, s1  }
0xa: {  	s12 =	sshll.u32 s1, $0x1;
	s25 =	smul.u32 $0x50000, s1;
	s29 =	sshll.u32 s1, $0x6  }
0xb: {  	_ =	strace $0x80000053;
	p0 =	seq.s32 s7, $0x1;
	s24 =	ssub.s32 $0x2, s7  }
0xc: {  	s7 =	sor.u32 s7, s12;
	s11 =	sshrl.u32 s5, $0x3;
	s5 =	sadd.s32 $0x40400, s6  }
0xd: {  	s13 =	sshrl.u32 s24, $0x1;
	s26 =	smul.u32 $0x2800, s7;
	s28 =	sshrl.u32 s25, $0x2  }
0xe: {  	s30 =	smul.u32 $0x500, s7;
	s11 =	sadd.s32 $0x28000, s11;
	s15 =	sadd.s32 s28, s2  }
0xf: {  	s8 =	smov.u32 @p0 s11;
	s11 =	ssub.s32 s24, s13;
	s31 =	sshrl.u32 s26, $0x3  }
0x10: {  	s7 =	sadd.s32 s9, s30;
	s13 =	sshrl.u32 s15, $0x3;
	s15 =	simm.s32 $0x1400  }
0x11: {  	s14 =	sadd.s32 s8, s6;
	s6 =	sor.u32 $0x1C03, s29;
	s12 =	sadd.s32 $0x280, s31  }
0x12: {  	s8 =	sadd.s32 s10, s30;
	s11 =	smax.u32 s11, $0x1;
	s9 =	sadd.s32 s9, s12  }
0x13: {  	s10 =	sadd.s32 s10, s12;
	s12 =	sadd.s32 $0x108200, s14;
	s14 =	simm.s32 $0x3  }
.LBB2_1:
0x14: {  	[spmem:s13], [sflag:s6] =	dma.local [hbm:s5], $0x2800  }
0x15: {  	_ =	swait.ge [sflag:s14], $0x2800  }
0x16: {  	[sflag:s14] =	ssyncset.done $0x0  }
0x17: {  	[sflag:s14] =	ssyncadd.s32 $0xFFFFD800  }
0x18: {  	[bflag:$0x0] =	sbarrier.arrive $0xFFFF  }
0x19: {  	[tilespmem:s3], [sflag:$0x3] =	stream.linear.gather [hbm4b:s7+s3], $0x1400, $0x38;
	[tilespmem:$0x1E800] =	vst v63  }
0x1a: {  	_ =	swait.ge [sflag:s14], $0x1400  }
0x1b: {  	[sflag:s14] =	ssyncset.done $0x0  }
0x1c: {  	[sflag:s14] =	ssyncadd.s32 $0xFFFFEC00  }
0x1d: {  	[tilespmem:s15], [sflag:$0x3] =	stream.linear.gather [hbm4b:s8+s3], $0x1400, $0x38;
	[tilespmem:$0x1E800] =	vst v63  }
0x1e: {  	_ =	swait.ge [sflag:s14], $0x1400  }
0x1f: {  	[sflag:s14] =	ssyncset.done $0x0  }
0x20: {  	[sflag:s14] =	ssyncadd.s32 $0xFFFFEC00  }
0x21: {  	[tilespmem:s17], [sflag:$0x1] =	stream.indirect.gather [hbm4b:s4+s16], $0x80, s3, s16, $0xb8;
	[tilespmem:$0x1E800] =	vst v63  }
0x22: {  	_ = 	snop  }
0x23: {  	[tilespmem:s18], [sflag:$0x2] =	stream.indirect.gather [hbm4b:s4+s16], $0x80, s16, s16, $0xb8;
	[tilespmem:$0x1E800] =	vst v63  }
0x24: {  	_ =	swait.ge [sflag:s19], $0x4000  }
0x25: {  	[sflag:s19] =	ssyncset.done $0x0  }
0x26: {  	s24 =	simm.s32 $0x1400;
	[sflag:s19] =	ssyncadd.s32 $0xFFFFC000  }
0x27: {  	[spmem:s2] =	stream.indirect.scatter.add.f32 [tilespmem:s17], [sflag:$0x3], $0x80, s24, s16, $0xb8;
	[tilespmem:$0x1E800] =	vst v63  }
0x28: {  	_ =	swait.ge [sflag:s14], $0x4000  }
0x29: {  	[sflag:s14] =	ssyncset.done $0x0  }
0x2a: {  	s30 =	simm.s32 $0x100;
	[sflag:s14] =	ssyncadd.s32 $0xFFFFC000  }
0x2b: {  	[tilespmem:s17], [sflag:$0x1] =	stream.indirect.gather [hbm4b:s4+s16], $0x80, s30, s16, $0xb8;
	[tilespmem:$0x1E800] =	vst v63  }
0x2c: {  	_ =	swait.ge [sflag:s20], $0x4000  }
0x2d: {  	[sflag:s20] =	ssyncset.done $0x0  }
0x2e: {  	s31 =	simm.s32 $0x1480;
	[sflag:s20] =	ssyncadd.s32 $0xFFFFC000  }
0x2f: {  	[spmem:s2] =	stream.indirect.scatter.add.f32 [tilespmem:s18], [sflag:$0x3], $0x80, s31, s16, $0xb8;
	[tilespmem:$0x1E800] =	vst v63  }
0x30: {  	_ =	swait.ge [sflag:s14], $0x4000  }
0x31: {  	[sflag:s14] =	ssyncset.done $0x0  }
0x32: {  	s25 =	simm.s32 $0x180;
	s24 =	simm.s32 $0x400;
	[sflag:s14] =	ssyncadd.s32 $0xFFFFC000  }
.LBB2_2:
0x33: {  	[tilespmem:s18], [sflag:$0x2] =	stream.indirect.gather [hbm4b:s4+s16], $0x80, s25, s16, $0xb8;
	[tilespmem:$0x1E800] =	vst v63  }
0x34: {  	s25 =	smov.u32 s24  }
0x35: {  	p0 =	sne.s32 s24, $0x4800;
	s24 =	sadd.s32 $0x400, s24;
	_ =	swait.ge [sflag:s19], $0x4000  }
0x36: {  	s25 =	sshra.s32 s25, $0x2;
	[sflag:s19] =	ssyncset.done $0x0  }
0x37: {  	s26 =	sadd.s32 $0x1400, s25;
	[sflag:s19] =	ssyncadd.s32 $0xFFFFC000  }
0x38: {  	[spmem:s2] =	stream.indirect.scatter.add.f32 [tilespmem:s17], [sflag:$0x3], $0x80, s26, s16, $0xb8;
	[tilespmem:$0x1E800] =	vst v63  }
0x39: {  	_ =	swait.ge [sflag:s14], $0x4000  }
0x3a: {  	[sflag:s14] =	ssyncset.done $0x0  }
0x3b: {  	s26 =	sadd.s32 $0x100, s25;
	[sflag:s14] =	ssyncadd.s32 $0xFFFFC000  }
0x3c: {  	[tilespmem:s17], [sflag:$0x1] =	stream.indirect.gather [hbm4b:s4+s16], $0x80, s26, s16, $0xb8;
	[tilespmem:$0x1E800] =	vst v63  }
0x3d: {  	_ =	swait.ge [sflag:s20], $0x4000  }
0x3e: {  	[sflag:s20] =	ssyncset.done $0x0  }
.Ltmp0:
0x3f: {  	s26 =	sadd.s32 $0x1480, s25;
	[sflag:s20] =	ssyncadd.s32 $0xFFFFC000;
	(pc) =	sbr.rel @p0 .LBB2_2-.Ltmp0, $4  }
0x40: {  	[spmem:s2] =	stream.indirect.scatter.add.f32 [tilespmem:s18], [sflag:$0x3], $0x80, s26, s16, $0xb8;
	[tilespmem:$0x1E800] =	vst v63  }
0x41: {  	_ =	swait.ge [sflag:s14], $0x4000  }
0x42: {  	[sflag:s14] =	ssyncset.done $0x0  }
0x43: {  	s25 =	sadd.s32 $0x180, s25;
	[sflag:s14] =	ssyncadd.s32 $0xFFFFC000  }
0x44: {  	[tilespmem:s18], [sflag:$0x2] =	stream.indirect.gather [hbm4b:s4+s16], $0x80, s25, s16, $0xb8;
	[tilespmem:$0x1E800] =	vst v63  }
0x45: {  	_ =	swait.ge [sflag:s19], $0x4000  }
0x46: {  	[sflag:s19] =	ssyncset.done $0x0  }
0x47: {  	[sflag:s19] =	ssyncadd.s32 $0xFFFFC000  }
0x48: {  	[spmem:s2] =	stream.indirect.scatter.add.f32 [tilespmem:s17], [sflag:$0x3], $0x80, s21, s16, $0xb8;
	[tilespmem:$0x1E800] =	vst v63  }
0x49: {  	_ =	swait.ge [sflag:s14], $0x4000  }
0x4a: {  	[sflag:s14] =	ssyncset.done $0x0  }
0x4b: {  	[sflag:s14] =	ssyncadd.s32 $0xFFFFC000  }
0x4c: {  	_ =	swait.ge [sflag:s20], $0x4000  }
0x4d: {  	[sflag:s20] =	ssyncset.done $0x0  }
0x4e: {  	[sflag:s20] =	ssyncadd.s32 $0xFFFFC000  }
0x4f: {  	[spmem:s2] =	stream.indirect.scatter.add.f32 [tilespmem:s18], [sflag:$0x3], $0x80, s22, s16, $0xb8;
	[tilespmem:$0x1E800] =	vst v63  }
0x50: {  	_ =	swait.ge [sflag:s14], $0x4000  }
0x51: {  	[sflag:s14] =	ssyncset.done $0x0  }
0x52: {  	s24 =	simm.s32 $0x0;
	[sflag:s14] =	ssyncadd.s32 $0xFFFFC000  }
0x53: {  	[tilespmem:s24], [sflag:$0x3] =	stream.linear.gather [hbm4b:s9+s24], $0x1400, $0x38;
	[tilespmem:$0x1E800] =	vst v63  }
0x54: {  	_ =	swait.ge [sflag:s14], $0x1400  }
0x55: {  	[sflag:s14] =	ssyncset.done $0x0  }
0x56: {  	[sflag:s14] =	ssyncadd.s32 $0xFFFFEC00  }
0x57: {  	[tilespmem:s15], [sflag:$0x3] =	stream.linear.gather [hbm4b:s10+s24], $0x1400, $0x38;
	[tilespmem:$0x1E800] =	vst v63  }
0x58: {  	_ =	swait.ge [sflag:s14], $0x1400  }
0x59: {  	[sflag:s14] =	ssyncset.done $0x0  }
0x5a: {  	[sflag:s14] =	ssyncadd.s32 $0xFFFFEC00  }
0x5b: {  	[tilespmem:s17], [sflag:$0x1] =	stream.indirect.gather [hbm4b:s4+s16], $0x80, s24, s16, $0xb8;
	[tilespmem:$0x1E800] =	vst v63  }
0x5c: {  	_ = 	snop  }
0x5d: {  	[tilespmem:s18], [sflag:$0x2] =	stream.indirect.gather [hbm4b:s4+s16], $0x80, s16, s16, $0xb8;
	[tilespmem:$0x1E800] =	vst v63  }
0x5e: {  	_ =	swait.ge [sflag:s19], $0x4000  }
0x5f: {  	[sflag:s19] =	ssyncset.done $0x0  }
0x60: {  	s29 =	simm.s32 $0x1400;
	[sflag:s19] =	ssyncadd.s32 $0xFFFFC000  }
0x61: {  	[spmem:s2] =	stream.indirect.scatter.add.f32 [tilespmem:s17], [sflag:$0x3], $0x80, s29, s16, $0xb8;
	[tilespmem:$0x1E800] =	vst v63  }
0x62: {  	_ =	swait.ge [sflag:s14], $0x4000  }
0x63: {  	[sflag:s14] =	ssyncset.done $0x0  }
0x64: {  	s30 =	simm.s32 $0x100;
	[sflag:s14] =	ssyncadd.s32 $0xFFFFC000  }
0x65: {  	[tilespmem:s17], [sflag:$0x1] =	stream.indirect.gather [hbm4b:s4+s16], $0x80, s30, s16, $0xb8;
	[tilespmem:$0x1E800] =	vst v63  }
0x66: {  	_ =	swait.ge [sflag:s20], $0x4000  }
0x67: {  	[sflag:s20] =	ssyncset.done $0x0  }
0x68: {  	s31 =	simm.s32 $0x1480;
	[sflag:s20] =	ssyncadd.s32 $0xFFFFC000  }
0x69: {  	[spmem:s2] =	stream.indirect.scatter.add.f32 [tilespmem:s18], [sflag:$0x3], $0x80, s31, s16, $0xb8;
	[tilespmem:$0x1E800] =	vst v63  }
0x6a: {  	_ =	swait.ge [sflag:s14], $0x4000  }
0x6b: {  	[sflag:s14] =	ssyncset.done $0x0  }
0x6c: {  	s25 =	simm.s32 $0x180;
	s24 =	simm.s32 $0x400;
	[sflag:s14] =	ssyncadd.s32 $0xFFFFC000  }
.LBB2_4:
0x6d: {  	[tilespmem:s18], [sflag:$0x2] =	stream.indirect.gather [hbm4b:s4+s16], $0x80, s25, s16, $0xb8;
	[tilespmem:$0x1E800] =	vst v63  }
0x6e: {  	s25 =	smov.u32 s24  }
0x6f: {  	p0 =	sne.s32 s24, $0x4800;
	s24 =	sadd.s32 $0x400, s24;
	_ =	swait.ge [sflag:s19], $0x4000  }
0x70: {  	s25 =	sshra.s32 s25, $0x2;
	[sflag:s19] =	ssyncset.done $0x0  }
0x71: {  	s26 =	sadd.s32 $0x1400, s25;
	[sflag:s19] =	ssyncadd.s32 $0xFFFFC000  }
0x72: {  	[spmem:s2] =	stream.indirect.scatter.add.f32 [tilespmem:s17], [sflag:$0x3], $0x80, s26, s16, $0xb8;
	[tilespmem:$0x1E800] =	vst v63  }
0x73: {  	_ =	swait.ge [sflag:s14], $0x4000  }
0x74: {  	[sflag:s14] =	ssyncset.done $0x0  }
0x75: {  	s26 =	sadd.s32 $0x100, s25;
	[sflag:s14] =	ssyncadd.s32 $0xFFFFC000  }
0x76: {  	[tilespmem:s17], [sflag:$0x1] =	stream.indirect.gather [hbm4b:s4+s16], $0x80, s26, s16, $0xb8;
	[tilespmem:$0x1E800] =	vst v63  }
0x77: {  	_ =	swait.ge [sflag:s20], $0x4000  }
0x78: {  	[sflag:s20] =	ssyncset.done $0x0  }
.Ltmp1:
0x79: {  	s26 =	sadd.s32 $0x1480, s25;
	[sflag:s20] =	ssyncadd.s32 $0xFFFFC000;
	(pc) =	sbr.rel @p0 .LBB2_4-.Ltmp1, $4  }
0x7a: {  	[spmem:s2] =	stream.indirect.scatter.add.f32 [tilespmem:s18], [sflag:$0x3], $0x80, s26, s16, $0xb8;
	[tilespmem:$0x1E800] =	vst v63  }
0x7b: {  	_ =	swait.ge [sflag:s14], $0x4000  }
0x7c: {  	[sflag:s14] =	ssyncset.done $0x0  }
0x7d: {  	s25 =	sadd.s32 $0x180, s25;
	[sflag:s14] =	ssyncadd.s32 $0xFFFFC000  }
0x7e: {  	[tilespmem:s18], [sflag:$0x2] =	stream.indirect.gather [hbm4b:s4+s16], $0x80, s25, s16, $0xb8;
	[tilespmem:$0x1E800] =	vst v63  }
0x7f: {  	_ =	swait.ge [sflag:s19], $0x4000  }
0x80: {  	[sflag:s19] =	ssyncset.done $0x0  }
0x81: {  	[sflag:s19] =	ssyncadd.s32 $0xFFFFC000  }
0x82: {  	[spmem:s2] =	stream.indirect.scatter.add.f32 [tilespmem:s17], [sflag:$0x3], $0x80, s21, s16, $0xb8;
	[tilespmem:$0x1E800] =	vst v63  }
0x83: {  	_ =	swait.ge [sflag:s14], $0x4000  }
0x84: {  	[sflag:s14] =	ssyncset.done $0x0  }
0x85: {  	[sflag:s14] =	ssyncadd.s32 $0xFFFFC000  }
0x86: {  	_ =	swait.ge [sflag:s20], $0x4000  }
0x87: {  	[sflag:s20] =	ssyncset.done $0x0  }
0x88: {  	[sflag:s20] =	ssyncadd.s32 $0xFFFFC000  }
0x89: {  	[spmem:s2] =	stream.indirect.scatter.add.f32 [tilespmem:s18], [sflag:$0x3], $0x80, s22, s16, $0xb8;
	[tilespmem:$0x1E800] =	vst v63  }
0x8a: {  	_ =	swait.ge [sflag:s14], $0x4000  }
0x8b: {  	s23 =	sadd.s32 $0x1, s23;
	[sflag:s14] =	ssyncset.done $0x0  }
0x8c: {  	p0 =	sne.s32 s23, s11;
	[sflag:s14] =	ssyncadd.s32 $0xFFFFC000  }
.Ltmp2:
0x8d: {  	[bflag:$0x0] =	sbarrier.arrive $0xFFFF;
	(pc) =	sbr.rel @p0 .LBB2_1-.Ltmp2, $4  }
0x8e: {  	[hbm:s12], [sflag:s6] =	dma.local [spmem:s13], $0x2800  }
0x8f: {  	_ =	swait.ge [sflag:s14], $0x2800  }
0x90: {  	[sflag:s14] =	ssyncset.done $0x0  }
0x91: {  	[sflag:s14] =	ssyncadd.s32 $0xFFFFD800  }
0x92: {  	_ =	sfence.sel $0x180000  }
0x93: {  	[bflag:$0x0] =	sbarrier.arrive $0xFFFF  }
0x94: {  	p0 =	sne.s32 s1, $0x0;
	_ =	strace $0x90000053  }
0x95: {  	s0 =	sadd.s32 @!p0 $0x100000, s0;
	[bflag:$0x2] =	sbarrier.arrive $0xFFFF  }
0x96: {  	[sflag:s0] =	ssyncadd.tile.s32 @!p0 $0x1;
	_ =	shalt  }
.Lfunc_end2:
_tile_overlayer_lowered:
.L_overlay_start_2:
0x97: {  	(tag) =	ssettag $0x2  }
0x98: {  	s0 =	rddreg [dreg:$0x0];
	s2 =	stileid.u32  }
0x99: {  	s1 =	rddreg [dreg:$0x1];
	p0 =	sne.s32 s2, $0x0  }
0x9a: {  	s3 =	rddreg [dreg:$0x2];
	[bflag:$0x3] =	sbarrier.arrive $0xFFFF;
	s2 =	simm.s32 @!p0 $0x1C03  }
0x9b: {  	[timem:s3], [sflag:s2] =	dma.local @!p0 [hbm:s0], s1  }
0x9c: {  	s0 =	simm.s32 @!p0 $0x3  }
0x9d: {  	_ =	swait.ge @!p0 [sflag:s0], s1  }
0x9e: {  	s1 =	ssub.s32 @!p0 $0x0, s1;
	[sflag:s0] =	ssyncset.done @!p0 $0x0  }
0x9f: {  	[sflag:s0] =	ssyncadd.s32 @!p0 s1  }
0xa0: {  	[bflag:$0x3] =	sbarrier.arrive $0xFFFF  }
0xa1: {  	_ =	shalt  }

// kernel: kernel.31.cloned.1.call-start
scs
__scs_entry_jumppad:
0x0: {  	(pc) =	sbr.rel $0x88, $3  }
0x1: {  	(tag) =	ssettag $0x0;
	lr =	simm.s32 $0x1  }
0x2: {  	[smem:$0x3F8E] =	sst lr;
	_ =	strace $0xD0000000  }
0x3: {  	_ = 	snop  }
0x4: {  	_ = 	snop  }
0x5: {  	_ = 	snop  }
0x6: {  	_ = 	snop  }
0x7: {  	_ = 	snop  }
__scs_overlays_trampoline_lowered:
0x8: {  	[smem:$0x3F9D] =	sst s0  }
0x9: {  	[smem:$0x3F9E] =	sst s1  }
0xa: {  	[smem:$0x3F9F] =	sst s2  }
0xb: {  	[smem:$0x3FA0] =	sst s3  }
0xc: {  	[smem:$0x3FA1] =	sst s4  }
0xd: {  	[smem:$0x3FA2] =	sst s5  }
0xe: {  	[smem:$0x3FA3] =	sst s6  }
0xf: {  	[smem:$0x3FA4] =	sst s7  }
0x10: {  	[smem:$0x3FA5] =	sst s8  }
0x11: {  	[smem:$0x3FA6] =	sst s9;
	s0 =	simm.s32 @!p0 $0x0  }
0x12: {  	s1 =	sld [smem:$0x3F8C];
	s0 =	simm.s32 @p0 $0x1  }
0x13: {  	[smem:$0x3FA7] =	sst s0;
	s0 =	simm.s32 @!p1 $0x0  }
0x14: {  	s2 =	sld [smem:$0x3F8B];
	s0 =	simm.s32 @p1 $0x1  }
0x15: {  	[smem:$0x3FA8] =	sst s0;
	s0 =	simm.s32 @!p2 $0x0  }
0x16: {  	s3 =	sld [smem:$0x3FDB];
	s0 =	simm.s32 @p2 $0x1  }
0x17: {  	s4 =	simm.s32 $0x1BF5;
	[smem:$0x3FAA] =	sst s0  }
0x18: {  	s0 =	sld [smem:$0x3F8D];
	_ =	swait.ge [sflag:s4], $0x0  }
0x19: {  	s7 =	sld [smem:$0x3F8E]  }
0x1a: {  	s8 =	sadd.s32 $0xFFFFE003, lr  }
0x1b: {  	s9 =	sadd.s32 $0xFFFFFEF7, lr;
	s5 =	simm.s32 $0xFFFFFFFF;
	p2 =	slt.u32 s8, $0xFFFFF086  }
0x1c: {  	p1 =	slt.u32 s9, $0xF7A;
	s5 =	simm.s32 @!p2 $0x0  }
0x1d: {  	s5 =	simm.s32 @p1 $0x1;
	p0 =	seq.s32 s7, s2  }
0x1e: {  	s7 =	smul.u32 @!p0 $0xF7A, s2;
	p2 =	seq.s32 @!p0 s5, $0x0  }
0x1f: {  	s9 =	smul.u32 $0xF7A, s1;
	s8 =	simm.s32 @!p0 $0x1BF5;
	p2 =	por !p2, p0  }
0x20: {  	[sflag:s8] =	ssyncset.s32 @!p0 $0xFFFFF086;
	s6 =	sadd.s32 @!p0 s3, s7;
	s7 =	simm.s32 @!p0 $0x108  }
0x21: {  	s3 =	sadd.s32 s3, s9;
	s6 =	sadd.s32 @!p0 $0x88, s6;
	s7 =	simm.s32 @p2 $0x1082  }
0x22: {  	[simem:s7], [sflag:s8] =	dma.local @!p0 [hbm:s6], $0xF7A  }
0x23: {  	s9 =	sor.u32 $0xD0000000, s2;
	s6 =	simm.s32 $0x108;
	_ =	swait.ge @!p0 [sflag:s8], $0x0  }
0x24: {  	s3 =	sadd.s32 $0x88, s3;
	s6 =	simm.s32 @!p1 $0x1082;
	[sflag:s4] =	ssyncset.s32 $0xFFFFF086  }
0x25: {  	[simem:s6], [sflag:s4] =	dma.local [hbm:s3], $0xF7A  }
0x26: {  	[smem:$0x3F8E] =	sst s1;
	(tag) =	ssettag s2;
	_ =	strace s9  }
0x27: {  	s1 =	sld [smem:$0x3F9E]  }
0x28: {  	s2 =	sld [smem:$0x3F9F]  }
0x29: {  	s4 =	sld [smem:$0x3FA1]  }
0x2a: {  	p0 =	seq.s32 s5, $0x0;
	s5 =	sld [smem:$0x3FA2]  }
0x2b: {  	s6 =	sld [smem:$0x3FA3]  }
0x2c: {  	s7 =	sld [smem:$0x3FA4]  }
0x2d: {  	s3 =	simm.s32 $0x108;
	s8 =	sld [smem:$0x3FA5]  }
0x2e: {  	s3 =	simm.s32 @!p0 $0x1082;
	s9 =	sld [smem:$0x3FA6]  }
0x2f: {  	lr =	sadd.s32 s0, s3;
	s0 =	sld [smem:$0x3F9D]  }
0x30: {  	s3 =	sld [smem:$0x3FA0]  }
0x31: {  	[smem:$0x3FA9] =	sst s10  }
0x32: {  	s10 =	sld [smem:$0x3FA7];
	_ =	sdelay $0x3  }
0x33: {  	p0 =	seq.s32 s10, $0x1;
	s10 =	sld [smem:$0x3FA9];
	_ =	sdelay $0x3  }
0x34: {  	[smem:$0x3FA9] =	sst s10  }
0x35: {  	s10 =	sld [smem:$0x3FA8];
	_ =	sdelay $0x3  }
0x36: {  	p1 =	seq.s32 s10, $0x1;
	s10 =	sld [smem:$0x3FA9];
	_ =	sdelay $0x3  }
0x37: {  	[smem:$0x3FA9] =	sst s10  }
0x38: {  	s10 =	sld [smem:$0x3FAA]  }
0x39: {  	_ = 	snop;
	(pc) =	sbr.ind lr, $3  }
0x3a: {  	_ = 	snop  }
0x3b: {  	_ = 	snop  }
0x3c: {  	p2 =	seq.s32 s10, $0x1;
	s10 =	sld [smem:$0x3FA9]  }
0x3d: {  	_ =	shalt  }
0x3e: {  	_ =	shalt  }
0x3f: {  	_ =	shalt  }
0x40: {  	_ =	shalt  }
0x41: {  	_ =	shalt  }
0x42: {  	_ =	shalt  }
0x43: {  	_ =	shalt  }
0x44: {  	_ =	shalt  }
0x45: {  	_ =	shalt  }
0x46: {  	_ =	shalt  }
0x47: {  	_ =	shalt  }
0x48: {  	_ =	shalt  }
0x49: {  	_ =	shalt  }
0x4a: {  	_ =	shalt  }
0x4b: {  	_ =	shalt  }
0x4c: {  	_ =	shalt  }
0x4d: {  	_ =	shalt  }
0x4e: {  	_ =	shalt  }
0x4f: {  	_ =	shalt  }
0x50: {  	_ =	shalt  }
0x51: {  	_ =	shalt  }
0x52: {  	_ =	shalt  }
0x53: {  	_ =	shalt  }
0x54: {  	_ =	shalt  }
0x55: {  	_ =	shalt  }
0x56: {  	_ =	shalt  }
0x57: {  	_ =	shalt  }
0x58: {  	_ =	shalt  }
0x59: {  	_ =	shalt  }
0x5a: {  	_ =	shalt  }
0x5b: {  	_ =	shalt  }
0x5c: {  	_ =	shalt  }
0x5d: {  	_ =	shalt  }
0x5e: {  	_ =	shalt  }
0x5f: {  	_ =	shalt  }
0x60: {  	_ =	shalt  }
0x61: {  	_ =	shalt  }
0x62: {  	_ =	shalt  }
0x63: {  	_ =	shalt  }
0x64: {  	_ =	shalt  }
0x65: {  	_ =	shalt  }
0x66: {  	_ =	shalt  }
0x67: {  	_ =	shalt  }
0x68: {  	_ =	shalt  }
0x69: {  	_ =	shalt  }
0x6a: {  	_ =	shalt  }
0x6b: {  	_ =	shalt  }
0x6c: {  	_ =	shalt  }
0x6d: {  	_ =	shalt  }
0x6e: {  	_ =	shalt  }
0x6f: {  	_ =	shalt  }
0x70: {  	_ =	shalt  }
0x71: {  	_ =	shalt  }
0x72: {  	_ =	shalt  }
0x73: {  	_ =	shalt  }
0x74: {  	_ =	shalt  }
0x75: {  	_ =	shalt  }
0x76: {  	_ =	shalt  }
0x77: {  	_ =	shalt  }
0x78: {  	_ =	shalt  }
0x79: {  	_ =	shalt  }
0x7a: {  	_ =	shalt  }
0x7b: {  	_ =	shalt  }
0x7c: {  	_ =	shalt  }
0x7d: {  	_ =	shalt  }
0x7e: {  	_ =	shalt  }
0x7f: {  	_ =	shalt  }
0x80: {  	_ =	shalt  }
0x81: {  	_ =	shalt  }
0x82: {  	_ =	shalt  }
0x83: {  	_ =	shalt  }
0x84: {  	_ =	shalt  }
0x85: {  	_ =	shalt  }
0x86: {  	_ =	shalt  }
0x87: {  	_ =	shalt  }
.Lfunc_end0:
.L_simem_size_0:
called_computation.6_lowered:
.L_overlay_start_0:
0x88: {  	s2 =	sld [smem:$0x3FD9]  }
0x89: {  	s3 =	sld [smem:$0x3FFE];
	_ =	sdelay $0x1  }
0x8a: {  	s1 =	srdreg.scid  }
0x8b: {  	s0 =	sand.u32 $0x1, s1  }
0x8c: {  	s16 =	sshll.u32 s0, $0xA;
	s2 =	sadd.s32 s3, s2  }
0x8d: {  	s2 =	sadd.s32 s2, s16  }
0x8e: {  	[smem:$0x3FB5] =	sst s2  }
0x8f: {  	_ = 	snop  }
0x90: {  	(tm) =	ssettm $0x1  }
0x91: {  	s17 =	sld [smem:$0x3FFB];
	_ =	sdelay $0x3  }
0x92: {  	_ =	strace s17  }
0x93: {  	s2 =	sld [smem:$0x3FFC];
	_ =	sdelay $0x3  }
0x94: {  	_ =	strace s2  }
0x95: {  	s2 =	sld [smem:$0x3FFD];
	_ =	sdelay $0x3  }
0x96: {  	_ =	strace s2  }
0x97: {  	_ =	strace $0x8FFFFFFF  }
0x98: {  	s18 =	sld [smem:$0x3FDB];
	_ =	sdelay $0x1  }
0x99: {  	s19 =	simm.s32 $_scs_section_size  }
0x9a: {  	s4 =	simm.s32 $_size__tile_overlayer_lowered;
	s5 =	simm.s32 $_tile_overlayer_lowered  }
0x9b: {  	s22 =	simm.s32 $0x1BFF;
	s21 =	sshll.u32 s5, $0x1;
	s2 =	sadd.s32 s19, s18  }
0x9c: {  	s6 =	simm.s32 $0x0;
	s20 =	sshll.u32 s4, $0x1;
	s4 =	sadd.s32 s21, s2  }
0x9d: {  	[timem:s6], [sflag:s22] =	dma.local [hbm:s4], s20  }
0x9e: {  	_ =	swait.ge [sflag:s22], s20  }
0x9f: {  	s3 =	ssub.s32 $0x0, s20;
	[sflag:s22] =	ssyncset.done $0x0  }
0xa0: {  	[sflag:s22] =	ssyncadd.s32 s3;
	_ =	sdelay $0x1  }
0xa1: {  	s23 =	simm.s32 $0x1B8B  }
0xa2: {  	_ =	swait.ge [sflag:s23], $0x1  }
0xa3: {  	[sflag:s23] =	ssyncset.done $0x0  }
0xa4: {  	s25 =	simm.s32 $0x1B8E;
	s24 =	sld [smem:$0x3FFE];
	[sflag:s23] =	ssyncadd.s32 $0xFFFFFFFF  }
0xa5: {  	s26 =	simm.s32 $execute0_lowered;
	[smem:$0x3FD2] =	sst s25  }
0xa6: {  	s4 =	sshll.u32 s26, $0x1;
	_ =	strace $0x8000004F;
	[dreg:$0x1] =	wrdreg $0xFFFFFFFF  }
0xa7: {  	s28 =	simm.s32 $_size_execute0_lowered;
	s2 =	sadd.s32 s2, s4;
	[dreg:$0x0] =	wrdreg $0x0  }
0xa8: {  	s4 =	sshll.u32 s28, $0x1;
	[dreg:$0x2] =	wrdreg s2  }
0xa9: {  	[dreg:$0x3] =	wrdreg s4  }
0xaa: {  	[dreg:$0x4] =	wrdreg $0xC0  }
0xab: {  	_ =	task [dreg:s6], $0x5FFFF  }
0xac: {  	[dreg:$0x1] =	wrdreg $0xFFFFFFFF  }
0xad: {  	[dreg:$0x0] =	wrdreg $0x60  }
0xae: {  	[dreg:$0x2] =	wrdreg s24  }
0xaf: {  	[dreg:$0x3] =	wrdreg $0xA8000  }
0xb0: {  	[dreg:$0x4] =	wrdreg $0xC  }
0xb1: {  	_ =	task.clear_ibuf [dreg:s6], $0x5FFFF;
	_ =	strace $0x9000004F  }
0xb2: {  	s29 =	simm.s32 $0xC;
	_ =	strace $0x80000051  }
0xb3: {  	_ =	swait.ge [sflag:s29], $0x1  }
0xb4: {  	[sflag:s29] =	ssyncadd.s32 $0xFFFFFFFF  }
0xb5: {  	_ =	strace $0x90000051  }
0xb6: {  	_ =	sfence  }
0xb7: {  	s30 =	sld [smem:$0x0];
	_ =	sdelay $0x2  }
0xb8: {  	s31 =	sshll.u32 s1, $0xD;
	s1 =	sshrl.u32 s1, $0x2  }
0xb9: {  	s3 =	sand.u32 $0x4000, s31;
	s1 =	sadd.s32 s1, s30  }
0xba: {  	s0 =	sor.u32 s3, s0;
	s1 =	sshll.u32 s1, $0x11  }
0xbb: {  	s0 =	sor.u32 s1, s0  }
0xbc: {  	s0 =	sadd.s32 $0x8F2B, s0  }
0xbd: {  	[sflag:s0] =	ssyncadd.remote.s32 $0x1  }
0xbe: {  	_ =	sfence.sel $0xFFFF  }
0xbf: {  	[dreg:$0x0] =	wrdreg $0xFFFFFFFF;
	(pc) =	sbr.abs _section_cstart, $3  }
0xc0: {  	[dreg:$0x1] =	wrdreg $0xFFFFFFFF  }
0xc1: {  	_ =	task.clear_ibuf [dreg:s6], $0x2FFFF;
	_ =	strace $0x9FFFFFFF  }
0xc2: {  	(tm) =	ssettm $0x7FFFFFFF  }
0xc3: {  	_ =	shalt  }
tec
execute0_lowered:
.L_overlay_start_1:
0x0: {  	(tag) =	ssettag $0x1  }
0x1: {  	s6 =	rddreg [dreg:$0x0]  }
0x2: {  	s2 =	rddreg [dreg:$0x1]  }
0x3: {  	s0 =	rddreg [dreg:$0x2]  }
0x4: {  	s3 =	simm.s32 $0x0;
	s1 =	stileid.u32;
	s7 =	srdreg.scid  }
0x5: {  	s16 =	simm.s32 $0x80;
	s17 =	simm.s32 $0x2800;
	s18 =	simm.s32 $0x6800  }
0x6: {  	s19 =	simm.s32 $0x1;
	s20 =	simm.s32 $0x2;
	s21 =	simm.s32 $0x2700  }
0x7: {  	s22 =	simm.s32 $0x2780;
	s23 =	simm.s32 $0x0;
	[smem:$0x7FF] =	sst s3  }
0x8: {  	s4 =	sadd.s32 $0x19200, s6;
	s5 =	smul.u32 $0x14000, s1;
	s9 =	sadd.s32 $0xF200, s6  }
0x9: {  	s10 =	sadd.s32 $0x5200, s6;
	s7 =	sand.u32 $0x1, s7;
	s8 =	smul.u32 $0x2800, s1  }
0xa: {  	s12 =	sshll.u32 s1, $0x1;
	s25 =	smul.u32 $0x50000, s1;
	s29 =	sshll.u32 s1, $0x6  }
0xb: {  	_ =	strace $0x80000050;
	p0 =	seq.s32 s7, $0x1;
	s24 =	ssub.s32 $0x2, s7  }
0xc: {  	s7 =	sor.u32 s7, s12;
	s11 =	sshrl.u32 s5, $0x3;
	s5 =	sadd.s32 $0x40400, s6  }
0xd: {  	s13 =	sshrl.u32 s24, $0x1;
	s26 =	smul.u32 $0x2800, s7;
	s28 =	sshrl.u32 s25, $0x2  }
0xe: {  	s30 =	smul.u32 $0x500, s7;
	s11 =	sadd.s32 $0x28000, s11;
	s15 =	sadd.s32 s28, s2  }
0xf: {  	s8 =	smov.u32 @p0 s11;
	s11 =	ssub.s32 s24, s13;
	s31 =	sshrl.u32 s26, $0x3  }
0x10: {  	s7 =	sadd.s32 s9, s30;
	s13 =	sshrl.u32 s15, $0x3;
	s15 =	simm.s32 $0x1400  }
0x11: {  	s14 =	sadd.s32 s8, s6;
	s6 =	sor.u32 $0x1C03, s29;
	s12 =	sadd.s32 $0x280, s31  }
0x12: {  	s8 =	sadd.s32 s10, s30;
	s11 =	smax.u32 s11, $0x1;
	s9 =	sadd.s32 s9, s12  }
0x13: {  	s10 =	sadd.s32 s10, s12;
	s12 =	sadd.s32 $0xB8200, s14;
	s14 =	simm.s32 $0x3  }
.LBB2_1:
0x14: {  	[spmem:s13], [sflag:s6] =	dma.local [hbm:s5], $0x2800  }
0x15: {  	_ =	swait.ge [sflag:s14], $0x2800  }
0x16: {  	[sflag:s14] =	ssyncset.done $0x0  }
0x17: {  	[sflag:s14] =	ssyncadd.s32 $0xFFFFD800  }
0x18: {  	[bflag:$0x0] =	sbarrier.arrive $0xFFFF  }
0x19: {  	[tilespmem:s3], [sflag:$0x3] =	stream.linear.gather [hbm4b:s7+s3], $0x1400, $0x38;
	[tilespmem:$0x1E800] =	vst v63  }
0x1a: {  	_ =	swait.ge [sflag:s14], $0x1400  }
0x1b: {  	[sflag:s14] =	ssyncset.done $0x0  }
0x1c: {  	[sflag:s14] =	ssyncadd.s32 $0xFFFFEC00  }
0x1d: {  	[tilespmem:s15], [sflag:$0x3] =	stream.linear.gather [hbm4b:s8+s3], $0x1400, $0x38;
	[tilespmem:$0x1E800] =	vst v63  }
0x1e: {  	_ =	swait.ge [sflag:s14], $0x1400  }
0x1f: {  	[sflag:s14] =	ssyncset.done $0x0  }
0x20: {  	[sflag:s14] =	ssyncadd.s32 $0xFFFFEC00  }
0x21: {  	[tilespmem:s17], [sflag:$0x1] =	stream.indirect.gather [hbm4b:s4+s16], $0x80, s3, s16, $0xb8;
	[tilespmem:$0x1E800] =	vst v63  }
0x22: {  	_ = 	snop  }
0x23: {  	[tilespmem:s18], [sflag:$0x2] =	stream.indirect.gather [hbm4b:s4+s16], $0x80, s16, s16, $0xb8;
	[tilespmem:$0x1E800] =	vst v63  }
0x24: {  	_ =	swait.ge [sflag:s19], $0x4000  }
0x25: {  	[sflag:s19] =	ssyncset.done $0x0  }
0x26: {  	s24 =	simm.s32 $0x1400;
	[sflag:s19] =	ssyncadd.s32 $0xFFFFC000  }
0x27: {  	[spmem:s2] =	stream.indirect.scatter.add.f32 [tilespmem:s17], [sflag:$0x3], $0x80, s24, s16, $0xb8;
	[tilespmem:$0x1E800] =	vst v63  }
0x28: {  	_ =	swait.ge [sflag:s14], $0x4000  }
0x29: {  	[sflag:s14] =	ssyncset.done $0x0  }
0x2a: {  	s30 =	simm.s32 $0x100;
	[sflag:s14] =	ssyncadd.s32 $0xFFFFC000  }
0x2b: {  	[tilespmem:s17], [sflag:$0x1] =	stream.indirect.gather [hbm4b:s4+s16], $0x80, s30, s16, $0xb8;
	[tilespmem:$0x1E800] =	vst v63  }
0x2c: {  	_ =	swait.ge [sflag:s20], $0x4000  }
0x2d: {  	[sflag:s20] =	ssyncset.done $0x0  }
0x2e: {  	s31 =	simm.s32 $0x1480;
	[sflag:s20] =	ssyncadd.s32 $0xFFFFC000  }
0x2f: {  	[spmem:s2] =	stream.indirect.scatter.add.f32 [tilespmem:s18], [sflag:$0x3], $0x80, s31, s16, $0xb8;
	[tilespmem:$0x1E800] =	vst v63  }
0x30: {  	_ =	swait.ge [sflag:s14], $0x4000  }
0x31: {  	[sflag:s14] =	ssyncset.done $0x0  }
0x32: {  	s25 =	simm.s32 $0x180;
	s24 =	simm.s32 $0x400;
	[sflag:s14] =	ssyncadd.s32 $0xFFFFC000  }
.LBB2_2:
0x33: {  	[tilespmem:s18], [sflag:$0x2] =	stream.indirect.gather [hbm4b:s4+s16], $0x80, s25, s16, $0xb8;
	[tilespmem:$0x1E800] =	vst v63  }
0x34: {  	s25 =	smov.u32 s24  }
0x35: {  	p0 =	sne.s32 s24, $0x4800;
	s24 =	sadd.s32 $0x400, s24;
	_ =	swait.ge [sflag:s19], $0x4000  }
0x36: {  	s25 =	sshra.s32 s25, $0x2;
	[sflag:s19] =	ssyncset.done $0x0  }
0x37: {  	s26 =	sadd.s32 $0x1400, s25;
	[sflag:s19] =	ssyncadd.s32 $0xFFFFC000  }
0x38: {  	[spmem:s2] =	stream.indirect.scatter.add.f32 [tilespmem:s17], [sflag:$0x3], $0x80, s26, s16, $0xb8;
	[tilespmem:$0x1E800] =	vst v63  }
0x39: {  	_ =	swait.ge [sflag:s14], $0x4000  }
0x3a: {  	[sflag:s14] =	ssyncset.done $0x0  }
0x3b: {  	s26 =	sadd.s32 $0x100, s25;
	[sflag:s14] =	ssyncadd.s32 $0xFFFFC000  }
0x3c: {  	[tilespmem:s17], [sflag:$0x1] =	stream.indirect.gather [hbm4b:s4+s16], $0x80, s26, s16, $0xb8;
	[tilespmem:$0x1E800] =	vst v63  }
0x3d: {  	_ =	swait.ge [sflag:s20], $0x4000  }
0x3e: {  	[sflag:s20] =	ssyncset.done $0x0  }
.Ltmp0:
0x3f: {  	s26 =	sadd.s32 $0x1480, s25;
	[sflag:s20] =	ssyncadd.s32 $0xFFFFC000;
	(pc) =	sbr.rel @p0 .LBB2_2-.Ltmp0, $4  }
0x40: {  	[spmem:s2] =	stream.indirect.scatter.add.f32 [tilespmem:s18], [sflag:$0x3], $0x80, s26, s16, $0xb8;
	[tilespmem:$0x1E800] =	vst v63  }
0x41: {  	_ =	swait.ge [sflag:s14], $0x4000  }
0x42: {  	[sflag:s14] =	ssyncset.done $0x0  }
0x43: {  	s25 =	sadd.s32 $0x180, s25;
	[sflag:s14] =	ssyncadd.s32 $0xFFFFC000  }
0x44: {  	[tilespmem:s18], [sflag:$0x2] =	stream.indirect.gather [hbm4b:s4+s16], $0x80, s25, s16, $0xb8;
	[tilespmem:$0x1E800] =	vst v63  }
0x45: {  	_ =	swait.ge [sflag:s19], $0x4000  }
0x46: {  	[sflag:s19] =	ssyncset.done $0x0  }
0x47: {  	[sflag:s19] =	ssyncadd.s32 $0xFFFFC000  }
0x48: {  	[spmem:s2] =	stream.indirect.scatter.add.f32 [tilespmem:s17], [sflag:$0x3], $0x80, s21, s16, $0xb8;
	[tilespmem:$0x1E800] =	vst v63  }
0x49: {  	_ =	swait.ge [sflag:s14], $0x4000  }
0x4a: {  	[sflag:s14] =	ssyncset.done $0x0  }
0x4b: {  	[sflag:s14] =	ssyncadd.s32 $0xFFFFC000  }
0x4c: {  	_ =	swait.ge [sflag:s20], $0x4000  }
0x4d: {  	[sflag:s20] =	ssyncset.done $0x0  }
0x4e: {  	[sflag:s20] =	ssyncadd.s32 $0xFFFFC000  }
0x4f: {  	[spmem:s2] =	stream.indirect.scatter.add.f32 [tilespmem:s18], [sflag:$0x3], $0x80, s22, s16, $0xb8;
	[tilespmem:$0x1E800] =	vst v63  }
0x50: {  	_ =	swait.ge [sflag:s14], $0x4000  }
0x51: {  	[sflag:s14] =	ssyncset.done $0x0  }
0x52: {  	s24 =	simm.s32 $0x0;
	[sflag:s14] =	ssyncadd.s32 $0xFFFFC000  }
0x53: {  	[tilespmem:s24], [sflag:$0x3] =	stream.linear.gather [hbm4b:s9+s24], $0x1400, $0x38;
	[tilespmem:$0x1E800] =	vst v63  }
0x54: {  	_ =	swait.ge [sflag:s14], $0x1400  }
0x55: {  	[sflag:s14] =	ssyncset.done $0x0  }
0x56: {  	[sflag:s14] =	ssyncadd.s32 $0xFFFFEC00  }
0x57: {  	[tilespmem:s15], [sflag:$0x3] =	stream.linear.gather [hbm4b:s10+s24], $0x1400, $0x38;
	[tilespmem:$0x1E800] =	vst v63  }
0x58: {  	_ =	swait.ge [sflag:s14], $0x1400  }
0x59: {  	[sflag:s14] =	ssyncset.done $0x0  }
0x5a: {  	[sflag:s14] =	ssyncadd.s32 $0xFFFFEC00  }
0x5b: {  	[tilespmem:s17], [sflag:$0x1] =	stream.indirect.gather [hbm4b:s4+s16], $0x80, s24, s16, $0xb8;
	[tilespmem:$0x1E800] =	vst v63  }
0x5c: {  	_ = 	snop  }
0x5d: {  	[tilespmem:s18], [sflag:$0x2] =	stream.indirect.gather [hbm4b:s4+s16], $0x80, s16, s16, $0xb8;
	[tilespmem:$0x1E800] =	vst v63  }
0x5e: {  	_ =	swait.ge [sflag:s19], $0x4000  }
0x5f: {  	[sflag:s19] =	ssyncset.done $0x0  }
0x60: {  	s29 =	simm.s32 $0x1400;
	[sflag:s19] =	ssyncadd.s32 $0xFFFFC000  }
0x61: {  	[spmem:s2] =	stream.indirect.scatter.add.f32 [tilespmem:s17], [sflag:$0x3], $0x80, s29, s16, $0xb8;
	[tilespmem:$0x1E800] =	vst v63  }
0x62: {  	_ =	swait.ge [sflag:s14], $0x4000  }
0x63: {  	[sflag:s14] =	ssyncset.done $0x0  }
0x64: {  	s30 =	simm.s32 $0x100;
	[sflag:s14] =	ssyncadd.s32 $0xFFFFC000  }
0x65: {  	[tilespmem:s17], [sflag:$0x1] =	stream.indirect.gather [hbm4b:s4+s16], $0x80, s30, s16, $0xb8;
	[tilespmem:$0x1E800] =	vst v63  }
0x66: {  	_ =	swait.ge [sflag:s20], $0x4000  }
0x67: {  	[sflag:s20] =	ssyncset.done $0x0  }
0x68: {  	s31 =	simm.s32 $0x1480;
	[sflag:s20] =	ssyncadd.s32 $0xFFFFC000  }
0x69: {  	[spmem:s2] =	stream.indirect.scatter.add.f32 [tilespmem:s18], [sflag:$0x3], $0x80, s31, s16, $0xb8;
	[tilespmem:$0x1E800] =	vst v63  }
0x6a: {  	_ =	swait.ge [sflag:s14], $0x4000  }
0x6b: {  	[sflag:s14] =	ssyncset.done $0x0  }
0x6c: {  	s25 =	simm.s32 $0x180;
	s24 =	simm.s32 $0x400;
	[sflag:s14] =	ssyncadd.s32 $0xFFFFC000  }
.LBB2_4:
0x6d: {  	[tilespmem:s18], [sflag:$0x2] =	stream.indirect.gather [hbm4b:s4+s16], $0x80, s25, s16, $0xb8;
	[tilespmem:$0x1E800] =	vst v63  }
0x6e: {  	s25 =	smov.u32 s24  }
0x6f: {  	p0 =	sne.s32 s24, $0x4800;
	s24 =	sadd.s32 $0x400, s24;
	_ =	swait.ge [sflag:s19], $0x4000  }
0x70: {  	s25 =	sshra.s32 s25, $0x2;
	[sflag:s19] =	ssyncset.done $0x0  }
0x71: {  	s26 =	sadd.s32 $0x1400, s25;
	[sflag:s19] =	ssyncadd.s32 $0xFFFFC000  }
0x72: {  	[spmem:s2] =	stream.indirect.scatter.add.f32 [tilespmem:s17], [sflag:$0x3], $0x80, s26, s16, $0xb8;
	[tilespmem:$0x1E800] =	vst v63  }
0x73: {  	_ =	swait.ge [sflag:s14], $0x4000  }
0x74: {  	[sflag:s14] =	ssyncset.done $0x0  }
0x75: {  	s26 =	sadd.s32 $0x100, s25;
	[sflag:s14] =	ssyncadd.s32 $0xFFFFC000  }
0x76: {  	[tilespmem:s17], [sflag:$0x1] =	stream.indirect.gather [hbm4b:s4+s16], $0x80, s26, s16, $0xb8;
	[tilespmem:$0x1E800] =	vst v63  }
0x77: {  	_ =	swait.ge [sflag:s20], $0x4000  }
0x78: {  	[sflag:s20] =	ssyncset.done $0x0  }
.Ltmp1:
0x79: {  	s26 =	sadd.s32 $0x1480, s25;
	[sflag:s20] =	ssyncadd.s32 $0xFFFFC000;
	(pc) =	sbr.rel @p0 .LBB2_4-.Ltmp1, $4  }
0x7a: {  	[spmem:s2] =	stream.indirect.scatter.add.f32 [tilespmem:s18], [sflag:$0x3], $0x80, s26, s16, $0xb8;
	[tilespmem:$0x1E800] =	vst v63  }
0x7b: {  	_ =	swait.ge [sflag:s14], $0x4000  }
0x7c: {  	[sflag:s14] =	ssyncset.done $0x0  }
0x7d: {  	s25 =	sadd.s32 $0x180, s25;
	[sflag:s14] =	ssyncadd.s32 $0xFFFFC000  }
0x7e: {  	[tilespmem:s18], [sflag:$0x2] =	stream.indirect.gather [hbm4b:s4+s16], $0x80, s25, s16, $0xb8;
	[tilespmem:$0x1E800] =	vst v63  }
0x7f: {  	_ =	swait.ge [sflag:s19], $0x4000  }
0x80: {  	[sflag:s19] =	ssyncset.done $0x0  }
0x81: {  	[sflag:s19] =	ssyncadd.s32 $0xFFFFC000  }
0x82: {  	[spmem:s2] =	stream.indirect.scatter.add.f32 [tilespmem:s17], [sflag:$0x3], $0x80, s21, s16, $0xb8;
	[tilespmem:$0x1E800] =	vst v63  }
0x83: {  	_ =	swait.ge [sflag:s14], $0x4000  }
0x84: {  	[sflag:s14] =	ssyncset.done $0x0  }
0x85: {  	[sflag:s14] =	ssyncadd.s32 $0xFFFFC000  }
0x86: {  	_ =	swait.ge [sflag:s20], $0x4000  }
0x87: {  	[sflag:s20] =	ssyncset.done $0x0  }
0x88: {  	[sflag:s20] =	ssyncadd.s32 $0xFFFFC000  }
0x89: {  	[spmem:s2] =	stream.indirect.scatter.add.f32 [tilespmem:s18], [sflag:$0x3], $0x80, s22, s16, $0xb8;
	[tilespmem:$0x1E800] =	vst v63  }
0x8a: {  	_ =	swait.ge [sflag:s14], $0x4000  }
0x8b: {  	s23 =	sadd.s32 $0x1, s23;
	[sflag:s14] =	ssyncset.done $0x0  }
0x8c: {  	p0 =	sne.s32 s23, s11;
	[sflag:s14] =	ssyncadd.s32 $0xFFFFC000  }
.Ltmp2:
0x8d: {  	[bflag:$0x0] =	sbarrier.arrive $0xFFFF;
	(pc) =	sbr.rel @p0 .LBB2_1-.Ltmp2, $4  }
0x8e: {  	[hbm:s12], [sflag:s6] =	dma.local [spmem:s13], $0x2800  }
0x8f: {  	_ =	swait.ge [sflag:s14], $0x2800  }
0x90: {  	[sflag:s14] =	ssyncset.done $0x0  }
0x91: {  	[sflag:s14] =	ssyncadd.s32 $0xFFFFD800  }
0x92: {  	_ =	sfence.sel $0x180000  }
0x93: {  	[bflag:$0x0] =	sbarrier.arrive $0xFFFF  }
0x94: {  	p0 =	sne.s32 s1, $0x0;
	_ =	strace $0x90000050  }
0x95: {  	s0 =	sadd.s32 @!p0 $0x100000, s0;
	[bflag:$0x2] =	sbarrier.arrive $0xFFFF  }
0x96: {  	[sflag:s0] =	ssyncadd.tile.s32 @!p0 $0x1;
	_ =	shalt  }
.Lfunc_end2:
_tile_overlayer_lowered:
.L_overlay_start_2:
0x97: {  	(tag) =	ssettag $0x2  }
0x98: {  	s0 =	rddreg [dreg:$0x0];
	s2 =	stileid.u32  }
0x99: {  	s1 =	rddreg [dreg:$0x1];
	p0 =	sne.s32 s2, $0x0  }
0x9a: {  	s3 =	rddreg [dreg:$0x2];
	[bflag:$0x3] =	sbarrier.arrive $0xFFFF;
	s2 =	simm.s32 @!p0 $0x1C03  }
0x9b: {  	[timem:s3], [sflag:s2] =	dma.local @!p0 [hbm:s0], s1  }
0x9c: {  	s0 =	simm.s32 @!p0 $0x3  }
0x9d: {  	_ =	swait.ge @!p0 [sflag:s0], s1  }
0x9e: {  	s1 =	ssub.s32 @!p0 $0x0, s1;
	[sflag:s0] =	ssyncset.done @!p0 $0x0  }
0x9f: {  	[sflag:s0] =	ssyncadd.s32 @!p0 s1  }
0xa0: {  	[bflag:$0x3] =	sbarrier.arrive $0xFFFF  }
0xa1: {  	_ =	shalt  }

</sc_bundles>
